<compile_context>
chip_gen: v7x
topology: tpu7x:2x2x1
jax: 0.10.2.dev20260603
libtpu: 0.0.44.dev20260713+nightly
codegen_flags: <defaults>
</compile_context>

<pallas_src>
import functools

import jax
import jax.numpy as jnp
from jax import lax
from jax.experimental import pallas as pl
from jax.experimental.pallas import tpu as pltpu
from jax.experimental.pallas import tpu_sc as plsc

N_CLS = 1000
SEQ_LEN = 77
N_CTX = 16
DIM = 512

NUM_CORES = 2
NUM_SUBCORES = 16
NUM_WORKERS = NUM_CORES * NUM_SUBCORES
CLS_PER_WORKER = 32


def _splice_body(emb_flat, ctx_hbm, prefix_hbm, out_flat, ctx_v, pref_v, buf_v):
    wid = lax.axis_index("s") * NUM_CORES + lax.axis_index("c")
    base_cls = wid * CLS_PER_WORKER
    n_cls_w = jnp.minimum(CLS_PER_WORKER, N_CLS - base_cls)

    pltpu.sync_copy(ctx_hbm, ctx_v)
    pltpu.sync_copy(prefix_hbm.at[pl.ds(base_cls, CLS_PER_WORKER)], pref_v)
    pref_chunks = [pref_v[pl.ds(c * 16, 16)] for c in range(CLS_PER_WORKER // 16)]

    for k in range(CLS_PER_WORKER):
        i = base_cls + k
        p = pref_chunks[k // 16][k % 16]
        row0 = i * SEQ_LEN

        @pl.when(i < N_CLS)
        def _copy_class(p=p, row0=row0):
            pltpu.sync_copy(emb_flat.at[pl.ds(row0, SEQ_LEN)], buf_v)
            pltpu.sync_copy(buf_v, out_flat.at[pl.ds(row0, SEQ_LEN)])
            pltpu.sync_copy(ctx_v, out_flat.at[pl.ds(row0 + p, N_CTX)])


@jax.jit
def kernel(origin_text_embedding, ctx, prefix_index):
    emb_flat = origin_text_embedding.reshape(N_CLS * SEQ_LEN, DIM)
    prefix_pad = jnp.pad(
        prefix_index, (0, NUM_WORKERS * CLS_PER_WORKER - N_CLS))

    mesh = plsc.VectorSubcoreMesh(core_axis_name="c", subcore_axis_name="s")
    out_flat = pl.kernel(
        _splice_body,
        out_type=jax.ShapeDtypeStruct((N_CLS * SEQ_LEN, DIM), jnp.float32),
        mesh=mesh,
        scratch_types=[
            pltpu.VMEM((N_CTX, DIM), jnp.float32),
            pltpu.VMEM((CLS_PER_WORKER,), jnp.int32),
            pltpu.VMEM((SEQ_LEN, DIM), jnp.float32),
        ],
        compiler_params=pltpu.CompilerParams(use_tc_tiling_on_sc=False),
    )(emb_flat, ctx, prefix_pad)
    return out_flat.reshape(N_CLS, SEQ_LEN, DIM)

# --- scband reference (transcript-rebuilt; emitter-appended) ---
"""Pipeline reference for scband-text-prompt-learner-18605798326287 (READ-ONLY COPY).

The authoritative reference and input builder live on the scoring server;
editing this copy changes nothing except your own understanding.
"""

import jax, jax.numpy as jnp
import numpy as np

N_CLS = 1000
N_CTX = 16
CTX_DIM = 512
SEQ_LEN = 77


def setup_inputs(seed: int = 0) -> dict:
    key = jax.random.key(seed)
    k1, k2, k3 = jax.random.split(key, 3)
    origin_text_embedding = jax.random.normal(k1, (N_CLS, SEQ_LEN, CTX_DIM), dtype=jnp.float32)
    ctx = jax.random.normal(k2, (N_CTX, CTX_DIM), dtype=jnp.float32) * 0.02
    prefix_index = jax.random.randint(k3, (N_CLS,), 0, 20, dtype=jnp.int32)
    return {
        'origin_text_embedding': origin_text_embedding,
        'ctx': ctx,
        'prefix_index': prefix_index,
    }


def reference(origin_text_embedding, ctx, prefix_index):
    # Faithful vectorization of the ragged per-class splice:
    # out[i] = concat(emb[i, :p_i], ctx, emb[i, p_i+n_ctx:])
    # Output position j maps to emb[i, j] if j < p_i or j >= p_i + n_ctx,
    # else ctx[j - p_i] (sequence length is preserved, same as the torch concat).
    n_cls, L, d = origin_text_embedding.shape
    n_ctx = ctx.shape[0]
    j = jnp.arange(L)[None, :]                 # [1, L]
    p = prefix_index[:, None]                  # [n_cls, 1]
    in_ctx = (j >= p) & (j < p + n_ctx)        # [n_cls, L]
    ctx_idx = jnp.clip(j - p, 0, n_ctx - 1)    # [n_cls, L]
    ctx_gathered = jnp.take(ctx, ctx_idx, axis=0)  # [n_cls, L, d] gather
    learn_prompts = jnp.where(in_ctx[..., None], ctx_gathered, origin_text_embedding)
    return learn_prompts

if __name__ == "__main__":
    import jax
    _d = setup_inputs()
    print(jax.jit(kernel)(*tuple(_d.values())))

</pallas_src>

<mosaic_0001>
#map = affine_map<(d0, d1) -> (0, 0)>
#map1 = affine_map<(d0, d1) -> (0)>
module attributes {stable_mosaic.version = 14 : i64} {
  func.func @_splice_body(%arg0: i32, %arg1: i32, %arg2: memref<77000x512xf32, #tpu.memory_space<hbm>>, %arg3: memref<16x512xf32, #tpu.memory_space<hbm>>, %arg4: memref<1024xi32, #tpu.memory_space<hbm>>, %arg5: memref<77000x512xf32, #tpu.memory_space<hbm>>, %arg6: memref<16x512xf32, #tpu.memory_space<vmem>>, %arg7: memref<32xi32, #tpu.memory_space<vmem>>, %arg8: memref<77x512xf32, #tpu.memory_space<vmem>>) attributes {dimension_semantics = [#tpu.dimension_semantics<core_parallel>, #tpu.dimension_semantics<subcore_parallel>], iteration_bounds = array<i64: 2, 16>, scalar_prefetch = 0 : i64, scratch_operands = 3 : i64, tpu.core_type = #tpu.core_type<sc_vector_subcore>, window_params = [{transform_indices = #map}, {transform_indices = #map}, {transform_indices = #map1}, {transform_indices = #map}]} {
    %mul3A = arith.constant 2 : i32
    %mul3A_0 = arith.muli %arg1, %mul3A : i32
    %add3A = arith.addi %mul3A_0, %arg0 : i32
    %mul3A_1 = arith.constant 32 : i32
    %mul3A_2 = arith.muli %add3A, %mul3A_1 : i32
    %sub3A = arith.constant 1000 : i32
    %sub3A_3 = arith.subi %sub3A, %mul3A_2 : i32
    %min3A = arith.constant 32 : i32
    %min3A_4 = arith.minsi %min3A, %sub3A_3 : i32
    "tpu.region"() ({
      %run_scoped3A = tpu.sem_alloc : memref<!tpu.dma_semaphore, #tpu.memory_space<semaphore_mem>>
      tpu.enqueue_dma source(%arg3 : memref<16x512xf32, #tpu.memory_space<hbm>>) target(%arg6 : memref<16x512xf32, #tpu.memory_space<vmem>>) target_semaphore(%run_scoped3A : memref<!tpu.dma_semaphore, #tpu.memory_space<semaphore_mem>>)
      tpu.wait_dma2 semaphore(%run_scoped3A : memref<!tpu.dma_semaphore, #tpu.memory_space<semaphore_mem>>) src(%arg3 : memref<16x512xf32, #tpu.memory_space<hbm>>) dst(%arg6 : memref<16x512xf32, #tpu.memory_space<vmem>>)
      tpu.yield
    }) : () -> ()
    "tpu.region"() ({
      %run_scoped3A = tpu.sem_alloc : memref<!tpu.dma_semaphore, #tpu.memory_space<semaphore_mem>>
      %dma_start3A = tpu.memref_slice %arg4[%mul3A_2] : memref<1024xi32, #tpu.memory_space<hbm>> -> memref<32xi32, #tpu.memory_space<hbm>>
      %dma_start3A_357 = tpu.memref_slice %arg4[%mul3A_2] : memref<1024xi32, #tpu.memory_space<hbm>> -> memref<32xi32, #tpu.memory_space<hbm>>
      tpu.enqueue_dma source(%dma_start3A_357 : memref<32xi32, #tpu.memory_space<hbm>>) target(%arg7 : memref<32xi32, #tpu.memory_space<vmem>>) target_semaphore(%run_scoped3A : memref<!tpu.dma_semaphore, #tpu.memory_space<semaphore_mem>>)
      %dma_wait3A = tpu.memref_slice %arg4[%mul3A_2] : memref<1024xi32, #tpu.memory_space<hbm>> -> memref<32xi32, #tpu.memory_space<hbm>>
      %dma_wait3A_358 = tpu.memref_slice %arg4[%mul3A_2] : memref<1024xi32, #tpu.memory_space<hbm>> -> memref<32xi32, #tpu.memory_space<hbm>>
      tpu.wait_dma2 semaphore(%run_scoped3A : memref<!tpu.dma_semaphore, #tpu.memory_space<semaphore_mem>>) src(%dma_wait3A_358 : memref<32xi32, #tpu.memory_space<hbm>>) dst(%arg7 : memref<32xi32, #tpu.memory_space<vmem>>)
      tpu.yield
    }) : () -> ()
    %get3A = arith.constant 0 : index
    %get3A_5 = tpu.vector_load %arg7[%get3A] {strides = array<i32>} : memref<32xi32, #tpu.memory_space<vmem>>, vector<16xi32>,
    %get3A_6 = vector.shape_cast %get3A_5 : vector<16xi32> to vector<16xi32>
    %get3A_7 = arith.constant 16 : index
    %get3A_8 = tpu.vector_load %arg7[%get3A_7] {strides = array<i32>} : memref<32xi32, #tpu.memory_space<vmem>>, vector<16xi32>,
    %get3A_9 = vector.shape_cast %get3A_8 : vector<16xi32> to vector<16xi32>
    %add3A_10 = arith.constant 0 : i32
    %add3A_11 = arith.addi %mul3A_2, %add3A_10 : i32
    %slice3A = vector.extract_strided_slice %get3A_6 {offsets = [0], sizes = [1], strides = [1]} : vector<16xi32> to vector<1xi32>
    %squeeze3A = vector.extract %slice3A[0] : i32 from vector<1xi32>
    %mul3A_12 = arith.constant 77 : i32
    %mul3A_13 = arith.muli %add3A_11, %mul3A_12 : i32
    %lt3A = arith.constant 1000 : i32
    %lt3A_14 = arith.cmpi slt, %add3A_11, %lt3A : i32
    %convert_element_type3A = arith.extui %lt3A_14 : i1 to i32
    %cond3A = arith.constant 0 : i32
    %cond3A_15 = arith.cmpi ne, %convert_element_type3A, %cond3A : i32
    scf.if %cond3A_15 {
      "tpu.region"() ({
        %run_scoped3A = tpu.sem_alloc : memref<!tpu.dma_semaphore, #tpu.memory_space<semaphore_mem>>
        %dma_start3A = arith.constant 0 : i32
        %dma_start3A_358 = tpu.memref_slice %arg2[%mul3A_13, %dma_start3A] : memref<77000x512xf32, #tpu.memory_space<hbm>> -> memref<77x512xf32, #tpu.memory_space<hbm>>
        %dma_start3A_359 = arith.constant 0 : i32
        %dma_start3A_360 = tpu.memref_slice %arg2[%mul3A_13, %dma_start3A_359] : memref<77000x512xf32, #tpu.memory_space<hbm>> -> memref<77x512xf32, #tpu.memory_space<hbm>>
        tpu.enqueue_dma source(%dma_start3A_360 : memref<77x512xf32, #tpu.memory_space<hbm>>) target(%arg8 : memref<77x512xf32, #tpu.memory_space<vmem>>) target_semaphore(%run_scoped3A : memref<!tpu.dma_semaphore, #tpu.memory_space<semaphore_mem>>)
        %dma_wait3A = arith.constant 0 : i32
        %dma_wait3A_361 = tpu.memref_slice %arg2[%mul3A_13, %dma_wait3A] : memref<77000x512xf32, #tpu.memory_space<hbm>> -> memref<77x512xf32, #tpu.memory_space<hbm>>
        %dma_wait3A_362 = arith.constant 0 : i32
        %dma_wait3A_363 = tpu.memref_slice %arg2[%mul3A_13, %dma_wait3A_362] : memref<77000x512xf32, #tpu.memory_space<hbm>> -> memref<77x512xf32, #tpu.memory_space<hbm>>
        tpu.wait_dma2 semaphore(%run_scoped3A : memref<!tpu.dma_semaphore, #tpu.memory_space<semaphore_mem>>) src(%dma_wait3A_363 : memref<77x512xf32, #tpu.memory_space<hbm>>) dst(%arg8 : memref<77x512xf32, #tpu.memory_space<vmem>>)
        tpu.yield
      }) : () -> ()
      "tpu.region"() ({
        %run_scoped3A = tpu.sem_alloc : memref<!tpu.dma_semaphore, #tpu.memory_space<semaphore_mem>>
        %dma_start3A = arith.constant 0 : i32
        %dma_start3A_358 = tpu.memref_slice %arg5[%mul3A_13, %dma_start3A] : memref<77000x512xf32, #tpu.memory_space<hbm>> -> memref<77x512xf32, #tpu.memory_space<hbm>>
        %dma_start3A_359 = arith.constant 0 : i32
        %dma_start3A_360 = tpu.memref_slice %arg5[%mul3A_13, %dma_start3A_359] : memref<77000x512xf32, #tpu.memory_space<hbm>> -> memref<77x512xf32, #tpu.memory_space<hbm>>
        tpu.enqueue_dma source(%arg8 : memref<77x512xf32, #tpu.memory_space<vmem>>) target(%dma_start3A_360 : memref<77x512xf32, #tpu.memory_space<hbm>>) target_semaphore(%run_scoped3A : memref<!tpu.dma_semaphore, #tpu.memory_space<semaphore_mem>>)
        %dma_wait3A = arith.constant 0 : i32
        %dma_wait3A_361 = tpu.memref_slice %arg5[%mul3A_13, %dma_wait3A] : memref<77000x512xf32, #tpu.memory_space<hbm>> -> memref<77x512xf32, #tpu.memory_space<hbm>>
        %dma_wait3A_362 = arith.constant 0 : i32
        %dma_wait3A_363 = tpu.memref_slice %arg5[%mul3A_13, %dma_wait3A_362] : memref<77000x512xf32, #tpu.memory_space<hbm>> -> memref<77x512xf32, #tpu.memory_space<hbm>>
        tpu.wait_dma2 semaphore(%run_scoped3A : memref<!tpu.dma_semaphore, #tpu.memory_space<semaphore_mem>>) src(%arg8 : memref<77x512xf32, #tpu.memory_space<vmem>>) dst(%dma_wait3A_363 : memref<77x512xf32, #tpu.memory_space<hbm>>)
        tpu.yield
      }) : () -> ()
      %add3A_357 = arith.addi %mul3A_13, %squeeze3A : i32
      "tpu.region"() ({
        %run_scoped3A = tpu.sem_alloc : memref<!tpu.dma_semaphore, #tpu.memory_space<semaphore_mem>>
        %dma_start3A = arith.constant 0 : i32
        %dma_start3A_358 = tpu.memref_slice %arg5[%add3A_357, %dma_start3A] : memref<77000x512xf32, #tpu.memory_space<hbm>> -> memref<16x512xf32, #tpu.memory_space<hbm>>
        %dma_start3A_359 = arith.constant 0 : i32
        %dma_start3A_360 = tpu.memref_slice %arg5[%add3A_357, %dma_start3A_359] : memref<77000x512xf32, #tpu.memory_space<hbm>> -> memref<16x512xf32, #tpu.memory_space<hbm>>
        tpu.enqueue_dma source(%arg6 : memref<16x512xf32, #tpu.memory_space<vmem>>) target(%dma_start3A_360 : memref<16x512xf32, #tpu.memory_space<hbm>>) target_semaphore(%run_scoped3A : memref<!tpu.dma_semaphore, #tpu.memory_space<semaphore_mem>>)
        %dma_wait3A = arith.constant 0 : i32
        %dma_wait3A_361 = tpu.memref_slice %arg5[%add3A_357, %dma_wait3A] : memref<77000x512xf32, #tpu.memory_space<hbm>> -> memref<16x512xf32, #tpu.memory_space<hbm>>
        %dma_wait3A_362 = arith.constant 0 : i32
        %dma_wait3A_363 = tpu.memref_slice %arg5[%add3A_357, %dma_wait3A_362] : memref<77000x512xf32, #tpu.memory_space<hbm>> -> memref<16x512xf32, #tpu.memory_space<hbm>>
        tpu.wait_dma2 semaphore(%run_scoped3A : memref<!tpu.dma_semaphore, #tpu.memory_space<semaphore_mem>>) src(%arg6 : memref<16x512xf32, #tpu.memory_space<vmem>>) dst(%dma_wait3A_363 : memref<16x512xf32, #tpu.memory_space<hbm>>)
        tpu.yield
      }) : () -> ()
    } else {
    }
    %add3A_16 = arith.constant 1 : i32
    %add3A_17 = arith.addi %mul3A_2, %add3A_16 : i32
    %slice3A_18 = vector.extract_strided_slice %get3A_6 {offsets = [1], sizes = [1], strides = [1]} : vector<16xi32> to vector<1xi32>
    %squeeze3A_19 = vector.extract %slice3A_18[0] : i32 from vector<1xi32>
    %mul3A_20 = arith.constant 77 : i32
    %mul3A_21 = arith.muli %add3A_17, %mul3A_20 : i32
    %lt3A_22 = arith.constant 1000 : i32
    %lt3A_23 = arith.cmpi slt, %add3A_17, %lt3A_22 : i32
    %convert_element_type3A_24 = arith.extui %lt3A_23 : i1 to i32
    %cond3A_25 = arith.constant 0 : i32
    %cond3A_26 = arith.cmpi ne, %convert_element_type3A_24, %cond3A_25 : i32
    scf.if %cond3A_26 {
      "tpu.region"() ({
        %run_scoped3A = tpu.sem_alloc : memref<!tpu.dma_semaphore, #tpu.memory_space<semaphore_mem>>
        %dma_start3A = arith.constant 0 : i32
        %dma_start3A_358 = tpu.memref_slice %arg2[%mul3A_21, %dma_start3A] : memref<77000x512xf32, #tpu.memory_space<hbm>> -> memref<77x512xf32, #tpu.memory_space<hbm>>
        %dma_start3A_359 = arith.constant 0 : i32
        %dma_start3A_360 = tpu.memref_slice %arg2[%mul3A_21, %dma_start3A_359] : memref<77000x512xf32, #tpu.memory_space<hbm>> -> memref<77x512xf32, #tpu.memory_space<hbm>>
        tpu.enqueue_dma source(%dma_start3A_360 : memref<77x512xf32, #tpu.memory_space<hbm>>) target(%arg8 : memref<77x512xf32, #tpu.memory_space<vmem>>) target_semaphore(%run_scoped3A : memref<!tpu.dma_semaphore, #tpu.memory_space<semaphore_mem>>)
        %dma_wait3A = arith.constant 0 : i32
        %dma_wait3A_361 = tpu.memref_slice %arg2[%mul3A_21, %dma_wait3A] : memref<77000x512xf32, #tpu.memory_space<hbm>> -> memref<77x512xf32, #tpu.memory_space<hbm>>
        %dma_wait3A_362 = arith.constant 0 : i32
        %dma_wait3A_363 = tpu.memref_slice %arg2[%mul3A_21, %dma_wait3A_362] : memref<77000x512xf32, #tpu.memory_space<hbm>> -> memref<77x512xf32, #tpu.memory_space<hbm>>
        tpu.wait_dma2 semaphore(%run_scoped3A : memref<!tpu.dma_semaphore, #tpu.memory_space<semaphore_mem>>) src(%dma_wait3A_363 : memref<77x512xf32, #tpu.memory_space<hbm>>) dst(%arg8 : memref<77x512xf32, #tpu.memory_space<vmem>>)
        tpu.yield
      }) : () -> ()
      "tpu.region"() ({
        %run_scoped3A = tpu.sem_alloc : memref<!tpu.dma_semaphore, #tpu.memory_space<semaphore_mem>>
        %dma_start3A = arith.constant 0 : i32
        %dma_start3A_358 = tpu.memref_slice %arg5[%mul3A_21, %dma_start3A] : memref<77000x512xf32, #tpu.memory_space<hbm>> -> memref<77x512xf32, #tpu.memory_space<hbm>>
        %dma_start3A_359 = arith.constant 0 : i32
        %dma_start3A_360 = tpu.memref_slice %arg5[%mul3A_21, %dma_start3A_359] : memref<77000x512xf32, #tpu.memory_space<hbm>> -> memref<77x512xf32, #tpu.memory_space<hbm>>
        tpu.enqueue_dma source(%arg8 : memref<77x512xf32, #tpu.memory_space<vmem>>) target(%dma_start3A_360 : memref<77x512xf32, #tpu.memory_space<hbm>>) target_semaphore(%run_scoped3A : memref<!tpu.dma_semaphore, #tpu.memory_space<semaphore_mem>>)
        %dma_wait3A = arith.constant 0 : i32
        %dma_wait3A_361 = tpu.memref_slice %arg5[%mul3A_21, %dma_wait3A] : memref<77000x512xf32, #tpu.memory_space<hbm>> -> memref<77x512xf32, #tpu.memory_space<hbm>>
        %dma_wait3A_362 = arith.constant 0 : i32
        %dma_wait3A_363 = tpu.memref_slice %arg5[%mul3A_21, %dma_wait3A_362] : memref<77000x512xf32, #tpu.memory_space<hbm>> -> memref<77x512xf32, #tpu.memory_space<hbm>>
        tpu.wait_dma2 semaphore(%run_scoped3A : memref<!tpu.dma_semaphore, #tpu.memory_space<semaphore_mem>>) src(%arg8 : memref<77x512xf32, #tpu.memory_space<vmem>>) dst(%dma_wait3A_363 : memref<77x512xf32, #tpu.memory_space<hbm>>)
        tpu.yield
      }) : () -> ()
      %add3A_357 = arith.addi %mul3A_21, %squeeze3A_19 : i32
      "tpu.region"() ({
        %run_scoped3A = tpu.sem_alloc : memref<!tpu.dma_semaphore, #tpu.memory_space<semaphore_mem>>
        %dma_start3A = arith.constant 0 : i32
        %dma_start3A_358 = tpu.memref_slice %arg5[%add3A_357, %dma_start3A] : memref<77000x512xf32, #tpu.memory_space<hbm>> -> memref<16x512xf32, #tpu.memory_space<hbm>>
        %dma_start3A_359 = arith.constant 0 : i32
        %dma_start3A_360 = tpu.memref_slice %arg5[%add3A_357, %dma_start3A_359] : memref<77000x512xf32, #tpu.memory_space<hbm>> -> memref<16x512xf32, #tpu.memory_space<hbm>>
        tpu.enqueue_dma source(%arg6 : memref<16x512xf32, #tpu.memory_space<vmem>>) target(%dma_start3A_360 : memref<16x512xf32, #tpu.memory_space<hbm>>) target_semaphore(%run_scoped3A : memref<!tpu.dma_semaphore, #tpu.memory_space<semaphore_mem>>)
        %dma_wait3A = arith.constant 0 : i32
        %dma_wait3A_361 = tpu.memref_slice %arg5[%add3A_357, %dma_wait3A] : memref<77000x512xf32, #tpu.memory_space<hbm>> -> memref<16x512xf32, #tpu.memory_space<hbm>>
        %dma_wait3A_362 = arith.constant 0 : i32
        %dma_wait3A_363 = tpu.memref_slice %arg5[%add3A_357, %dma_wait3A_362] : memref<77000x512xf32, #tpu.memory_space<hbm>> -> memref<16x512xf32, #tpu.memory_space<hbm>>
        tpu.wait_dma2 semaphore(%run_scoped3A : memref<!tpu.dma_semaphore, #tpu.memory_space<semaphore_mem>>) src(%arg6 : memref<16x512xf32, #tpu.memory_space<vmem>>) dst(%dma_wait3A_363 : memref<16x512xf32, #tpu.memory_space<hbm>>)
        tpu.yield
      }) : () -> ()
    } else {
    }
    %add3A_27 = arith.constant 2 : i32
    %add3A_28 = arith.addi %mul3A_2, %add3A_27 : i32
    %slice3A_29 = vector.extract_strided_slice %get3A_6 {offsets = [2], sizes = [1], strides = [1]} : vector<16xi32> to vector<1xi32>
    %squeeze3A_30 = vector.extract %slice3A_29[0] : i32 from vector<1xi32>
    %mul3A_31 = arith.constant 77 : i32
    %mul3A_32 = arith.muli %add3A_28, %mul3A_31 : i32
    %lt3A_33 = arith.constant 1000 : i32
    %lt3A_34 = arith.cmpi slt, %add3A_28, %lt3A_33 : i32
    %convert_element_type3A_35 = arith.extui %lt3A_34 : i1 to i32
    %cond3A_36 = arith.constant 0 : i32
    %cond3A_37 = arith.cmpi ne, %convert_element_type3A_35, %cond3A_36 : i32
    scf.if %cond3A_37 {
      "tpu.region"() ({
        %run_scoped3A = tpu.sem_alloc : memref<!tpu.dma_semaphore, #tpu.memory_space<semaphore_mem>>
        %dma_start3A = arith.constant 0 : i32
        %dma_start3A_358 = tpu.memref_slice %arg2[%mul3A_32, %dma_start3A] : memref<77000x512xf32, #tpu.memory_space<hbm>> -> memref<77x512xf32, #tpu.memory_space<hbm>>
        %dma_start3A_359 = arith.constant 0 : i32
        %dma_start3A_360 = tpu.memref_slice %arg2[%mul3A_32, %dma_start3A_359] : memref<77000x512xf32, #tpu.memory_space<hbm>> -> memref<77x512xf32, #tpu.memory_space<hbm>>
        tpu.enqueue_dma source(%dma_start3A_360 : memref<77x512xf32, #tpu.memory_space<hbm>>) target(%arg8 : memref<77x512xf32, #tpu.memory_space<vmem>>) target_semaphore(%run_scoped3A : memref<!tpu.dma_semaphore, #tpu.memory_space<semaphore_mem>>)
        %dma_wait3A = arith.constant 0 : i32
        %dma_wait3A_361 = tpu.memref_slice %arg2[%mul3A_32, %dma_wait3A] : memref<77000x512xf32, #tpu.memory_space<hbm>> -> memref<77x512xf32, #tpu.memory_space<hbm>>
        %dma_wait3A_362 = arith.constant 0 : i32
        %dma_wait3A_363 = tpu.memref_slice %arg2[%mul3A_32, %dma_wait3A_362] : memref<77000x512xf32, #tpu.memory_space<hbm>> -> memref<77x512xf32, #tpu.memory_space<hbm>>
        tpu.wait_dma2 semaphore(%run_scoped3A : memref<!tpu.dma_semaphore, #tpu.memory_space<semaphore_mem>>) src(%dma_wait3A_363 : memref<77x512xf32, #tpu.memory_space<hbm>>) dst(%arg8 : memref<77x512xf32, #tpu.memory_space<vmem>>)
        tpu.yield
      }) : () -> ()
      "tpu.region"() ({
        %run_scoped3A = tpu.sem_alloc : memref<!tpu.dma_semaphore, #tpu.memory_space<semaphore_mem>>
        %dma_start3A = arith.constant 0 : i32
        %dma_start3A_358 = tpu.memref_slice %arg5[%mul3A_32, %dma_start3A] : memref<77000x512xf32, #tpu.memory_space<hbm>> -> memref<77x512xf32, #tpu.memory_space<hbm>>
        %dma_start3A_359 = arith.constant 0 : i32
        %dma_start3A_360 = tpu.memref_slice %arg5[%mul3A_32, %dma_start3A_359] : memref<77000x512xf32, #tpu.memory_space<hbm>> -> memref<77x512xf32, #tpu.memory_space<hbm>>
        tpu.enqueue_dma source(%arg8 : memref<77x512xf32, #tpu.memory_space<vmem>>) target(%dma_start3A_360 : memref<77x512xf32, #tpu.memory_space<hbm>>) target_semaphore(%run_scoped3A : memref<!tpu.dma_semaphore, #tpu.memory_space<semaphore_mem>>)
        %dma_wait3A = arith.constant 0 : i32
        %dma_wait3A_361 = tpu.memref_slice %arg5[%mul3A_32, %dma_wait3A] : memref<77000x512xf32, #tpu.memory_space<hbm>> -> memref<77x512xf32, #tpu.memory_space<hbm>>
        %dma_wait3A_362 = arith.constant 0 : i32
        %dma_wait3A_363 = tpu.memref_slice %arg5[%mul3A_32, %dma_wait3A_362] : memref<77000x512xf32, #tpu.memory_space<hbm>> -> memref<77x512xf32, #tpu.memory_space<hbm>>
        tpu.wait_dma2 semaphore(%run_scoped3A : memref<!tpu.dma_semaphore, #tpu.memory_space<semaphore_mem>>) src(%arg8 : memref<77x512xf32, #tpu.memory_space<vmem>>) dst(%dma_wait3A_363 : memref<77x512xf32, #tpu.memory_space<hbm>>)
        tpu.yield
      }) : () -> ()
      %add3A_357 = arith.addi %mul3A_32, %squeeze3A_30 : i32
      "tpu.region"() ({
        %run_scoped3A = tpu.sem_alloc : memref<!tpu.dma_semaphore, #tpu.memory_space<semaphore_mem>>
        %dma_start3A = arith.constant 0 : i32
        %dma_start3A_358 = tpu.memref_slice %arg5[%add3A_357, %dma_start3A] : memref<77000x512xf32, #tpu.memory_space<hbm>> -> memref<16x512xf32, #tpu.memory_space<hbm>>
        %dma_start3A_359 = arith.constant 0 : i32
        %dma_start3A_360 = tpu.memref_slice %arg5[%add3A_357, %dma_start3A_359] : memref<77000x512xf32, #tpu.memory_space<hbm>> -> memref<16x512xf32, #tpu.memory_space<hbm>>
        tpu.enqueue_dma source(%arg6 : memref<16x512xf32, #tpu.memory_space<vmem>>) target(%dma_start3A_360 : memref<16x512xf32, #tpu.memory_space<hbm>>) target_semaphore(%run_scoped3A : memref<!tpu.dma_semaphore, #tpu.memory_space<semaphore_mem>>)
        %dma_wait3A = arith.constant 0 : i32
        %dma_wait3A_361 = tpu.memref_slice %arg5[%add3A_357, %dma_wait3A] : memref<77000x512xf32, #tpu.memory_space<hbm>> -> memref<16x512xf32, #tpu.memory_space<hbm>>
        %dma_wait3A_362 = arith.constant 0 : i32
        %dma_wait3A_363 = tpu.memref_slice %arg5[%add3A_357, %dma_wait3A_362] : memref<77000x512xf32, #tpu.memory_space<hbm>> -> memref<16x512xf32, #tpu.memory_space<hbm>>
        tpu.wait_dma2 semaphore(%run_scoped3A : memref<!tpu.dma_semaphore, #tpu.memory_space<semaphore_mem>>) src(%arg6 : memref<16x512xf32, #tpu.memory_space<vmem>>) dst(%dma_wait3A_363 : memref<16x512xf32, #tpu.memory_space<hbm>>)
        tpu.yield
      }) : () -> ()
    } else {
    }
    %add3A_38 = arith.constant 3 : i32
    %add3A_39 = arith.addi %mul3A_2, %add3A_38 : i32
    %slice3A_40 = vector.extract_strided_slice %get3A_6 {offsets = [3], sizes = [1], strides = [1]} : vector<16xi32> to vector<1xi32>
    %squeeze3A_41 = vector.extract %slice3A_40[0] : i32 from vector<1xi32>
    %mul3A_42 = arith.constant 77 : i32
    %mul3A_43 = arith.muli %add3A_39, %mul3A_42 : i32
    %lt3A_44 = arith.constant 1000 : i32
    %lt3A_45 = arith.cmpi slt, %add3A_39, %lt3A_44 : i32
    %convert_element_type3A_46 = arith.extui %lt3A_45 : i1 to i32
    %cond3A_47 = arith.constant 0 : i32
    %cond3A_48 = arith.cmpi ne, %convert_element_type3A_46, %cond3A_47 : i32
    scf.if %cond3A_48 {
      "tpu.region"() ({
        %run_scoped3A = tpu.sem_alloc : memref<!tpu.dma_semaphore, #tpu.memory_space<semaphore_mem>>
        %dma_start3A = arith.constant 0 : i32
        %dma_start3A_358 = tpu.memref_slice %arg2[%mul3A_43, %dma_start3A] : memref<77000x512xf32, #tpu.memory_space<hbm>> -> memref<77x512xf32, #tpu.memory_space<hbm>>
        %dma_start3A_359 = arith.constant 0 : i32
        %dma_start3A_360 = tpu.memref_slice %arg2[%mul3A_43, %dma_start3A_359] : memref<77000x512xf32, #tpu.memory_space<hbm>> -> memref<77x512xf32, #tpu.memory_space<hbm>>
        tpu.enqueue_dma source(%dma_start3A_360 : memref<77x512xf32, #tpu.memory_space<hbm>>) target(%arg8 : memref<77x512xf32, #tpu.memory_space<vmem>>) target_semaphore(%run_scoped3A : memref<!tpu.dma_semaphore, #tpu.memory_space<semaphore_mem>>)
        %dma_wait3A = arith.constant 0 : i32
        %dma_wait3A_361 = tpu.memref_slice %arg2[%mul3A_43, %dma_wait3A] : memref<77000x512xf32, #tpu.memory_space<hbm>> -> memref<77x512xf32, #tpu.memory_space<hbm>>
        %dma_wait3A_362 = arith.constant 0 : i32
        %dma_wait3A_363 = tpu.memref_slice %arg2[%mul3A_43, %dma_wait3A_362] : memref<77000x512xf32, #tpu.memory_space<hbm>> -> memref<77x512xf32, #tpu.memory_space<hbm>>
        tpu.wait_dma2 semaphore(%run_scoped3A : memref<!tpu.dma_semaphore, #tpu.memory_space<semaphore_mem>>) src(%dma_wait3A_363 : memref<77x512xf32, #tpu.memory_space<hbm>>) dst(%arg8 : memref<77x512xf32, #tpu.memory_space<vmem>>)
        tpu.yield
      }) : () -> ()
      "tpu.region"() ({
        %run_scoped3A = tpu.sem_alloc : memref<!tpu.dma_semaphore, #tpu.memory_space<semaphore_mem>>
        %dma_start3A = arith.constant 0 : i32
        %dma_start3A_358 = tpu.memref_slice %arg5[%mul3A_43, %dma_start3A] : memref<77000x512xf32, #tpu.memory_space<hbm>> -> memref<77x512xf32, #tpu.memory_space<hbm>>
        %dma_start3A_359 = arith.constant 0 : i32
        %dma_start3A_360 = tpu.memref_slice %arg5[%mul3A_43, %dma_start3A_359] : memref<77000x512xf32, #tpu.memory_space<hbm>> -> memref<77x512xf32, #tpu.memory_space<hbm>>
        tpu.enqueue_dma source(%arg8 : memref<77x512xf32, #tpu.memory_space<vmem>>) target(%dma_start3A_360 : memref<77x512xf32, #tpu.memory_space<hbm>>) target_semaphore(%run_scoped3A : memref<!tpu.dma_semaphore, #tpu.memory_space<semaphore_mem>>)
        %dma_wait3A = arith.constant 0 : i32
        %dma_wait3A_361 = tpu.memref_slice %arg5[%mul3A_43, %dma_wait3A] : memref<77000x512xf32, #tpu.memory_space<hbm>> -> memref<77x512xf32, #tpu.memory_space<hbm>>
        %dma_wait3A_362 = arith.constant 0 : i32
        %dma_wait3A_363 = tpu.memref_slice %arg5[%mul3A_43, %dma_wait3A_362] : memref<77000x512xf32, #tpu.memory_space<hbm>> -> memref<77x512xf32, #tpu.memory_space<hbm>>
        tpu.wait_dma2 semaphore(%run_scoped3A : memref<!tpu.dma_semaphore, #tpu.memory_space<semaphore_mem>>) src(%arg8 : memref<77x512xf32, #tpu.memory_space<vmem>>) dst(%dma_wait3A_363 : memref<77x512xf32, #tpu.memory_space<hbm>>)
        tpu.yield
      }) : () -> ()
      %add3A_357 = arith.addi %mul3A_43, %squeeze3A_41 : i32
      "tpu.region"() ({
        %run_scoped3A = tpu.sem_alloc : memref<!tpu.dma_semaphore, #tpu.memory_space<semaphore_mem>>
        %dma_start3A = arith.constant 0 : i32
        %dma_start3A_358 = tpu.memref_slice %arg5[%add3A_357, %dma_start3A] : memref<77000x512xf32, #tpu.memory_space<hbm>> -> memref<16x512xf32, #tpu.memory_space<hbm>>
        %dma_start3A_359 = arith.constant 0 : i32
        %dma_start3A_360 = tpu.memref_slice %arg5[%add3A_357, %dma_start3A_359] : memref<77000x512xf32, #tpu.memory_space<hbm>> -> memref<16x512xf32, #tpu.memory_space<hbm>>
        tpu.enqueue_dma source(%arg6 : memref<16x512xf32, #tpu.memory_space<vmem>>) target(%dma_start3A_360 : memref<16x512xf32, #tpu.memory_space<hbm>>) target_semaphore(%run_scoped3A : memref<!tpu.dma_semaphore, #tpu.memory_space<semaphore_mem>>)
        %dma_wait3A = arith.constant 0 : i32
        %dma_wait3A_361 = tpu.memref_slice %arg5[%add3A_357, %dma_wait3A] : memref<77000x512xf32, #tpu.memory_space<hbm>> -> memref<16x512xf32, #tpu.memory_space<hbm>>
        %dma_wait3A_362 = arith.constant 0 : i32
        %dma_wait3A_363 = tpu.memref_slice %arg5[%add3A_357, %dma_wait3A_362] : memref<77000x512xf32, #tpu.memory_space<hbm>> -> memref<16x512xf32, #tpu.memory_space<hbm>>
        tpu.wait_dma2 semaphore(%run_scoped3A : memref<!tpu.dma_semaphore, #tpu.memory_space<semaphore_mem>>) src(%arg6 : memref<16x512xf32, #tpu.memory_space<vmem>>) dst(%dma_wait3A_363 : memref<16x512xf32, #tpu.memory_space<hbm>>)
        tpu.yield
      }) : () -> ()
    } else {
    }
    %add3A_49 = arith.constant 4 : i32
    %add3A_50 = arith.addi %mul3A_2, %add3A_49 : i32
    %slice3A_51 = vector.extract_strided_slice %get3A_6 {offsets = [4], sizes = [1], strides = [1]} : vector<16xi32> to vector<1xi32>
    %squeeze3A_52 = vector.extract %slice3A_51[0] : i32 from vector<1xi32>
    %mul3A_53 = arith.constant 77 : i32
    %mul3A_54 = arith.muli %add3A_50, %mul3A_53 : i32
    %lt3A_55 = arith.constant 1000 : i32
    %lt3A_56 = arith.cmpi slt, %add3A_50, %lt3A_55 : i32
    %convert_element_type3A_57 = arith.extui %lt3A_56 : i1 to i32
    %cond3A_58 = arith.constant 0 : i32
    %cond3A_59 = arith.cmpi ne, %convert_element_type3A_57, %cond3A_58 : i32
    scf.if %cond3A_59 {
      "tpu.region"() ({
        %run_scoped3A = tpu.sem_alloc : memref<!tpu.dma_semaphore, #tpu.memory_space<semaphore_mem>>
        %dma_start3A = arith.constant 0 : i32
        %dma_start3A_358 = tpu.memref_slice %arg2[%mul3A_54, %dma_start3A] : memref<77000x512xf32, #tpu.memory_space<hbm>> -> memref<77x512xf32, #tpu.memory_space<hbm>>
        %dma_start3A_359 = arith.constant 0 : i32
        %dma_start3A_360 = tpu.memref_slice %arg2[%mul3A_54, %dma_start3A_359] : memref<77000x512xf32, #tpu.memory_space<hbm>> -> memref<77x512xf32, #tpu.memory_space<hbm>>
        tpu.enqueue_dma source(%dma_start3A_360 : memref<77x512xf32, #tpu.memory_space<hbm>>) target(%arg8 : memref<77x512xf32, #tpu.memory_space<vmem>>) target_semaphore(%run_scoped3A : memref<!tpu.dma_semaphore, #tpu.memory_space<semaphore_mem>>)
        %dma_wait3A = arith.constant 0 : i32
        %dma_wait3A_361 = tpu.memref_slice %arg2[%mul3A_54, %dma_wait3A] : memref<77000x512xf32, #tpu.memory_space<hbm>> -> memref<77x512xf32, #tpu.memory_space<hbm>>
        %dma_wait3A_362 = arith.constant 0 : i32
        %dma_wait3A_363 = tpu.memref_slice %arg2[%mul3A_54, %dma_wait3A_362] : memref<77000x512xf32, #tpu.memory_space<hbm>> -> memref<77x512xf32, #tpu.memory_space<hbm>>
        tpu.wait_dma2 semaphore(%run_scoped3A : memref<!tpu.dma_semaphore, #tpu.memory_space<semaphore_mem>>) src(%dma_wait3A_363 : memref<77x512xf32, #tpu.memory_space<hbm>>) dst(%arg8 : memref<77x512xf32, #tpu.memory_space<vmem>>)
        tpu.yield
      }) : () -> ()
      "tpu.region"() ({
        %run_scoped3A = tpu.sem_alloc : memref<!tpu.dma_semaphore, #tpu.memory_space<semaphore_mem>>
        %dma_start3A = arith.constant 0 : i32
        %dma_start3A_358 = tpu.memref_slice %arg5[%mul3A_54, %dma_start3A] : memref<77000x512xf32, #tpu.memory_space<hbm>> -> memref<77x512xf32, #tpu.memory_space<hbm>>
        %dma_start3A_359 = arith.constant 0 : i32
        %dma_start3A_360 = tpu.memref_slice %arg5[%mul3A_54, %dma_start3A_359] : memref<77000x512xf32, #tpu.memory_space<hbm>> -> memref<77x512xf32, #tpu.memory_space<hbm>>
        tpu.enqueue_dma source(%arg8 : memref<77x512xf32, #tpu.memory_space<vmem>>) target(%dma_start3A_360 : memref<77x512xf32, #tpu.memory_space<hbm>>) target_semaphore(%run_scoped3A : memref<!tpu.dma_semaphore, #tpu.memory_space<semaphore_mem>>)
        %dma_wait3A = arith.constant 0 : i32
        %dma_wait3A_361 = tpu.memref_slice %arg5[%mul3A_54, %dma_wait3A] : memref<77000x512xf32, #tpu.memory_space<hbm>> -> memref<77x512xf32, #tpu.memory_space<hbm>>
        %dma_wait3A_362 = arith.constant 0 : i32
        %dma_wait3A_363 = tpu.memref_slice %arg5[%mul3A_54, %dma_wait3A_362] : memref<77000x512xf32, #tpu.memory_space<hbm>> -> memref<77x512xf32, #tpu.memory_space<hbm>>
        tpu.wait_dma2 semaphore(%run_scoped3A : memref<!tpu.dma_semaphore, #tpu.memory_space<semaphore_mem>>) src(%arg8 : memref<77x512xf32, #tpu.memory_space<vmem>>) dst(%dma_wait3A_363 : memref<77x512xf32, #tpu.memory_space<hbm>>)
        tpu.yield
      }) : () -> ()
      %add3A_357 = arith.addi %mul3A_54, %squeeze3A_52 : i32
      "tpu.region"() ({
        %run_scoped3A = tpu.sem_alloc : memref<!tpu.dma_semaphore, #tpu.memory_space<semaphore_mem>>
        %dma_start3A = arith.constant 0 : i32
        %dma_start3A_358 = tpu.memref_slice %arg5[%add3A_357, %dma_start3A] : memref<77000x512xf32, #tpu.memory_space<hbm>> -> memref<16x512xf32, #tpu.memory_space<hbm>>
        %dma_start3A_359 = arith.constant 0 : i32
        %dma_start3A_360 = tpu.memref_slice %arg5[%add3A_357, %dma_start3A_359] : memref<77000x512xf32, #tpu.memory_space<hbm>> -> memref<16x512xf32, #tpu.memory_space<hbm>>
        tpu.enqueue_dma source(%arg6 : memref<16x512xf32, #tpu.memory_space<vmem>>) target(%dma_start3A_360 : memref<16x512xf32, #tpu.memory_space<hbm>>) target_semaphore(%run_scoped3A : memref<!tpu.dma_semaphore, #tpu.memory_space<semaphore_mem>>)
        %dma_wait3A = arith.constant 0 : i32
        %dma_wait3A_361 = tpu.memref_slice %arg5[%add3A_357, %dma_wait3A] : memref<77000x512xf32, #tpu.memory_space<hbm>> -> memref<16x512xf32, #tpu.memory_space<hbm>>
        %dma_wait3A_362 = arith.constant 0 : i32
        %dma_wait3A_363 = tpu.memref_slice %arg5[%add3A_357, %dma_wait3A_362] : memref<77000x512xf32, #tpu.memory_space<hbm>> -> memref<16x512xf32, #tpu.memory_space<hbm>>
        tpu.wait_dma2 semaphore(%run_scoped3A : memref<!tpu.dma_semaphore, #tpu.memory_space<semaphore_mem>>) src(%arg6 : memref<16x512xf32, #tpu.memory_space<vmem>>) dst(%dma_wait3A_363 : memref<16x512xf32, #tpu.memory_space<hbm>>)
        tpu.yield
      }) : () -> ()
    } else {
    }
    %add3A_60 = arith.constant 5 : i32
    %add3A_61 = arith.addi %mul3A_2, %add3A_60 : i32
    %slice3A_62 = vector.extract_strided_slice %get3A_6 {offsets = [5], sizes = [1], strides = [1]} : vector<16xi32> to vector<1xi32>
    %squeeze3A_63 = vector.extract %slice3A_62[0] : i32 from vector<1xi32>
    %mul3A_64 = arith.constant 77 : i32
    %mul3A_65 = arith.muli %add3A_61, %mul3A_64 : i32
    %lt3A_66 = arith.constant 1000 : i32
    %lt3A_67 = arith.cmpi slt, %add3A_61, %lt3A_66 : i32
    %convert_element_type3A_68 = arith.extui %lt3A_67 : i1 to i32
    %cond3A_69 = arith.constant 0 : i32
    %cond3A_70 = arith.cmpi ne, %convert_element_type3A_68, %cond3A_69 : i32
    scf.if %cond3A_70 {
      "tpu.region"() ({
        %run_scoped3A = tpu.sem_alloc : memref<!tpu.dma_semaphore, #tpu.memory_space<semaphore_mem>>
        %dma_start3A = arith.constant 0 : i32
        %dma_start3A_358 = tpu.memref_slice %arg2[%mul3A_65, %dma_start3A] : memref<77000x512xf32, #tpu.memory_space<hbm>> -> memref<77x512xf32, #tpu.memory_space<hbm>>
        %dma_start3A_359 = arith.constant 0 : i32
        %dma_start3A_360 = tpu.memref_slice %arg2[%mul3A_65, %dma_start3A_359] : memref<77000x512xf32, #tpu.memory_space<hbm>> -> memref<77x512xf32, #tpu.memory_space<hbm>>
        tpu.enqueue_dma source(%dma_start3A_360 : memref<77x512xf32, #tpu.memory_space<hbm>>) target(%arg8 : memref<77x512xf32, #tpu.memory_space<vmem>>) target_semaphore(%run_scoped3A : memref<!tpu.dma_semaphore, #tpu.memory_space<semaphore_mem>>)
        %dma_wait3A = arith.constant 0 : i32
        %dma_wait3A_361 = tpu.memref_slice %arg2[%mul3A_65, %dma_wait3A] : memref<77000x512xf32, #tpu.memory_space<hbm>> -> memref<77x512xf32, #tpu.memory_space<hbm>>
        %dma_wait3A_362 = arith.constant 0 : i32
        %dma_wait3A_363 = tpu.memref_slice %arg2[%mul3A_65, %dma_wait3A_362] : memref<77000x512xf32, #tpu.memory_space<hbm>> -> memref<77x512xf32, #tpu.memory_space<hbm>>
        tpu.wait_dma2 semaphore(%run_scoped3A : memref<!tpu.dma_semaphore, #tpu.memory_space<semaphore_mem>>) src(%dma_wait3A_363 : memref<77x512xf32, #tpu.memory_space<hbm>>) dst(%arg8 : memref<77x512xf32, #tpu.memory_space<vmem>>)
        tpu.yield
      }) : () -> ()
      "tpu.region"() ({
        %run_scoped3A = tpu.sem_alloc : memref<!tpu.dma_semaphore, #tpu.memory_space<semaphore_mem>>
        %dma_start3A = arith.constant 0 : i32
        %dma_start3A_358 = tpu.memref_slice %arg5[%mul3A_65, %dma_start3A] : memref<77000x512xf32, #tpu.memory_space<hbm>> -> memref<77x512xf32, #tpu.memory_space<hbm>>
        %dma_start3A_359 = arith.constant 0 : i32
        %dma_start3A_360 = tpu.memref_slice %arg5[%mul3A_65, %dma_start3A_359] : memref<77000x512xf32, #tpu.memory_space<hbm>> -> memref<77x512xf32, #tpu.memory_space<hbm>>
        tpu.enqueue_dma source(%arg8 : memref<77x512xf32, #tpu.memory_space<vmem>>) target(%dma_start3A_360 : memref<77x512xf32, #tpu.memory_space<hbm>>) target_semaphore(%run_scoped3A : memref<!tpu.dma_semaphore, #tpu.memory_space<semaphore_mem>>)
        %dma_wait3A = arith.constant 0 : i32
        %dma_wait3A_361 = tpu.memref_slice %arg5[%mul3A_65, %dma_wait3A] : memref<77000x512xf32, #tpu.memory_space<hbm>> -> memref<77x512xf32, #tpu.memory_space<hbm>>
        %dma_wait3A_362 = arith.constant 0 : i32
        %dma_wait3A_363 = tpu.memref_slice %arg5[%mul3A_65, %dma_wait3A_362] : memref<77000x512xf32, #tpu.memory_space<hbm>> -> memref<77x512xf32, #tpu.memory_space<hbm>>
        tpu.wait_dma2 semaphore(%run_scoped3A : memref<!tpu.dma_semaphore, #tpu.memory_space<semaphore_mem>>) src(%arg8 : memref<77x512xf32, #tpu.memory_space<vmem>>) dst(%dma_wait3A_363 : memref<77x512xf32, #tpu.memory_space<hbm>>)
        tpu.yield
      }) : () -> ()
      %add3A_357 = arith.addi %mul3A_65, %squeeze3A_63 : i32
      "tpu.region"() ({
        %run_scoped3A = tpu.sem_alloc : memref<!tpu.dma_semaphore, #tpu.memory_space<semaphore_mem>>
        %dma_start3A = arith.constant 0 : i32
        %dma_start3A_358 = tpu.memref_slice %arg5[%add3A_357, %dma_start3A] : memref<77000x512xf32, #tpu.memory_space<hbm>> -> memref<16x512xf32, #tpu.memory_space<hbm>>
        %dma_start3A_359 = arith.constant 0 : i32
        %dma_start3A_360 = tpu.memref_slice %arg5[%add3A_357, %dma_start3A_359] : memref<77000x512xf32, #tpu.memory_space<hbm>> -> memref<16x512xf32, #tpu.memory_space<hbm>>
        tpu.enqueue_dma source(%arg6 : memref<16x512xf32, #tpu.memory_space<vmem>>) target(%dma_start3A_360 : memref<16x512xf32, #tpu.memory_space<hbm>>) target_semaphore(%run_scoped3A : memref<!tpu.dma_semaphore, #tpu.memory_space<semaphore_mem>>)
        %dma_wait3A = arith.constant 0 : i32
        %dma_wait3A_361 = tpu.memref_slice %arg5[%add3A_357, %dma_wait3A] : memref<77000x512xf32, #tpu.memory_space<hbm>> -> memref<16x512xf32, #tpu.memory_space<hbm>>
        %dma_wait3A_362 = arith.constant 0 : i32
        %dma_wait3A_363 = tpu.memref_slice %arg5[%add3A_357, %dma_wait3A_362] : memref<77000x512xf32, #tpu.memory_space<hbm>> -> memref<16x512xf32, #tpu.memory_space<hbm>>
        tpu.wait_dma2 semaphore(%run_scoped3A : memref<!tpu.dma_semaphore, #tpu.memory_space<semaphore_mem>>) src(%arg6 : memref<16x512xf32, #tpu.memory_space<vmem>>) dst(%dma_wait3A_363 : memref<16x512xf32, #tpu.memory_space<hbm>>)
        tpu.yield
      }) : () -> ()
    } else {
    }
    %add3A_71 = arith.constant 6 : i32
    %add3A_72 = arith.addi %mul3A_2, %add3A_71 : i32
    %slice3A_73 = vector.extract_strided_slice %get3A_6 {offsets = [6], sizes = [1], strides = [1]} : vector<16xi32> to vector<1xi32>
    %squeeze3A_74 = vector.extract %slice3A_73[0] : i32 from vector<1xi32>
    %mul3A_75 = arith.constant 77 : i32
    %mul3A_76 = arith.muli %add3A_72, %mul3A_75 : i32
    %lt3A_77 = arith.constant 1000 : i32
    %lt3A_78 = arith.cmpi slt, %add3A_72, %lt3A_77 : i32
    %convert_element_type3A_79 = arith.extui %lt3A_78 : i1 to i32
    %cond3A_80 = arith.constant 0 : i32
    %cond3A_81 = arith.cmpi ne, %convert_element_type3A_79, %cond3A_80 : i32
    scf.if %cond3A_81 {
      "tpu.region"() ({
        %run_scoped3A = tpu.sem_alloc : memref<!tpu.dma_semaphore, #tpu.memory_space<semaphore_mem>>
        %dma_start3A = arith.constant 0 : i32
        %dma_start3A_358 = tpu.memref_slice %arg2[%mul3A_76, %dma_start3A] : memref<77000x512xf32, #tpu.memory_space<hbm>> -> memref<77x512xf32, #tpu.memory_space<hbm>>
        %dma_start3A_359 = arith.constant 0 : i32
        %dma_start3A_360 = tpu.memref_slice %arg2[%mul3A_76, %dma_start3A_359] : memref<77000x512xf32, #tpu.memory_space<hbm>> -> memref<77x512xf32, #tpu.memory_space<hbm>>
        tpu.enqueue_dma source(%dma_start3A_360 : memref<77x512xf32, #tpu.memory_space<hbm>>) target(%arg8 : memref<77x512xf32, #tpu.memory_space<vmem>>) target_semaphore(%run_scoped3A : memref<!tpu.dma_semaphore, #tpu.memory_space<semaphore_mem>>)
        %dma_wait3A = arith.constant 0 : i32
        %dma_wait3A_361 = tpu.memref_slice %arg2[%mul3A_76, %dma_wait3A] : memref<77000x512xf32, #tpu.memory_space<hbm>> -> memref<77x512xf32, #tpu.memory_space<hbm>>
        %dma_wait3A_362 = arith.constant 0 : i32
        %dma_wait3A_363 = tpu.memref_slice %arg2[%mul3A_76, %dma_wait3A_362] : memref<77000x512xf32, #tpu.memory_space<hbm>> -> memref<77x512xf32, #tpu.memory_space<hbm>>
        tpu.wait_dma2 semaphore(%run_scoped3A : memref<!tpu.dma_semaphore, #tpu.memory_space<semaphore_mem>>) src(%dma_wait3A_363 : memref<77x512xf32, #tpu.memory_space<hbm>>) dst(%arg8 : memref<77x512xf32, #tpu.memory_space<vmem>>)
        tpu.yield
      }) : () -> ()
      "tpu.region"() ({
        %run_scoped3A = tpu.sem_alloc : memref<!tpu.dma_semaphore, #tpu.memory_space<semaphore_mem>>
        %dma_start3A = arith.constant 0 : i32
        %dma_start3A_358 = tpu.memref_slice %arg5[%mul3A_76, %dma_start3A] : memref<77000x512xf32, #tpu.memory_space<hbm>> -> memref<77x512xf32, #tpu.memory_space<hbm>>
        %dma_start3A_359 = arith.constant 0 : i32
        %dma_start3A_360 = tpu.memref_slice %arg5[%mul3A_76, %dma_start3A_359] : memref<77000x512xf32, #tpu.memory_space<hbm>> -> memref<77x512xf32, #tpu.memory_space<hbm>>
        tpu.enqueue_dma source(%arg8 : memref<77x512xf32, #tpu.memory_space<vmem>>) target(%dma_start3A_360 : memref<77x512xf32, #tpu.memory_space<hbm>>) target_semaphore(%run_scoped3A : memref<!tpu.dma_semaphore, #tpu.memory_space<semaphore_mem>>)
        %dma_wait3A = arith.constant 0 : i32
        %dma_wait3A_361 = tpu.memref_slice %arg5[%mul3A_76, %dma_wait3A] : memref<77000x512xf32, #tpu.memory_space<hbm>> -> memref<77x512xf32, #tpu.memory_space<hbm>>
        %dma_wait3A_362 = arith.constant 0 : i32
        %dma_wait3A_363 = tpu.memref_slice %arg5[%mul3A_76, %dma_wait3A_362] : memref<77000x512xf32, #tpu.memory_space<hbm>> -> memref<77x512xf32, #tpu.memory_space<hbm>>
        tpu.wait_dma2 semaphore(%run_scoped3A : memref<!tpu.dma_semaphore, #tpu.memory_space<semaphore_mem>>) src(%arg8 : memref<77x512xf32, #tpu.memory_space<vmem>>) dst(%dma_wait3A_363 : memref<77x512xf32, #tpu.memory_space<hbm>>)
        tpu.yield
      }) : () -> ()
      %add3A_357 = arith.addi %mul3A_76, %squeeze3A_74 : i32
      "tpu.region"() ({
        %run_scoped3A = tpu.sem_alloc : memref<!tpu.dma_semaphore, #tpu.memory_space<semaphore_mem>>
        %dma_start3A = arith.constant 0 : i32
        %dma_start3A_358 = tpu.memref_slice %arg5[%add3A_357, %dma_start3A] : memref<77000x512xf32, #tpu.memory_space<hbm>> -> memref<16x512xf32, #tpu.memory_space<hbm>>
        %dma_start3A_359 = arith.constant 0 : i32
        %dma_start3A_360 = tpu.memref_slice %arg5[%add3A_357, %dma_start3A_359] : memref<77000x512xf32, #tpu.memory_space<hbm>> -> memref<16x512xf32, #tpu.memory_space<hbm>>
        tpu.enqueue_dma source(%arg6 : memref<16x512xf32, #tpu.memory_space<vmem>>) target(%dma_start3A_360 : memref<16x512xf32, #tpu.memory_space<hbm>>) target_semaphore(%run_scoped3A : memref<!tpu.dma_semaphore, #tpu.memory_space<semaphore_mem>>)
        %dma_wait3A = arith.constant 0 : i32
        %dma_wait3A_361 = tpu.memref_slice %arg5[%add3A_357, %dma_wait3A] : memref<77000x512xf32, #tpu.memory_space<hbm>> -> memref<16x512xf32, #tpu.memory_space<hbm>>
        %dma_wait3A_362 = arith.constant 0 : i32
        %dma_wait3A_363 = tpu.memref_slice %arg5[%add3A_357, %dma_wait3A_362] : memref<77000x512xf32, #tpu.memory_space<hbm>> -> memref<16x512xf32, #tpu.memory_space<hbm>>
        tpu.wait_dma2 semaphore(%run_scoped3A : memref<!tpu.dma_semaphore, #tpu.memory_space<semaphore_mem>>) src(%arg6 : memref<16x512xf32, #tpu.memory_space<vmem>>) dst(%dma_wait3A_363 : memref<16x512xf32, #tpu.memory_space<hbm>>)
        tpu.yield
      }) : () -> ()
    } else {
    }
    %add3A_82 = arith.constant 7 : i32
    %add3A_83 = arith.addi %mul3A_2, %add3A_82 : i32
    %slice3A_84 = vector.extract_strided_slice %get3A_6 {offsets = [7], sizes = [1], strides = [1]} : vector<16xi32> to vector<1xi32>
    %squeeze3A_85 = vector.extract %slice3A_84[0] : i32 from vector<1xi32>
    %mul3A_86 = arith.constant 77 : i32
    %mul3A_87 = arith.muli %add3A_83, %mul3A_86 : i32
    %lt3A_88 = arith.constant 1000 : i32
    %lt3A_89 = arith.cmpi slt, %add3A_83, %lt3A_88 : i32
    %convert_element_type3A_90 = arith.extui %lt3A_89 : i1 to i32
    %cond3A_91 = arith.constant 0 : i32
    %cond3A_92 = arith.cmpi ne, %convert_element_type3A_90, %cond3A_91 : i32
    scf.if %cond3A_92 {
      "tpu.region"() ({
        %run_scoped3A = tpu.sem_alloc : memref<!tpu.dma_semaphore, #tpu.memory_space<semaphore_mem>>
        %dma_start3A = arith.constant 0 : i32
        %dma_start3A_358 = tpu.memref_slice %arg2[%mul3A_87, %dma_start3A] : memref<77000x512xf32, #tpu.memory_space<hbm>> -> memref<77x512xf32, #tpu.memory_space<hbm>>
        %dma_start3A_359 = arith.constant 0 : i32
        %dma_start3A_360 = tpu.memref_slice %arg2[%mul3A_87, %dma_start3A_359] : memref<77000x512xf32, #tpu.memory_space<hbm>> -> memref<77x512xf32, #tpu.memory_space<hbm>>
        tpu.enqueue_dma source(%dma_start3A_360 : memref<77x512xf32, #tpu.memory_space<hbm>>) target(%arg8 : memref<77x512xf32, #tpu.memory_space<vmem>>) target_semaphore(%run_scoped3A : memref<!tpu.dma_semaphore, #tpu.memory_space<semaphore_mem>>)
        %dma_wait3A = arith.constant 0 : i32
        %dma_wait3A_361 = tpu.memref_slice %arg2[%mul3A_87, %dma_wait3A] : memref<77000x512xf32, #tpu.memory_space<hbm>> -> memref<77x512xf32, #tpu.memory_space<hbm>>
        %dma_wait3A_362 = arith.constant 0 : i32
        %dma_wait3A_363 = tpu.memref_slice %arg2[%mul3A_87, %dma_wait3A_362] : memref<77000x512xf32, #tpu.memory_space<hbm>> -> memref<77x512xf32, #tpu.memory_space<hbm>>
        tpu.wait_dma2 semaphore(%run_scoped3A : memref<!tpu.dma_semaphore, #tpu.memory_space<semaphore_mem>>) src(%dma_wait3A_363 : memref<77x512xf32, #tpu.memory_space<hbm>>) dst(%arg8 : memref<77x512xf32, #tpu.memory_space<vmem>>)
        tpu.yield
      }) : () -> ()
      "tpu.region"() ({
        %run_scoped3A = tpu.sem_alloc : memref<!tpu.dma_semaphore, #tpu.memory_space<semaphore_mem>>
        %dma_start3A = arith.constant 0 : i32
        %dma_start3A_358 = tpu.memref_slice %arg5[%mul3A_87, %dma_start3A] : memref<77000x512xf32, #tpu.memory_space<hbm>> -> memref<77x512xf32, #tpu.memory_space<hbm>>
        %dma_start3A_359 = arith.constant 0 : i32
        %dma_start3A_360 = tpu.memref_slice %arg5[%mul3A_87, %dma_start3A_359] : memref<77000x512xf32, #tpu.memory_space<hbm>> -> memref<77x512xf32, #tpu.memory_space<hbm>>
        tpu.enqueue_dma source(%arg8 : memref<77x512xf32, #tpu.memory_space<vmem>>) target(%dma_start3A_360 : memref<77x512xf32, #tpu.memory_space<hbm>>) target_semaphore(%run_scoped3A : memref<!tpu.dma_semaphore, #tpu.memory_space<semaphore_mem>>)
        %dma_wait3A = arith.constant 0 : i32
        %dma_wait3A_361 = tpu.memref_slice %arg5[%mul3A_87, %dma_wait3A] : memref<77000x512xf32, #tpu.memory_space<hbm>> -> memref<77x512xf32, #tpu.memory_space<hbm>>
        %dma_wait3A_362 = arith.constant 0 : i32
        %dma_wait3A_363 = tpu.memref_slice %arg5[%mul3A_87, %dma_wait3A_362] : memref<77000x512xf32, #tpu.memory_space<hbm>> -> memref<77x512xf32, #tpu.memory_space<hbm>>
        tpu.wait_dma2 semaphore(%run_scoped3A : memref<!tpu.dma_semaphore, #tpu.memory_space<semaphore_mem>>) src(%arg8 : memref<77x512xf32, #tpu.memory_space<vmem>>) dst(%dma_wait3A_363 : memref<77x512xf32, #tpu.memory_space<hbm>>)
        tpu.yield
      }) : () -> ()
      %add3A_357 = arith.addi %mul3A_87, %squeeze3A_85 : i32
      "tpu.region"() ({
        %run_scoped3A = tpu.sem_alloc : memref<!tpu.dma_semaphore, #tpu.memory_space<semaphore_mem>>
        %dma_start3A = arith.constant 0 : i32
        %dma_start3A_358 = tpu.memref_slice %arg5[%add3A_357, %dma_start3A] : memref<77000x512xf32, #tpu.memory_space<hbm>> -> memref<16x512xf32, #tpu.memory_space<hbm>>
        %dma_start3A_359 = arith.constant 0 : i32
        %dma_start3A_360 = tpu.memref_slice %arg5[%add3A_357, %dma_start3A_359] : memref<77000x512xf32, #tpu.memory_space<hbm>> -> memref<16x512xf32, #tpu.memory_space<hbm>>
        tpu.enqueue_dma source(%arg6 : memref<16x512xf32, #tpu.memory_space<vmem>>) target(%dma_start3A_360 : memref<16x512xf32, #tpu.memory_space<hbm>>) target_semaphore(%run_scoped3A : memref<!tpu.dma_semaphore, #tpu.memory_space<semaphore_mem>>)
        %dma_wait3A = arith.constant 0 : i32
        %dma_wait3A_361 = tpu.memref_slice %arg5[%add3A_357, %dma_wait3A] : memref<77000x512xf32, #tpu.memory_space<hbm>> -> memref<16x512xf32, #tpu.memory_space<hbm>>
        %dma_wait3A_362 = arith.constant 0 : i32
        %dma_wait3A_363 = tpu.memref_slice %arg5[%add3A_357, %dma_wait3A_362] : memref<77000x512xf32, #tpu.memory_space<hbm>> -> memref<16x512xf32, #tpu.memory_space<hbm>>
        tpu.wait_dma2 semaphore(%run_scoped3A : memref<!tpu.dma_semaphore, #tpu.memory_space<semaphore_mem>>) src(%arg6 : memref<16x512xf32, #tpu.memory_space<vmem>>) dst(%dma_wait3A_363 : memref<16x512xf32, #tpu.memory_space<hbm>>)
        tpu.yield
      }) : () -> ()
    } else {
    }
    %add3A_93 = arith.constant 8 : i32
    %add3A_94 = arith.addi %mul3A_2, %add3A_93 : i32
    %slice3A_95 = vector.extract_strided_slice %get3A_6 {offsets = [8], sizes = [1], strides = [1]} : vector<16xi32> to vector<1xi32>
    %squeeze3A_96 = vector.extract %slice3A_95[0] : i32 from vector<1xi32>
    %mul3A_97 = arith.constant 77 : i32
    %mul3A_98 = arith.muli %add3A_94, %mul3A_97 : i32
    %lt3A_99 = arith.constant 1000 : i32
    %lt3A_100 = arith.cmpi slt, %add3A_94, %lt3A_99 : i32
    %convert_element_type3A_101 = arith.extui %lt3A_100 : i1 to i32
    %cond3A_102 = arith.constant 0 : i32
    %cond3A_103 = arith.cmpi ne, %convert_element_type3A_101, %cond3A_102 : i32
    scf.if %cond3A_103 {
      "tpu.region"() ({
        %run_scoped3A = tpu.sem_alloc : memref<!tpu.dma_semaphore, #tpu.memory_space<semaphore_mem>>
        %dma_start3A = arith.constant 0 : i32
        %dma_start3A_358 = tpu.memref_slice %arg2[%mul3A_98, %dma_start3A] : memref<77000x512xf32, #tpu.memory_space<hbm>> -> memref<77x512xf32, #tpu.memory_space<hbm>>
        %dma_start3A_359 = arith.constant 0 : i32
        %dma_start3A_360 = tpu.memref_slice %arg2[%mul3A_98, %dma_start3A_359] : memref<77000x512xf32, #tpu.memory_space<hbm>> -> memref<77x512xf32, #tpu.memory_space<hbm>>
        tpu.enqueue_dma source(%dma_start3A_360 : memref<77x512xf32, #tpu.memory_space<hbm>>) target(%arg8 : memref<77x512xf32, #tpu.memory_space<vmem>>) target_semaphore(%run_scoped3A : memref<!tpu.dma_semaphore, #tpu.memory_space<semaphore_mem>>)
        %dma_wait3A = arith.constant 0 : i32
        %dma_wait3A_361 = tpu.memref_slice %arg2[%mul3A_98, %dma_wait3A] : memref<77000x512xf32, #tpu.memory_space<hbm>> -> memref<77x512xf32, #tpu.memory_space<hbm>>
        %dma_wait3A_362 = arith.constant 0 : i32
        %dma_wait3A_363 = tpu.memref_slice %arg2[%mul3A_98, %dma_wait3A_362] : memref<77000x512xf32, #tpu.memory_space<hbm>> -> memref<77x512xf32, #tpu.memory_space<hbm>>
        tpu.wait_dma2 semaphore(%run_scoped3A : memref<!tpu.dma_semaphore, #tpu.memory_space<semaphore_mem>>) src(%dma_wait3A_363 : memref<77x512xf32, #tpu.memory_space<hbm>>) dst(%arg8 : memref<77x512xf32, #tpu.memory_space<vmem>>)
        tpu.yield
      }) : () -> ()
      "tpu.region"() ({
        %run_scoped3A = tpu.sem_alloc : memref<!tpu.dma_semaphore, #tpu.memory_space<semaphore_mem>>
        %dma_start3A = arith.constant 0 : i32
        %dma_start3A_358 = tpu.memref_slice %arg5[%mul3A_98, %dma_start3A] : memref<77000x512xf32, #tpu.memory_space<hbm>> -> memref<77x512xf32, #tpu.memory_space<hbm>>
        %dma_start3A_359 = arith.constant 0 : i32
        %dma_start3A_360 = tpu.memref_slice %arg5[%mul3A_98, %dma_start3A_359] : memref<77000x512xf32, #tpu.memory_space<hbm>> -> memref<77x512xf32, #tpu.memory_space<hbm>>
        tpu.enqueue_dma source(%arg8 : memref<77x512xf32, #tpu.memory_space<vmem>>) target(%dma_start3A_360 : memref<77x512xf32, #tpu.memory_space<hbm>>) target_semaphore(%run_scoped3A : memref<!tpu.dma_semaphore, #tpu.memory_space<semaphore_mem>>)
        %dma_wait3A = arith.constant 0 : i32
        %dma_wait3A_361 = tpu.memref_slice %arg5[%mul3A_98, %dma_wait3A] : memref<77000x512xf32, #tpu.memory_space<hbm>> -> memref<77x512xf32, #tpu.memory_space<hbm>>
        %dma_wait3A_362 = arith.constant 0 : i32
        %dma_wait3A_363 = tpu.memref_slice %arg5[%mul3A_98, %dma_wait3A_362] : memref<77000x512xf32, #tpu.memory_space<hbm>> -> memref<77x512xf32, #tpu.memory_space<hbm>>
        tpu.wait_dma2 semaphore(%run_scoped3A : memref<!tpu.dma_semaphore, #tpu.memory_space<semaphore_mem>>) src(%arg8 : memref<77x512xf32, #tpu.memory_space<vmem>>) dst(%dma_wait3A_363 : memref<77x512xf32, #tpu.memory_space<hbm>>)
        tpu.yield
      }) : () -> ()
      %add3A_357 = arith.addi %mul3A_98, %squeeze3A_96 : i32
      "tpu.region"() ({
        %run_scoped3A = tpu.sem_alloc : memref<!tpu.dma_semaphore, #tpu.memory_space<semaphore_mem>>
        %dma_start3A = arith.constant 0 : i32
        %dma_start3A_358 = tpu.memref_slice %arg5[%add3A_357, %dma_start3A] : memref<77000x512xf32, #tpu.memory_space<hbm>> -> memref<16x512xf32, #tpu.memory_space<hbm>>
        %dma_start3A_359 = arith.constant 0 : i32
        %dma_start3A_360 = tpu.memref_slice %arg5[%add3A_357, %dma_start3A_359] : memref<77000x512xf32, #tpu.memory_space<hbm>> -> memref<16x512xf32, #tpu.memory_space<hbm>>
        tpu.enqueue_dma source(%arg6 : memref<16x512xf32, #tpu.memory_space<vmem>>) target(%dma_start3A_360 : memref<16x512xf32, #tpu.memory_space<hbm>>) target_semaphore(%run_scoped3A : memref<!tpu.dma_semaphore, #tpu.memory_space<semaphore_mem>>)
        %dma_wait3A = arith.constant 0 : i32
        %dma_wait3A_361 = tpu.memref_slice %arg5[%add3A_357, %dma_wait3A] : memref<77000x512xf32, #tpu.memory_space<hbm>> -> memref<16x512xf32, #tpu.memory_space<hbm>>
        %dma_wait3A_362 = arith.constant 0 : i32
        %dma_wait3A_363 = tpu.memref_slice %arg5[%add3A_357, %dma_wait3A_362] : memref<77000x512xf32, #tpu.memory_space<hbm>> -> memref<16x512xf32, #tpu.memory_space<hbm>>
        tpu.wait_dma2 semaphore(%run_scoped3A : memref<!tpu.dma_semaphore, #tpu.memory_space<semaphore_mem>>) src(%arg6 : memref<16x512xf32, #tpu.memory_space<vmem>>) dst(%dma_wait3A_363 : memref<16x512xf32, #tpu.memory_space<hbm>>)
        tpu.yield
      }) : () -> ()
    } else {
    }
    %add3A_104 = arith.constant 9 : i32
    %add3A_105 = arith.addi %mul3A_2, %add3A_104 : i32
    %slice3A_106 = vector.extract_strided_slice %get3A_6 {offsets = [9], sizes = [1], strides = [1]} : vector<16xi32> to vector<1xi32>
    %squeeze3A_107 = vector.extract %slice3A_106[0] : i32 from vector<1xi32>
    %mul3A_108 = arith.constant 77 : i32
    %mul3A_109 = arith.muli %add3A_105, %mul3A_108 : i32
    %lt3A_110 = arith.constant 1000 : i32
    %lt3A_111 = arith.cmpi slt, %add3A_105, %lt3A_110 : i32
    %convert_element_type3A_112 = arith.extui %lt3A_111 : i1 to i32
    %cond3A_113 = arith.constant 0 : i32
    %cond3A_114 = arith.cmpi ne, %convert_element_type3A_112, %cond3A_113 : i32
    scf.if %cond3A_114 {
      "tpu.region"() ({
        %run_scoped3A = tpu.sem_alloc : memref<!tpu.dma_semaphore, #tpu.memory_space<semaphore_mem>>
        %dma_start3A = arith.constant 0 : i32
        %dma_start3A_358 = tpu.memref_slice %arg2[%mul3A_109, %dma_start3A] : memref<77000x512xf32, #tpu.memory_space<hbm>> -> memref<77x512xf32, #tpu.memory_space<hbm>>
        %dma_start3A_359 = arith.constant 0 : i32
        %dma_start3A_360 = tpu.memref_slice %arg2[%mul3A_109, %dma_start3A_359] : memref<77000x512xf32, #tpu.memory_space<hbm>> -> memref<77x512xf32, #tpu.memory_space<hbm>>
        tpu.enqueue_dma source(%dma_start3A_360 : memref<77x512xf32, #tpu.memory_space<hbm>>) target(%arg8 : memref<77x512xf32, #tpu.memory_space<vmem>>) target_semaphore(%run_scoped3A : memref<!tpu.dma_semaphore, #tpu.memory_space<semaphore_mem>>)
        %dma_wait3A = arith.constant 0 : i32
        %dma_wait3A_361 = tpu.memref_slice %arg2[%mul3A_109, %dma_wait3A] : memref<77000x512xf32, #tpu.memory_space<hbm>> -> memref<77x512xf32, #tpu.memory_space<hbm>>
        %dma_wait3A_362 = arith.constant 0 : i32
        %dma_wait3A_363 = tpu.memref_slice %arg2[%mul3A_109, %dma_wait3A_362] : memref<77000x512xf32, #tpu.memory_space<hbm>> -> memref<77x512xf32, #tpu.memory_space<hbm>>
        tpu.wait_dma2 semaphore(%run_scoped3A : memref<!tpu.dma_semaphore, #tpu.memory_space<semaphore_mem>>) src(%dma_wait3A_363 : memref<77x512xf32, #tpu.memory_space<hbm>>) dst(%arg8 : memref<77x512xf32, #tpu.memory_space<vmem>>)
        tpu.yield
      }) : () -> ()
      "tpu.region"() ({
        %run_scoped3A = tpu.sem_alloc : memref<!tpu.dma_semaphore, #tpu.memory_space<semaphore_mem>>
        %dma_start3A = arith.constant 0 : i32
        %dma_start3A_358 = tpu.memref_slice %arg5[%mul3A_109, %dma_start3A] : memref<77000x512xf32, #tpu.memory_space<hbm>> -> memref<77x512xf32, #tpu.memory_space<hbm>>
        %dma_start3A_359 = arith.constant 0 : i32
        %dma_start3A_360 = tpu.memref_slice %arg5[%mul3A_109, %dma_start3A_359] : memref<77000x512xf32, #tpu.memory_space<hbm>> -> memref<77x512xf32, #tpu.memory_space<hbm>>
        tpu.enqueue_dma source(%arg8 : memref<77x512xf32, #tpu.memory_space<vmem>>) target(%dma_start3A_360 : memref<77x512xf32, #tpu.memory_space<hbm>>) target_semaphore(%run_scoped3A : memref<!tpu.dma_semaphore, #tpu.memory_space<semaphore_mem>>)
        %dma_wait3A = arith.constant 0 : i32
        %dma_wait3A_361 = tpu.memref_slice %arg5[%mul3A_109, %dma_wait3A] : memref<77000x512xf32, #tpu.memory_space<hbm>> -> memref<77x512xf32, #tpu.memory_space<hbm>>
        %dma_wait3A_362 = arith.constant 0 : i32
        %dma_wait3A_363 = tpu.memref_slice %arg5[%mul3A_109, %dma_wait3A_362] : memref<77000x512xf32, #tpu.memory_space<hbm>> -> memref<77x512xf32, #tpu.memory_space<hbm>>
        tpu.wait_dma2 semaphore(%run_scoped3A : memref<!tpu.dma_semaphore, #tpu.memory_space<semaphore_mem>>) src(%arg8 : memref<77x512xf32, #tpu.memory_space<vmem>>) dst(%dma_wait3A_363 : memref<77x512xf32, #tpu.memory_space<hbm>>)
        tpu.yield
      }) : () -> ()
      %add3A_357 = arith.addi %mul3A_109, %squeeze3A_107 : i32
      "tpu.region"() ({
        %run_scoped3A = tpu.sem_alloc : memref<!tpu.dma_semaphore, #tpu.memory_space<semaphore_mem>>
        %dma_start3A = arith.constant 0 : i32
        %dma_start3A_358 = tpu.memref_slice %arg5[%add3A_357, %dma_start3A] : memref<77000x512xf32, #tpu.memory_space<hbm>> -> memref<16x512xf32, #tpu.memory_space<hbm>>
        %dma_start3A_359 = arith.constant 0 : i32
        %dma_start3A_360 = tpu.memref_slice %arg5[%add3A_357, %dma_start3A_359] : memref<77000x512xf32, #tpu.memory_space<hbm>> -> memref<16x512xf32, #tpu.memory_space<hbm>>
        tpu.enqueue_dma source(%arg6 : memref<16x512xf32, #tpu.memory_space<vmem>>) target(%dma_start3A_360 : memref<16x512xf32, #tpu.memory_space<hbm>>) target_semaphore(%run_scoped3A : memref<!tpu.dma_semaphore, #tpu.memory_space<semaphore_mem>>)
        %dma_wait3A = arith.constant 0 : i32
        %dma_wait3A_361 = tpu.memref_slice %arg5[%add3A_357, %dma_wait3A] : memref<77000x512xf32, #tpu.memory_space<hbm>> -> memref<16x512xf32, #tpu.memory_space<hbm>>
        %dma_wait3A_362 = arith.constant 0 : i32
        %dma_wait3A_363 = tpu.memref_slice %arg5[%add3A_357, %dma_wait3A_362] : memref<77000x512xf32, #tpu.memory_space<hbm>> -> memref<16x512xf32, #tpu.memory_space<hbm>>
        tpu.wait_dma2 semaphore(%run_scoped3A : memref<!tpu.dma_semaphore, #tpu.memory_space<semaphore_mem>>) src(%arg6 : memref<16x512xf32, #tpu.memory_space<vmem>>) dst(%dma_wait3A_363 : memref<16x512xf32, #tpu.memory_space<hbm>>)
        tpu.yield
      }) : () -> ()
    } else {
    }
    %add3A_115 = arith.constant 10 : i32
    %add3A_116 = arith.addi %mul3A_2, %add3A_115 : i32
    %slice3A_117 = vector.extract_strided_slice %get3A_6 {offsets = [10], sizes = [1], strides = [1]} : vector<16xi32> to vector<1xi32>
    %squeeze3A_118 = vector.extract %slice3A_117[0] : i32 from vector<1xi32>
    %mul3A_119 = arith.constant 77 : i32
    %mul3A_120 = arith.muli %add3A_116, %mul3A_119 : i32
    %lt3A_121 = arith.constant 1000 : i32
    %lt3A_122 = arith.cmpi slt, %add3A_116, %lt3A_121 : i32
    %convert_element_type3A_123 = arith.extui %lt3A_122 : i1 to i32
    %cond3A_124 = arith.constant 0 : i32
    %cond3A_125 = arith.cmpi ne, %convert_element_type3A_123, %cond3A_124 : i32
    scf.if %cond3A_125 {
      "tpu.region"() ({
        %run_scoped3A = tpu.sem_alloc : memref<!tpu.dma_semaphore, #tpu.memory_space<semaphore_mem>>
        %dma_start3A = arith.constant 0 : i32
        %dma_start3A_358 = tpu.memref_slice %arg2[%mul3A_120, %dma_start3A] : memref<77000x512xf32, #tpu.memory_space<hbm>> -> memref<77x512xf32, #tpu.memory_space<hbm>>
        %dma_start3A_359 = arith.constant 0 : i32
        %dma_start3A_360 = tpu.memref_slice %arg2[%mul3A_120, %dma_start3A_359] : memref<77000x512xf32, #tpu.memory_space<hbm>> -> memref<77x512xf32, #tpu.memory_space<hbm>>
        tpu.enqueue_dma source(%dma_start3A_360 : memref<77x512xf32, #tpu.memory_space<hbm>>) target(%arg8 : memref<77x512xf32, #tpu.memory_space<vmem>>) target_semaphore(%run_scoped3A : memref<!tpu.dma_semaphore, #tpu.memory_space<semaphore_mem>>)
        %dma_wait3A = arith.constant 0 : i32
        %dma_wait3A_361 = tpu.memref_slice %arg2[%mul3A_120, %dma_wait3A] : memref<77000x512xf32, #tpu.memory_space<hbm>> -> memref<77x512xf32, #tpu.memory_space<hbm>>
        %dma_wait3A_362 = arith.constant 0 : i32
        %dma_wait3A_363 = tpu.memref_slice %arg2[%mul3A_120, %dma_wait3A_362] : memref<77000x512xf32, #tpu.memory_space<hbm>> -> memref<77x512xf32, #tpu.memory_space<hbm>>
        tpu.wait_dma2 semaphore(%run_scoped3A : memref<!tpu.dma_semaphore, #tpu.memory_space<semaphore_mem>>) src(%dma_wait3A_363 : memref<77x512xf32, #tpu.memory_space<hbm>>) dst(%arg8 : memref<77x512xf32, #tpu.memory_space<vmem>>)
        tpu.yield
      }) : () -> ()
      "tpu.region"() ({
        %run_scoped3A = tpu.sem_alloc : memref<!tpu.dma_semaphore, #tpu.memory_space<semaphore_mem>>
        %dma_start3A = arith.constant 0 : i32
        %dma_start3A_358 = tpu.memref_slice %arg5[%mul3A_120, %dma_start3A] : memref<77000x512xf32, #tpu.memory_space<hbm>> -> memref<77x512xf32, #tpu.memory_space<hbm>>
        %dma_start3A_359 = arith.constant 0 : i32
        %dma_start3A_360 = tpu.memref_slice %arg5[%mul3A_120, %dma_start3A_359] : memref<77000x512xf32, #tpu.memory_space<hbm>> -> memref<77x512xf32, #tpu.memory_space<hbm>>
        tpu.enqueue_dma source(%arg8 : memref<77x512xf32, #tpu.memory_space<vmem>>) target(%dma_start3A_360 : memref<77x512xf32, #tpu.memory_space<hbm>>) target_semaphore(%run_scoped3A : memref<!tpu.dma_semaphore, #tpu.memory_space<semaphore_mem>>)
        %dma_wait3A = arith.constant 0 : i32
        %dma_wait3A_361 = tpu.memref_slice %arg5[%mul3A_120, %dma_wait3A] : memref<77000x512xf32, #tpu.memory_space<hbm>> -> memref<77x512xf32, #tpu.memory_space<hbm>>
        %dma_wait3A_362 = arith.constant 0 : i32
        %dma_wait3A_363 = tpu.memref_slice %arg5[%mul3A_120, %dma_wait3A_362] : memref<77000x512xf32, #tpu.memory_space<hbm>> -> memref<77x512xf32, #tpu.memory_space<hbm>>
        tpu.wait_dma2 semaphore(%run_scoped3A : memref<!tpu.dma_semaphore, #tpu.memory_space<semaphore_mem>>) src(%arg8 : memref<77x512xf32, #tpu.memory_space<vmem>>) dst(%dma_wait3A_363 : memref<77x512xf32, #tpu.memory_space<hbm>>)
        tpu.yield
      }) : () -> ()
      %add3A_357 = arith.addi %mul3A_120, %squeeze3A_118 : i32
      "tpu.region"() ({
        %run_scoped3A = tpu.sem_alloc : memref<!tpu.dma_semaphore, #tpu.memory_space<semaphore_mem>>
        %dma_start3A = arith.constant 0 : i32
        %dma_start3A_358 = tpu.memref_slice %arg5[%add3A_357, %dma_start3A] : memref<77000x512xf32, #tpu.memory_space<hbm>> -> memref<16x512xf32, #tpu.memory_space<hbm>>
        %dma_start3A_359 = arith.constant 0 : i32
        %dma_start3A_360 = tpu.memref_slice %arg5[%add3A_357, %dma_start3A_359] : memref<77000x512xf32, #tpu.memory_space<hbm>> -> memref<16x512xf32, #tpu.memory_space<hbm>>
        tpu.enqueue_dma source(%arg6 : memref<16x512xf32, #tpu.memory_space<vmem>>) target(%dma_start3A_360 : memref<16x512xf32, #tpu.memory_space<hbm>>) target_semaphore(%run_scoped3A : memref<!tpu.dma_semaphore, #tpu.memory_space<semaphore_mem>>)
        %dma_wait3A = arith.constant 0 : i32
        %dma_wait3A_361 = tpu.memref_slice %arg5[%add3A_357, %dma_wait3A] : memref<77000x512xf32, #tpu.memory_space<hbm>> -> memref<16x512xf32, #tpu.memory_space<hbm>>
        %dma_wait3A_362 = arith.constant 0 : i32
        %dma_wait3A_363 = tpu.memref_slice %arg5[%add3A_357, %dma_wait3A_362] : memref<77000x512xf32, #tpu.memory_space<hbm>> -> memref<16x512xf32, #tpu.memory_space<hbm>>
        tpu.wait_dma2 semaphore(%run_scoped3A : memref<!tpu.dma_semaphore, #tpu.memory_space<semaphore_mem>>) src(%arg6 : memref<16x512xf32, #tpu.memory_space<vmem>>) dst(%dma_wait3A_363 : memref<16x512xf32, #tpu.memory_space<hbm>>)
        tpu.yield
      }) : () -> ()
    } else {
    }
    %add3A_126 = arith.constant 11 : i32
    %add3A_127 = arith.addi %mul3A_2, %add3A_126 : i32
    %slice3A_128 = vector.extract_strided_slice %get3A_6 {offsets = [11], sizes = [1], strides = [1]} : vector<16xi32> to vector<1xi32>
    %squeeze3A_129 = vector.extract %slice3A_128[0] : i32 from vector<1xi32>
    %mul3A_130 = arith.constant 77 : i32
    %mul3A_131 = arith.muli %add3A_127, %mul3A_130 : i32
    %lt3A_132 = arith.constant 1000 : i32
    %lt3A_133 = arith.cmpi slt, %add3A_127, %lt3A_132 : i32
    %convert_element_type3A_134 = arith.extui %lt3A_133 : i1 to i32
    %cond3A_135 = arith.constant 0 : i32
    %cond3A_136 = arith.cmpi ne, %convert_element_type3A_134, %cond3A_135 : i32
    scf.if %cond3A_136 {
      "tpu.region"() ({
        %run_scoped3A = tpu.sem_alloc : memref<!tpu.dma_semaphore, #tpu.memory_space<semaphore_mem>>
        %dma_start3A = arith.constant 0 : i32
        %dma_start3A_358 = tpu.memref_slice %arg2[%mul3A_131, %dma_start3A] : memref<77000x512xf32, #tpu.memory_space<hbm>> -> memref<77x512xf32, #tpu.memory_space<hbm>>
        %dma_start3A_359 = arith.constant 0 : i32
        %dma_start3A_360 = tpu.memref_slice %arg2[%mul3A_131, %dma_start3A_359] : memref<77000x512xf32, #tpu.memory_space<hbm>> -> memref<77x512xf32, #tpu.memory_space<hbm>>
        tpu.enqueue_dma source(%dma_start3A_360 : memref<77x512xf32, #tpu.memory_space<hbm>>) target(%arg8 : memref<77x512xf32, #tpu.memory_space<vmem>>) target_semaphore(%run_scoped3A : memref<!tpu.dma_semaphore, #tpu.memory_space<semaphore_mem>>)
        %dma_wait3A = arith.constant 0 : i32
        %dma_wait3A_361 = tpu.memref_slice %arg2[%mul3A_131, %dma_wait3A] : memref<77000x512xf32, #tpu.memory_space<hbm>> -> memref<77x512xf32, #tpu.memory_space<hbm>>
        %dma_wait3A_362 = arith.constant 0 : i32
        %dma_wait3A_363 = tpu.memref_slice %arg2[%mul3A_131, %dma_wait3A_362] : memref<77000x512xf32, #tpu.memory_space<hbm>> -> memref<77x512xf32, #tpu.memory_space<hbm>>
        tpu.wait_dma2 semaphore(%run_scoped3A : memref<!tpu.dma_semaphore, #tpu.memory_space<semaphore_mem>>) src(%dma_wait3A_363 : memref<77x512xf32, #tpu.memory_space<hbm>>) dst(%arg8 : memref<77x512xf32, #tpu.memory_space<vmem>>)
        tpu.yield
      }) : () -> ()
      "tpu.region"() ({
        %run_scoped3A = tpu.sem_alloc : memref<!tpu.dma_semaphore, #tpu.memory_space<semaphore_mem>>
        %dma_start3A = arith.constant 0 : i32
        %dma_start3A_358 = tpu.memref_slice %arg5[%mul3A_131, %dma_start3A] : memref<77000x512xf32, #tpu.memory_space<hbm>> -> memref<77x512xf32, #tpu.memory_space<hbm>>
        %dma_start3A_359 = arith.constant 0 : i32
        %dma_start3A_360 = tpu.memref_slice %arg5[%mul3A_131, %dma_start3A_359] : memref<77000x512xf32, #tpu.memory_space<hbm>> -> memref<77x512xf32, #tpu.memory_space<hbm>>
        tpu.enqueue_dma source(%arg8 : memref<77x512xf32, #tpu.memory_space<vmem>>) target(%dma_start3A_360 : memref<77x512xf32, #tpu.memory_space<hbm>>) target_semaphore(%run_scoped3A : memref<!tpu.dma_semaphore, #tpu.memory_space<semaphore_mem>>)
        %dma_wait3A = arith.constant 0 : i32
        %dma_wait3A_361 = tpu.memref_slice %arg5[%mul3A_131, %dma_wait3A] : memref<77000x512xf32, #tpu.memory_space<hbm>> -> memref<77x512xf32, #tpu.memory_space<hbm>>
        %dma_wait3A_362 = arith.constant 0 : i32
        %dma_wait3A_363 = tpu.memref_slice %arg5[%mul3A_131, %dma_wait3A_362] : memref<77000x512xf32, #tpu.memory_space<hbm>> -> memref<77x512xf32, #tpu.memory_space<hbm>>
        tpu.wait_dma2 semaphore(%run_scoped3A : memref<!tpu.dma_semaphore, #tpu.memory_space<semaphore_mem>>) src(%arg8 : memref<77x512xf32, #tpu.memory_space<vmem>>) dst(%dma_wait3A_363 : memref<77x512xf32, #tpu.memory_space<hbm>>)
        tpu.yield
      }) : () -> ()
      %add3A_357 = arith.addi %mul3A_131, %squeeze3A_129 : i32
      "tpu.region"() ({
        %run_scoped3A = tpu.sem_alloc : memref<!tpu.dma_semaphore, #tpu.memory_space<semaphore_mem>>
        %dma_start3A = arith.constant 0 : i32
        %dma_start3A_358 = tpu.memref_slice %arg5[%add3A_357, %dma_start3A] : memref<77000x512xf32, #tpu.memory_space<hbm>> -> memref<16x512xf32, #tpu.memory_space<hbm>>
        %dma_start3A_359 = arith.constant 0 : i32
        %dma_start3A_360 = tpu.memref_slice %arg5[%add3A_357, %dma_start3A_359] : memref<77000x512xf32, #tpu.memory_space<hbm>> -> memref<16x512xf32, #tpu.memory_space<hbm>>
        tpu.enqueue_dma source(%arg6 : memref<16x512xf32, #tpu.memory_space<vmem>>) target(%dma_start3A_360 : memref<16x512xf32, #tpu.memory_space<hbm>>) target_semaphore(%run_scoped3A : memref<!tpu.dma_semaphore, #tpu.memory_space<semaphore_mem>>)
        %dma_wait3A = arith.constant 0 : i32
        %dma_wait3A_361 = tpu.memref_slice %arg5[%add3A_357, %dma_wait3A] : memref<77000x512xf32, #tpu.memory_space<hbm>> -> memref<16x512xf32, #tpu.memory_space<hbm>>
        %dma_wait3A_362 = arith.constant 0 : i32
        %dma_wait3A_363 = tpu.memref_slice %arg5[%add3A_357, %dma_wait3A_362] : memref<77000x512xf32, #tpu.memory_space<hbm>> -> memref<16x512xf32, #tpu.memory_space<hbm>>
        tpu.wait_dma2 semaphore(%run_scoped3A : memref<!tpu.dma_semaphore, #tpu.memory_space<semaphore_mem>>) src(%arg6 : memref<16x512xf32, #tpu.memory_space<vmem>>) dst(%dma_wait3A_363 : memref<16x512xf32, #tpu.memory_space<hbm>>)
        tpu.yield
      }) : () -> ()
    } else {
    }
    %add3A_137 = arith.constant 12 : i32
    %add3A_138 = arith.addi %mul3A_2, %add3A_137 : i32
    %slice3A_139 = vector.extract_strided_slice %get3A_6 {offsets = [12], sizes = [1], strides = [1]} : vector<16xi32> to vector<1xi32>
    %squeeze3A_140 = vector.extract %slice3A_139[0] : i32 from vector<1xi32>
    %mul3A_141 = arith.constant 77 : i32
    %mul3A_142 = arith.muli %add3A_138, %mul3A_141 : i32
    %lt3A_143 = arith.constant 1000 : i32
    %lt3A_144 = arith.cmpi slt, %add3A_138, %lt3A_143 : i32
    %convert_element_type3A_145 = arith.extui %lt3A_144 : i1 to i32
    %cond3A_146 = arith.constant 0 : i32
    %cond3A_147 = arith.cmpi ne, %convert_element_type3A_145, %cond3A_146 : i32
    scf.if %cond3A_147 {
      "tpu.region"() ({
        %run_scoped3A = tpu.sem_alloc : memref<!tpu.dma_semaphore, #tpu.memory_space<semaphore_mem>>
        %dma_start3A = arith.constant 0 : i32
        %dma_start3A_358 = tpu.memref_slice %arg2[%mul3A_142, %dma_start3A] : memref<77000x512xf32, #tpu.memory_space<hbm>> -> memref<77x512xf32, #tpu.memory_space<hbm>>
        %dma_start3A_359 = arith.constant 0 : i32
        %dma_start3A_360 = tpu.memref_slice %arg2[%mul3A_142, %dma_start3A_359] : memref<77000x512xf32, #tpu.memory_space<hbm>> -> memref<77x512xf32, #tpu.memory_space<hbm>>
        tpu.enqueue_dma source(%dma_start3A_360 : memref<77x512xf32, #tpu.memory_space<hbm>>) target(%arg8 : memref<77x512xf32, #tpu.memory_space<vmem>>) target_semaphore(%run_scoped3A : memref<!tpu.dma_semaphore, #tpu.memory_space<semaphore_mem>>)
        %dma_wait3A = arith.constant 0 : i32
        %dma_wait3A_361 = tpu.memref_slice %arg2[%mul3A_142, %dma_wait3A] : memref<77000x512xf32, #tpu.memory_space<hbm>> -> memref<77x512xf32, #tpu.memory_space<hbm>>
        %dma_wait3A_362 = arith.constant 0 : i32
        %dma_wait3A_363 = tpu.memref_slice %arg2[%mul3A_142, %dma_wait3A_362] : memref<77000x512xf32, #tpu.memory_space<hbm>> -> memref<77x512xf32, #tpu.memory_space<hbm>>
        tpu.wait_dma2 semaphore(%run_scoped3A : memref<!tpu.dma_semaphore, #tpu.memory_space<semaphore_mem>>) src(%dma_wait3A_363 : memref<77x512xf32, #tpu.memory_space<hbm>>) dst(%arg8 : memref<77x512xf32, #tpu.memory_space<vmem>>)
        tpu.yield
      }) : () -> ()
      "tpu.region"() ({
        %run_scoped3A = tpu.sem_alloc : memref<!tpu.dma_semaphore, #tpu.memory_space<semaphore_mem>>
        %dma_start3A = arith.constant 0 : i32
        %dma_start3A_358 = tpu.memref_slice %arg5[%mul3A_142, %dma_start3A] : memref<77000x512xf32, #tpu.memory_space<hbm>> -> memref<77x512xf32, #tpu.memory_space<hbm>>
        %dma_start3A_359 = arith.constant 0 : i32
        %dma_start3A_360 = tpu.memref_slice %arg5[%mul3A_142, %dma_start3A_359] : memref<77000x512xf32, #tpu.memory_space<hbm>> -> memref<77x512xf32, #tpu.memory_space<hbm>>
        tpu.enqueue_dma source(%arg8 : memref<77x512xf32, #tpu.memory_space<vmem>>) target(%dma_start3A_360 : memref<77x512xf32, #tpu.memory_space<hbm>>) target_semaphore(%run_scoped3A : memref<!tpu.dma_semaphore, #tpu.memory_space<semaphore_mem>>)
        %dma_wait3A = arith.constant 0 : i32
        %dma_wait3A_361 = tpu.memref_slice %arg5[%mul3A_142, %dma_wait3A] : memref<77000x512xf32, #tpu.memory_space<hbm>> -> memref<77x512xf32, #tpu.memory_space<hbm>>
        %dma_wait3A_362 = arith.constant 0 : i32
        %dma_wait3A_363 = tpu.memref_slice %arg5[%mul3A_142, %dma_wait3A_362] : memref<77000x512xf32, #tpu.memory_space<hbm>> -> memref<77x512xf32, #tpu.memory_space<hbm>>
        tpu.wait_dma2 semaphore(%run_scoped3A : memref<!tpu.dma_semaphore, #tpu.memory_space<semaphore_mem>>) src(%arg8 : memref<77x512xf32, #tpu.memory_space<vmem>>) dst(%dma_wait3A_363 : memref<77x512xf32, #tpu.memory_space<hbm>>)
        tpu.yield
      }) : () -> ()
      %add3A_357 = arith.addi %mul3A_142, %squeeze3A_140 : i32
      "tpu.region"() ({
        %run_scoped3A = tpu.sem_alloc : memref<!tpu.dma_semaphore, #tpu.memory_space<semaphore_mem>>
        %dma_start3A = arith.constant 0 : i32
        %dma_start3A_358 = tpu.memref_slice %arg5[%add3A_357, %dma_start3A] : memref<77000x512xf32, #tpu.memory_space<hbm>> -> memref<16x512xf32, #tpu.memory_space<hbm>>
        %dma_start3A_359 = arith.constant 0 : i32
        %dma_start3A_360 = tpu.memref_slice %arg5[%add3A_357, %dma_start3A_359] : memref<77000x512xf32, #tpu.memory_space<hbm>> -> memref<16x512xf32, #tpu.memory_space<hbm>>
        tpu.enqueue_dma source(%arg6 : memref<16x512xf32, #tpu.memory_space<vmem>>) target(%dma_start3A_360 : memref<16x512xf32, #tpu.memory_space<hbm>>) target_semaphore(%run_scoped3A : memref<!tpu.dma_semaphore, #tpu.memory_space<semaphore_mem>>)
        %dma_wait3A = arith.constant 0 : i32
        %dma_wait3A_361 = tpu.memref_slice %arg5[%add3A_357, %dma_wait3A] : memref<77000x512xf32, #tpu.memory_space<hbm>> -> memref<16x512xf32, #tpu.memory_space<hbm>>
        %dma_wait3A_362 = arith.constant 0 : i32
        %dma_wait3A_363 = tpu.memref_slice %arg5[%add3A_357, %dma_wait3A_362] : memref<77000x512xf32, #tpu.memory_space<hbm>> -> memref<16x512xf32, #tpu.memory_space<hbm>>
        tpu.wait_dma2 semaphore(%run_scoped3A : memref<!tpu.dma_semaphore, #tpu.memory_space<semaphore_mem>>) src(%arg6 : memref<16x512xf32, #tpu.memory_space<vmem>>) dst(%dma_wait3A_363 : memref<16x512xf32, #tpu.memory_space<hbm>>)
        tpu.yield
      }) : () -> ()
    } else {
    }
    %add3A_148 = arith.constant 13 : i32
    %add3A_149 = arith.addi %mul3A_2, %add3A_148 : i32
    %slice3A_150 = vector.extract_strided_slice %get3A_6 {offsets = [13], sizes = [1], strides = [1]} : vector<16xi32> to vector<1xi32>
    %squeeze3A_151 = vector.extract %slice3A_150[0] : i32 from vector<1xi32>
    %mul3A_152 = arith.constant 77 : i32
    %mul3A_153 = arith.muli %add3A_149, %mul3A_152 : i32
    %lt3A_154 = arith.constant 1000 : i32
    %lt3A_155 = arith.cmpi slt, %add3A_149, %lt3A_154 : i32
    %convert_element_type3A_156 = arith.extui %lt3A_155 : i1 to i32
    %cond3A_157 = arith.constant 0 : i32
    %cond3A_158 = arith.cmpi ne, %convert_element_type3A_156, %cond3A_157 : i32
    scf.if %cond3A_158 {
      "tpu.region"() ({
        %run_scoped3A = tpu.sem_alloc : memref<!tpu.dma_semaphore, #tpu.memory_space<semaphore_mem>>
        %dma_start3A = arith.constant 0 : i32
        %dma_start3A_358 = tpu.memref_slice %arg2[%mul3A_153, %dma_start3A] : memref<77000x512xf32, #tpu.memory_space<hbm>> -> memref<77x512xf32, #tpu.memory_space<hbm>>
        %dma_start3A_359 = arith.constant 0 : i32
        %dma_start3A_360 = tpu.memref_slice %arg2[%mul3A_153, %dma_start3A_359] : memref<77000x512xf32, #tpu.memory_space<hbm>> -> memref<77x512xf32, #tpu.memory_space<hbm>>
        tpu.enqueue_dma source(%dma_start3A_360 : memref<77x512xf32, #tpu.memory_space<hbm>>) target(%arg8 : memref<77x512xf32, #tpu.memory_space<vmem>>) target_semaphore(%run_scoped3A : memref<!tpu.dma_semaphore, #tpu.memory_space<semaphore_mem>>)
        %dma_wait3A = arith.constant 0 : i32
        %dma_wait3A_361 = tpu.memref_slice %arg2[%mul3A_153, %dma_wait3A] : memref<77000x512xf32, #tpu.memory_space<hbm>> -> memref<77x512xf32, #tpu.memory_space<hbm>>
        %dma_wait3A_362 = arith.constant 0 : i32
        %dma_wait3A_363 = tpu.memref_slice %arg2[%mul3A_153, %dma_wait3A_362] : memref<77000x512xf32, #tpu.memory_space<hbm>> -> memref<77x512xf32, #tpu.memory_space<hbm>>
        tpu.wait_dma2 semaphore(%run_scoped3A : memref<!tpu.dma_semaphore, #tpu.memory_space<semaphore_mem>>) src(%dma_wait3A_363 : memref<77x512xf32, #tpu.memory_space<hbm>>) dst(%arg8 : memref<77x512xf32, #tpu.memory_space<vmem>>)
        tpu.yield
      }) : () -> ()
      "tpu.region"() ({
        %run_scoped3A = tpu.sem_alloc : memref<!tpu.dma_semaphore, #tpu.memory_space<semaphore_mem>>
        %dma_start3A = arith.constant 0 : i32
        %dma_start3A_358 = tpu.memref_slice %arg5[%mul3A_153, %dma_start3A] : memref<77000x512xf32, #tpu.memory_space<hbm>> -> memref<77x512xf32, #tpu.memory_space<hbm>>
        %dma_start3A_359 = arith.constant 0 : i32
        %dma_start3A_360 = tpu.memref_slice %arg5[%mul3A_153, %dma_start3A_359] : memref<77000x512xf32, #tpu.memory_space<hbm>> -> memref<77x512xf32, #tpu.memory_space<hbm>>
        tpu.enqueue_dma source(%arg8 : memref<77x512xf32, #tpu.memory_space<vmem>>) target(%dma_start3A_360 : memref<77x512xf32, #tpu.memory_space<hbm>>) target_semaphore(%run_scoped3A : memref<!tpu.dma_semaphore, #tpu.memory_space<semaphore_mem>>)
        %dma_wait3A = arith.constant 0 : i32
        %dma_wait3A_361 = tpu.memref_slice %arg5[%mul3A_153, %dma_wait3A] : memref<77000x512xf32, #tpu.memory_space<hbm>> -> memref<77x512xf32, #tpu.memory_space<hbm>>
        %dma_wait3A_362 = arith.constant 0 : i32
        %dma_wait3A_363 = tpu.memref_slice %arg5[%mul3A_153, %dma_wait3A_362] : memref<77000x512xf32, #tpu.memory_space<hbm>> -> memref<77x512xf32, #tpu.memory_space<hbm>>
        tpu.wait_dma2 semaphore(%run_scoped3A : memref<!tpu.dma_semaphore, #tpu.memory_space<semaphore_mem>>) src(%arg8 : memref<77x512xf32, #tpu.memory_space<vmem>>) dst(%dma_wait3A_363 : memref<77x512xf32, #tpu.memory_space<hbm>>)
        tpu.yield
      }) : () -> ()
      %add3A_357 = arith.addi %mul3A_153, %squeeze3A_151 : i32
      "tpu.region"() ({
        %run_scoped3A = tpu.sem_alloc : memref<!tpu.dma_semaphore, #tpu.memory_space<semaphore_mem>>
        %dma_start3A = arith.constant 0 : i32
        %dma_start3A_358 = tpu.memref_slice %arg5[%add3A_357, %dma_start3A] : memref<77000x512xf32, #tpu.memory_space<hbm>> -> memref<16x512xf32, #tpu.memory_space<hbm>>
        %dma_start3A_359 = arith.constant 0 : i32
        %dma_start3A_360 = tpu.memref_slice %arg5[%add3A_357, %dma_start3A_359] : memref<77000x512xf32, #tpu.memory_space<hbm>> -> memref<16x512xf32, #tpu.memory_space<hbm>>
        tpu.enqueue_dma source(%arg6 : memref<16x512xf32, #tpu.memory_space<vmem>>) target(%dma_start3A_360 : memref<16x512xf32, #tpu.memory_space<hbm>>) target_semaphore(%run_scoped3A : memref<!tpu.dma_semaphore, #tpu.memory_space<semaphore_mem>>)
        %dma_wait3A = arith.constant 0 : i32
        %dma_wait3A_361 = tpu.memref_slice %arg5[%add3A_357, %dma_wait3A] : memref<77000x512xf32, #tpu.memory_space<hbm>> -> memref<16x512xf32, #tpu.memory_space<hbm>>
        %dma_wait3A_362 = arith.constant 0 : i32
        %dma_wait3A_363 = tpu.memref_slice %arg5[%add3A_357, %dma_wait3A_362] : memref<77000x512xf32, #tpu.memory_space<hbm>> -> memref<16x512xf32, #tpu.memory_space<hbm>>
        tpu.wait_dma2 semaphore(%run_scoped3A : memref<!tpu.dma_semaphore, #tpu.memory_space<semaphore_mem>>) src(%arg6 : memref<16x512xf32, #tpu.memory_space<vmem>>) dst(%dma_wait3A_363 : memref<16x512xf32, #tpu.memory_space<hbm>>)
        tpu.yield
      }) : () -> ()
    } else {
    }
    %add3A_159 = arith.constant 14 : i32
    %add3A_160 = arith.addi %mul3A_2, %add3A_159 : i32
    %slice3A_161 = vector.extract_strided_slice %get3A_6 {offsets = [14], sizes = [1], strides = [1]} : vector<16xi32> to vector<1xi32>
    %squeeze3A_162 = vector.extract %slice3A_161[0] : i32 from vector<1xi32>
    %mul3A_163 = arith.constant 77 : i32
    %mul3A_164 = arith.muli %add3A_160, %mul3A_163 : i32
    %lt3A_165 = arith.constant 1000 : i32
    %lt3A_166 = arith.cmpi slt, %add3A_160, %lt3A_165 : i32
    %convert_element_type3A_167 = arith.extui %lt3A_166 : i1 to i32
    %cond3A_168 = arith.constant 0 : i32
    %cond3A_169 = arith.cmpi ne, %convert_element_type3A_167, %cond3A_168 : i32
    scf.if %cond3A_169 {
      "tpu.region"() ({
        %run_scoped3A = tpu.sem_alloc : memref<!tpu.dma_semaphore, #tpu.memory_space<semaphore_mem>>
        %dma_start3A = arith.constant 0 : i32
        %dma_start3A_358 = tpu.memref_slice %arg2[%mul3A_164, %dma_start3A] : memref<77000x512xf32, #tpu.memory_space<hbm>> -> memref<77x512xf32, #tpu.memory_space<hbm>>
        %dma_start3A_359 = arith.constant 0 : i32
        %dma_start3A_360 = tpu.memref_slice %arg2[%mul3A_164, %dma_start3A_359] : memref<77000x512xf32, #tpu.memory_space<hbm>> -> memref<77x512xf32, #tpu.memory_space<hbm>>
        tpu.enqueue_dma source(%dma_start3A_360 : memref<77x512xf32, #tpu.memory_space<hbm>>) target(%arg8 : memref<77x512xf32, #tpu.memory_space<vmem>>) target_semaphore(%run_scoped3A : memref<!tpu.dma_semaphore, #tpu.memory_space<semaphore_mem>>)
        %dma_wait3A = arith.constant 0 : i32
        %dma_wait3A_361 = tpu.memref_slice %arg2[%mul3A_164, %dma_wait3A] : memref<77000x512xf32, #tpu.memory_space<hbm>> -> memref<77x512xf32, #tpu.memory_space<hbm>>
        %dma_wait3A_362 = arith.constant 0 : i32
        %dma_wait3A_363 = tpu.memref_slice %arg2[%mul3A_164, %dma_wait3A_362] : memref<77000x512xf32, #tpu.memory_space<hbm>> -> memref<77x512xf32, #tpu.memory_space<hbm>>
        tpu.wait_dma2 semaphore(%run_scoped3A : memref<!tpu.dma_semaphore, #tpu.memory_space<semaphore_mem>>) src(%dma_wait3A_363 : memref<77x512xf32, #tpu.memory_space<hbm>>) dst(%arg8 : memref<77x512xf32, #tpu.memory_space<vmem>>)
        tpu.yield
      }) : () -> ()
      "tpu.region"() ({
        %run_scoped3A = tpu.sem_alloc : memref<!tpu.dma_semaphore, #tpu.memory_space<semaphore_mem>>
        %dma_start3A = arith.constant 0 : i32
        %dma_start3A_358 = tpu.memref_slice %arg5[%mul3A_164, %dma_start3A] : memref<77000x512xf32, #tpu.memory_space<hbm>> -> memref<77x512xf32, #tpu.memory_space<hbm>>
        %dma_start3A_359 = arith.constant 0 : i32
        %dma_start3A_360 = tpu.memref_slice %arg5[%mul3A_164, %dma_start3A_359] : memref<77000x512xf32, #tpu.memory_space<hbm>> -> memref<77x512xf32, #tpu.memory_space<hbm>>
        tpu.enqueue_dma source(%arg8 : memref<77x512xf32, #tpu.memory_space<vmem>>) target(%dma_start3A_360 : memref<77x512xf32, #tpu.memory_space<hbm>>) target_semaphore(%run_scoped3A : memref<!tpu.dma_semaphore, #tpu.memory_space<semaphore_mem>>)
        %dma_wait3A = arith.constant 0 : i32
        %dma_wait3A_361 = tpu.memref_slice %arg5[%mul3A_164, %dma_wait3A] : memref<77000x512xf32, #tpu.memory_space<hbm>> -> memref<77x512xf32, #tpu.memory_space<hbm>>
        %dma_wait3A_362 = arith.constant 0 : i32
        %dma_wait3A_363 = tpu.memref_slice %arg5[%mul3A_164, %dma_wait3A_362] : memref<77000x512xf32, #tpu.memory_space<hbm>> -> memref<77x512xf32, #tpu.memory_space<hbm>>
        tpu.wait_dma2 semaphore(%run_scoped3A : memref<!tpu.dma_semaphore, #tpu.memory_space<semaphore_mem>>) src(%arg8 : memref<77x512xf32, #tpu.memory_space<vmem>>) dst(%dma_wait3A_363 : memref<77x512xf32, #tpu.memory_space<hbm>>)
        tpu.yield
      }) : () -> ()
      %add3A_357 = arith.addi %mul3A_164, %squeeze3A_162 : i32
      "tpu.region"() ({
        %run_scoped3A = tpu.sem_alloc : memref<!tpu.dma_semaphore, #tpu.memory_space<semaphore_mem>>
        %dma_start3A = arith.constant 0 : i32
        %dma_start3A_358 = tpu.memref_slice %arg5[%add3A_357, %dma_start3A] : memref<77000x512xf32, #tpu.memory_space<hbm>> -> memref<16x512xf32, #tpu.memory_space<hbm>>
        %dma_start3A_359 = arith.constant 0 : i32
        %dma_start3A_360 = tpu.memref_slice %arg5[%add3A_357, %dma_start3A_359] : memref<77000x512xf32, #tpu.memory_space<hbm>> -> memref<16x512xf32, #tpu.memory_space<hbm>>
        tpu.enqueue_dma source(%arg6 : memref<16x512xf32, #tpu.memory_space<vmem>>) target(%dma_start3A_360 : memref<16x512xf32, #tpu.memory_space<hbm>>) target_semaphore(%run_scoped3A : memref<!tpu.dma_semaphore, #tpu.memory_space<semaphore_mem>>)
        %dma_wait3A = arith.constant 0 : i32
        %dma_wait3A_361 = tpu.memref_slice %arg5[%add3A_357, %dma_wait3A] : memref<77000x512xf32, #tpu.memory_space<hbm>> -> memref<16x512xf32, #tpu.memory_space<hbm>>
        %dma_wait3A_362 = arith.constant 0 : i32
        %dma_wait3A_363 = tpu.memref_slice %arg5[%add3A_357, %dma_wait3A_362] : memref<77000x512xf32, #tpu.memory_space<hbm>> -> memref<16x512xf32, #tpu.memory_space<hbm>>
        tpu.wait_dma2 semaphore(%run_scoped3A : memref<!tpu.dma_semaphore, #tpu.memory_space<semaphore_mem>>) src(%arg6 : memref<16x512xf32, #tpu.memory_space<vmem>>) dst(%dma_wait3A_363 : memref<16x512xf32, #tpu.memory_space<hbm>>)
        tpu.yield
      }) : () -> ()
    } else {
    }
    %add3A_170 = arith.constant 15 : i32
    %add3A_171 = arith.addi %mul3A_2, %add3A_170 : i32
    %slice3A_172 = vector.extract_strided_slice %get3A_6 {offsets = [15], sizes = [1], strides = [1]} : vector<16xi32> to vector<1xi32>
    %squeeze3A_173 = vector.extract %slice3A_172[0] : i32 from vector<1xi32>
    %mul3A_174 = arith.constant 77 : i32
    %mul3A_175 = arith.muli %add3A_171, %mul3A_174 : i32
    %lt3A_176 = arith.constant 1000 : i32
    %lt3A_177 = arith.cmpi slt, %add3A_171, %lt3A_176 : i32
    %convert_element_type3A_178 = arith.extui %lt3A_177 : i1 to i32
    %cond3A_179 = arith.constant 0 : i32
    %cond3A_180 = arith.cmpi ne, %convert_element_type3A_178, %cond3A_179 : i32
    scf.if %cond3A_180 {
      "tpu.region"() ({
        %run_scoped3A = tpu.sem_alloc : memref<!tpu.dma_semaphore, #tpu.memory_space<semaphore_mem>>
        %dma_start3A = arith.constant 0 : i32
        %dma_start3A_358 = tpu.memref_slice %arg2[%mul3A_175, %dma_start3A] : memref<77000x512xf32, #tpu.memory_space<hbm>> -> memref<77x512xf32, #tpu.memory_space<hbm>>
        %dma_start3A_359 = arith.constant 0 : i32
        %dma_start3A_360 = tpu.memref_slice %arg2[%mul3A_175, %dma_start3A_359] : memref<77000x512xf32, #tpu.memory_space<hbm>> -> memref<77x512xf32, #tpu.memory_space<hbm>>
        tpu.enqueue_dma source(%dma_start3A_360 : memref<77x512xf32, #tpu.memory_space<hbm>>) target(%arg8 : memref<77x512xf32, #tpu.memory_space<vmem>>) target_semaphore(%run_scoped3A : memref<!tpu.dma_semaphore, #tpu.memory_space<semaphore_mem>>)
        %dma_wait3A = arith.constant 0 : i32
        %dma_wait3A_361 = tpu.memref_slice %arg2[%mul3A_175, %dma_wait3A] : memref<77000x512xf32, #tpu.memory_space<hbm>> -> memref<77x512xf32, #tpu.memory_space<hbm>>
        %dma_wait3A_362 = arith.constant 0 : i32
        %dma_wait3A_363 = tpu.memref_slice %arg2[%mul3A_175, %dma_wait3A_362] : memref<77000x512xf32, #tpu.memory_space<hbm>> -> memref<77x512xf32, #tpu.memory_space<hbm>>
        tpu.wait_dma2 semaphore(%run_scoped3A : memref<!tpu.dma_semaphore, #tpu.memory_space<semaphore_mem>>) src(%dma_wait3A_363 : memref<77x512xf32, #tpu.memory_space<hbm>>) dst(%arg8 : memref<77x512xf32, #tpu.memory_space<vmem>>)
        tpu.yield
      }) : () -> ()
      "tpu.region"() ({
        %run_scoped3A = tpu.sem_alloc : memref<!tpu.dma_semaphore, #tpu.memory_space<semaphore_mem>>
        %dma_start3A = arith.constant 0 : i32
        %dma_start3A_358 = tpu.memref_slice %arg5[%mul3A_175, %dma_start3A] : memref<77000x512xf32, #tpu.memory_space<hbm>> -> memref<77x512xf32, #tpu.memory_space<hbm>>
        %dma_start3A_359 = arith.constant 0 : i32
        %dma_start3A_360 = tpu.memref_slice %arg5[%mul3A_175, %dma_start3A_359] : memref<77000x512xf32, #tpu.memory_space<hbm>> -> memref<77x512xf32, #tpu.memory_space<hbm>>
        tpu.enqueue_dma source(%arg8 : memref<77x512xf32, #tpu.memory_space<vmem>>) target(%dma_start3A_360 : memref<77x512xf32, #tpu.memory_space<hbm>>) target_semaphore(%run_scoped3A : memref<!tpu.dma_semaphore, #tpu.memory_space<semaphore_mem>>)
        %dma_wait3A = arith.constant 0 : i32
        %dma_wait3A_361 = tpu.memref_slice %arg5[%mul3A_175, %dma_wait3A] : memref<77000x512xf32, #tpu.memory_space<hbm>> -> memref<77x512xf32, #tpu.memory_space<hbm>>
        %dma_wait3A_362 = arith.constant 0 : i32
        %dma_wait3A_363 = tpu.memref_slice %arg5[%mul3A_175, %dma_wait3A_362] : memref<77000x512xf32, #tpu.memory_space<hbm>> -> memref<77x512xf32, #tpu.memory_space<hbm>>
        tpu.wait_dma2 semaphore(%run_scoped3A : memref<!tpu.dma_semaphore, #tpu.memory_space<semaphore_mem>>) src(%arg8 : memref<77x512xf32, #tpu.memory_space<vmem>>) dst(%dma_wait3A_363 : memref<77x512xf32, #tpu.memory_space<hbm>>)
        tpu.yield
      }) : () -> ()
      %add3A_357 = arith.addi %mul3A_175, %squeeze3A_173 : i32
      "tpu.region"() ({
        %run_scoped3A = tpu.sem_alloc : memref<!tpu.dma_semaphore, #tpu.memory_space<semaphore_mem>>
        %dma_start3A = arith.constant 0 : i32
        %dma_start3A_358 = tpu.memref_slice %arg5[%add3A_357, %dma_start3A] : memref<77000x512xf32, #tpu.memory_space<hbm>> -> memref<16x512xf32, #tpu.memory_space<hbm>>
        %dma_start3A_359 = arith.constant 0 : i32
        %dma_start3A_360 = tpu.memref_slice %arg5[%add3A_357, %dma_start3A_359] : memref<77000x512xf32, #tpu.memory_space<hbm>> -> memref<16x512xf32, #tpu.memory_space<hbm>>
        tpu.enqueue_dma source(%arg6 : memref<16x512xf32, #tpu.memory_space<vmem>>) target(%dma_start3A_360 : memref<16x512xf32, #tpu.memory_space<hbm>>) target_semaphore(%run_scoped3A : memref<!tpu.dma_semaphore, #tpu.memory_space<semaphore_mem>>)
        %dma_wait3A = arith.constant 0 : i32
        %dma_wait3A_361 = tpu.memref_slice %arg5[%add3A_357, %dma_wait3A] : memref<77000x512xf32, #tpu.memory_space<hbm>> -> memref<16x512xf32, #tpu.memory_space<hbm>>
        %dma_wait3A_362 = arith.constant 0 : i32
        %dma_wait3A_363 = tpu.memref_slice %arg5[%add3A_357, %dma_wait3A_362] : memref<77000x512xf32, #tpu.memory_space<hbm>> -> memref<16x512xf32, #tpu.memory_space<hbm>>
        tpu.wait_dma2 semaphore(%run_scoped3A : memref<!tpu.dma_semaphore, #tpu.memory_space<semaphore_mem>>) src(%arg6 : memref<16x512xf32, #tpu.memory_space<vmem>>) dst(%dma_wait3A_363 : memref<16x512xf32, #tpu.memory_space<hbm>>)
        tpu.yield
      }) : () -> ()
    } else {
    }
    %add3A_181 = arith.constant 16 : i32
    %add3A_182 = arith.addi %mul3A_2, %add3A_181 : i32
    %slice3A_183 = vector.extract_strided_slice %get3A_9 {offsets = [0], sizes = [1], strides = [1]} : vector<16xi32> to vector<1xi32>
    %squeeze3A_184 = vector.extract %slice3A_183[0] : i32 from vector<1xi32>
    %mul3A_185 = arith.constant 77 : i32
    %mul3A_186 = arith.muli %add3A_182, %mul3A_185 : i32
    %lt3A_187 = arith.constant 1000 : i32
    %lt3A_188 = arith.cmpi slt, %add3A_182, %lt3A_187 : i32
    %convert_element_type3A_189 = arith.extui %lt3A_188 : i1 to i32
    %cond3A_190 = arith.constant 0 : i32
    %cond3A_191 = arith.cmpi ne, %convert_element_type3A_189, %cond3A_190 : i32
    scf.if %cond3A_191 {
      "tpu.region"() ({
        %run_scoped3A = tpu.sem_alloc : memref<!tpu.dma_semaphore, #tpu.memory_space<semaphore_mem>>
        %dma_start3A = arith.constant 0 : i32
        %dma_start3A_358 = tpu.memref_slice %arg2[%mul3A_186, %dma_start3A] : memref<77000x512xf32, #tpu.memory_space<hbm>> -> memref<77x512xf32, #tpu.memory_space<hbm>>
        %dma_start3A_359 = arith.constant 0 : i32
        %dma_start3A_360 = tpu.memref_slice %arg2[%mul3A_186, %dma_start3A_359] : memref<77000x512xf32, #tpu.memory_space<hbm>> -> memref<77x512xf32, #tpu.memory_space<hbm>>
        tpu.enqueue_dma source(%dma_start3A_360 : memref<77x512xf32, #tpu.memory_space<hbm>>) target(%arg8 : memref<77x512xf32, #tpu.memory_space<vmem>>) target_semaphore(%run_scoped3A : memref<!tpu.dma_semaphore, #tpu.memory_space<semaphore_mem>>)
        %dma_wait3A = arith.constant 0 : i32
        %dma_wait3A_361 = tpu.memref_slice %arg2[%mul3A_186, %dma_wait3A] : memref<77000x512xf32, #tpu.memory_space<hbm>> -> memref<77x512xf32, #tpu.memory_space<hbm>>
        %dma_wait3A_362 = arith.constant 0 : i32
        %dma_wait3A_363 = tpu.memref_slice %arg2[%mul3A_186, %dma_wait3A_362] : memref<77000x512xf32, #tpu.memory_space<hbm>> -> memref<77x512xf32, #tpu.memory_space<hbm>>
        tpu.wait_dma2 semaphore(%run_scoped3A : memref<!tpu.dma_semaphore, #tpu.memory_space<semaphore_mem>>) src(%dma_wait3A_363 : memref<77x512xf32, #tpu.memory_space<hbm>>) dst(%arg8 : memref<77x512xf32, #tpu.memory_space<vmem>>)
        tpu.yield
      }) : () -> ()
      "tpu.region"() ({
        %run_scoped3A = tpu.sem_alloc : memref<!tpu.dma_semaphore, #tpu.memory_space<semaphore_mem>>
        %dma_start3A = arith.constant 0 : i32
        %dma_start3A_358 = tpu.memref_slice %arg5[%mul3A_186, %dma_start3A] : memref<77000x512xf32, #tpu.memory_space<hbm>> -> memref<77x512xf32, #tpu.memory_space<hbm>>
        %dma_start3A_359 = arith.constant 0 : i32
        %dma_start3A_360 = tpu.memref_slice %arg5[%mul3A_186, %dma_start3A_359] : memref<77000x512xf32, #tpu.memory_space<hbm>> -> memref<77x512xf32, #tpu.memory_space<hbm>>
        tpu.enqueue_dma source(%arg8 : memref<77x512xf32, #tpu.memory_space<vmem>>) target(%dma_start3A_360 : memref<77x512xf32, #tpu.memory_space<hbm>>) target_semaphore(%run_scoped3A : memref<!tpu.dma_semaphore, #tpu.memory_space<semaphore_mem>>)
        %dma_wait3A = arith.constant 0 : i32
        %dma_wait3A_361 = tpu.memref_slice %arg5[%mul3A_186, %dma_wait3A] : memref<77000x512xf32, #tpu.memory_space<hbm>> -> memref<77x512xf32, #tpu.memory_space<hbm>>
        %dma_wait3A_362 = arith.constant 0 : i32
        %dma_wait3A_363 = tpu.memref_slice %arg5[%mul3A_186, %dma_wait3A_362] : memref<77000x512xf32, #tpu.memory_space<hbm>> -> memref<77x512xf32, #tpu.memory_space<hbm>>
        tpu.wait_dma2 semaphore(%run_scoped3A : memref<!tpu.dma_semaphore, #tpu.memory_space<semaphore_mem>>) src(%arg8 : memref<77x512xf32, #tpu.memory_space<vmem>>) dst(%dma_wait3A_363 : memref<77x512xf32, #tpu.memory_space<hbm>>)
        tpu.yield
      }) : () -> ()
      %add3A_357 = arith.addi %mul3A_186, %squeeze3A_184 : i32
      "tpu.region"() ({
        %run_scoped3A = tpu.sem_alloc : memref<!tpu.dma_semaphore, #tpu.memory_space<semaphore_mem>>
        %dma_start3A = arith.constant 0 : i32
        %dma_start3A_358 = tpu.memref_slice %arg5[%add3A_357, %dma_start3A] : memref<77000x512xf32, #tpu.memory_space<hbm>> -> memref<16x512xf32, #tpu.memory_space<hbm>>
        %dma_start3A_359 = arith.constant 0 : i32
        %dma_start3A_360 = tpu.memref_slice %arg5[%add3A_357, %dma_start3A_359] : memref<77000x512xf32, #tpu.memory_space<hbm>> -> memref<16x512xf32, #tpu.memory_space<hbm>>
        tpu.enqueue_dma source(%arg6 : memref<16x512xf32, #tpu.memory_space<vmem>>) target(%dma_start3A_360 : memref<16x512xf32, #tpu.memory_space<hbm>>) target_semaphore(%run_scoped3A : memref<!tpu.dma_semaphore, #tpu.memory_space<semaphore_mem>>)
        %dma_wait3A = arith.constant 0 : i32
        %dma_wait3A_361 = tpu.memref_slice %arg5[%add3A_357, %dma_wait3A] : memref<77000x512xf32, #tpu.memory_space<hbm>> -> memref<16x512xf32, #tpu.memory_space<hbm>>
        %dma_wait3A_362 = arith.constant 0 : i32
        %dma_wait3A_363 = tpu.memref_slice %arg5[%add3A_357, %dma_wait3A_362] : memref<77000x512xf32, #tpu.memory_space<hbm>> -> memref<16x512xf32, #tpu.memory_space<hbm>>
        tpu.wait_dma2 semaphore(%run_scoped3A : memref<!tpu.dma_semaphore, #tpu.memory_space<semaphore_mem>>) src(%arg6 : memref<16x512xf32, #tpu.memory_space<vmem>>) dst(%dma_wait3A_363 : memref<16x512xf32, #tpu.memory_space<hbm>>)
        tpu.yield
      }) : () -> ()
    } else {
    }
    %add3A_192 = arith.constant 17 : i32
    %add3A_193 = arith.addi %mul3A_2, %add3A_192 : i32
    %slice3A_194 = vector.extract_strided_slice %get3A_9 {offsets = [1], sizes = [1], strides = [1]} : vector<16xi32> to vector<1xi32>
    %squeeze3A_195 = vector.extract %slice3A_194[0] : i32 from vector<1xi32>
    %mul3A_196 = arith.constant 77 : i32
    %mul3A_197 = arith.muli %add3A_193, %mul3A_196 : i32
    %lt3A_198 = arith.constant 1000 : i32
    %lt3A_199 = arith.cmpi slt, %add3A_193, %lt3A_198 : i32
    %convert_element_type3A_200 = arith.extui %lt3A_199 : i1 to i32
    %cond3A_201 = arith.constant 0 : i32
    %cond3A_202 = arith.cmpi ne, %convert_element_type3A_200, %cond3A_201 : i32
    scf.if %cond3A_202 {
      "tpu.region"() ({
        %run_scoped3A = tpu.sem_alloc : memref<!tpu.dma_semaphore, #tpu.memory_space<semaphore_mem>>
        %dma_start3A = arith.constant 0 : i32
        %dma_start3A_358 = tpu.memref_slice %arg2[%mul3A_197, %dma_start3A] : memref<77000x512xf32, #tpu.memory_space<hbm>> -> memref<77x512xf32, #tpu.memory_space<hbm>>
        %dma_start3A_359 = arith.constant 0 : i32
        %dma_start3A_360 = tpu.memref_slice %arg2[%mul3A_197, %dma_start3A_359] : memref<77000x512xf32, #tpu.memory_space<hbm>> -> memref<77x512xf32, #tpu.memory_space<hbm>>
        tpu.enqueue_dma source(%dma_start3A_360 : memref<77x512xf32, #tpu.memory_space<hbm>>) target(%arg8 : memref<77x512xf32, #tpu.memory_space<vmem>>) target_semaphore(%run_scoped3A : memref<!tpu.dma_semaphore, #tpu.memory_space<semaphore_mem>>)
        %dma_wait3A = arith.constant 0 : i32
        %dma_wait3A_361 = tpu.memref_slice %arg2[%mul3A_197, %dma_wait3A] : memref<77000x512xf32, #tpu.memory_space<hbm>> -> memref<77x512xf32, #tpu.memory_space<hbm>>
        %dma_wait3A_362 = arith.constant 0 : i32
        %dma_wait3A_363 = tpu.memref_slice %arg2[%mul3A_197, %dma_wait3A_362] : memref<77000x512xf32, #tpu.memory_space<hbm>> -> memref<77x512xf32, #tpu.memory_space<hbm>>
        tpu.wait_dma2 semaphore(%run_scoped3A : memref<!tpu.dma_semaphore, #tpu.memory_space<semaphore_mem>>) src(%dma_wait3A_363 : memref<77x512xf32, #tpu.memory_space<hbm>>) dst(%arg8 : memref<77x512xf32, #tpu.memory_space<vmem>>)
        tpu.yield
      }) : () -> ()
      "tpu.region"() ({
        %run_scoped3A = tpu.sem_alloc : memref<!tpu.dma_semaphore, #tpu.memory_space<semaphore_mem>>
        %dma_start3A = arith.constant 0 : i32
        %dma_start3A_358 = tpu.memref_slice %arg5[%mul3A_197, %dma_start3A] : memref<77000x512xf32, #tpu.memory_space<hbm>> -> memref<77x512xf32, #tpu.memory_space<hbm>>
        %dma_start3A_359 = arith.constant 0 : i32
        %dma_start3A_360 = tpu.memref_slice %arg5[%mul3A_197, %dma_start3A_359] : memref<77000x512xf32, #tpu.memory_space<hbm>> -> memref<77x512xf32, #tpu.memory_space<hbm>>
        tpu.enqueue_dma source(%arg8 : memref<77x512xf32, #tpu.memory_space<vmem>>) target(%dma_start3A_360 : memref<77x512xf32, #tpu.memory_space<hbm>>) target_semaphore(%run_scoped3A : memref<!tpu.dma_semaphore, #tpu.memory_space<semaphore_mem>>)
        %dma_wait3A = arith.constant 0 : i32
        %dma_wait3A_361 = tpu.memref_slice %arg5[%mul3A_197, %dma_wait3A] : memref<77000x512xf32, #tpu.memory_space<hbm>> -> memref<77x512xf32, #tpu.memory_space<hbm>>
        %dma_wait3A_362 = arith.constant 0 : i32
        %dma_wait3A_363 = tpu.memref_slice %arg5[%mul3A_197, %dma_wait3A_362] : memref<77000x512xf32, #tpu.memory_space<hbm>> -> memref<77x512xf32, #tpu.memory_space<hbm>>
        tpu.wait_dma2 semaphore(%run_scoped3A : memref<!tpu.dma_semaphore, #tpu.memory_space<semaphore_mem>>) src(%arg8 : memref<77x512xf32, #tpu.memory_space<vmem>>) dst(%dma_wait3A_363 : memref<77x512xf32, #tpu.memory_space<hbm>>)
        tpu.yield
      }) : () -> ()
      %add3A_357 = arith.addi %mul3A_197, %squeeze3A_195 : i32
      "tpu.region"() ({
        %run_scoped3A = tpu.sem_alloc : memref<!tpu.dma_semaphore, #tpu.memory_space<semaphore_mem>>
        %dma_start3A = arith.constant 0 : i32
        %dma_start3A_358 = tpu.memref_slice %arg5[%add3A_357, %dma_start3A] : memref<77000x512xf32, #tpu.memory_space<hbm>> -> memref<16x512xf32, #tpu.memory_space<hbm>>
        %dma_start3A_359 = arith.constant 0 : i32
        %dma_start3A_360 = tpu.memref_slice %arg5[%add3A_357, %dma_start3A_359] : memref<77000x512xf32, #tpu.memory_space<hbm>> -> memref<16x512xf32, #tpu.memory_space<hbm>>
        tpu.enqueue_dma source(%arg6 : memref<16x512xf32, #tpu.memory_space<vmem>>) target(%dma_start3A_360 : memref<16x512xf32, #tpu.memory_space<hbm>>) target_semaphore(%run_scoped3A : memref<!tpu.dma_semaphore, #tpu.memory_space<semaphore_mem>>)
        %dma_wait3A = arith.constant 0 : i32
        %dma_wait3A_361 = tpu.memref_slice %arg5[%add3A_357, %dma_wait3A] : memref<77000x512xf32, #tpu.memory_space<hbm>> -> memref<16x512xf32, #tpu.memory_space<hbm>>
        %dma_wait3A_362 = arith.constant 0 : i32
        %dma_wait3A_363 = tpu.memref_slice %arg5[%add3A_357, %dma_wait3A_362] : memref<77000x512xf32, #tpu.memory_space<hbm>> -> memref<16x512xf32, #tpu.memory_space<hbm>>
        tpu.wait_dma2 semaphore(%run_scoped3A : memref<!tpu.dma_semaphore, #tpu.memory_space<semaphore_mem>>) src(%arg6 : memref<16x512xf32, #tpu.memory_space<vmem>>) dst(%dma_wait3A_363 : memref<16x512xf32, #tpu.memory_space<hbm>>)
        tpu.yield
      }) : () -> ()
    } else {
    }
    %add3A_203 = arith.constant 18 : i32
    %add3A_204 = arith.addi %mul3A_2, %add3A_203 : i32
    %slice3A_205 = vector.extract_strided_slice %get3A_9 {offsets = [2], sizes = [1], strides = [1]} : vector<16xi32> to vector<1xi32>
    %squeeze3A_206 = vector.extract %slice3A_205[0] : i32 from vector<1xi32>
    %mul3A_207 = arith.constant 77 : i32
    %mul3A_208 = arith.muli %add3A_204, %mul3A_207 : i32
    %lt3A_209 = arith.constant 1000 : i32
    %lt3A_210 = arith.cmpi slt, %add3A_204, %lt3A_209 : i32
    %convert_element_type3A_211 = arith.extui %lt3A_210 : i1 to i32
    %cond3A_212 = arith.constant 0 : i32
    %cond3A_213 = arith.cmpi ne, %convert_element_type3A_211, %cond3A_212 : i32
    scf.if %cond3A_213 {
      "tpu.region"() ({
        %run_scoped3A = tpu.sem_alloc : memref<!tpu.dma_semaphore, #tpu.memory_space<semaphore_mem>>
        %dma_start3A = arith.constant 0 : i32
        %dma_start3A_358 = tpu.memref_slice %arg2[%mul3A_208, %dma_start3A] : memref<77000x512xf32, #tpu.memory_space<hbm>> -> memref<77x512xf32, #tpu.memory_space<hbm>>
        %dma_start3A_359 = arith.constant 0 : i32
        %dma_start3A_360 = tpu.memref_slice %arg2[%mul3A_208, %dma_start3A_359] : memref<77000x512xf32, #tpu.memory_space<hbm>> -> memref<77x512xf32, #tpu.memory_space<hbm>>
        tpu.enqueue_dma source(%dma_start3A_360 : memref<77x512xf32, #tpu.memory_space<hbm>>) target(%arg8 : memref<77x512xf32, #tpu.memory_space<vmem>>) target_semaphore(%run_scoped3A : memref<!tpu.dma_semaphore, #tpu.memory_space<semaphore_mem>>)
        %dma_wait3A = arith.constant 0 : i32
        %dma_wait3A_361 = tpu.memref_slice %arg2[%mul3A_208, %dma_wait3A] : memref<77000x512xf32, #tpu.memory_space<hbm>> -> memref<77x512xf32, #tpu.memory_space<hbm>>
        %dma_wait3A_362 = arith.constant 0 : i32
        %dma_wait3A_363 = tpu.memref_slice %arg2[%mul3A_208, %dma_wait3A_362] : memref<77000x512xf32, #tpu.memory_space<hbm>> -> memref<77x512xf32, #tpu.memory_space<hbm>>
        tpu.wait_dma2 semaphore(%run_scoped3A : memref<!tpu.dma_semaphore, #tpu.memory_space<semaphore_mem>>) src(%dma_wait3A_363 : memref<77x512xf32, #tpu.memory_space<hbm>>) dst(%arg8 : memref<77x512xf32, #tpu.memory_space<vmem>>)
        tpu.yield
      }) : () -> ()
      "tpu.region"() ({
        %run_scoped3A = tpu.sem_alloc : memref<!tpu.dma_semaphore, #tpu.memory_space<semaphore_mem>>
        %dma_start3A = arith.constant 0 : i32
        %dma_start3A_358 = tpu.memref_slice %arg5[%mul3A_208, %dma_start3A] : memref<77000x512xf32, #tpu.memory_space<hbm>> -> memref<77x512xf32, #tpu.memory_space<hbm>>
        %dma_start3A_359 = arith.constant 0 : i32
        %dma_start3A_360 = tpu.memref_slice %arg5[%mul3A_208, %dma_start3A_359] : memref<77000x512xf32, #tpu.memory_space<hbm>> -> memref<77x512xf32, #tpu.memory_space<hbm>>
        tpu.enqueue_dma source(%arg8 : memref<77x512xf32, #tpu.memory_space<vmem>>) target(%dma_start3A_360 : memref<77x512xf32, #tpu.memory_space<hbm>>) target_semaphore(%run_scoped3A : memref<!tpu.dma_semaphore, #tpu.memory_space<semaphore_mem>>)
        %dma_wait3A = arith.constant 0 : i32
        %dma_wait3A_361 = tpu.memref_slice %arg5[%mul3A_208, %dma_wait3A] : memref<77000x512xf32, #tpu.memory_space<hbm>> -> memref<77x512xf32, #tpu.memory_space<hbm>>
        %dma_wait3A_362 = arith.constant 0 : i32
        %dma_wait3A_363 = tpu.memref_slice %arg5[%mul3A_208, %dma_wait3A_362] : memref<77000x512xf32, #tpu.memory_space<hbm>> -> memref<77x512xf32, #tpu.memory_space<hbm>>
        tpu.wait_dma2 semaphore(%run_scoped3A : memref<!tpu.dma_semaphore, #tpu.memory_space<semaphore_mem>>) src(%arg8 : memref<77x512xf32, #tpu.memory_space<vmem>>) dst(%dma_wait3A_363 : memref<77x512xf32, #tpu.memory_space<hbm>>)
        tpu.yield
      }) : () -> ()
      %add3A_357 = arith.addi %mul3A_208, %squeeze3A_206 : i32
      "tpu.region"() ({
        %run_scoped3A = tpu.sem_alloc : memref<!tpu.dma_semaphore, #tpu.memory_space<semaphore_mem>>
        %dma_start3A = arith.constant 0 : i32
        %dma_start3A_358 = tpu.memref_slice %arg5[%add3A_357, %dma_start3A] : memref<77000x512xf32, #tpu.memory_space<hbm>> -> memref<16x512xf32, #tpu.memory_space<hbm>>
        %dma_start3A_359 = arith.constant 0 : i32
        %dma_start3A_360 = tpu.memref_slice %arg5[%add3A_357, %dma_start3A_359] : memref<77000x512xf32, #tpu.memory_space<hbm>> -> memref<16x512xf32, #tpu.memory_space<hbm>>
        tpu.enqueue_dma source(%arg6 : memref<16x512xf32, #tpu.memory_space<vmem>>) target(%dma_start3A_360 : memref<16x512xf32, #tpu.memory_space<hbm>>) target_semaphore(%run_scoped3A : memref<!tpu.dma_semaphore, #tpu.memory_space<semaphore_mem>>)
        %dma_wait3A = arith.constant 0 : i32
        %dma_wait3A_361 = tpu.memref_slice %arg5[%add3A_357, %dma_wait3A] : memref<77000x512xf32, #tpu.memory_space<hbm>> -> memref<16x512xf32, #tpu.memory_space<hbm>>
        %dma_wait3A_362 = arith.constant 0 : i32
        %dma_wait3A_363 = tpu.memref_slice %arg5[%add3A_357, %dma_wait3A_362] : memref<77000x512xf32, #tpu.memory_space<hbm>> -> memref<16x512xf32, #tpu.memory_space<hbm>>
        tpu.wait_dma2 semaphore(%run_scoped3A : memref<!tpu.dma_semaphore, #tpu.memory_space<semaphore_mem>>) src(%arg6 : memref<16x512xf32, #tpu.memory_space<vmem>>) dst(%dma_wait3A_363 : memref<16x512xf32, #tpu.memory_space<hbm>>)
        tpu.yield
      }) : () -> ()
    } else {
    }
    %add3A_214 = arith.constant 19 : i32
    %add3A_215 = arith.addi %mul3A_2, %add3A_214 : i32
    %slice3A_216 = vector.extract_strided_slice %get3A_9 {offsets = [3], sizes = [1], strides = [1]} : vector<16xi32> to vector<1xi32>
    %squeeze3A_217 = vector.extract %slice3A_216[0] : i32 from vector<1xi32>
    %mul3A_218 = arith.constant 77 : i32
    %mul3A_219 = arith.muli %add3A_215, %mul3A_218 : i32
    %lt3A_220 = arith.constant 1000 : i32
    %lt3A_221 = arith.cmpi slt, %add3A_215, %lt3A_220 : i32
    %convert_element_type3A_222 = arith.extui %lt3A_221 : i1 to i32
    %cond3A_223 = arith.constant 0 : i32
    %cond3A_224 = arith.cmpi ne, %convert_element_type3A_222, %cond3A_223 : i32
    scf.if %cond3A_224 {
      "tpu.region"() ({
        %run_scoped3A = tpu.sem_alloc : memref<!tpu.dma_semaphore, #tpu.memory_space<semaphore_mem>>
        %dma_start3A = arith.constant 0 : i32
        %dma_start3A_358 = tpu.memref_slice %arg2[%mul3A_219, %dma_start3A] : memref<77000x512xf32, #tpu.memory_space<hbm>> -> memref<77x512xf32, #tpu.memory_space<hbm>>
        %dma_start3A_359 = arith.constant 0 : i32
        %dma_start3A_360 = tpu.memref_slice %arg2[%mul3A_219, %dma_start3A_359] : memref<77000x512xf32, #tpu.memory_space<hbm>> -> memref<77x512xf32, #tpu.memory_space<hbm>>
        tpu.enqueue_dma source(%dma_start3A_360 : memref<77x512xf32, #tpu.memory_space<hbm>>) target(%arg8 : memref<77x512xf32, #tpu.memory_space<vmem>>) target_semaphore(%run_scoped3A : memref<!tpu.dma_semaphore, #tpu.memory_space<semaphore_mem>>)
        %dma_wait3A = arith.constant 0 : i32
        %dma_wait3A_361 = tpu.memref_slice %arg2[%mul3A_219, %dma_wait3A] : memref<77000x512xf32, #tpu.memory_space<hbm>> -> memref<77x512xf32, #tpu.memory_space<hbm>>
        %dma_wait3A_362 = arith.constant 0 : i32
        %dma_wait3A_363 = tpu.memref_slice %arg2[%mul3A_219, %dma_wait3A_362] : memref<77000x512xf32, #tpu.memory_space<hbm>> -> memref<77x512xf32, #tpu.memory_space<hbm>>
        tpu.wait_dma2 semaphore(%run_scoped3A : memref<!tpu.dma_semaphore, #tpu.memory_space<semaphore_mem>>) src(%dma_wait3A_363 : memref<77x512xf32, #tpu.memory_space<hbm>>) dst(%arg8 : memref<77x512xf32, #tpu.memory_space<vmem>>)
        tpu.yield
      }) : () -> ()
      "tpu.region"() ({
        %run_scoped3A = tpu.sem_alloc : memref<!tpu.dma_semaphore, #tpu.memory_space<semaphore_mem>>
        %dma_start3A = arith.constant 0 : i32
        %dma_start3A_358 = tpu.memref_slice %arg5[%mul3A_219, %dma_start3A] : memref<77000x512xf32, #tpu.memory_space<hbm>> -> memref<77x512xf32, #tpu.memory_space<hbm>>
        %dma_start3A_359 = arith.constant 0 : i32
        %dma_start3A_360 = tpu.memref_slice %arg5[%mul3A_219, %dma_start3A_359] : memref<77000x512xf32, #tpu.memory_space<hbm>> -> memref<77x512xf32, #tpu.memory_space<hbm>>
        tpu.enqueue_dma source(%arg8 : memref<77x512xf32, #tpu.memory_space<vmem>>) target(%dma_start3A_360 : memref<77x512xf32, #tpu.memory_space<hbm>>) target_semaphore(%run_scoped3A : memref<!tpu.dma_semaphore, #tpu.memory_space<semaphore_mem>>)
        %dma_wait3A = arith.constant 0 : i32
        %dma_wait3A_361 = tpu.memref_slice %arg5[%mul3A_219, %dma_wait3A] : memref<77000x512xf32, #tpu.memory_space<hbm>> -> memref<77x512xf32, #tpu.memory_space<hbm>>
        %dma_wait3A_362 = arith.constant 0 : i32
        %dma_wait3A_363 = tpu.memref_slice %arg5[%mul3A_219, %dma_wait3A_362] : memref<77000x512xf32, #tpu.memory_space<hbm>> -> memref<77x512xf32, #tpu.memory_space<hbm>>
        tpu.wait_dma2 semaphore(%run_scoped3A : memref<!tpu.dma_semaphore, #tpu.memory_space<semaphore_mem>>) src(%arg8 : memref<77x512xf32, #tpu.memory_space<vmem>>) dst(%dma_wait3A_363 : memref<77x512xf32, #tpu.memory_space<hbm>>)
        tpu.yield
      }) : () -> ()
      %add3A_357 = arith.addi %mul3A_219, %squeeze3A_217 : i32
      "tpu.region"() ({
        %run_scoped3A = tpu.sem_alloc : memref<!tpu.dma_semaphore, #tpu.memory_space<semaphore_mem>>
        %dma_start3A = arith.constant 0 : i32
        %dma_start3A_358 = tpu.memref_slice %arg5[%add3A_357, %dma_start3A] : memref<77000x512xf32, #tpu.memory_space<hbm>> -> memref<16x512xf32, #tpu.memory_space<hbm>>
        %dma_start3A_359 = arith.constant 0 : i32
        %dma_start3A_360 = tpu.memref_slice %arg5[%add3A_357, %dma_start3A_359] : memref<77000x512xf32, #tpu.memory_space<hbm>> -> memref<16x512xf32, #tpu.memory_space<hbm>>
        tpu.enqueue_dma source(%arg6 : memref<16x512xf32, #tpu.memory_space<vmem>>) target(%dma_start3A_360 : memref<16x512xf32, #tpu.memory_space<hbm>>) target_semaphore(%run_scoped3A : memref<!tpu.dma_semaphore, #tpu.memory_space<semaphore_mem>>)
        %dma_wait3A = arith.constant 0 : i32
        %dma_wait3A_361 = tpu.memref_slice %arg5[%add3A_357, %dma_wait3A] : memref<77000x512xf32, #tpu.memory_space<hbm>> -> memref<16x512xf32, #tpu.memory_space<hbm>>
        %dma_wait3A_362 = arith.constant 0 : i32
        %dma_wait3A_363 = tpu.memref_slice %arg5[%add3A_357, %dma_wait3A_362] : memref<77000x512xf32, #tpu.memory_space<hbm>> -> memref<16x512xf32, #tpu.memory_space<hbm>>
        tpu.wait_dma2 semaphore(%run_scoped3A : memref<!tpu.dma_semaphore, #tpu.memory_space<semaphore_mem>>) src(%arg6 : memref<16x512xf32, #tpu.memory_space<vmem>>) dst(%dma_wait3A_363 : memref<16x512xf32, #tpu.memory_space<hbm>>)
        tpu.yield
      }) : () -> ()
    } else {
    }
    %add3A_225 = arith.constant 20 : i32
    %add3A_226 = arith.addi %mul3A_2, %add3A_225 : i32
    %slice3A_227 = vector.extract_strided_slice %get3A_9 {offsets = [4], sizes = [1], strides = [1]} : vector<16xi32> to vector<1xi32>
    %squeeze3A_228 = vector.extract %slice3A_227[0] : i32 from vector<1xi32>
    %mul3A_229 = arith.constant 77 : i32
    %mul3A_230 = arith.muli %add3A_226, %mul3A_229 : i32
    %lt3A_231 = arith.constant 1000 : i32
    %lt3A_232 = arith.cmpi slt, %add3A_226, %lt3A_231 : i32
    %convert_element_type3A_233 = arith.extui %lt3A_232 : i1 to i32
    %cond3A_234 = arith.constant 0 : i32
    %cond3A_235 = arith.cmpi ne, %convert_element_type3A_233, %cond3A_234 : i32
    scf.if %cond3A_235 {
      "tpu.region"() ({
        %run_scoped3A = tpu.sem_alloc : memref<!tpu.dma_semaphore, #tpu.memory_space<semaphore_mem>>
        %dma_start3A = arith.constant 0 : i32
        %dma_start3A_358 = tpu.memref_slice %arg2[%mul3A_230, %dma_start3A] : memref<77000x512xf32, #tpu.memory_space<hbm>> -> memref<77x512xf32, #tpu.memory_space<hbm>>
        %dma_start3A_359 = arith.constant 0 : i32
        %dma_start3A_360 = tpu.memref_slice %arg2[%mul3A_230, %dma_start3A_359] : memref<77000x512xf32, #tpu.memory_space<hbm>> -> memref<77x512xf32, #tpu.memory_space<hbm>>
        tpu.enqueue_dma source(%dma_start3A_360 : memref<77x512xf32, #tpu.memory_space<hbm>>) target(%arg8 : memref<77x512xf32, #tpu.memory_space<vmem>>) target_semaphore(%run_scoped3A : memref<!tpu.dma_semaphore, #tpu.memory_space<semaphore_mem>>)
        %dma_wait3A = arith.constant 0 : i32
        %dma_wait3A_361 = tpu.memref_slice %arg2[%mul3A_230, %dma_wait3A] : memref<77000x512xf32, #tpu.memory_space<hbm>> -> memref<77x512xf32, #tpu.memory_space<hbm>>
        %dma_wait3A_362 = arith.constant 0 : i32
        %dma_wait3A_363 = tpu.memref_slice %arg2[%mul3A_230, %dma_wait3A_362] : memref<77000x512xf32, #tpu.memory_space<hbm>> -> memref<77x512xf32, #tpu.memory_space<hbm>>
        tpu.wait_dma2 semaphore(%run_scoped3A : memref<!tpu.dma_semaphore, #tpu.memory_space<semaphore_mem>>) src(%dma_wait3A_363 : memref<77x512xf32, #tpu.memory_space<hbm>>) dst(%arg8 : memref<77x512xf32, #tpu.memory_space<vmem>>)
        tpu.yield
      }) : () -> ()
      "tpu.region"() ({
        %run_scoped3A = tpu.sem_alloc : memref<!tpu.dma_semaphore, #tpu.memory_space<semaphore_mem>>
        %dma_start3A = arith.constant 0 : i32
        %dma_start3A_358 = tpu.memref_slice %arg5[%mul3A_230, %dma_start3A] : memref<77000x512xf32, #tpu.memory_space<hbm>> -> memref<77x512xf32, #tpu.memory_space<hbm>>
        %dma_start3A_359 = arith.constant 0 : i32
        %dma_start3A_360 = tpu.memref_slice %arg5[%mul3A_230, %dma_start3A_359] : memref<77000x512xf32, #tpu.memory_space<hbm>> -> memref<77x512xf32, #tpu.memory_space<hbm>>
        tpu.enqueue_dma source(%arg8 : memref<77x512xf32, #tpu.memory_space<vmem>>) target(%dma_start3A_360 : memref<77x512xf32, #tpu.memory_space<hbm>>) target_semaphore(%run_scoped3A : memref<!tpu.dma_semaphore, #tpu.memory_space<semaphore_mem>>)
        %dma_wait3A = arith.constant 0 : i32
        %dma_wait3A_361 = tpu.memref_slice %arg5[%mul3A_230, %dma_wait3A] : memref<77000x512xf32, #tpu.memory_space<hbm>> -> memref<77x512xf32, #tpu.memory_space<hbm>>
        %dma_wait3A_362 = arith.constant 0 : i32
        %dma_wait3A_363 = tpu.memref_slice %arg5[%mul3A_230, %dma_wait3A_362] : memref<77000x512xf32, #tpu.memory_space<hbm>> -> memref<77x512xf32, #tpu.memory_space<hbm>>
        tpu.wait_dma2 semaphore(%run_scoped3A : memref<!tpu.dma_semaphore, #tpu.memory_space<semaphore_mem>>) src(%arg8 : memref<77x512xf32, #tpu.memory_space<vmem>>) dst(%dma_wait3A_363 : memref<77x512xf32, #tpu.memory_space<hbm>>)
        tpu.yield
      }) : () -> ()
      %add3A_357 = arith.addi %mul3A_230, %squeeze3A_228 : i32
      "tpu.region"() ({
        %run_scoped3A = tpu.sem_alloc : memref<!tpu.dma_semaphore, #tpu.memory_space<semaphore_mem>>
        %dma_start3A = arith.constant 0 : i32
        %dma_start3A_358 = tpu.memref_slice %arg5[%add3A_357, %dma_start3A] : memref<77000x512xf32, #tpu.memory_space<hbm>> -> memref<16x512xf32, #tpu.memory_space<hbm>>
        %dma_start3A_359 = arith.constant 0 : i32
        %dma_start3A_360 = tpu.memref_slice %arg5[%add3A_357, %dma_start3A_359] : memref<77000x512xf32, #tpu.memory_space<hbm>> -> memref<16x512xf32, #tpu.memory_space<hbm>>
        tpu.enqueue_dma source(%arg6 : memref<16x512xf32, #tpu.memory_space<vmem>>) target(%dma_start3A_360 : memref<16x512xf32, #tpu.memory_space<hbm>>) target_semaphore(%run_scoped3A : memref<!tpu.dma_semaphore, #tpu.memory_space<semaphore_mem>>)
        %dma_wait3A = arith.constant 0 : i32
        %dma_wait3A_361 = tpu.memref_slice %arg5[%add3A_357, %dma_wait3A] : memref<77000x512xf32, #tpu.memory_space<hbm>> -> memref<16x512xf32, #tpu.memory_space<hbm>>
        %dma_wait3A_362 = arith.constant 0 : i32
        %dma_wait3A_363 = tpu.memref_slice %arg5[%add3A_357, %dma_wait3A_362] : memref<77000x512xf32, #tpu.memory_space<hbm>> -> memref<16x512xf32, #tpu.memory_space<hbm>>
        tpu.wait_dma2 semaphore(%run_scoped3A : memref<!tpu.dma_semaphore, #tpu.memory_space<semaphore_mem>>) src(%arg6 : memref<16x512xf32, #tpu.memory_space<vmem>>) dst(%dma_wait3A_363 : memref<16x512xf32, #tpu.memory_space<hbm>>)
        tpu.yield
      }) : () -> ()
    } else {
    }
    %add3A_236 = arith.constant 21 : i32
    %add3A_237 = arith.addi %mul3A_2, %add3A_236 : i32
    %slice3A_238 = vector.extract_strided_slice %get3A_9 {offsets = [5], sizes = [1], strides = [1]} : vector<16xi32> to vector<1xi32>
    %squeeze3A_239 = vector.extract %slice3A_238[0] : i32 from vector<1xi32>
    %mul3A_240 = arith.constant 77 : i32
    %mul3A_241 = arith.muli %add3A_237, %mul3A_240 : i32
    %lt3A_242 = arith.constant 1000 : i32
    %lt3A_243 = arith.cmpi slt, %add3A_237, %lt3A_242 : i32
    %convert_element_type3A_244 = arith.extui %lt3A_243 : i1 to i32
    %cond3A_245 = arith.constant 0 : i32
    %cond3A_246 = arith.cmpi ne, %convert_element_type3A_244, %cond3A_245 : i32
    scf.if %cond3A_246 {
      "tpu.region"() ({
        %run_scoped3A = tpu.sem_alloc : memref<!tpu.dma_semaphore, #tpu.memory_space<semaphore_mem>>
        %dma_start3A = arith.constant 0 : i32
        %dma_start3A_358 = tpu.memref_slice %arg2[%mul3A_241, %dma_start3A] : memref<77000x512xf32, #tpu.memory_space<hbm>> -> memref<77x512xf32, #tpu.memory_space<hbm>>
        %dma_start3A_359 = arith.constant 0 : i32
        %dma_start3A_360 = tpu.memref_slice %arg2[%mul3A_241, %dma_start3A_359] : memref<77000x512xf32, #tpu.memory_space<hbm>> -> memref<77x512xf32, #tpu.memory_space<hbm>>
        tpu.enqueue_dma source(%dma_start3A_360 : memref<77x512xf32, #tpu.memory_space<hbm>>) target(%arg8 : memref<77x512xf32, #tpu.memory_space<vmem>>) target_semaphore(%run_scoped3A : memref<!tpu.dma_semaphore, #tpu.memory_space<semaphore_mem>>)
        %dma_wait3A = arith.constant 0 : i32
        %dma_wait3A_361 = tpu.memref_slice %arg2[%mul3A_241, %dma_wait3A] : memref<77000x512xf32, #tpu.memory_space<hbm>> -> memref<77x512xf32, #tpu.memory_space<hbm>>
        %dma_wait3A_362 = arith.constant 0 : i32
        %dma_wait3A_363 = tpu.memref_slice %arg2[%mul3A_241, %dma_wait3A_362] : memref<77000x512xf32, #tpu.memory_space<hbm>> -> memref<77x512xf32, #tpu.memory_space<hbm>>
        tpu.wait_dma2 semaphore(%run_scoped3A : memref<!tpu.dma_semaphore, #tpu.memory_space<semaphore_mem>>) src(%dma_wait3A_363 : memref<77x512xf32, #tpu.memory_space<hbm>>) dst(%arg8 : memref<77x512xf32, #tpu.memory_space<vmem>>)
        tpu.yield
      }) : () -> ()
      "tpu.region"() ({
        %run_scoped3A = tpu.sem_alloc : memref<!tpu.dma_semaphore, #tpu.memory_space<semaphore_mem>>
        %dma_start3A = arith.constant 0 : i32
        %dma_start3A_358 = tpu.memref_slice %arg5[%mul3A_241, %dma_start3A] : memref<77000x512xf32, #tpu.memory_space<hbm>> -> memref<77x512xf32, #tpu.memory_space<hbm>>
        %dma_start3A_359 = arith.constant 0 : i32
        %dma_start3A_360 = tpu.memref_slice %arg5[%mul3A_241, %dma_start3A_359] : memref<77000x512xf32, #tpu.memory_space<hbm>> -> memref<77x512xf32, #tpu.memory_space<hbm>>
        tpu.enqueue_dma source(%arg8 : memref<77x512xf32, #tpu.memory_space<vmem>>) target(%dma_start3A_360 : memref<77x512xf32, #tpu.memory_space<hbm>>) target_semaphore(%run_scoped3A : memref<!tpu.dma_semaphore, #tpu.memory_space<semaphore_mem>>)
        %dma_wait3A = arith.constant 0 : i32
        %dma_wait3A_361 = tpu.memref_slice %arg5[%mul3A_241, %dma_wait3A] : memref<77000x512xf32, #tpu.memory_space<hbm>> -> memref<77x512xf32, #tpu.memory_space<hbm>>
        %dma_wait3A_362 = arith.constant 0 : i32
        %dma_wait3A_363 = tpu.memref_slice %arg5[%mul3A_241, %dma_wait3A_362] : memref<77000x512xf32, #tpu.memory_space<hbm>> -> memref<77x512xf32, #tpu.memory_space<hbm>>
        tpu.wait_dma2 semaphore(%run_scoped3A : memref<!tpu.dma_semaphore, #tpu.memory_space<semaphore_mem>>) src(%arg8 : memref<77x512xf32, #tpu.memory_space<vmem>>) dst(%dma_wait3A_363 : memref<77x512xf32, #tpu.memory_space<hbm>>)
        tpu.yield
      }) : () -> ()
      %add3A_357 = arith.addi %mul3A_241, %squeeze3A_239 : i32
      "tpu.region"() ({
        %run_scoped3A = tpu.sem_alloc : memref<!tpu.dma_semaphore, #tpu.memory_space<semaphore_mem>>
        %dma_start3A = arith.constant 0 : i32
        %dma_start3A_358 = tpu.memref_slice %arg5[%add3A_357, %dma_start3A] : memref<77000x512xf32, #tpu.memory_space<hbm>> -> memref<16x512xf32, #tpu.memory_space<hbm>>
        %dma_start3A_359 = arith.constant 0 : i32
        %dma_start3A_360 = tpu.memref_slice %arg5[%add3A_357, %dma_start3A_359] : memref<77000x512xf32, #tpu.memory_space<hbm>> -> memref<16x512xf32, #tpu.memory_space<hbm>>
        tpu.enqueue_dma source(%arg6 : memref<16x512xf32, #tpu.memory_space<vmem>>) target(%dma_start3A_360 : memref<16x512xf32, #tpu.memory_space<hbm>>) target_semaphore(%run_scoped3A : memref<!tpu.dma_semaphore, #tpu.memory_space<semaphore_mem>>)
        %dma_wait3A = arith.constant 0 : i32
        %dma_wait3A_361 = tpu.memref_slice %arg5[%add3A_357, %dma_wait3A] : memref<77000x512xf32, #tpu.memory_space<hbm>> -> memref<16x512xf32, #tpu.memory_space<hbm>>
        %dma_wait3A_362 = arith.constant 0 : i32
        %dma_wait3A_363 = tpu.memref_slice %arg5[%add3A_357, %dma_wait3A_362] : memref<77000x512xf32, #tpu.memory_space<hbm>> -> memref<16x512xf32, #tpu.memory_space<hbm>>
        tpu.wait_dma2 semaphore(%run_scoped3A : memref<!tpu.dma_semaphore, #tpu.memory_space<semaphore_mem>>) src(%arg6 : memref<16x512xf32, #tpu.memory_space<vmem>>) dst(%dma_wait3A_363 : memref<16x512xf32, #tpu.memory_space<hbm>>)
        tpu.yield
      }) : () -> ()
    } else {
    }
    %add3A_247 = arith.constant 22 : i32
    %add3A_248 = arith.addi %mul3A_2, %add3A_247 : i32
    %slice3A_249 = vector.extract_strided_slice %get3A_9 {offsets = [6], sizes = [1], strides = [1]} : vector<16xi32> to vector<1xi32>
    %squeeze3A_250 = vector.extract %slice3A_249[0] : i32 from vector<1xi32>
    %mul3A_251 = arith.constant 77 : i32
    %mul3A_252 = arith.muli %add3A_248, %mul3A_251 : i32
    %lt3A_253 = arith.constant 1000 : i32
    %lt3A_254 = arith.cmpi slt, %add3A_248, %lt3A_253 : i32
    %convert_element_type3A_255 = arith.extui %lt3A_254 : i1 to i32
    %cond3A_256 = arith.constant 0 : i32
    %cond3A_257 = arith.cmpi ne, %convert_element_type3A_255, %cond3A_256 : i32
    scf.if %cond3A_257 {
      "tpu.region"() ({
        %run_scoped3A = tpu.sem_alloc : memref<!tpu.dma_semaphore, #tpu.memory_space<semaphore_mem>>
        %dma_start3A = arith.constant 0 : i32
        %dma_start3A_358 = tpu.memref_slice %arg2[%mul3A_252, %dma_start3A] : memref<77000x512xf32, #tpu.memory_space<hbm>> -> memref<77x512xf32, #tpu.memory_space<hbm>>
        %dma_start3A_359 = arith.constant 0 : i32
        %dma_start3A_360 = tpu.memref_slice %arg2[%mul3A_252, %dma_start3A_359] : memref<77000x512xf32, #tpu.memory_space<hbm>> -> memref<77x512xf32, #tpu.memory_space<hbm>>
        tpu.enqueue_dma source(%dma_start3A_360 : memref<77x512xf32, #tpu.memory_space<hbm>>) target(%arg8 : memref<77x512xf32, #tpu.memory_space<vmem>>) target_semaphore(%run_scoped3A : memref<!tpu.dma_semaphore, #tpu.memory_space<semaphore_mem>>)
        %dma_wait3A = arith.constant 0 : i32
        %dma_wait3A_361 = tpu.memref_slice %arg2[%mul3A_252, %dma_wait3A] : memref<77000x512xf32, #tpu.memory_space<hbm>> -> memref<77x512xf32, #tpu.memory_space<hbm>>
        %dma_wait3A_362 = arith.constant 0 : i32
        %dma_wait3A_363 = tpu.memref_slice %arg2[%mul3A_252, %dma_wait3A_362] : memref<77000x512xf32, #tpu.memory_space<hbm>> -> memref<77x512xf32, #tpu.memory_space<hbm>>
        tpu.wait_dma2 semaphore(%run_scoped3A : memref<!tpu.dma_semaphore, #tpu.memory_space<semaphore_mem>>) src(%dma_wait3A_363 : memref<77x512xf32, #tpu.memory_space<hbm>>) dst(%arg8 : memref<77x512xf32, #tpu.memory_space<vmem>>)
        tpu.yield
      }) : () -> ()
      "tpu.region"() ({
        %run_scoped3A = tpu.sem_alloc : memref<!tpu.dma_semaphore, #tpu.memory_space<semaphore_mem>>
        %dma_start3A = arith.constant 0 : i32
        %dma_start3A_358 = tpu.memref_slice %arg5[%mul3A_252, %dma_start3A] : memref<77000x512xf32, #tpu.memory_space<hbm>> -> memref<77x512xf32, #tpu.memory_space<hbm>>
        %dma_start3A_359 = arith.constant 0 : i32
        %dma_start3A_360 = tpu.memref_slice %arg5[%mul3A_252, %dma_start3A_359] : memref<77000x512xf32, #tpu.memory_space<hbm>> -> memref<77x512xf32, #tpu.memory_space<hbm>>
        tpu.enqueue_dma source(%arg8 : memref<77x512xf32, #tpu.memory_space<vmem>>) target(%dma_start3A_360 : memref<77x512xf32, #tpu.memory_space<hbm>>) target_semaphore(%run_scoped3A : memref<!tpu.dma_semaphore, #tpu.memory_space<semaphore_mem>>)
        %dma_wait3A = arith.constant 0 : i32
        %dma_wait3A_361 = tpu.memref_slice %arg5[%mul3A_252, %dma_wait3A] : memref<77000x512xf32, #tpu.memory_space<hbm>> -> memref<77x512xf32, #tpu.memory_space<hbm>>
        %dma_wait3A_362 = arith.constant 0 : i32
        %dma_wait3A_363 = tpu.memref_slice %arg5[%mul3A_252, %dma_wait3A_362] : memref<77000x512xf32, #tpu.memory_space<hbm>> -> memref<77x512xf32, #tpu.memory_space<hbm>>
        tpu.wait_dma2 semaphore(%run_scoped3A : memref<!tpu.dma_semaphore, #tpu.memory_space<semaphore_mem>>) src(%arg8 : memref<77x512xf32, #tpu.memory_space<vmem>>) dst(%dma_wait3A_363 : memref<77x512xf32, #tpu.memory_space<hbm>>)
        tpu.yield
      }) : () -> ()
      %add3A_357 = arith.addi %mul3A_252, %squeeze3A_250 : i32
      "tpu.region"() ({
        %run_scoped3A = tpu.sem_alloc : memref<!tpu.dma_semaphore, #tpu.memory_space<semaphore_mem>>
        %dma_start3A = arith.constant 0 : i32
        %dma_start3A_358 = tpu.memref_slice %arg5[%add3A_357, %dma_start3A] : memref<77000x512xf32, #tpu.memory_space<hbm>> -> memref<16x512xf32, #tpu.memory_space<hbm>>
        %dma_start3A_359 = arith.constant 0 : i32
        %dma_start3A_360 = tpu.memref_slice %arg5[%add3A_357, %dma_start3A_359] : memref<77000x512xf32, #tpu.memory_space<hbm>> -> memref<16x512xf32, #tpu.memory_space<hbm>>
        tpu.enqueue_dma source(%arg6 : memref<16x512xf32, #tpu.memory_space<vmem>>) target(%dma_start3A_360 : memref<16x512xf32, #tpu.memory_space<hbm>>) target_semaphore(%run_scoped3A : memref<!tpu.dma_semaphore, #tpu.memory_space<semaphore_mem>>)
        %dma_wait3A = arith.constant 0 : i32
        %dma_wait3A_361 = tpu.memref_slice %arg5[%add3A_357, %dma_wait3A] : memref<77000x512xf32, #tpu.memory_space<hbm>> -> memref<16x512xf32, #tpu.memory_space<hbm>>
        %dma_wait3A_362 = arith.constant 0 : i32
        %dma_wait3A_363 = tpu.memref_slice %arg5[%add3A_357, %dma_wait3A_362] : memref<77000x512xf32, #tpu.memory_space<hbm>> -> memref<16x512xf32, #tpu.memory_space<hbm>>
        tpu.wait_dma2 semaphore(%run_scoped3A : memref<!tpu.dma_semaphore, #tpu.memory_space<semaphore_mem>>) src(%arg6 : memref<16x512xf32, #tpu.memory_space<vmem>>) dst(%dma_wait3A_363 : memref<16x512xf32, #tpu.memory_space<hbm>>)
        tpu.yield
      }) : () -> ()
    } else {
    }
    %add3A_258 = arith.constant 23 : i32
    %add3A_259 = arith.addi %mul3A_2, %add3A_258 : i32
    %slice3A_260 = vector.extract_strided_slice %get3A_9 {offsets = [7], sizes = [1], strides = [1]} : vector<16xi32> to vector<1xi32>
    %squeeze3A_261 = vector.extract %slice3A_260[0] : i32 from vector<1xi32>
    %mul3A_262 = arith.constant 77 : i32
    %mul3A_263 = arith.muli %add3A_259, %mul3A_262 : i32
    %lt3A_264 = arith.constant 1000 : i32
    %lt3A_265 = arith.cmpi slt, %add3A_259, %lt3A_264 : i32
    %convert_element_type3A_266 = arith.extui %lt3A_265 : i1 to i32
    %cond3A_267 = arith.constant 0 : i32
    %cond3A_268 = arith.cmpi ne, %convert_element_type3A_266, %cond3A_267 : i32
    scf.if %cond3A_268 {
      "tpu.region"() ({
        %run_scoped3A = tpu.sem_alloc : memref<!tpu.dma_semaphore, #tpu.memory_space<semaphore_mem>>
        %dma_start3A = arith.constant 0 : i32
        %dma_start3A_358 = tpu.memref_slice %arg2[%mul3A_263, %dma_start3A] : memref<77000x512xf32, #tpu.memory_space<hbm>> -> memref<77x512xf32, #tpu.memory_space<hbm>>
        %dma_start3A_359 = arith.constant 0 : i32
        %dma_start3A_360 = tpu.memref_slice %arg2[%mul3A_263, %dma_start3A_359] : memref<77000x512xf32, #tpu.memory_space<hbm>> -> memref<77x512xf32, #tpu.memory_space<hbm>>
        tpu.enqueue_dma source(%dma_start3A_360 : memref<77x512xf32, #tpu.memory_space<hbm>>) target(%arg8 : memref<77x512xf32, #tpu.memory_space<vmem>>) target_semaphore(%run_scoped3A : memref<!tpu.dma_semaphore, #tpu.memory_space<semaphore_mem>>)
        %dma_wait3A = arith.constant 0 : i32
        %dma_wait3A_361 = tpu.memref_slice %arg2[%mul3A_263, %dma_wait3A] : memref<77000x512xf32, #tpu.memory_space<hbm>> -> memref<77x512xf32, #tpu.memory_space<hbm>>
        %dma_wait3A_362 = arith.constant 0 : i32
        %dma_wait3A_363 = tpu.memref_slice %arg2[%mul3A_263, %dma_wait3A_362] : memref<77000x512xf32, #tpu.memory_space<hbm>> -> memref<77x512xf32, #tpu.memory_space<hbm>>
        tpu.wait_dma2 semaphore(%run_scoped3A : memref<!tpu.dma_semaphore, #tpu.memory_space<semaphore_mem>>) src(%dma_wait3A_363 : memref<77x512xf32, #tpu.memory_space<hbm>>) dst(%arg8 : memref<77x512xf32, #tpu.memory_space<vmem>>)
        tpu.yield
      }) : () -> ()
      "tpu.region"() ({
        %run_scoped3A = tpu.sem_alloc : memref<!tpu.dma_semaphore, #tpu.memory_space<semaphore_mem>>
        %dma_start3A = arith.constant 0 : i32
        %dma_start3A_358 = tpu.memref_slice %arg5[%mul3A_263, %dma_start3A] : memref<77000x512xf32, #tpu.memory_space<hbm>> -> memref<77x512xf32, #tpu.memory_space<hbm>>
        %dma_start3A_359 = arith.constant 0 : i32
        %dma_start3A_360 = tpu.memref_slice %arg5[%mul3A_263, %dma_start3A_359] : memref<77000x512xf32, #tpu.memory_space<hbm>> -> memref<77x512xf32, #tpu.memory_space<hbm>>
        tpu.enqueue_dma source(%arg8 : memref<77x512xf32, #tpu.memory_space<vmem>>) target(%dma_start3A_360 : memref<77x512xf32, #tpu.memory_space<hbm>>) target_semaphore(%run_scoped3A : memref<!tpu.dma_semaphore, #tpu.memory_space<semaphore_mem>>)
        %dma_wait3A = arith.constant 0 : i32
        %dma_wait3A_361 = tpu.memref_slice %arg5[%mul3A_263, %dma_wait3A] : memref<77000x512xf32, #tpu.memory_space<hbm>> -> memref<77x512xf32, #tpu.memory_space<hbm>>
        %dma_wait3A_362 = arith.constant 0 : i32
        %dma_wait3A_363 = tpu.memref_slice %arg5[%mul3A_263, %dma_wait3A_362] : memref<77000x512xf32, #tpu.memory_space<hbm>> -> memref<77x512xf32, #tpu.memory_space<hbm>>
        tpu.wait_dma2 semaphore(%run_scoped3A : memref<!tpu.dma_semaphore, #tpu.memory_space<semaphore_mem>>) src(%arg8 : memref<77x512xf32, #tpu.memory_space<vmem>>) dst(%dma_wait3A_363 : memref<77x512xf32, #tpu.memory_space<hbm>>)
        tpu.yield
      }) : () -> ()
      %add3A_357 = arith.addi %mul3A_263, %squeeze3A_261 : i32
      "tpu.region"() ({
        %run_scoped3A = tpu.sem_alloc : memref<!tpu.dma_semaphore, #tpu.memory_space<semaphore_mem>>
        %dma_start3A = arith.constant 0 : i32
        %dma_start3A_358 = tpu.memref_slice %arg5[%add3A_357, %dma_start3A] : memref<77000x512xf32, #tpu.memory_space<hbm>> -> memref<16x512xf32, #tpu.memory_space<hbm>>
        %dma_start3A_359 = arith.constant 0 : i32
        %dma_start3A_360 = tpu.memref_slice %arg5[%add3A_357, %dma_start3A_359] : memref<77000x512xf32, #tpu.memory_space<hbm>> -> memref<16x512xf32, #tpu.memory_space<hbm>>
        tpu.enqueue_dma source(%arg6 : memref<16x512xf32, #tpu.memory_space<vmem>>) target(%dma_start3A_360 : memref<16x512xf32, #tpu.memory_space<hbm>>) target_semaphore(%run_scoped3A : memref<!tpu.dma_semaphore, #tpu.memory_space<semaphore_mem>>)
        %dma_wait3A = arith.constant 0 : i32
        %dma_wait3A_361 = tpu.memref_slice %arg5[%add3A_357, %dma_wait3A] : memref<77000x512xf32, #tpu.memory_space<hbm>> -> memref<16x512xf32, #tpu.memory_space<hbm>>
        %dma_wait3A_362 = arith.constant 0 : i32
        %dma_wait3A_363 = tpu.memref_slice %arg5[%add3A_357, %dma_wait3A_362] : memref<77000x512xf32, #tpu.memory_space<hbm>> -> memref<16x512xf32, #tpu.memory_space<hbm>>
        tpu.wait_dma2 semaphore(%run_scoped3A : memref<!tpu.dma_semaphore, #tpu.memory_space<semaphore_mem>>) src(%arg6 : memref<16x512xf32, #tpu.memory_space<vmem>>) dst(%dma_wait3A_363 : memref<16x512xf32, #tpu.memory_space<hbm>>)
        tpu.yield
      }) : () -> ()
    } else {
    }
    %add3A_269 = arith.constant 24 : i32
    %add3A_270 = arith.addi %mul3A_2, %add3A_269 : i32
    %slice3A_271 = vector.extract_strided_slice %get3A_9 {offsets = [8], sizes = [1], strides = [1]} : vector<16xi32> to vector<1xi32>
    %squeeze3A_272 = vector.extract %slice3A_271[0] : i32 from vector<1xi32>
    %mul3A_273 = arith.constant 77 : i32
    %mul3A_274 = arith.muli %add3A_270, %mul3A_273 : i32
    %lt3A_275 = arith.constant 1000 : i32
    %lt3A_276 = arith.cmpi slt, %add3A_270, %lt3A_275 : i32
    %convert_element_type3A_277 = arith.extui %lt3A_276 : i1 to i32
    %cond3A_278 = arith.constant 0 : i32
    %cond3A_279 = arith.cmpi ne, %convert_element_type3A_277, %cond3A_278 : i32
    scf.if %cond3A_279 {
      "tpu.region"() ({
        %run_scoped3A = tpu.sem_alloc : memref<!tpu.dma_semaphore, #tpu.memory_space<semaphore_mem>>
        %dma_start3A = arith.constant 0 : i32
        %dma_start3A_358 = tpu.memref_slice %arg2[%mul3A_274, %dma_start3A] : memref<77000x512xf32, #tpu.memory_space<hbm>> -> memref<77x512xf32, #tpu.memory_space<hbm>>
        %dma_start3A_359 = arith.constant 0 : i32
        %dma_start3A_360 = tpu.memref_slice %arg2[%mul3A_274, %dma_start3A_359] : memref<77000x512xf32, #tpu.memory_space<hbm>> -> memref<77x512xf32, #tpu.memory_space<hbm>>
        tpu.enqueue_dma source(%dma_start3A_360 : memref<77x512xf32, #tpu.memory_space<hbm>>) target(%arg8 : memref<77x512xf32, #tpu.memory_space<vmem>>) target_semaphore(%run_scoped3A : memref<!tpu.dma_semaphore, #tpu.memory_space<semaphore_mem>>)
        %dma_wait3A = arith.constant 0 : i32
        %dma_wait3A_361 = tpu.memref_slice %arg2[%mul3A_274, %dma_wait3A] : memref<77000x512xf32, #tpu.memory_space<hbm>> -> memref<77x512xf32, #tpu.memory_space<hbm>>
        %dma_wait3A_362 = arith.constant 0 : i32
        %dma_wait3A_363 = tpu.memref_slice %arg2[%mul3A_274, %dma_wait3A_362] : memref<77000x512xf32, #tpu.memory_space<hbm>> -> memref<77x512xf32, #tpu.memory_space<hbm>>
        tpu.wait_dma2 semaphore(%run_scoped3A : memref<!tpu.dma_semaphore, #tpu.memory_space<semaphore_mem>>) src(%dma_wait3A_363 : memref<77x512xf32, #tpu.memory_space<hbm>>) dst(%arg8 : memref<77x512xf32, #tpu.memory_space<vmem>>)
        tpu.yield
      }) : () -> ()
      "tpu.region"() ({
        %run_scoped3A = tpu.sem_alloc : memref<!tpu.dma_semaphore, #tpu.memory_space<semaphore_mem>>
        %dma_start3A = arith.constant 0 : i32
        %dma_start3A_358 = tpu.memref_slice %arg5[%mul3A_274, %dma_start3A] : memref<77000x512xf32, #tpu.memory_space<hbm>> -> memref<77x512xf32, #tpu.memory_space<hbm>>
        %dma_start3A_359 = arith.constant 0 : i32
        %dma_start3A_360 = tpu.memref_slice %arg5[%mul3A_274, %dma_start3A_359] : memref<77000x512xf32, #tpu.memory_space<hbm>> -> memref<77x512xf32, #tpu.memory_space<hbm>>
        tpu.enqueue_dma source(%arg8 : memref<77x512xf32, #tpu.memory_space<vmem>>) target(%dma_start3A_360 : memref<77x512xf32, #tpu.memory_space<hbm>>) target_semaphore(%run_scoped3A : memref<!tpu.dma_semaphore, #tpu.memory_space<semaphore_mem>>)
        %dma_wait3A = arith.constant 0 : i32
        %dma_wait3A_361 = tpu.memref_slice %arg5[%mul3A_274, %dma_wait3A] : memref<77000x512xf32, #tpu.memory_space<hbm>> -> memref<77x512xf32, #tpu.memory_space<hbm>>
        %dma_wait3A_362 = arith.constant 0 : i32
        %dma_wait3A_363 = tpu.memref_slice %arg5[%mul3A_274, %dma_wait3A_362] : memref<77000x512xf32, #tpu.memory_space<hbm>> -> memref<77x512xf32, #tpu.memory_space<hbm>>
        tpu.wait_dma2 semaphore(%run_scoped3A : memref<!tpu.dma_semaphore, #tpu.memory_space<semaphore_mem>>) src(%arg8 : memref<77x512xf32, #tpu.memory_space<vmem>>) dst(%dma_wait3A_363 : memref<77x512xf32, #tpu.memory_space<hbm>>)
        tpu.yield
      }) : () -> ()
      %add3A_357 = arith.addi %mul3A_274, %squeeze3A_272 : i32
      "tpu.region"() ({
        %run_scoped3A = tpu.sem_alloc : memref<!tpu.dma_semaphore, #tpu.memory_space<semaphore_mem>>
        %dma_start3A = arith.constant 0 : i32
        %dma_start3A_358 = tpu.memref_slice %arg5[%add3A_357, %dma_start3A] : memref<77000x512xf32, #tpu.memory_space<hbm>> -> memref<16x512xf32, #tpu.memory_space<hbm>>
        %dma_start3A_359 = arith.constant 0 : i32
        %dma_start3A_360 = tpu.memref_slice %arg5[%add3A_357, %dma_start3A_359] : memref<77000x512xf32, #tpu.memory_space<hbm>> -> memref<16x512xf32, #tpu.memory_space<hbm>>
        tpu.enqueue_dma source(%arg6 : memref<16x512xf32, #tpu.memory_space<vmem>>) target(%dma_start3A_360 : memref<16x512xf32, #tpu.memory_space<hbm>>) target_semaphore(%run_scoped3A : memref<!tpu.dma_semaphore, #tpu.memory_space<semaphore_mem>>)
        %dma_wait3A = arith.constant 0 : i32
        %dma_wait3A_361 = tpu.memref_slice %arg5[%add3A_357, %dma_wait3A] : memref<77000x512xf32, #tpu.memory_space<hbm>> -> memref<16x512xf32, #tpu.memory_space<hbm>>
        %dma_wait3A_362 = arith.constant 0 : i32
        %dma_wait3A_363 = tpu.memref_slice %arg5[%add3A_357, %dma_wait3A_362] : memref<77000x512xf32, #tpu.memory_space<hbm>> -> memref<16x512xf32, #tpu.memory_space<hbm>>
        tpu.wait_dma2 semaphore(%run_scoped3A : memref<!tpu.dma_semaphore, #tpu.memory_space<semaphore_mem>>) src(%arg6 : memref<16x512xf32, #tpu.memory_space<vmem>>) dst(%dma_wait3A_363 : memref<16x512xf32, #tpu.memory_space<hbm>>)
        tpu.yield
      }) : () -> ()
    } else {
    }
    %add3A_280 = arith.constant 25 : i32
    %add3A_281 = arith.addi %mul3A_2, %add3A_280 : i32
    %slice3A_282 = vector.extract_strided_slice %get3A_9 {offsets = [9], sizes = [1], strides = [1]} : vector<16xi32> to vector<1xi32>
    %squeeze3A_283 = vector.extract %slice3A_282[0] : i32 from vector<1xi32>
    %mul3A_284 = arith.constant 77 : i32
    %mul3A_285 = arith.muli %add3A_281, %mul3A_284 : i32
    %lt3A_286 = arith.constant 1000 : i32
    %lt3A_287 = arith.cmpi slt, %add3A_281, %lt3A_286 : i32
    %convert_element_type3A_288 = arith.extui %lt3A_287 : i1 to i32
    %cond3A_289 = arith.constant 0 : i32
    %cond3A_290 = arith.cmpi ne, %convert_element_type3A_288, %cond3A_289 : i32
    scf.if %cond3A_290 {
      "tpu.region"() ({
        %run_scoped3A = tpu.sem_alloc : memref<!tpu.dma_semaphore, #tpu.memory_space<semaphore_mem>>
        %dma_start3A = arith.constant 0 : i32
        %dma_start3A_358 = tpu.memref_slice %arg2[%mul3A_285, %dma_start3A] : memref<77000x512xf32, #tpu.memory_space<hbm>> -> memref<77x512xf32, #tpu.memory_space<hbm>>
        %dma_start3A_359 = arith.constant 0 : i32
        %dma_start3A_360 = tpu.memref_slice %arg2[%mul3A_285, %dma_start3A_359] : memref<77000x512xf32, #tpu.memory_space<hbm>> -> memref<77x512xf32, #tpu.memory_space<hbm>>
        tpu.enqueue_dma source(%dma_start3A_360 : memref<77x512xf32, #tpu.memory_space<hbm>>) target(%arg8 : memref<77x512xf32, #tpu.memory_space<vmem>>) target_semaphore(%run_scoped3A : memref<!tpu.dma_semaphore, #tpu.memory_space<semaphore_mem>>)
        %dma_wait3A = arith.constant 0 : i32
        %dma_wait3A_361 = tpu.memref_slice %arg2[%mul3A_285, %dma_wait3A] : memref<77000x512xf32, #tpu.memory_space<hbm>> -> memref<77x512xf32, #tpu.memory_space<hbm>>
        %dma_wait3A_362 = arith.constant 0 : i32
        %dma_wait3A_363 = tpu.memref_slice %arg2[%mul3A_285, %dma_wait3A_362] : memref<77000x512xf32, #tpu.memory_space<hbm>> -> memref<77x512xf32, #tpu.memory_space<hbm>>
        tpu.wait_dma2 semaphore(%run_scoped3A : memref<!tpu.dma_semaphore, #tpu.memory_space<semaphore_mem>>) src(%dma_wait3A_363 : memref<77x512xf32, #tpu.memory_space<hbm>>) dst(%arg8 : memref<77x512xf32, #tpu.memory_space<vmem>>)
        tpu.yield
      }) : () -> ()
      "tpu.region"() ({
        %run_scoped3A = tpu.sem_alloc : memref<!tpu.dma_semaphore, #tpu.memory_space<semaphore_mem>>
        %dma_start3A = arith.constant 0 : i32
        %dma_start3A_358 = tpu.memref_slice %arg5[%mul3A_285, %dma_start3A] : memref<77000x512xf32, #tpu.memory_space<hbm>> -> memref<77x512xf32, #tpu.memory_space<hbm>>
        %dma_start3A_359 = arith.constant 0 : i32
        %dma_start3A_360 = tpu.memref_slice %arg5[%mul3A_285, %dma_start3A_359] : memref<77000x512xf32, #tpu.memory_space<hbm>> -> memref<77x512xf32, #tpu.memory_space<hbm>>
        tpu.enqueue_dma source(%arg8 : memref<77x512xf32, #tpu.memory_space<vmem>>) target(%dma_start3A_360 : memref<77x512xf32, #tpu.memory_space<hbm>>) target_semaphore(%run_scoped3A : memref<!tpu.dma_semaphore, #tpu.memory_space<semaphore_mem>>)
        %dma_wait3A = arith.constant 0 : i32
        %dma_wait3A_361 = tpu.memref_slice %arg5[%mul3A_285, %dma_wait3A] : memref<77000x512xf32, #tpu.memory_space<hbm>> -> memref<77x512xf32, #tpu.memory_space<hbm>>
        %dma_wait3A_362 = arith.constant 0 : i32
        %dma_wait3A_363 = tpu.memref_slice %arg5[%mul3A_285, %dma_wait3A_362] : memref<77000x512xf32, #tpu.memory_space<hbm>> -> memref<77x512xf32, #tpu.memory_space<hbm>>
        tpu.wait_dma2 semaphore(%run_scoped3A : memref<!tpu.dma_semaphore, #tpu.memory_space<semaphore_mem>>) src(%arg8 : memref<77x512xf32, #tpu.memory_space<vmem>>) dst(%dma_wait3A_363 : memref<77x512xf32, #tpu.memory_space<hbm>>)
        tpu.yield
      }) : () -> ()
      %add3A_357 = arith.addi %mul3A_285, %squeeze3A_283 : i32
      "tpu.region"() ({
        %run_scoped3A = tpu.sem_alloc : memref<!tpu.dma_semaphore, #tpu.memory_space<semaphore_mem>>
        %dma_start3A = arith.constant 0 : i32
        %dma_start3A_358 = tpu.memref_slice %arg5[%add3A_357, %dma_start3A] : memref<77000x512xf32, #tpu.memory_space<hbm>> -> memref<16x512xf32, #tpu.memory_space<hbm>>
        %dma_start3A_359 = arith.constant 0 : i32
        %dma_start3A_360 = tpu.memref_slice %arg5[%add3A_357, %dma_start3A_359] : memref<77000x512xf32, #tpu.memory_space<hbm>> -> memref<16x512xf32, #tpu.memory_space<hbm>>
        tpu.enqueue_dma source(%arg6 : memref<16x512xf32, #tpu.memory_space<vmem>>) target(%dma_start3A_360 : memref<16x512xf32, #tpu.memory_space<hbm>>) target_semaphore(%run_scoped3A : memref<!tpu.dma_semaphore, #tpu.memory_space<semaphore_mem>>)
        %dma_wait3A = arith.constant 0 : i32
        %dma_wait3A_361 = tpu.memref_slice %arg5[%add3A_357, %dma_wait3A] : memref<77000x512xf32, #tpu.memory_space<hbm>> -> memref<16x512xf32, #tpu.memory_space<hbm>>
        %dma_wait3A_362 = arith.constant 0 : i32
        %dma_wait3A_363 = tpu.memref_slice %arg5[%add3A_357, %dma_wait3A_362] : memref<77000x512xf32, #tpu.memory_space<hbm>> -> memref<16x512xf32, #tpu.memory_space<hbm>>
        tpu.wait_dma2 semaphore(%run_scoped3A : memref<!tpu.dma_semaphore, #tpu.memory_space<semaphore_mem>>) src(%arg6 : memref<16x512xf32, #tpu.memory_space<vmem>>) dst(%dma_wait3A_363 : memref<16x512xf32, #tpu.memory_space<hbm>>)
        tpu.yield
      }) : () -> ()
    } else {
    }
    %add3A_291 = arith.constant 26 : i32
    %add3A_292 = arith.addi %mul3A_2, %add3A_291 : i32
    %slice3A_293 = vector.extract_strided_slice %get3A_9 {offsets = [10], sizes = [1], strides = [1]} : vector<16xi32> to vector<1xi32>
    %squeeze3A_294 = vector.extract %slice3A_293[0] : i32 from vector<1xi32>
    %mul3A_295 = arith.constant 77 : i32
    %mul3A_296 = arith.muli %add3A_292, %mul3A_295 : i32
    %lt3A_297 = arith.constant 1000 : i32
    %lt3A_298 = arith.cmpi slt, %add3A_292, %lt3A_297 : i32
    %convert_element_type3A_299 = arith.extui %lt3A_298 : i1 to i32
    %cond3A_300 = arith.constant 0 : i32
    %cond3A_301 = arith.cmpi ne, %convert_element_type3A_299, %cond3A_300 : i32
    scf.if %cond3A_301 {
      "tpu.region"() ({
        %run_scoped3A = tpu.sem_alloc : memref<!tpu.dma_semaphore, #tpu.memory_space<semaphore_mem>>
        %dma_start3A = arith.constant 0 : i32
        %dma_start3A_358 = tpu.memref_slice %arg2[%mul3A_296, %dma_start3A] : memref<77000x512xf32, #tpu.memory_space<hbm>> -> memref<77x512xf32, #tpu.memory_space<hbm>>
        %dma_start3A_359 = arith.constant 0 : i32
        %dma_start3A_360 = tpu.memref_slice %arg2[%mul3A_296, %dma_start3A_359] : memref<77000x512xf32, #tpu.memory_space<hbm>> -> memref<77x512xf32, #tpu.memory_space<hbm>>
        tpu.enqueue_dma source(%dma_start3A_360 : memref<77x512xf32, #tpu.memory_space<hbm>>) target(%arg8 : memref<77x512xf32, #tpu.memory_space<vmem>>) target_semaphore(%run_scoped3A : memref<!tpu.dma_semaphore, #tpu.memory_space<semaphore_mem>>)
        %dma_wait3A = arith.constant 0 : i32
        %dma_wait3A_361 = tpu.memref_slice %arg2[%mul3A_296, %dma_wait3A] : memref<77000x512xf32, #tpu.memory_space<hbm>> -> memref<77x512xf32, #tpu.memory_space<hbm>>
        %dma_wait3A_362 = arith.constant 0 : i32
        %dma_wait3A_363 = tpu.memref_slice %arg2[%mul3A_296, %dma_wait3A_362] : memref<77000x512xf32, #tpu.memory_space<hbm>> -> memref<77x512xf32, #tpu.memory_space<hbm>>
        tpu.wait_dma2 semaphore(%run_scoped3A : memref<!tpu.dma_semaphore, #tpu.memory_space<semaphore_mem>>) src(%dma_wait3A_363 : memref<77x512xf32, #tpu.memory_space<hbm>>) dst(%arg8 : memref<77x512xf32, #tpu.memory_space<vmem>>)
        tpu.yield
      }) : () -> ()
      "tpu.region"() ({
        %run_scoped3A = tpu.sem_alloc : memref<!tpu.dma_semaphore, #tpu.memory_space<semaphore_mem>>
        %dma_start3A = arith.constant 0 : i32
        %dma_start3A_358 = tpu.memref_slice %arg5[%mul3A_296, %dma_start3A] : memref<77000x512xf32, #tpu.memory_space<hbm>> -> memref<77x512xf32, #tpu.memory_space<hbm>>
        %dma_start3A_359 = arith.constant 0 : i32
        %dma_start3A_360 = tpu.memref_slice %arg5[%mul3A_296, %dma_start3A_359] : memref<77000x512xf32, #tpu.memory_space<hbm>> -> memref<77x512xf32, #tpu.memory_space<hbm>>
        tpu.enqueue_dma source(%arg8 : memref<77x512xf32, #tpu.memory_space<vmem>>) target(%dma_start3A_360 : memref<77x512xf32, #tpu.memory_space<hbm>>) target_semaphore(%run_scoped3A : memref<!tpu.dma_semaphore, #tpu.memory_space<semaphore_mem>>)
        %dma_wait3A = arith.constant 0 : i32
        %dma_wait3A_361 = tpu.memref_slice %arg5[%mul3A_296, %dma_wait3A] : memref<77000x512xf32, #tpu.memory_space<hbm>> -> memref<77x512xf32, #tpu.memory_space<hbm>>
        %dma_wait3A_362 = arith.constant 0 : i32
        %dma_wait3A_363 = tpu.memref_slice %arg5[%mul3A_296, %dma_wait3A_362] : memref<77000x512xf32, #tpu.memory_space<hbm>> -> memref<77x512xf32, #tpu.memory_space<hbm>>
        tpu.wait_dma2 semaphore(%run_scoped3A : memref<!tpu.dma_semaphore, #tpu.memory_space<semaphore_mem>>) src(%arg8 : memref<77x512xf32, #tpu.memory_space<vmem>>) dst(%dma_wait3A_363 : memref<77x512xf32, #tpu.memory_space<hbm>>)
        tpu.yield
      }) : () -> ()
      %add3A_357 = arith.addi %mul3A_296, %squeeze3A_294 : i32
      "tpu.region"() ({
        %run_scoped3A = tpu.sem_alloc : memref<!tpu.dma_semaphore, #tpu.memory_space<semaphore_mem>>
        %dma_start3A = arith.constant 0 : i32
        %dma_start3A_358 = tpu.memref_slice %arg5[%add3A_357, %dma_start3A] : memref<77000x512xf32, #tpu.memory_space<hbm>> -> memref<16x512xf32, #tpu.memory_space<hbm>>
        %dma_start3A_359 = arith.constant 0 : i32
        %dma_start3A_360 = tpu.memref_slice %arg5[%add3A_357, %dma_start3A_359] : memref<77000x512xf32, #tpu.memory_space<hbm>> -> memref<16x512xf32, #tpu.memory_space<hbm>>
        tpu.enqueue_dma source(%arg6 : memref<16x512xf32, #tpu.memory_space<vmem>>) target(%dma_start3A_360 : memref<16x512xf32, #tpu.memory_space<hbm>>) target_semaphore(%run_scoped3A : memref<!tpu.dma_semaphore, #tpu.memory_space<semaphore_mem>>)
        %dma_wait3A = arith.constant 0 : i32
        %dma_wait3A_361 = tpu.memref_slice %arg5[%add3A_357, %dma_wait3A] : memref<77000x512xf32, #tpu.memory_space<hbm>> -> memref<16x512xf32, #tpu.memory_space<hbm>>
        %dma_wait3A_362 = arith.constant 0 : i32
        %dma_wait3A_363 = tpu.memref_slice %arg5[%add3A_357, %dma_wait3A_362] : memref<77000x512xf32, #tpu.memory_space<hbm>> -> memref<16x512xf32, #tpu.memory_space<hbm>>
        tpu.wait_dma2 semaphore(%run_scoped3A : memref<!tpu.dma_semaphore, #tpu.memory_space<semaphore_mem>>) src(%arg6 : memref<16x512xf32, #tpu.memory_space<vmem>>) dst(%dma_wait3A_363 : memref<16x512xf32, #tpu.memory_space<hbm>>)
        tpu.yield
      }) : () -> ()
    } else {
    }
    %add3A_302 = arith.constant 27 : i32
    %add3A_303 = arith.addi %mul3A_2, %add3A_302 : i32
    %slice3A_304 = vector.extract_strided_slice %get3A_9 {offsets = [11], sizes = [1], strides = [1]} : vector<16xi32> to vector<1xi32>
    %squeeze3A_305 = vector.extract %slice3A_304[0] : i32 from vector<1xi32>
    %mul3A_306 = arith.constant 77 : i32
    %mul3A_307 = arith.muli %add3A_303, %mul3A_306 : i32
    %lt3A_308 = arith.constant 1000 : i32
    %lt3A_309 = arith.cmpi slt, %add3A_303, %lt3A_308 : i32
    %convert_element_type3A_310 = arith.extui %lt3A_309 : i1 to i32
    %cond3A_311 = arith.constant 0 : i32
    %cond3A_312 = arith.cmpi ne, %convert_element_type3A_310, %cond3A_311 : i32
    scf.if %cond3A_312 {
      "tpu.region"() ({
        %run_scoped3A = tpu.sem_alloc : memref<!tpu.dma_semaphore, #tpu.memory_space<semaphore_mem>>
        %dma_start3A = arith.constant 0 : i32
        %dma_start3A_358 = tpu.memref_slice %arg2[%mul3A_307, %dma_start3A] : memref<77000x512xf32, #tpu.memory_space<hbm>> -> memref<77x512xf32, #tpu.memory_space<hbm>>
        %dma_start3A_359 = arith.constant 0 : i32
        %dma_start3A_360 = tpu.memref_slice %arg2[%mul3A_307, %dma_start3A_359] : memref<77000x512xf32, #tpu.memory_space<hbm>> -> memref<77x512xf32, #tpu.memory_space<hbm>>
        tpu.enqueue_dma source(%dma_start3A_360 : memref<77x512xf32, #tpu.memory_space<hbm>>) target(%arg8 : memref<77x512xf32, #tpu.memory_space<vmem>>) target_semaphore(%run_scoped3A : memref<!tpu.dma_semaphore, #tpu.memory_space<semaphore_mem>>)
        %dma_wait3A = arith.constant 0 : i32
        %dma_wait3A_361 = tpu.memref_slice %arg2[%mul3A_307, %dma_wait3A] : memref<77000x512xf32, #tpu.memory_space<hbm>> -> memref<77x512xf32, #tpu.memory_space<hbm>>
        %dma_wait3A_362 = arith.constant 0 : i32
        %dma_wait3A_363 = tpu.memref_slice %arg2[%mul3A_307, %dma_wait3A_362] : memref<77000x512xf32, #tpu.memory_space<hbm>> -> memref<77x512xf32, #tpu.memory_space<hbm>>
        tpu.wait_dma2 semaphore(%run_scoped3A : memref<!tpu.dma_semaphore, #tpu.memory_space<semaphore_mem>>) src(%dma_wait3A_363 : memref<77x512xf32, #tpu.memory_space<hbm>>) dst(%arg8 : memref<77x512xf32, #tpu.memory_space<vmem>>)
        tpu.yield
      }) : () -> ()
      "tpu.region"() ({
        %run_scoped3A = tpu.sem_alloc : memref<!tpu.dma_semaphore, #tpu.memory_space<semaphore_mem>>
        %dma_start3A = arith.constant 0 : i32
        %dma_start3A_358 = tpu.memref_slice %arg5[%mul3A_307, %dma_start3A] : memref<77000x512xf32, #tpu.memory_space<hbm>> -> memref<77x512xf32, #tpu.memory_space<hbm>>
        %dma_start3A_359 = arith.constant 0 : i32
        %dma_start3A_360 = tpu.memref_slice %arg5[%mul3A_307, %dma_start3A_359] : memref<77000x512xf32, #tpu.memory_space<hbm>> -> memref<77x512xf32, #tpu.memory_space<hbm>>
        tpu.enqueue_dma source(%arg8 : memref<77x512xf32, #tpu.memory_space<vmem>>) target(%dma_start3A_360 : memref<77x512xf32, #tpu.memory_space<hbm>>) target_semaphore(%run_scoped3A : memref<!tpu.dma_semaphore, #tpu.memory_space<semaphore_mem>>)
        %dma_wait3A = arith.constant 0 : i32
        %dma_wait3A_361 = tpu.memref_slice %arg5[%mul3A_307, %dma_wait3A] : memref<77000x512xf32, #tpu.memory_space<hbm>> -> memref<77x512xf32, #tpu.memory_space<hbm>>
        %dma_wait3A_362 = arith.constant 0 : i32
        %dma_wait3A_363 = tpu.memref_slice %arg5[%mul3A_307, %dma_wait3A_362] : memref<77000x512xf32, #tpu.memory_space<hbm>> -> memref<77x512xf32, #tpu.memory_space<hbm>>
        tpu.wait_dma2 semaphore(%run_scoped3A : memref<!tpu.dma_semaphore, #tpu.memory_space<semaphore_mem>>) src(%arg8 : memref<77x512xf32, #tpu.memory_space<vmem>>) dst(%dma_wait3A_363 : memref<77x512xf32, #tpu.memory_space<hbm>>)
        tpu.yield
      }) : () -> ()
      %add3A_357 = arith.addi %mul3A_307, %squeeze3A_305 : i32
      "tpu.region"() ({
        %run_scoped3A = tpu.sem_alloc : memref<!tpu.dma_semaphore, #tpu.memory_space<semaphore_mem>>
        %dma_start3A = arith.constant 0 : i32
        %dma_start3A_358 = tpu.memref_slice %arg5[%add3A_357, %dma_start3A] : memref<77000x512xf32, #tpu.memory_space<hbm>> -> memref<16x512xf32, #tpu.memory_space<hbm>>
        %dma_start3A_359 = arith.constant 0 : i32
        %dma_start3A_360 = tpu.memref_slice %arg5[%add3A_357, %dma_start3A_359] : memref<77000x512xf32, #tpu.memory_space<hbm>> -> memref<16x512xf32, #tpu.memory_space<hbm>>
        tpu.enqueue_dma source(%arg6 : memref<16x512xf32, #tpu.memory_space<vmem>>) target(%dma_start3A_360 : memref<16x512xf32, #tpu.memory_space<hbm>>) target_semaphore(%run_scoped3A : memref<!tpu.dma_semaphore, #tpu.memory_space<semaphore_mem>>)
        %dma_wait3A = arith.constant 0 : i32
        %dma_wait3A_361 = tpu.memref_slice %arg5[%add3A_357, %dma_wait3A] : memref<77000x512xf32, #tpu.memory_space<hbm>> -> memref<16x512xf32, #tpu.memory_space<hbm>>
        %dma_wait3A_362 = arith.constant 0 : i32
        %dma_wait3A_363 = tpu.memref_slice %arg5[%add3A_357, %dma_wait3A_362] : memref<77000x512xf32, #tpu.memory_space<hbm>> -> memref<16x512xf32, #tpu.memory_space<hbm>>
        tpu.wait_dma2 semaphore(%run_scoped3A : memref<!tpu.dma_semaphore, #tpu.memory_space<semaphore_mem>>) src(%arg6 : memref<16x512xf32, #tpu.memory_space<vmem>>) dst(%dma_wait3A_363 : memref<16x512xf32, #tpu.memory_space<hbm>>)
        tpu.yield
      }) : () -> ()
    } else {
    }
    %add3A_313 = arith.constant 28 : i32
    %add3A_314 = arith.addi %mul3A_2, %add3A_313 : i32
    %slice3A_315 = vector.extract_strided_slice %get3A_9 {offsets = [12], sizes = [1], strides = [1]} : vector<16xi32> to vector<1xi32>
    %squeeze3A_316 = vector.extract %slice3A_315[0] : i32 from vector<1xi32>
    %mul3A_317 = arith.constant 77 : i32
    %mul3A_318 = arith.muli %add3A_314, %mul3A_317 : i32
    %lt3A_319 = arith.constant 1000 : i32
    %lt3A_320 = arith.cmpi slt, %add3A_314, %lt3A_319 : i32
    %convert_element_type3A_321 = arith.extui %lt3A_320 : i1 to i32
    %cond3A_322 = arith.constant 0 : i32
    %cond3A_323 = arith.cmpi ne, %convert_element_type3A_321, %cond3A_322 : i32
    scf.if %cond3A_323 {
      "tpu.region"() ({
        %run_scoped3A = tpu.sem_alloc : memref<!tpu.dma_semaphore, #tpu.memory_space<semaphore_mem>>
        %dma_start3A = arith.constant 0 : i32
        %dma_start3A_358 = tpu.memref_slice %arg2[%mul3A_318, %dma_start3A] : memref<77000x512xf32, #tpu.memory_space<hbm>> -> memref<77x512xf32, #tpu.memory_space<hbm>>
        %dma_start3A_359 = arith.constant 0 : i32
        %dma_start3A_360 = tpu.memref_slice %arg2[%mul3A_318, %dma_start3A_359] : memref<77000x512xf32, #tpu.memory_space<hbm>> -> memref<77x512xf32, #tpu.memory_space<hbm>>
        tpu.enqueue_dma source(%dma_start3A_360 : memref<77x512xf32, #tpu.memory_space<hbm>>) target(%arg8 : memref<77x512xf32, #tpu.memory_space<vmem>>) target_semaphore(%run_scoped3A : memref<!tpu.dma_semaphore, #tpu.memory_space<semaphore_mem>>)
        %dma_wait3A = arith.constant 0 : i32
        %dma_wait3A_361 = tpu.memref_slice %arg2[%mul3A_318, %dma_wait3A] : memref<77000x512xf32, #tpu.memory_space<hbm>> -> memref<77x512xf32, #tpu.memory_space<hbm>>
        %dma_wait3A_362 = arith.constant 0 : i32
        %dma_wait3A_363 = tpu.memref_slice %arg2[%mul3A_318, %dma_wait3A_362] : memref<77000x512xf32, #tpu.memory_space<hbm>> -> memref<77x512xf32, #tpu.memory_space<hbm>>
        tpu.wait_dma2 semaphore(%run_scoped3A : memref<!tpu.dma_semaphore, #tpu.memory_space<semaphore_mem>>) src(%dma_wait3A_363 : memref<77x512xf32, #tpu.memory_space<hbm>>) dst(%arg8 : memref<77x512xf32, #tpu.memory_space<vmem>>)
        tpu.yield
      }) : () -> ()
      "tpu.region"() ({
        %run_scoped3A = tpu.sem_alloc : memref<!tpu.dma_semaphore, #tpu.memory_space<semaphore_mem>>
        %dma_start3A = arith.constant 0 : i32
        %dma_start3A_358 = tpu.memref_slice %arg5[%mul3A_318, %dma_start3A] : memref<77000x512xf32, #tpu.memory_space<hbm>> -> memref<77x512xf32, #tpu.memory_space<hbm>>
        %dma_start3A_359 = arith.constant 0 : i32
        %dma_start3A_360 = tpu.memref_slice %arg5[%mul3A_318, %dma_start3A_359] : memref<77000x512xf32, #tpu.memory_space<hbm>> -> memref<77x512xf32, #tpu.memory_space<hbm>>
        tpu.enqueue_dma source(%arg8 : memref<77x512xf32, #tpu.memory_space<vmem>>) target(%dma_start3A_360 : memref<77x512xf32, #tpu.memory_space<hbm>>) target_semaphore(%run_scoped3A : memref<!tpu.dma_semaphore, #tpu.memory_space<semaphore_mem>>)
        %dma_wait3A = arith.constant 0 : i32
        %dma_wait3A_361 = tpu.memref_slice %arg5[%mul3A_318, %dma_wait3A] : memref<77000x512xf32, #tpu.memory_space<hbm>> -> memref<77x512xf32, #tpu.memory_space<hbm>>
        %dma_wait3A_362 = arith.constant 0 : i32
        %dma_wait3A_363 = tpu.memref_slice %arg5[%mul3A_318, %dma_wait3A_362] : memref<77000x512xf32, #tpu.memory_space<hbm>> -> memref<77x512xf32, #tpu.memory_space<hbm>>
        tpu.wait_dma2 semaphore(%run_scoped3A : memref<!tpu.dma_semaphore, #tpu.memory_space<semaphore_mem>>) src(%arg8 : memref<77x512xf32, #tpu.memory_space<vmem>>) dst(%dma_wait3A_363 : memref<77x512xf32, #tpu.memory_space<hbm>>)
        tpu.yield
      }) : () -> ()
      %add3A_357 = arith.addi %mul3A_318, %squeeze3A_316 : i32
      "tpu.region"() ({
        %run_scoped3A = tpu.sem_alloc : memref<!tpu.dma_semaphore, #tpu.memory_space<semaphore_mem>>
        %dma_start3A = arith.constant 0 : i32
        %dma_start3A_358 = tpu.memref_slice %arg5[%add3A_357, %dma_start3A] : memref<77000x512xf32, #tpu.memory_space<hbm>> -> memref<16x512xf32, #tpu.memory_space<hbm>>
        %dma_start3A_359 = arith.constant 0 : i32
        %dma_start3A_360 = tpu.memref_slice %arg5[%add3A_357, %dma_start3A_359] : memref<77000x512xf32, #tpu.memory_space<hbm>> -> memref<16x512xf32, #tpu.memory_space<hbm>>
        tpu.enqueue_dma source(%arg6 : memref<16x512xf32, #tpu.memory_space<vmem>>) target(%dma_start3A_360 : memref<16x512xf32, #tpu.memory_space<hbm>>) target_semaphore(%run_scoped3A : memref<!tpu.dma_semaphore, #tpu.memory_space<semaphore_mem>>)
        %dma_wait3A = arith.constant 0 : i32
        %dma_wait3A_361 = tpu.memref_slice %arg5[%add3A_357, %dma_wait3A] : memref<77000x512xf32, #tpu.memory_space<hbm>> -> memref<16x512xf32, #tpu.memory_space<hbm>>
        %dma_wait3A_362 = arith.constant 0 : i32
        %dma_wait3A_363 = tpu.memref_slice %arg5[%add3A_357, %dma_wait3A_362] : memref<77000x512xf32, #tpu.memory_space<hbm>> -> memref<16x512xf32, #tpu.memory_space<hbm>>
        tpu.wait_dma2 semaphore(%run_scoped3A : memref<!tpu.dma_semaphore, #tpu.memory_space<semaphore_mem>>) src(%arg6 : memref<16x512xf32, #tpu.memory_space<vmem>>) dst(%dma_wait3A_363 : memref<16x512xf32, #tpu.memory_space<hbm>>)
        tpu.yield
      }) : () -> ()
    } else {
    }
    %add3A_324 = arith.constant 29 : i32
    %add3A_325 = arith.addi %mul3A_2, %add3A_324 : i32
    %slice3A_326 = vector.extract_strided_slice %get3A_9 {offsets = [13], sizes = [1], strides = [1]} : vector<16xi32> to vector<1xi32>
    %squeeze3A_327 = vector.extract %slice3A_326[0] : i32 from vector<1xi32>
    %mul3A_328 = arith.constant 77 : i32
    %mul3A_329 = arith.muli %add3A_325, %mul3A_328 : i32
    %lt3A_330 = arith.constant 1000 : i32
    %lt3A_331 = arith.cmpi slt, %add3A_325, %lt3A_330 : i32
    %convert_element_type3A_332 = arith.extui %lt3A_331 : i1 to i32
    %cond3A_333 = arith.constant 0 : i32
    %cond3A_334 = arith.cmpi ne, %convert_element_type3A_332, %cond3A_333 : i32
    scf.if %cond3A_334 {
      "tpu.region"() ({
        %run_scoped3A = tpu.sem_alloc : memref<!tpu.dma_semaphore, #tpu.memory_space<semaphore_mem>>
        %dma_start3A = arith.constant 0 : i32
        %dma_start3A_358 = tpu.memref_slice %arg2[%mul3A_329, %dma_start3A] : memref<77000x512xf32, #tpu.memory_space<hbm>> -> memref<77x512xf32, #tpu.memory_space<hbm>>
        %dma_start3A_359 = arith.constant 0 : i32
        %dma_start3A_360 = tpu.memref_slice %arg2[%mul3A_329, %dma_start3A_359] : memref<77000x512xf32, #tpu.memory_space<hbm>> -> memref<77x512xf32, #tpu.memory_space<hbm>>
        tpu.enqueue_dma source(%dma_start3A_360 : memref<77x512xf32, #tpu.memory_space<hbm>>) target(%arg8 : memref<77x512xf32, #tpu.memory_space<vmem>>) target_semaphore(%run_scoped3A : memref<!tpu.dma_semaphore, #tpu.memory_space<semaphore_mem>>)
        %dma_wait3A = arith.constant 0 : i32
        %dma_wait3A_361 = tpu.memref_slice %arg2[%mul3A_329, %dma_wait3A] : memref<77000x512xf32, #tpu.memory_space<hbm>> -> memref<77x512xf32, #tpu.memory_space<hbm>>
        %dma_wait3A_362 = arith.constant 0 : i32
        %dma_wait3A_363 = tpu.memref_slice %arg2[%mul3A_329, %dma_wait3A_362] : memref<77000x512xf32, #tpu.memory_space<hbm>> -> memref<77x512xf32, #tpu.memory_space<hbm>>
        tpu.wait_dma2 semaphore(%run_scoped3A : memref<!tpu.dma_semaphore, #tpu.memory_space<semaphore_mem>>) src(%dma_wait3A_363 : memref<77x512xf32, #tpu.memory_space<hbm>>) dst(%arg8 : memref<77x512xf32, #tpu.memory_space<vmem>>)
        tpu.yield
      }) : () -> ()
      "tpu.region"() ({
        %run_scoped3A = tpu.sem_alloc : memref<!tpu.dma_semaphore, #tpu.memory_space<semaphore_mem>>
        %dma_start3A = arith.constant 0 : i32
        %dma_start3A_358 = tpu.memref_slice %arg5[%mul3A_329, %dma_start3A] : memref<77000x512xf32, #tpu.memory_space<hbm>> -> memref<77x512xf32, #tpu.memory_space<hbm>>
        %dma_start3A_359 = arith.constant 0 : i32
        %dma_start3A_360 = tpu.memref_slice %arg5[%mul3A_329, %dma_start3A_359] : memref<77000x512xf32, #tpu.memory_space<hbm>> -> memref<77x512xf32, #tpu.memory_space<hbm>>
        tpu.enqueue_dma source(%arg8 : memref<77x512xf32, #tpu.memory_space<vmem>>) target(%dma_start3A_360 : memref<77x512xf32, #tpu.memory_space<hbm>>) target_semaphore(%run_scoped3A : memref<!tpu.dma_semaphore, #tpu.memory_space<semaphore_mem>>)
        %dma_wait3A = arith.constant 0 : i32
        %dma_wait3A_361 = tpu.memref_slice %arg5[%mul3A_329, %dma_wait3A] : memref<77000x512xf32, #tpu.memory_space<hbm>> -> memref<77x512xf32, #tpu.memory_space<hbm>>
        %dma_wait3A_362 = arith.constant 0 : i32
        %dma_wait3A_363 = tpu.memref_slice %arg5[%mul3A_329, %dma_wait3A_362] : memref<77000x512xf32, #tpu.memory_space<hbm>> -> memref<77x512xf32, #tpu.memory_space<hbm>>
        tpu.wait_dma2 semaphore(%run_scoped3A : memref<!tpu.dma_semaphore, #tpu.memory_space<semaphore_mem>>) src(%arg8 : memref<77x512xf32, #tpu.memory_space<vmem>>) dst(%dma_wait3A_363 : memref<77x512xf32, #tpu.memory_space<hbm>>)
        tpu.yield
      }) : () -> ()
      %add3A_357 = arith.addi %mul3A_329, %squeeze3A_327 : i32
      "tpu.region"() ({
        %run_scoped3A = tpu.sem_alloc : memref<!tpu.dma_semaphore, #tpu.memory_space<semaphore_mem>>
        %dma_start3A = arith.constant 0 : i32
        %dma_start3A_358 = tpu.memref_slice %arg5[%add3A_357, %dma_start3A] : memref<77000x512xf32, #tpu.memory_space<hbm>> -> memref<16x512xf32, #tpu.memory_space<hbm>>
        %dma_start3A_359 = arith.constant 0 : i32
        %dma_start3A_360 = tpu.memref_slice %arg5[%add3A_357, %dma_start3A_359] : memref<77000x512xf32, #tpu.memory_space<hbm>> -> memref<16x512xf32, #tpu.memory_space<hbm>>
        tpu.enqueue_dma source(%arg6 : memref<16x512xf32, #tpu.memory_space<vmem>>) target(%dma_start3A_360 : memref<16x512xf32, #tpu.memory_space<hbm>>) target_semaphore(%run_scoped3A : memref<!tpu.dma_semaphore, #tpu.memory_space<semaphore_mem>>)
        %dma_wait3A = arith.constant 0 : i32
        %dma_wait3A_361 = tpu.memref_slice %arg5[%add3A_357, %dma_wait3A] : memref<77000x512xf32, #tpu.memory_space<hbm>> -> memref<16x512xf32, #tpu.memory_space<hbm>>
        %dma_wait3A_362 = arith.constant 0 : i32
        %dma_wait3A_363 = tpu.memref_slice %arg5[%add3A_357, %dma_wait3A_362] : memref<77000x512xf32, #tpu.memory_space<hbm>> -> memref<16x512xf32, #tpu.memory_space<hbm>>
        tpu.wait_dma2 semaphore(%run_scoped3A : memref<!tpu.dma_semaphore, #tpu.memory_space<semaphore_mem>>) src(%arg6 : memref<16x512xf32, #tpu.memory_space<vmem>>) dst(%dma_wait3A_363 : memref<16x512xf32, #tpu.memory_space<hbm>>)
        tpu.yield
      }) : () -> ()
    } else {
    }
    %add3A_335 = arith.constant 30 : i32
    %add3A_336 = arith.addi %mul3A_2, %add3A_335 : i32
    %slice3A_337 = vector.extract_strided_slice %get3A_9 {offsets = [14], sizes = [1], strides = [1]} : vector<16xi32> to vector<1xi32>
    %squeeze3A_338 = vector.extract %slice3A_337[0] : i32 from vector<1xi32>
    %mul3A_339 = arith.constant 77 : i32
    %mul3A_340 = arith.muli %add3A_336, %mul3A_339 : i32
    %lt3A_341 = arith.constant 1000 : i32
    %lt3A_342 = arith.cmpi slt, %add3A_336, %lt3A_341 : i32
    %convert_element_type3A_343 = arith.extui %lt3A_342 : i1 to i32
    %cond3A_344 = arith.constant 0 : i32
    %cond3A_345 = arith.cmpi ne, %convert_element_type3A_343, %cond3A_344 : i32
    scf.if %cond3A_345 {
      "tpu.region"() ({
        %run_scoped3A = tpu.sem_alloc : memref<!tpu.dma_semaphore, #tpu.memory_space<semaphore_mem>>
        %dma_start3A = arith.constant 0 : i32
        %dma_start3A_358 = tpu.memref_slice %arg2[%mul3A_340, %dma_start3A] : memref<77000x512xf32, #tpu.memory_space<hbm>> -> memref<77x512xf32, #tpu.memory_space<hbm>>
        %dma_start3A_359 = arith.constant 0 : i32
        %dma_start3A_360 = tpu.memref_slice %arg2[%mul3A_340, %dma_start3A_359] : memref<77000x512xf32, #tpu.memory_space<hbm>> -> memref<77x512xf32, #tpu.memory_space<hbm>>
        tpu.enqueue_dma source(%dma_start3A_360 : memref<77x512xf32, #tpu.memory_space<hbm>>) target(%arg8 : memref<77x512xf32, #tpu.memory_space<vmem>>) target_semaphore(%run_scoped3A : memref<!tpu.dma_semaphore, #tpu.memory_space<semaphore_mem>>)
        %dma_wait3A = arith.constant 0 : i32
        %dma_wait3A_361 = tpu.memref_slice %arg2[%mul3A_340, %dma_wait3A] : memref<77000x512xf32, #tpu.memory_space<hbm>> -> memref<77x512xf32, #tpu.memory_space<hbm>>
        %dma_wait3A_362 = arith.constant 0 : i32
        %dma_wait3A_363 = tpu.memref_slice %arg2[%mul3A_340, %dma_wait3A_362] : memref<77000x512xf32, #tpu.memory_space<hbm>> -> memref<77x512xf32, #tpu.memory_space<hbm>>
        tpu.wait_dma2 semaphore(%run_scoped3A : memref<!tpu.dma_semaphore, #tpu.memory_space<semaphore_mem>>) src(%dma_wait3A_363 : memref<77x512xf32, #tpu.memory_space<hbm>>) dst(%arg8 : memref<77x512xf32, #tpu.memory_space<vmem>>)
        tpu.yield
      }) : () -> ()
      "tpu.region"() ({
        %run_scoped3A = tpu.sem_alloc : memref<!tpu.dma_semaphore, #tpu.memory_space<semaphore_mem>>
        %dma_start3A = arith.constant 0 : i32
        %dma_start3A_358 = tpu.memref_slice %arg5[%mul3A_340, %dma_start3A] : memref<77000x512xf32, #tpu.memory_space<hbm>> -> memref<77x512xf32, #tpu.memory_space<hbm>>
        %dma_start3A_359 = arith.constant 0 : i32
        %dma_start3A_360 = tpu.memref_slice %arg5[%mul3A_340, %dma_start3A_359] : memref<77000x512xf32, #tpu.memory_space<hbm>> -> memref<77x512xf32, #tpu.memory_space<hbm>>
        tpu.enqueue_dma source(%arg8 : memref<77x512xf32, #tpu.memory_space<vmem>>) target(%dma_start3A_360 : memref<77x512xf32, #tpu.memory_space<hbm>>) target_semaphore(%run_scoped3A : memref<!tpu.dma_semaphore, #tpu.memory_space<semaphore_mem>>)
        %dma_wait3A = arith.constant 0 : i32
        %dma_wait3A_361 = tpu.memref_slice %arg5[%mul3A_340, %dma_wait3A] : memref<77000x512xf32, #tpu.memory_space<hbm>> -> memref<77x512xf32, #tpu.memory_space<hbm>>
        %dma_wait3A_362 = arith.constant 0 : i32
        %dma_wait3A_363 = tpu.memref_slice %arg5[%mul3A_340, %dma_wait3A_362] : memref<77000x512xf32, #tpu.memory_space<hbm>> -> memref<77x512xf32, #tpu.memory_space<hbm>>
        tpu.wait_dma2 semaphore(%run_scoped3A : memref<!tpu.dma_semaphore, #tpu.memory_space<semaphore_mem>>) src(%arg8 : memref<77x512xf32, #tpu.memory_space<vmem>>) dst(%dma_wait3A_363 : memref<77x512xf32, #tpu.memory_space<hbm>>)
        tpu.yield
      }) : () -> ()
      %add3A_357 = arith.addi %mul3A_340, %squeeze3A_338 : i32
      "tpu.region"() ({
        %run_scoped3A = tpu.sem_alloc : memref<!tpu.dma_semaphore, #tpu.memory_space<semaphore_mem>>
        %dma_start3A = arith.constant 0 : i32
        %dma_start3A_358 = tpu.memref_slice %arg5[%add3A_357, %dma_start3A] : memref<77000x512xf32, #tpu.memory_space<hbm>> -> memref<16x512xf32, #tpu.memory_space<hbm>>
        %dma_start3A_359 = arith.constant 0 : i32
        %dma_start3A_360 = tpu.memref_slice %arg5[%add3A_357, %dma_start3A_359] : memref<77000x512xf32, #tpu.memory_space<hbm>> -> memref<16x512xf32, #tpu.memory_space<hbm>>
        tpu.enqueue_dma source(%arg6 : memref<16x512xf32, #tpu.memory_space<vmem>>) target(%dma_start3A_360 : memref<16x512xf32, #tpu.memory_space<hbm>>) target_semaphore(%run_scoped3A : memref<!tpu.dma_semaphore, #tpu.memory_space<semaphore_mem>>)
        %dma_wait3A = arith.constant 0 : i32
        %dma_wait3A_361 = tpu.memref_slice %arg5[%add3A_357, %dma_wait3A] : memref<77000x512xf32, #tpu.memory_space<hbm>> -> memref<16x512xf32, #tpu.memory_space<hbm>>
        %dma_wait3A_362 = arith.constant 0 : i32
        %dma_wait3A_363 = tpu.memref_slice %arg5[%add3A_357, %dma_wait3A_362] : memref<77000x512xf32, #tpu.memory_space<hbm>> -> memref<16x512xf32, #tpu.memory_space<hbm>>
        tpu.wait_dma2 semaphore(%run_scoped3A : memref<!tpu.dma_semaphore, #tpu.memory_space<semaphore_mem>>) src(%arg6 : memref<16x512xf32, #tpu.memory_space<vmem>>) dst(%dma_wait3A_363 : memref<16x512xf32, #tpu.memory_space<hbm>>)
        tpu.yield
      }) : () -> ()
    } else {
    }
    %add3A_346 = arith.constant 31 : i32
    %add3A_347 = arith.addi %mul3A_2, %add3A_346 : i32
    %slice3A_348 = vector.extract_strided_slice %get3A_9 {offsets = [15], sizes = [1], strides = [1]} : vector<16xi32> to vector<1xi32>
    %squeeze3A_349 = vector.extract %slice3A_348[0] : i32 from vector<1xi32>
    %mul3A_350 = arith.constant 77 : i32
    %mul3A_351 = arith.muli %add3A_347, %mul3A_350 : i32
    %lt3A_352 = arith.constant 1000 : i32
    %lt3A_353 = arith.cmpi slt, %add3A_347, %lt3A_352 : i32
    %convert_element_type3A_354 = arith.extui %lt3A_353 : i1 to i32
    %cond3A_355 = arith.constant 0 : i32
    %cond3A_356 = arith.cmpi ne, %convert_element_type3A_354, %cond3A_355 : i32
    scf.if %cond3A_356 {
      "tpu.region"() ({
        %run_scoped3A = tpu.sem_alloc : memref<!tpu.dma_semaphore, #tpu.memory_space<semaphore_mem>>
        %dma_start3A = arith.constant 0 : i32
        %dma_start3A_358 = tpu.memref_slice %arg2[%mul3A_351, %dma_start3A] : memref<77000x512xf32, #tpu.memory_space<hbm>> -> memref<77x512xf32, #tpu.memory_space<hbm>>
        %dma_start3A_359 = arith.constant 0 : i32
        %dma_start3A_360 = tpu.memref_slice %arg2[%mul3A_351, %dma_start3A_359] : memref<77000x512xf32, #tpu.memory_space<hbm>> -> memref<77x512xf32, #tpu.memory_space<hbm>>
        tpu.enqueue_dma source(%dma_start3A_360 : memref<77x512xf32, #tpu.memory_space<hbm>>) target(%arg8 : memref<77x512xf32, #tpu.memory_space<vmem>>) target_semaphore(%run_scoped3A : memref<!tpu.dma_semaphore, #tpu.memory_space<semaphore_mem>>)
        %dma_wait3A = arith.constant 0 : i32
        %dma_wait3A_361 = tpu.memref_slice %arg2[%mul3A_351, %dma_wait3A] : memref<77000x512xf32, #tpu.memory_space<hbm>> -> memref<77x512xf32, #tpu.memory_space<hbm>>
        %dma_wait3A_362 = arith.constant 0 : i32
        %dma_wait3A_363 = tpu.memref_slice %arg2[%mul3A_351, %dma_wait3A_362] : memref<77000x512xf32, #tpu.memory_space<hbm>> -> memref<77x512xf32, #tpu.memory_space<hbm>>
        tpu.wait_dma2 semaphore(%run_scoped3A : memref<!tpu.dma_semaphore, #tpu.memory_space<semaphore_mem>>) src(%dma_wait3A_363 : memref<77x512xf32, #tpu.memory_space<hbm>>) dst(%arg8 : memref<77x512xf32, #tpu.memory_space<vmem>>)
        tpu.yield
      }) : () -> ()
      "tpu.region"() ({
        %run_scoped3A = tpu.sem_alloc : memref<!tpu.dma_semaphore, #tpu.memory_space<semaphore_mem>>
        %dma_start3A = arith.constant 0 : i32
        %dma_start3A_358 = tpu.memref_slice %arg5[%mul3A_351, %dma_start3A] : memref<77000x512xf32, #tpu.memory_space<hbm>> -> memref<77x512xf32, #tpu.memory_space<hbm>>
        %dma_start3A_359 = arith.constant 0 : i32
        %dma_start3A_360 = tpu.memref_slice %arg5[%mul3A_351, %dma_start3A_359] : memref<77000x512xf32, #tpu.memory_space<hbm>> -> memref<77x512xf32, #tpu.memory_space<hbm>>
        tpu.enqueue_dma source(%arg8 : memref<77x512xf32, #tpu.memory_space<vmem>>) target(%dma_start3A_360 : memref<77x512xf32, #tpu.memory_space<hbm>>) target_semaphore(%run_scoped3A : memref<!tpu.dma_semaphore, #tpu.memory_space<semaphore_mem>>)
        %dma_wait3A = arith.constant 0 : i32
        %dma_wait3A_361 = tpu.memref_slice %arg5[%mul3A_351, %dma_wait3A] : memref<77000x512xf32, #tpu.memory_space<hbm>> -> memref<77x512xf32, #tpu.memory_space<hbm>>
        %dma_wait3A_362 = arith.constant 0 : i32
        %dma_wait3A_363 = tpu.memref_slice %arg5[%mul3A_351, %dma_wait3A_362] : memref<77000x512xf32, #tpu.memory_space<hbm>> -> memref<77x512xf32, #tpu.memory_space<hbm>>
        tpu.wait_dma2 semaphore(%run_scoped3A : memref<!tpu.dma_semaphore, #tpu.memory_space<semaphore_mem>>) src(%arg8 : memref<77x512xf32, #tpu.memory_space<vmem>>) dst(%dma_wait3A_363 : memref<77x512xf32, #tpu.memory_space<hbm>>)
        tpu.yield
      }) : () -> ()
      %add3A_357 = arith.addi %mul3A_351, %squeeze3A_349 : i32
      "tpu.region"() ({
        %run_scoped3A = tpu.sem_alloc : memref<!tpu.dma_semaphore, #tpu.memory_space<semaphore_mem>>
        %dma_start3A = arith.constant 0 : i32
        %dma_start3A_358 = tpu.memref_slice %arg5[%add3A_357, %dma_start3A] : memref<77000x512xf32, #tpu.memory_space<hbm>> -> memref<16x512xf32, #tpu.memory_space<hbm>>
        %dma_start3A_359 = arith.constant 0 : i32
        %dma_start3A_360 = tpu.memref_slice %arg5[%add3A_357, %dma_start3A_359] : memref<77000x512xf32, #tpu.memory_space<hbm>> -> memref<16x512xf32, #tpu.memory_space<hbm>>
        tpu.enqueue_dma source(%arg6 : memref<16x512xf32, #tpu.memory_space<vmem>>) target(%dma_start3A_360 : memref<16x512xf32, #tpu.memory_space<hbm>>) target_semaphore(%run_scoped3A : memref<!tpu.dma_semaphore, #tpu.memory_space<semaphore_mem>>)
        %dma_wait3A = arith.constant 0 : i32
        %dma_wait3A_361 = tpu.memref_slice %arg5[%add3A_357, %dma_wait3A] : memref<77000x512xf32, #tpu.memory_space<hbm>> -> memref<16x512xf32, #tpu.memory_space<hbm>>
        %dma_wait3A_362 = arith.constant 0 : i32
        %dma_wait3A_363 = tpu.memref_slice %arg5[%add3A_357, %dma_wait3A_362] : memref<77000x512xf32, #tpu.memory_space<hbm>> -> memref<16x512xf32, #tpu.memory_space<hbm>>
        tpu.wait_dma2 semaphore(%run_scoped3A : memref<!tpu.dma_semaphore, #tpu.memory_space<semaphore_mem>>) src(%arg6 : memref<16x512xf32, #tpu.memory_space<vmem>>) dst(%dma_wait3A_363 : memref<16x512xf32, #tpu.memory_space<hbm>>)
        tpu.yield
      }) : () -> ()
    } else {
    }
    return
  }
}

</mosaic_0001>

<sc_bundles>
// kernel: kernel.3.cloned.1.call-start
scs
__scs_entry_jumppad:
0x0: {  	(pc) =	sbr.rel $0x88, $3  }
0x1: {  	(tag) =	ssettag $0x0;
	lr =	simm.s32 $0x1  }
0x2: {  	[smem:$0x3F9E] =	sst lr;
	_ =	strace $0xD0000000  }
0x3: {  	_ = 	snop  }
0x4: {  	_ = 	snop  }
0x5: {  	_ = 	snop  }
0x6: {  	_ = 	snop  }
0x7: {  	_ = 	snop  }
__scs_overlays_trampoline_lowered:
0x8: {  	[smem:$0x3FAD] =	sst s0  }
0x9: {  	[smem:$0x3FAE] =	sst s1  }
0xa: {  	[smem:$0x3FAF] =	sst s2  }
0xb: {  	[smem:$0x3FB0] =	sst s3  }
0xc: {  	[smem:$0x3FB1] =	sst s4  }
0xd: {  	[smem:$0x3FB2] =	sst s5  }
0xe: {  	[smem:$0x3FB3] =	sst s6  }
0xf: {  	[smem:$0x3FB4] =	sst s7  }
0x10: {  	[smem:$0x3FB5] =	sst s8  }
0x11: {  	[smem:$0x3FB6] =	sst s9;
	s0 =	simm.s32 @!p0 $0x0  }
0x12: {  	s1 =	sld [smem:$0x3F9C];
	s0 =	simm.s32 @p0 $0x1  }
0x13: {  	[smem:$0x3FB7] =	sst s0;
	s0 =	simm.s32 @!p1 $0x0  }
0x14: {  	s2 =	sld [smem:$0x3F9B];
	s0 =	simm.s32 @p1 $0x1  }
0x15: {  	[smem:$0x3FB8] =	sst s0;
	s0 =	simm.s32 @!p2 $0x0  }
0x16: {  	s3 =	sld [smem:$0x3FDB];
	s0 =	simm.s32 @p2 $0x1  }
0x17: {  	s4 =	simm.s32 $0x1BF5;
	[smem:$0x3FBA] =	sst s0  }
0x18: {  	s0 =	sld [smem:$0x3F9D];
	_ =	swait.ge [sflag:s4], $0x0  }
0x19: {  	s7 =	sld [smem:$0x3F9E]  }
0x1a: {  	s8 =	sadd.s32 $0xFFFFE003, lr  }
0x1b: {  	s9 =	sadd.s32 $0xFFFFFEF7, lr;
	s5 =	simm.s32 $0xFFFFFFFF;
	p2 =	slt.u32 s8, $0xFFFFF086  }
0x1c: {  	p1 =	slt.u32 s9, $0xF7A;
	s5 =	simm.s32 @!p2 $0x0  }
0x1d: {  	s5 =	simm.s32 @p1 $0x1;
	p0 =	seq.s32 s7, s2  }
0x1e: {  	s7 =	smul.u32 @!p0 $0xF7A, s2;
	p2 =	seq.s32 @!p0 s5, $0x0  }
0x1f: {  	s9 =	smul.u32 $0xF7A, s1;
	s8 =	simm.s32 @!p0 $0x1BF5;
	p2 =	por !p2, p0  }
0x20: {  	[sflag:s8] =	ssyncset.s32 @!p0 $0xFFFFF086;
	s6 =	sadd.s32 @!p0 s3, s7;
	s7 =	simm.s32 @!p0 $0x108  }
0x21: {  	s3 =	sadd.s32 s3, s9;
	s6 =	sadd.s32 @!p0 $0x88, s6;
	s7 =	simm.s32 @p2 $0x1082  }
0x22: {  	[simem:s7], [sflag:s8] =	dma.local @!p0 [hbm:s6], $0xF7A  }
0x23: {  	s9 =	sor.u32 $0xD0000000, s2;
	s6 =	simm.s32 $0x108;
	_ =	swait.ge @!p0 [sflag:s8], $0x0  }
0x24: {  	s3 =	sadd.s32 $0x88, s3;
	s6 =	simm.s32 @!p1 $0x1082;
	[sflag:s4] =	ssyncset.s32 $0xFFFFF086  }
0x25: {  	[simem:s6], [sflag:s4] =	dma.local [hbm:s3], $0xF7A  }
0x26: {  	[smem:$0x3F9E] =	sst s1;
	(tag) =	ssettag s2;
	_ =	strace s9  }
0x27: {  	s1 =	sld [smem:$0x3FAE]  }
0x28: {  	s2 =	sld [smem:$0x3FAF]  }
0x29: {  	s4 =	sld [smem:$0x3FB1]  }
0x2a: {  	p0 =	seq.s32 s5, $0x0;
	s5 =	sld [smem:$0x3FB2]  }
0x2b: {  	s6 =	sld [smem:$0x3FB3]  }
0x2c: {  	s7 =	sld [smem:$0x3FB4]  }
0x2d: {  	s3 =	simm.s32 $0x108;
	s8 =	sld [smem:$0x3FB5]  }
0x2e: {  	s3 =	simm.s32 @!p0 $0x1082;
	s9 =	sld [smem:$0x3FB6]  }
0x2f: {  	lr =	sadd.s32 s0, s3;
	s0 =	sld [smem:$0x3FAD]  }
0x30: {  	s3 =	sld [smem:$0x3FB0]  }
0x31: {  	[smem:$0x3FB9] =	sst s10  }
0x32: {  	s10 =	sld [smem:$0x3FB7];
	_ =	sdelay $0x3  }
0x33: {  	p0 =	seq.s32 s10, $0x1;
	s10 =	sld [smem:$0x3FB9];
	_ =	sdelay $0x3  }
0x34: {  	[smem:$0x3FB9] =	sst s10  }
0x35: {  	s10 =	sld [smem:$0x3FB8];
	_ =	sdelay $0x3  }
0x36: {  	p1 =	seq.s32 s10, $0x1;
	s10 =	sld [smem:$0x3FB9];
	_ =	sdelay $0x3  }
0x37: {  	[smem:$0x3FB9] =	sst s10  }
0x38: {  	s10 =	sld [smem:$0x3FBA]  }
0x39: {  	_ = 	snop;
	(pc) =	sbr.ind lr, $3  }
0x3a: {  	_ = 	snop  }
0x3b: {  	_ = 	snop  }
0x3c: {  	p2 =	seq.s32 s10, $0x1;
	s10 =	sld [smem:$0x3FB9]  }
0x3d: {  	_ =	shalt  }
0x3e: {  	_ =	shalt  }
0x3f: {  	_ =	shalt  }
0x40: {  	_ =	shalt  }
0x41: {  	_ =	shalt  }
0x42: {  	_ =	shalt  }
0x43: {  	_ =	shalt  }
0x44: {  	_ =	shalt  }
0x45: {  	_ =	shalt  }
0x46: {  	_ =	shalt  }
0x47: {  	_ =	shalt  }
0x48: {  	_ =	shalt  }
0x49: {  	_ =	shalt  }
0x4a: {  	_ =	shalt  }
0x4b: {  	_ =	shalt  }
0x4c: {  	_ =	shalt  }
0x4d: {  	_ =	shalt  }
0x4e: {  	_ =	shalt  }
0x4f: {  	_ =	shalt  }
0x50: {  	_ =	shalt  }
0x51: {  	_ =	shalt  }
0x52: {  	_ =	shalt  }
0x53: {  	_ =	shalt  }
0x54: {  	_ =	shalt  }
0x55: {  	_ =	shalt  }
0x56: {  	_ =	shalt  }
0x57: {  	_ =	shalt  }
0x58: {  	_ =	shalt  }
0x59: {  	_ =	shalt  }
0x5a: {  	_ =	shalt  }
0x5b: {  	_ =	shalt  }
0x5c: {  	_ =	shalt  }
0x5d: {  	_ =	shalt  }
0x5e: {  	_ =	shalt  }
0x5f: {  	_ =	shalt  }
0x60: {  	_ =	shalt  }
0x61: {  	_ =	shalt  }
0x62: {  	_ =	shalt  }
0x63: {  	_ =	shalt  }
0x64: {  	_ =	shalt  }
0x65: {  	_ =	shalt  }
0x66: {  	_ =	shalt  }
0x67: {  	_ =	shalt  }
0x68: {  	_ =	shalt  }
0x69: {  	_ =	shalt  }
0x6a: {  	_ =	shalt  }
0x6b: {  	_ =	shalt  }
0x6c: {  	_ =	shalt  }
0x6d: {  	_ =	shalt  }
0x6e: {  	_ =	shalt  }
0x6f: {  	_ =	shalt  }
0x70: {  	_ =	shalt  }
0x71: {  	_ =	shalt  }
0x72: {  	_ =	shalt  }
0x73: {  	_ =	shalt  }
0x74: {  	_ =	shalt  }
0x75: {  	_ =	shalt  }
0x76: {  	_ =	shalt  }
0x77: {  	_ =	shalt  }
0x78: {  	_ =	shalt  }
0x79: {  	_ =	shalt  }
0x7a: {  	_ =	shalt  }
0x7b: {  	_ =	shalt  }
0x7c: {  	_ =	shalt  }
0x7d: {  	_ =	shalt  }
0x7e: {  	_ =	shalt  }
0x7f: {  	_ =	shalt  }
0x80: {  	_ =	shalt  }
0x81: {  	_ =	shalt  }
0x82: {  	_ =	shalt  }
0x83: {  	_ =	shalt  }
0x84: {  	_ =	shalt  }
0x85: {  	_ =	shalt  }
0x86: {  	_ =	shalt  }
0x87: {  	_ =	shalt  }
.Lfunc_end0:
.L_simem_size_0:
called_computation.1_lowered:
.L_overlay_start_0:
0x88: {  	s2 =	sld [smem:$0x3FD9]  }
0x89: {  	s3 =	sld [smem:$0x3FFE];
	_ =	sdelay $0x1  }
0x8a: {  	s1 =	srdreg.scid  }
0x8b: {  	s0 =	sand.u32 $0x1, s1  }
0x8c: {  	s17 =	sshll.u32 s0, $0xA;
	s2 =	sadd.s32 s3, s2  }
0x8d: {  	s2 =	sadd.s32 s2, s17  }
0x8e: {  	[smem:$0x3FC5] =	sst s2  }
0x8f: {  	_ = 	snop  }
0x90: {  	s2 =	sld [smem:$0x3FD0];
	(tm) =	ssettm $0x1  }
0x91: {  	s18 =	sld [smem:$0x3FFB];
	_ =	sdelay $0x3  }
0x92: {  	_ =	strace s18  }
0x93: {  	s3 =	sld [smem:$0x3FFC];
	_ =	sdelay $0x3  }
0x94: {  	_ =	strace s3  }
0x95: {  	s3 =	sld [smem:$0x3FFD];
	_ =	sdelay $0x3  }
0x96: {  	_ =	strace s3  }
0x97: {  	_ =	strace $0x8FFFFFFF  }
0x98: {  	s19 =	sld [smem:$0x3FDB];
	_ =	sdelay $0x1  }
0x99: {  	s4 =	simm.s32 $_scs_section_size  }
0x9a: {  	s5 =	simm.s32 $_size__tile_overlayer_lowered;
	s6 =	simm.s32 $_tile_overlayer_lowered  }
0x9b: {  	s22 =	simm.s32 $0x1BFF;
	s21 =	sshll.u32 s6, $0x1;
	s3 =	sadd.s32 s4, s19  }
0x9c: {  	s7 =	simm.s32 $0x0;
	s20 =	sshll.u32 s5, $0x1;
	s5 =	sadd.s32 s21, s3  }
0x9d: {  	[timem:s7], [sflag:s22] =	dma.local [hbm:s5], s20  }
0x9e: {  	_ =	swait.ge [sflag:s22], s20  }
0x9f: {  	s4 =	ssub.s32 $0x0, s20;
	[sflag:s22] =	ssyncset.done $0x0  }
0xa0: {  	[sflag:s22] =	ssyncadd.s32 s4;
	_ =	sdelay $0x1  }
0xa1: {  	s23 =	simm.s32 $0x1B8B  }
0xa2: {  	_ =	swait.ge [sflag:s23], $0x1  }
0xa3: {  	[sflag:s23] =	ssyncset.done $0x0  }
0xa4: {  	s25 =	simm.s32 $0x1B8E;
	s24 =	sld [smem:$0x3FFE];
	[sflag:s23] =	ssyncadd.s32 $0xFFFFFFFF  }
0xa5: {  	s26 =	simm.s32 $execute0_lowered;
	[smem:$0x3FD2] =	sst s25  }
0xa6: {  	s5 =	sshll.u32 s26, $0x1;
	_ =	strace $0x80000046;
	[dreg:$0x1] =	wrdreg $0xFFFFFFFF  }
0xa7: {  	s28 =	simm.s32 $_size_execute0_lowered;
	s3 =	sadd.s32 s3, s5;
	[dreg:$0x0] =	wrdreg $0x0  }
0xa8: {  	s5 =	sshll.u32 s28, $0x1;
	[dreg:$0x2] =	wrdreg s3  }
0xa9: {  	[dreg:$0x3] =	wrdreg s5  }
0xaa: {  	[dreg:$0x4] =	wrdreg $0xC0  }
0xab: {  	_ =	task [dreg:s7], $0x5FFFF  }
0xac: {  	[dreg:$0x1] =	wrdreg $0xFFFFFFFF  }
0xad: {  	[dreg:$0x0] =	wrdreg $0x60  }
0xae: {  	[dreg:$0x2] =	wrdreg s2  }
0xaf: {  	[dreg:$0x3] =	wrdreg s24  }
0xb0: {  	[dreg:$0x4] =	wrdreg $0x9  }
0xb1: {  	_ =	task.clear_ibuf [dreg:s7], $0x5FFFF;
	_ =	strace $0x90000046  }
0xb2: {  	s29 =	simm.s32 $0x9;
	_ =	strace $0x80000048  }
0xb3: {  	_ =	swait.ge [sflag:s29], $0x1  }
0xb4: {  	[sflag:s29] =	ssyncadd.s32 $0xFFFFFFFF  }
0xb5: {  	_ =	strace $0x90000048  }
0xb6: {  	_ =	sfence  }
0xb7: {  	s30 =	sld [smem:$0x0];
	_ =	sdelay $0x2  }
0xb8: {  	s31 =	sshll.u32 s1, $0xD;
	s1 =	sshrl.u32 s1, $0x2  }
0xb9: {  	s3 =	sand.u32 $0x4000, s31;
	s1 =	sadd.s32 s1, s30  }
0xba: {  	s0 =	sor.u32 s3, s0;
	s1 =	sshll.u32 s1, $0x11  }
0xbb: {  	s0 =	sor.u32 s1, s0  }
0xbc: {  	s0 =	sadd.s32 $0x8F2B, s0  }
0xbd: {  	[sflag:s0] =	ssyncadd.remote.s32 $0x1  }
0xbe: {  	_ =	sfence.sel $0xFFFF  }
0xbf: {  	[dreg:$0x0] =	wrdreg $0xFFFFFFFF;
	(pc) =	sbr.abs _section_cstart, $3  }
0xc0: {  	[dreg:$0x1] =	wrdreg $0xFFFFFFFF  }
0xc1: {  	_ =	task.clear_ibuf [dreg:s7], $0x2FFFF;
	_ =	strace $0x9FFFFFFF  }
0xc2: {  	(tm) =	ssettm $0x7FFFFFFF  }
0xc3: {  	_ =	shalt  }
tec
execute0_lowered:
.L_overlay_start_1:
0x0: {  	(tag) =	ssettag $0x1  }
0x1: {  	s0 =	rddreg [dreg:$0x0]  }
0x2: {  	s2 =	rddreg [dreg:$0x1]  }
0x3: {  	s1 =	srdreg.scid;
	s5 =	stileid.u32  }
0x4: {  	s3 =	simm.s32 $0x0;
	s4 =	sand.u32 $0x1, s1;
	s12 =	sshll.u32 s5, $0x1  }
0x5: {  	[smem:$0x7FF] =	sst s3;
	s13 =	sadd.s32 $0xC00, s2;
	s1 =	sor.u32 s4, s12  }
0x6: {  	_ =	strace $0x80000047;
	[dreg:$0x3] =	wrdreg s13;
	s7 =	smul.u32 $0x9A0, s1  }
0x7: {  	s6 =	sshll.u32 s1, $0x2;
	s5 =	sshll.u32 s1, $0x5;
	s8 =	smul.u32 $0x26800, s1  }
0x8: {  	s6 =	sadd.s32 s6, s2;
	s2 =	sadd.s32 $0x1200, s2;
	s14 =	sor.u32 $0x1, s5  }
0x9: {  	s17 =	sor.u32 $0x2, s5;
	s6 =	sadd.s32 $0x1000, s6;
	[dreg:$0x5] =	wrdreg s7  }
0xa: {  	s15 =	sadd.s32 s0, s8;
	s9 =	smul.u32 $0x4D, s14;
	[dreg:$0x4] =	wrdreg s6  }
0xb: {  	s16 =	sadd.s32 s2, s8;
	s19 =	smul.u32 $0x4D, s17;
	[dreg:$0x6] =	wrdreg s15  }
0xc: {  	s20 =	sor.u32 $0x3, s5;
	s7 =	smul.u32 $0x1340, s17;
	[dreg:$0x7] =	wrdreg s16  }
0xd: {  	s23 =	sor.u32 $0x4, s5;
	s22 =	smul.u32 $0x4D, s20;
	[dreg:$0x8] =	wrdreg s9  }
0xe: {  	s26 =	sor.u32 $0x5, s5;
	s25 =	smul.u32 $0x4D, s23;
	[dreg:$0xb] =	wrdreg s19  }
0xf: {  	s31 =	sor.u32 $0x6, s5;
	s30 =	smul.u32 $0x4D, s26;
	[dreg:$0xe] =	wrdreg s22  }
0x10: {  	s11 =	sor.u32 $0x7, s5;
	s10 =	smul.u32 $0x4D, s31;
	[dreg:$0x11] =	wrdreg s25  }
0x11: {  	s13 =	smul.u32 $0x4D, s11;
	[dreg:$0x14] =	wrdreg s30  }
0x12: {  	[dreg:$0x17] =	wrdreg s10  }
0x13: {  	s6 =	smul.u32 $0x1340, s14;
	s21 =	sadd.s32 s0, s7;
	[dreg:$0x1a] =	wrdreg s13  }
0x14: {  	s14 =	sor.u32 $0x8, s5;
	s7 =	sadd.s32 s2, s7;
	[dreg:$0xc] =	wrdreg s21  }
0x15: {  	s16 =	smul.u32 $0x4D, s14;
	s18 =	sadd.s32 s0, s6;
	[dreg:$0xd] =	wrdreg s7  }
0x16: {  	s6 =	sadd.s32 s2, s6;
	s7 =	smul.u32 $0x1340, s23;
	[dreg:$0x9] =	wrdreg s18  }
0x17: {  	[dreg:$0xa] =	wrdreg s6;
	s6 =	smul.u32 $0x1340, s20  }
0x18: {  	[dreg:$0x1d] =	wrdreg s16;
	s29 =	sadd.s32 s0, s7  }
0x19: {  	s7 =	sadd.s32 s2, s7;
	s24 =	sadd.s32 s0, s6;
	[dreg:$0x12] =	wrdreg s29  }
0x1a: {  	s6 =	sadd.s32 s2, s6;
	[dreg:$0x13] =	wrdreg s7;
	s7 =	smul.u32 $0x1340, s31  }
0x1b: {  	[dreg:$0x10] =	wrdreg s6;
	s6 =	smul.u32 $0x1340, s26  }
0x1c: {  	[dreg:$0xf] =	wrdreg s24;
	s12 =	sadd.s32 s0, s7  }
0x1d: {  	s7 =	sadd.s32 s2, s7;
	s9 =	sadd.s32 s0, s6;
	[dreg:$0x18] =	wrdreg s12  }
0x1e: {  	s6 =	sadd.s32 s2, s6;
	[dreg:$0x19] =	wrdreg s7;
	s7 =	smul.u32 $0x1340, s14  }
0x1f: {  	[dreg:$0x16] =	wrdreg s6;
	s6 =	smul.u32 $0x1340, s11  }
0x20: {  	[dreg:$0x15] =	wrdreg s9;
	s17 =	sadd.s32 s0, s7;
	s7 =	sadd.s32 s2, s7  }
0x21: {  	s15 =	sadd.s32 s0, s6;
	[dreg:$0x1f] =	wrdreg s7;
	s7 =	sor.u32 $0xA, s5  }
0x22: {  	s6 =	sadd.s32 s2, s6;
	[dreg:$0x1e] =	wrdreg s17;
	s10 =	smul.u32 $0x4D, s7  }
0x23: {  	[dreg:$0x1c] =	wrdreg s6;
	s6 =	sor.u32 $0x9, s5;
	s21 =	smul.u32 $0x1340, s7  }
0x24: {  	[dreg:$0x1b] =	wrdreg s15;
	s18 =	smul.u32 $0x4D, s6  }
0x25: {  	s19 =	smul.u32 $0x1340, s6;
	[smem:$0x7A7] =	sst s10;
	s9 =	sadd.s32 s2, s21  }
0x26: {  	s22 =	sadd.s32 s0, s21;
	[smem:$0x7A9] =	sst s9;
	s9 =	sor.u32 $0xC, s5  }
0x27: {  	[smem:$0x7A4] =	sst s18;
	s8 =	sadd.s32 s2, s19;
	s12 =	smul.u32 $0x4D, s9  }
0x28: {  	[smem:$0x7A6] =	sst s8;
	s8 =	sor.u32 $0xB, s5;
	s25 =	smul.u32 $0x1340, s9  }
0x29: {  	s20 =	sadd.s32 s0, s19;
	[smem:$0x7A8] =	sst s22;
	s11 =	smul.u32 $0x4D, s8  }
0x2a: {  	[smem:$0x7A5] =	sst s20;
	s23 =	smul.u32 $0x1340, s8  }
0x2b: {  	[smem:$0x7AD] =	sst s12  }
0x2c: {  	s26 =	sadd.s32 s0, s25;
	[smem:$0x7AA] =	sst s11;
	s10 =	sadd.s32 s2, s23  }
0x2d: {  	s24 =	sadd.s32 s0, s23;
	[smem:$0x7AC] =	sst s10;
	s10 =	sor.u32 $0xD, s5  }
0x2e: {  	[smem:$0x7AE] =	sst s26;
	s11 =	sadd.s32 s2, s25;
	s13 =	smul.u32 $0x4D, s10  }
0x2f: {  	[smem:$0x7AF] =	sst s11;
	s11 =	sor.u32 $0xE, s5;
	s29 =	smul.u32 $0x1340, s10  }
0x30: {  	[smem:$0x7AB] =	sst s24;
	s14 =	smul.u32 $0x4D, s11  }
0x31: {  	[smem:$0x7B0] =	sst s13  }
0x32: {  	s31 =	smul.u32 $0x1340, s11;
	s12 =	sadd.s32 s2, s29;
	[smem:$0x7B3] =	sst s14  }
0x33: {  	[smem:$0x7B2] =	sst s12;
	s12 =	sor.u32 $0xF, s5  }
0x34: {  	s16 =	sadd.s32 s0, s31;
	s13 =	sadd.s32 s2, s31;
	s15 =	smul.u32 $0x4D, s12  }
0x35: {  	[smem:$0x7B5] =	sst s13;
	s13 =	sor.u32 $0x10, s5;
	s17 =	smul.u32 $0x1340, s12  }
0x36: {  	s30 =	sadd.s32 s0, s29;
	[smem:$0x7B4] =	sst s16;
	s16 =	smul.u32 $0x4D, s13  }
0x37: {  	[smem:$0x7B1] =	sst s30;
	s19 =	smul.u32 $0x1340, s13  }
0x38: {  	[smem:$0x7B6] =	sst s15;
	s18 =	sadd.s32 s0, s17;
	s14 =	sadd.s32 s2, s17  }
0x39: {  	[smem:$0x7B9] =	sst s16;
	s20 =	sadd.s32 s0, s19;
	s16 =	sor.u32 $0x12, s5  }
0x3a: {  	s15 =	sadd.s32 s2, s19;
	[smem:$0x7B7] =	sst s18;
	s19 =	smul.u32 $0x4D, s16  }
0x3b: {  	[smem:$0x7B8] =	sst s14;
	s14 =	sor.u32 $0x11, s5;
	s23 =	smul.u32 $0x1340, s16  }
0x3c: {  	[smem:$0x7BA] =	sst s20;
	s17 =	smul.u32 $0x4D, s14  }
0x3d: {  	s18 =	smul.u32 $0x1340, s14;
	[smem:$0x7BF] =	sst s19  }
0x3e: {  	s24 =	sadd.s32 s0, s23;
	s26 =	sadd.s32 s2, s23;
	[smem:$0x7BC] =	sst s17  }
0x3f: {  	s19 =	sor.u32 $0x15, s5;
	s21 =	sadd.s32 s0, s18;
	[smem:$0x7C0] =	sst s24  }
0x40: {  	s17 =	sor.u32 $0x13, s5;
	[smem:$0x7C1] =	sst s26;
	s23 =	smul.u32 $0x4D, s19  }
0x41: {  	s22 =	sadd.s32 s2, s18;
	[smem:$0x7BD] =	sst s21;
	s25 =	smul.u32 $0x4D, s17  }
0x42: {  	s18 =	sor.u32 $0x14, s5;
	[smem:$0x7BE] =	sst s22;
	s20 =	smul.u32 $0x1340, s17  }
0x43: {  	s21 =	smul.u32 $0x4D, s18;
	[smem:$0x7C8] =	sst s23  }
0x44: {  	s31 =	smul.u32 $0x1340, s18;
	[smem:$0x7C2] =	sst s25  }
0x45: {  	s29 =	sadd.s32 s0, s20;
	s30 =	sadd.s32 s2, s20;
	[smem:$0x7C5] =	sst s21  }
0x46: {  	s22 =	sadd.s32 s0, s31;
	s24 =	sadd.s32 s2, s31;
	[smem:$0x7C3] =	sst s29  }
0x47: {  	s20 =	sor.u32 $0x16, s5;
	[smem:$0x7C6] =	sst s22;
	s22 =	smul.u32 $0x1340, s19  }
0x48: {  	s21 =	sor.u32 $0x17, s5;
	[smem:$0x7C4] =	sst s30;
	s23 =	smul.u32 $0x4D, s20  }
0x49: {  	[smem:$0x7C7] =	sst s24;
	s31 =	smul.u32 $0x4D, s21  }
0x4a: {  	[smem:$0x7CB] =	sst s23  }
0x4b: {  	s29 =	smul.u32 $0x1340, s20;
	s25 =	sadd.s32 s0, s22;
	[smem:$0x7CE] =	sst s31  }
0x4c: {  	s26 =	sadd.s32 s2, s22;
	[smem:$0x7C9] =	sst s25  }
0x4d: {  	s24 =	smul.u32 $0x1340, s21;
	s30 =	sadd.s32 s0, s29;
	[smem:$0x7CA] =	sst s26  }
0x4e: {  	s22 =	sadd.s32 s2, s29;
	[smem:$0x7CC] =	sst s30  }
0x4f: {  	s23 =	sadd.s32 s0, s24;
	[smem:$0x7CD] =	sst s22;
	s22 =	sor.u32 $0x18, s5  }
0x50: {  	[smem:$0x7CF] =	sst s23;
	s25 =	smul.u32 $0x4D, s22  }
0x51: {  	s26 =	sadd.s32 s2, s24;
	s23 =	sor.u32 $0x19, s5;
	s29 =	smul.u32 $0x1340, s22  }
0x52: {  	[smem:$0x7D0] =	sst s26;
	s31 =	smul.u32 $0x4D, s23  }
0x53: {  	[smem:$0x7D1] =	sst s25  }
0x54: {  	s26 =	smul.u32 $0x1340, s23;
	s24 =	sadd.s32 s2, s29;
	[smem:$0x7D4] =	sst s31  }
0x55: {  	s30 =	sadd.s32 s0, s29;
	[smem:$0x7D3] =	sst s24;
	s24 =	sor.u32 $0x1A, s5  }
0x56: {  	s29 =	sadd.s32 s0, s26;
	[smem:$0x7D2] =	sst s30;
	s28 =	smul.u32 $0x4D, s24  }
0x57: {  	[smem:$0x7D5] =	sst s29;
	s30 =	sadd.s32 s2, s26;
	s31 =	smul.u32 $0x1340, s24  }
0x58: {  	s25 =	sor.u32 $0x1B, s5;
	[smem:$0x7D6] =	sst s30  }
0x59: {  	[smem:$0x7D7] =	sst s28;
	s29 =	sadd.s32 s0, s31;
	s28 =	smul.u32 $0x4D, s25  }
0x5a: {  	s30 =	sadd.s32 s2, s31;
	[smem:$0x7D8] =	sst s29;
	s29 =	smul.u32 $0x1340, s25  }
0x5b: {  	s26 =	sor.u32 $0x1C, s5;
	[smem:$0x7D9] =	sst s30  }
0x5c: {  	[smem:$0x7DA] =	sst s28;
	s28 =	smul.u32 $0x4D, s26;
	s31 =	sadd.s32 s0, s29  }
0x5d: {  	s30 =	sadd.s32 s2, s29;
	s29 =	smul.u32 $0x1340, s26;
	[smem:$0x7DB] =	sst s31  }
0x5e: {  	[smem:$0x7DC] =	sst s30;
	s30 =	sor.u32 $0x1D, s5  }
0x5f: {  	[smem:$0x7DD] =	sst s28;
	s31 =	sadd.s32 s0, s29;
	s28 =	smul.u32 $0x4D, s30  }
0x60: {  	[smem:$0x7DE] =	sst s31;
	s31 =	sadd.s32 s2, s29;
	s29 =	smul.u32 $0x1340, s30  }
0x61: {  	[smem:$0x7DF] =	sst s31;
	s31 =	sor.u32 $0x1E, s5  }
0x62: {  	[smem:$0x7E0] =	sst s28;
	s5 =	sadd.s32 s0, s29;
	s28 =	smul.u32 $0x1340, s31  }
0x63: {  	s29 =	sadd.s32 s2, s29;
	[smem:$0x7E1] =	sst s5  }
0x64: {  	[smem:$0x7E2] =	sst s29;
	s29 =	sshllo.u32 s1, $0x5;
	s5 =	sadd.s32 s0, s28  }
0x65: {  	[smem:$0x7E4] =	sst s5;
	s5 =	sadd.s32 s2, s28;
	s28 =	smul.u32 $0x1340, s29  }
0x66: {  	_ = 	snop  }
0x67: {  	p0 =	sgt.u32 s6, $0x3E7;
	s0 =	sadd.s32 s0, s28  }
0x68: {  	[smem:$0x7E7] =	sst s0;
	s0 =	simm.s32 @!p0 $0x0  }
0x69: {  	s0 =	simm.s32 @p0 $0x1;
	p0 =	sgt.u32 s9, $0x3E7  }
0x6a: {  	[smem:$0x7EA] =	sst s0;
	s0 =	simm.s32 @!p0 $0x0  }
0x6b: {  	s0 =	simm.s32 @p0 $0x1;
	p0 =	sgt.u32 s10, $0x3E7  }
0x6c: {  	p5 =	seq.s32 s1, $0x1F;
	s1 =	simm.s32 @!p0 $0x0  }
0x6d: {  	s1 =	simm.s32 @p0 $0x1;
	p0 =	sgt.u32 s11, $0x3E7  }
0x6e: {  	[smem:$0x7EC] =	sst s1;
	s1 =	simm.s32 @!p0 $0x0  }
0x6f: {  	s1 =	simm.s32 @p0 $0x1;
	p0 =	sgt.u32 s12, $0x3E7  }
0x70: {  	[smem:$0x7EB] =	sst s0;
	s0 =	simm.s32 @!p0 $0x0  }
0x71: {  	s0 =	simm.s32 @p0 $0x1;
	p0 =	sgt.u32 s13, $0x3E7  }
0x72: {  	[smem:$0x7EE] =	sst s0;
	s0 =	simm.s32 @!p0 $0x0  }
0x73: {  	s0 =	simm.s32 @p0 $0x1;
	p0 =	sgt.u32 s14, $0x3E7  }
0x74: {  	[smem:$0x7EF] =	sst s0;
	s0 =	simm.s32 @!p0 $0x0  }
0x75: {  	s0 =	simm.s32 @p0 $0x1;
	p0 =	sgt.u32 s16, $0x3E7  }
0x76: {  	[smem:$0x7F0] =	sst s0;
	s0 =	simm.s32 @!p0 $0x0  }
0x77: {  	s0 =	simm.s32 @p0 $0x1;
	p0 =	sgt.u32 s18, $0x3E7  }
0x78: {  	[smem:$0x7F1] =	sst s0;
	s0 =	simm.s32 @!p0 $0x0  }
0x79: {  	s0 =	simm.s32 @p0 $0x1;
	p0 =	sgt.u32 s19, $0x3E7  }
0x7a: {  	[smem:$0x7F2] =	sst s0;
	s0 =	simm.s32 @!p0 $0x0  }
0x7b: {  	[smem:$0x7BB] =	sst s15;
	s0 =	simm.s32 @p0 $0x1;
	p0 =	sgt.u32 s20, $0x3E7  }
0x7c: {  	[smem:$0x7F3] =	sst s0;
	s0 =	simm.s32 @!p0 $0x0  }
0x7d: {  	s15 =	smul.u32 $0x4D, s31;
	s0 =	simm.s32 @p0 $0x1;
	p0 =	sgt.u32 s21, $0x3E7  }
0x7e: {  	p1 =	sgt.u32 s23, $0x3E7;
	[smem:$0x7F4] =	sst s0;
	s0 =	simm.s32 @!p0 $0x0  }
0x7f: {  	[smem:$0x7E3] =	sst s15;
	s15 =	smul.u32 $0x4D, s29;
	s0 =	simm.s32 @p0 $0x1  }
0x80: {  	s4 =	ssub.s32 $0x2, s4;
	[smem:$0x7F5] =	sst s0;
	s0 =	simm.s32 @!p1 $0x0  }
0x81: {  	[smem:$0x7E6] =	sst s15;
	s0 =	simm.s32 @p1 $0x1;
	p1 =	sgt.u32 s24, $0x3E7  }
0x82: {  	s15 =	sshrl.u32 s4, $0x1;
	[smem:$0x7F6] =	sst s0;
	s0 =	simm.s32 @!p1 $0x0  }
0x83: {  	s4 =	ssub.s32 s4, s15;
	s0 =	simm.s32 @p1 $0x1;
	p1 =	sgt.u32 s25, $0x3E7  }
0x84: {  	s15 =	sadd.s32 s2, s28;
	[smem:$0x7F7] =	sst s0;
	s0 =	simm.s32 @!p1 $0x0  }
0x85: {  	[smem:$0x7E8] =	sst s15;
	s0 =	simm.s32 @p1 $0x1;
	p1 =	sgt.u32 s26, $0x3E7  }
0x86: {  	[smem:$0x7F8] =	sst s0;
	s0 =	simm.s32 @!p1 $0x0  }
0x87: {  	s15 =	smax.u32 s4, $0x1;
	s0 =	simm.s32 @p1 $0x1;
	p1 =	sgt.u32 s30, $0x3E7  }
0x88: {  	s28 =	sadd.s32 $0xFFFFFFFF, s15;
	[smem:$0x7F9] =	sst s0;
	s0 =	simm.s32 @!p1 $0x0  }
0x89: {  	s0 =	simm.s32 @p1 $0x1;
	p1 =	sne.s32 s28, $0x0  }
0x8a: {  	[smem:$0x7FA] =	sst s0;
	s0 =	simm.s32 @!p1 $0x0  }
0x8b: {  	p3 =	sgt.u32 s7, $0x3E7;
	s0 =	simm.s32 @p1 $0x1  }
0x8c: {  	p0 =	por p3, p3;
	p3 =	sgt.u32 s31, $0x3E7;
	[smem:$0x7FD] =	sst s0  }
0x8d: {  	s0 =	simm.s32 @!p3 $0x0;
	s31 =	sld [smem:$0x7FD]  }
0x8e: {  	s0 =	simm.s32 @p3 $0x1;
	p3 =	sgt.u32 s29, $0x3E7  }
0x8f: {  	[smem:$0x7FB] =	sst s0;
	s0 =	simm.s32 @!p3 $0x0  }
0x90: {  	s0 =	simm.s32 @p3 $0x1;
	p3 =	seq.s32 s31, $0x1  }
.Ltmp0:
0x91: {  	_ = 	snop;
	(pc) =	sbr.rel @!p3 .LBB2_5-.Ltmp0, $4  }
0x92: {  	[smem:$0x7E5] =	sst s5;
	s5 =	simm.s32 $0x2000  }
0x93: {  	p6 =	sgt.u32 s8, $0x3E7;
	p2 =	sgt.u32 s17, $0x3E7;
	[smem:$0x7E9] =	sst s5  }
0x94: {  	p4 =	sgt.u32 s22, $0x3E7;
	s5 =	simm.s32 $0x2020;
	[smem:$0x7ED] =	sst s1  }
0x95: {  	s4 =	simm.s32 $0x1;
	p1 =	por $0x0, $0x0;
	[smem:$0x7FC] =	sst s0  }
0x96: {  	s0 =	rddreg [dreg:$0x3]  }
0x97: {  	[tilespmem:s3], [sflag:$0x1] =	stream.linear.gather [hbm4b:s0+s3], $0x2000, $0x38;
	[tilespmem:$0xBA20] =	vst v63  }
0x98: {  	_ =	swait.ge [sflag:s4], $0x2000  }
0x99: {  	s1 =	sld [smem:$0x7E9]  }
0x9a: {  	[sflag:s4] =	ssyncset.done $0x0  }
0x9b: {  	s9 =	rddreg [dreg:$0x4];
	[sflag:s4] =	ssyncadd.s32 $0xFFFFE000  }
0x9c: {  	[tilespmem:s1], [sflag:$0x1] =	stream.linear.gather [hbm4b:s9+s3], $0x20, $0x38;
	[tilespmem:$0xBA20] =	vst v63  }
0x9d: {  	_ =	swait.ge [sflag:s4], $0x20  }
0x9e: {  	[sflag:s4] =	ssyncset.done $0x0  }
0x9f: {  	[sflag:s4] =	ssyncadd.s32 $0xFFFFFFE0  }
0xa0: {  	v1 =	vld [tilespmem:$0x2000];
	_ =	sdelay $0x1  }
0xa1: {  	s10 =	rddreg [dreg:$0x6]  }
0xa2: {  	v0 =	vld [tilespmem:$0x2010];
	[tilespmem:s5], [sflag:$0x1] =	stream.linear.gather [hbm4b:s10+s3], $0x9A00, $0x38  }
0xa3: {  	_ =	swait.ge [sflag:s4], $0x9A00  }
0xa4: {  	(v2sf) =	vpush v1, $0x0;
	_ =	sdelay $0xa  }
0xa5: {  	[sflag:s4] =	ssyncset.done $0x0  }
0xa6: {  	s11 =	rddreg [dreg:$0x7];
	[sflag:s4] =	ssyncadd.s32 $0xFFFF6600  }
0xa7: {  	[hbm4b:s11+s3] =	stream.linear.scatter [tilespmem:s5], [sflag:$0x1], $0x9A00, $0x38;
	[tilespmem:$0xBA20] =	vst v63  }
0xa8: {  	_ =	swait.ge [sflag:s4], $0x9A00  }
0xa9: {  	s12 =	rddreg [dreg:$0x5];
	s13 =	spop (v2sf);
	(v2sf) =	vpush v1, $0x1  }
0xaa: {  	s0 =	sadd.s32 s12, s13  }
0xab: {  	s0 =	sshll.u32 s0, $0x6  }
0xac: {  	[sflag:s4] =	ssyncset.done $0x0;
	s0 =	sand.u32 $0x1FFFFFC0, s0  }
0xad: {  	[sflag:s4] =	ssyncadd.s32 $0xFFFF6600;
	s0 =	sadd.s32 s2, s0  }
0xae: {  	[hbm4b:s0+s3] =	stream.linear.scatter [tilespmem:s3], [sflag:$0x1], $0x2000, $0x38;
	[tilespmem:$0xBA20] =	vst v63  }
0xaf: {  	_ =	swait.ge [sflag:s4], $0x2000  }
0xb0: {  	[sflag:s4] =	ssyncset.done $0x0  }
0xb1: {  	s14 =	rddreg [dreg:$0x9];
	[sflag:s4] =	ssyncadd.s32 $0xFFFFE000  }
0xb2: {  	[tilespmem:s5], [sflag:$0x1] =	stream.linear.gather [hbm4b:s14+s3], $0x9A00, $0x38;
	[tilespmem:$0xBA20] =	vst v63  }
0xb3: {  	_ =	swait.ge [sflag:s4], $0x9A00  }
0xb4: {  	[sflag:s4] =	ssyncset.done $0x0  }
0xb5: {  	s15 =	rddreg [dreg:$0xa];
	[sflag:s4] =	ssyncadd.s32 $0xFFFF6600  }
0xb6: {  	[hbm4b:s15+s3] =	stream.linear.scatter [tilespmem:s5], [sflag:$0x1], $0x9A00, $0x38;
	[tilespmem:$0xBA20] =	vst v63  }
0xb7: {  	_ =	swait.ge [sflag:s4], $0x9A00  }
0xb8: {  	s16 =	rddreg [dreg:$0x8];
	s17 =	spop (v2sf);
	(v2sf) =	vpush v1, $0x2  }
0xb9: {  	s0 =	sadd.s32 s16, s17  }
0xba: {  	s0 =	sshll.u32 s0, $0x6  }
0xbb: {  	[sflag:s4] =	ssyncset.done $0x0;
	s0 =	sand.u32 $0x1FFFFFC0, s0  }
0xbc: {  	[sflag:s4] =	ssyncadd.s32 $0xFFFF6600;
	s0 =	sadd.s32 s2, s0  }
0xbd: {  	[hbm4b:s0+s3] =	stream.linear.scatter [tilespmem:s3], [sflag:$0x1], $0x2000, $0x38;
	[tilespmem:$0xBA20] =	vst v63  }
0xbe: {  	_ =	swait.ge [sflag:s4], $0x2000  }
0xbf: {  	[sflag:s4] =	ssyncset.done $0x0  }
0xc0: {  	s18 =	rddreg [dreg:$0xc];
	[sflag:s4] =	ssyncadd.s32 $0xFFFFE000  }
0xc1: {  	[tilespmem:s5], [sflag:$0x1] =	stream.linear.gather [hbm4b:s18+s3], $0x9A00, $0x38;
	[tilespmem:$0xBA20] =	vst v63  }
0xc2: {  	_ =	swait.ge [sflag:s4], $0x9A00  }
0xc3: {  	[sflag:s4] =	ssyncset.done $0x0  }
0xc4: {  	s19 =	rddreg [dreg:$0xd];
	[sflag:s4] =	ssyncadd.s32 $0xFFFF6600  }
0xc5: {  	[hbm4b:s19+s3] =	stream.linear.scatter [tilespmem:s5], [sflag:$0x1], $0x9A00, $0x38;
	[tilespmem:$0xBA20] =	vst v63  }
0xc6: {  	_ =	swait.ge [sflag:s4], $0x9A00  }
0xc7: {  	s20 =	rddreg [dreg:$0xb];
	s21 =	spop (v2sf);
	(v2sf) =	vpush v1, $0x3  }
0xc8: {  	s0 =	sadd.s32 s20, s21  }
0xc9: {  	s0 =	sshll.u32 s0, $0x6  }
0xca: {  	[sflag:s4] =	ssyncset.done $0x0;
	s0 =	sand.u32 $0x1FFFFFC0, s0  }
0xcb: {  	[sflag:s4] =	ssyncadd.s32 $0xFFFF6600;
	s0 =	sadd.s32 s2, s0  }
0xcc: {  	[hbm4b:s0+s3] =	stream.linear.scatter [tilespmem:s3], [sflag:$0x1], $0x2000, $0x38;
	[tilespmem:$0xBA20] =	vst v63  }
0xcd: {  	_ =	swait.ge [sflag:s4], $0x2000  }
0xce: {  	[sflag:s4] =	ssyncset.done $0x0  }
0xcf: {  	s22 =	rddreg [dreg:$0xf];
	[sflag:s4] =	ssyncadd.s32 $0xFFFFE000  }
0xd0: {  	[tilespmem:s5], [sflag:$0x1] =	stream.linear.gather [hbm4b:s22+s3], $0x9A00, $0x38;
	[tilespmem:$0xBA20] =	vst v63  }
0xd1: {  	_ =	swait.ge [sflag:s4], $0x9A00  }
0xd2: {  	[sflag:s4] =	ssyncset.done $0x0  }
0xd3: {  	s23 =	rddreg [dreg:$0x10];
	[sflag:s4] =	ssyncadd.s32 $0xFFFF6600  }
0xd4: {  	[hbm4b:s23+s3] =	stream.linear.scatter [tilespmem:s5], [sflag:$0x1], $0x9A00, $0x38;
	[tilespmem:$0xBA20] =	vst v63  }
0xd5: {  	_ =	swait.ge [sflag:s4], $0x9A00  }
0xd6: {  	s24 =	rddreg [dreg:$0xe];
	s25 =	spop (v2sf);
	(v2sf) =	vpush v1, $0x4  }
0xd7: {  	s0 =	sadd.s32 s24, s25  }
0xd8: {  	s0 =	sshll.u32 s0, $0x6  }
0xd9: {  	[sflag:s4] =	ssyncset.done $0x0;
	s0 =	sand.u32 $0x1FFFFFC0, s0  }
0xda: {  	[sflag:s4] =	ssyncadd.s32 $0xFFFF6600;
	s0 =	sadd.s32 s2, s0  }
0xdb: {  	[hbm4b:s0+s3] =	stream.linear.scatter [tilespmem:s3], [sflag:$0x1], $0x2000, $0x38;
	[tilespmem:$0xBA20] =	vst v63  }
0xdc: {  	_ =	swait.ge [sflag:s4], $0x2000  }
0xdd: {  	[sflag:s4] =	ssyncset.done $0x0  }
0xde: {  	s26 =	rddreg [dreg:$0x12];
	[sflag:s4] =	ssyncadd.s32 $0xFFFFE000  }
0xdf: {  	[tilespmem:s5], [sflag:$0x1] =	stream.linear.gather [hbm4b:s26+s3], $0x9A00, $0x38;
	[tilespmem:$0xBA20] =	vst v63  }
0xe0: {  	_ =	swait.ge [sflag:s4], $0x9A00  }
0xe1: {  	[sflag:s4] =	ssyncset.done $0x0  }
0xe2: {  	s1 =	rddreg [dreg:$0x13];
	[sflag:s4] =	ssyncadd.s32 $0xFFFF6600  }
0xe3: {  	[hbm4b:s1+s3] =	stream.linear.scatter [tilespmem:s5], [sflag:$0x1], $0x9A00, $0x38;
	[tilespmem:$0xBA20] =	vst v63  }
0xe4: {  	_ =	swait.ge [sflag:s4], $0x9A00  }
0xe5: {  	s6 =	rddreg [dreg:$0x11];
	s7 =	spop (v2sf);
	(v2sf) =	vpush v1, $0x5  }
0xe6: {  	s0 =	sadd.s32 s6, s7  }
0xe7: {  	s0 =	sshll.u32 s0, $0x6  }
0xe8: {  	[sflag:s4] =	ssyncset.done $0x0;
	s0 =	sand.u32 $0x1FFFFFC0, s0  }
0xe9: {  	[sflag:s4] =	ssyncadd.s32 $0xFFFF6600;
	s0 =	sadd.s32 s2, s0  }
0xea: {  	[hbm4b:s0+s3] =	stream.linear.scatter [tilespmem:s3], [sflag:$0x1], $0x2000, $0x38;
	[tilespmem:$0xBA20] =	vst v63  }
0xeb: {  	_ =	swait.ge [sflag:s4], $0x2000  }
0xec: {  	[sflag:s4] =	ssyncset.done $0x0  }
0xed: {  	s8 =	rddreg [dreg:$0x15];
	[sflag:s4] =	ssyncadd.s32 $0xFFFFE000  }
0xee: {  	[tilespmem:s5], [sflag:$0x1] =	stream.linear.gather [hbm4b:s8+s3], $0x9A00, $0x38;
	[tilespmem:$0xBA20] =	vst v63  }
0xef: {  	_ =	swait.ge [sflag:s4], $0x9A00  }
0xf0: {  	[sflag:s4] =	ssyncset.done $0x0  }
0xf1: {  	s9 =	rddreg [dreg:$0x16];
	[sflag:s4] =	ssyncadd.s32 $0xFFFF6600  }
0xf2: {  	[hbm4b:s9+s3] =	stream.linear.scatter [tilespmem:s5], [sflag:$0x1], $0x9A00, $0x38;
	[tilespmem:$0xBA20] =	vst v63  }
0xf3: {  	_ =	swait.ge [sflag:s4], $0x9A00  }
0xf4: {  	s10 =	rddreg [dreg:$0x14];
	s11 =	spop (v2sf);
	(v2sf) =	vpush v1, $0x6  }
0xf5: {  	s0 =	sadd.s32 s10, s11  }
0xf6: {  	s0 =	sshll.u32 s0, $0x6  }
0xf7: {  	[sflag:s4] =	ssyncset.done $0x0;
	s0 =	sand.u32 $0x1FFFFFC0, s0  }
0xf8: {  	[sflag:s4] =	ssyncadd.s32 $0xFFFF6600;
	s0 =	sadd.s32 s2, s0  }
0xf9: {  	[hbm4b:s0+s3] =	stream.linear.scatter [tilespmem:s3], [sflag:$0x1], $0x2000, $0x38;
	[tilespmem:$0xBA20] =	vst v63  }
0xfa: {  	_ =	swait.ge [sflag:s4], $0x2000  }
0xfb: {  	[sflag:s4] =	ssyncset.done $0x0  }
0xfc: {  	s12 =	rddreg [dreg:$0x18];
	[sflag:s4] =	ssyncadd.s32 $0xFFFFE000  }
0xfd: {  	[tilespmem:s5], [sflag:$0x1] =	stream.linear.gather [hbm4b:s12+s3], $0x9A00, $0x38;
	[tilespmem:$0xBA20] =	vst v63  }
0xfe: {  	_ =	swait.ge [sflag:s4], $0x9A00  }
0xff: {  	[sflag:s4] =	ssyncset.done $0x0  }
0x100: {  	s13 =	rddreg [dreg:$0x19];
	[sflag:s4] =	ssyncadd.s32 $0xFFFF6600  }
0x101: {  	[hbm4b:s13+s3] =	stream.linear.scatter [tilespmem:s5], [sflag:$0x1], $0x9A00, $0x38;
	[tilespmem:$0xBA20] =	vst v63  }
0x102: {  	_ =	swait.ge [sflag:s4], $0x9A00  }
0x103: {  	s14 =	rddreg [dreg:$0x17];
	s15 =	spop (v2sf);
	(v2sf) =	vpush v1, $0x7  }
0x104: {  	s0 =	sadd.s32 s14, s15  }
0x105: {  	s0 =	sshll.u32 s0, $0x6  }
0x106: {  	[sflag:s4] =	ssyncset.done $0x0;
	s0 =	sand.u32 $0x1FFFFFC0, s0  }
0x107: {  	[sflag:s4] =	ssyncadd.s32 $0xFFFF6600;
	s0 =	sadd.s32 s2, s0  }
0x108: {  	[hbm4b:s0+s3] =	stream.linear.scatter [tilespmem:s3], [sflag:$0x1], $0x2000, $0x38;
	[tilespmem:$0xBA20] =	vst v63  }
0x109: {  	_ =	swait.ge [sflag:s4], $0x2000  }
0x10a: {  	[sflag:s4] =	ssyncset.done $0x0  }
0x10b: {  	s16 =	rddreg [dreg:$0x1b];
	[sflag:s4] =	ssyncadd.s32 $0xFFFFE000  }
0x10c: {  	[tilespmem:s5], [sflag:$0x1] =	stream.linear.gather [hbm4b:s16+s3], $0x9A00, $0x38;
	[tilespmem:$0xBA20] =	vst v63  }
0x10d: {  	_ =	swait.ge [sflag:s4], $0x9A00  }
0x10e: {  	[sflag:s4] =	ssyncset.done $0x0  }
0x10f: {  	s17 =	rddreg [dreg:$0x1c];
	[sflag:s4] =	ssyncadd.s32 $0xFFFF6600  }
0x110: {  	[hbm4b:s17+s3] =	stream.linear.scatter [tilespmem:s5], [sflag:$0x1], $0x9A00, $0x38;
	[tilespmem:$0xBA20] =	vst v63  }
0x111: {  	_ =	swait.ge [sflag:s4], $0x9A00  }
0x112: {  	s18 =	rddreg [dreg:$0x1a];
	s19 =	spop (v2sf)  }
0x113: {  	(v2sf) =	vpush @!p5 v1, $0x8;
	s0 =	sadd.s32 s18, s19  }
0x114: {  	s0 =	sshll.u32 s0, $0x6  }
0x115: {  	[sflag:s4] =	ssyncset.done $0x0;
	s0 =	sand.u32 $0x1FFFFFC0, s0  }
0x116: {  	[sflag:s4] =	ssyncadd.s32 $0xFFFF6600;
	s0 =	sadd.s32 s2, s0  }
0x117: {  	[hbm4b:s0+s3] =	stream.linear.scatter [tilespmem:s3], [sflag:$0x1], $0x2000, $0x38;
	[tilespmem:$0xBA20] =	vst v63  }
0x118: {  	_ =	swait.ge [sflag:s4], $0x2000  }
0x119: {  	s6 =	simm.s32 @!p5 $0x0;
	s7 =	simm.s32 @!p5 $0x2020;
	[sflag:s4] =	ssyncset.done $0x0  }
0x11a: {  	s8 =	simm.s32 @!p5 $0x1;
	s0 =	rddreg [dreg:$0x1e];
	[sflag:s4] =	ssyncadd.s32 $0xFFFFE000  }
0x11b: {  	[tilespmem:s7], [sflag:$0x1] =	stream.linear.gather @!p5 [hbm4b:s0+s6], $0x9A00, $0x38;
	[tilespmem:$0xBA20] =	vst v63  }
0x11c: {  	_ =	swait.ge @!p5 [sflag:s8], $0x9A00  }
0x11d: {  	s1 =	simm.s32 @!p5 $0x2020;
	s0 =	rddreg [dreg:$0x1f];
	[sflag:s8] =	ssyncset.done @!p5 $0x0  }
0x11e: {  	[smem:$0x76D] =	sst s1;
	[sflag:s8] =	ssyncadd.s32 @!p5 $0xFFFF6600  }
0x11f: {  	[hbm4b:s0+s6] =	stream.linear.scatter @!p5 [tilespmem:s7], [sflag:$0x1], $0x9A00, $0x38;
	[tilespmem:$0xBA20] =	vst v63  }
0x120: {  	_ =	swait.ge @!p5 [sflag:s8], $0x9A00  }
0x121: {  	s0 =	rddreg [dreg:$0x1d]  }
0x122: {  	s1 =	spop @!p5 (v2sf);
	s20 =	sld [smem:$0x7EA]  }
0x123: {  	s0 =	sadd.s32 @!p5 s0, s1  }
0x124: {  	[sflag:s8] =	ssyncset.done @!p5 $0x0;
	s0 =	sshll.u32 @!p5 s0, $0x6  }
0x125: {  	s1 =	simm.s32 @!p5 $0x0;
	s0 =	sand.u32 @!p5 $0x1FFFFFC0, s0;
	p3 =	seq.s32 s20, $0x1  }
0x126: {  	[sflag:s8] =	ssyncadd.s32 @!p5 $0xFFFF6600;
	[smem:$0x76E] =	sst s1;
	(v2sf) =	vpush @!p3 v1, $0x9;
	s0 =	sadd.s32 @!p5 s2, s0  }
0x127: {  	[hbm4b:s0+s6] =	stream.linear.scatter @!p5 [tilespmem:s6], [sflag:$0x1], $0x2000, $0x38;
	[tilespmem:$0xBA20] =	vst v63  }
0x128: {  	_ =	swait.ge @!p5 [sflag:s8], $0x2000  }
0x129: {  	s1 =	simm.s32 @!p5 $0x1;
	s0 =	sld [smem:$0x7A5]  }
0x12a: {  	s7 =	simm.s32 @!p3 $0x2020;
	s6 =	simm.s32 @!p3 $0x0;
	[sflag:s8] =	ssyncset.done @!p5 $0x0  }
0x12b: {  	[smem:$0x76F] =	sst s1;
	[sflag:s8] =	ssyncadd.s32 @!p5 $0xFFFFE000;
	s8 =	simm.s32 @!p3 $0x1  }
0x12c: {  	[tilespmem:s7], [sflag:$0x1] =	stream.linear.gather @!p3 [hbm4b:s0+s6], $0x9A00, $0x38;
	[tilespmem:$0xBA20] =	vst v63  }
0x12d: {  	_ =	swait.ge @!p3 [sflag:s8], $0x9A00  }
0x12e: {  	s0 =	sld [smem:$0x7A6]  }
0x12f: {  	s1 =	simm.s32 @!p3 $0x2020;
	[sflag:s8] =	ssyncset.done @!p3 $0x0  }
0x130: {  	[smem:$0x770] =	sst s1;
	[sflag:s8] =	ssyncadd.s32 @!p3 $0xFFFF6600  }
0x131: {  	[hbm4b:s0+s6] =	stream.linear.scatter @!p3 [tilespmem:s7], [sflag:$0x1], $0x9A00, $0x38;
	[tilespmem:$0xBA20] =	vst v63  }
0x132: {  	_ =	swait.ge @!p3 [sflag:s8], $0x9A00  }
0x133: {  	s0 =	sld [smem:$0x7A4];
	_ =	sdelay $0x1  }
0x134: {  	s1 =	spop @!p3 (v2sf)  }
0x135: {  	s0 =	sadd.s32 @!p3 s0, s1  }
0x136: {  	s0 =	sshll.u32 @!p3 s0, $0x6  }
0x137: {  	[sflag:s8] =	ssyncset.done @!p3 $0x0;
	s1 =	simm.s32 @!p3 $0x0;
	s0 =	sand.u32 @!p3 $0x1FFFFFC0, s0  }
0x138: {  	[sflag:s8] =	ssyncadd.s32 @!p3 $0xFFFF6600;
	(v2sf) =	vpush @!p0 v1, $0xA;
	[smem:$0x771] =	sst s1;
	s0 =	sadd.s32 @!p3 s2, s0  }
0x139: {  	[hbm4b:s0+s6] =	stream.linear.scatter @!p3 [tilespmem:s6], [sflag:$0x1], $0x2000, $0x38;
	[tilespmem:$0xBA20] =	vst v63  }
0x13a: {  	_ =	swait.ge @!p3 [sflag:s8], $0x2000  }
0x13b: {  	s0 =	sld [smem:$0x7A8]  }
0x13c: {  	s7 =	simm.s32 @!p0 $0x2020;
	s6 =	simm.s32 @!p0 $0x0;
	[sflag:s8] =	ssyncset.done @!p3 $0x0  }
0x13d: {  	[smem:$0x772] =	sst s8;
	[sflag:s8] =	ssyncadd.s32 @!p3 $0xFFFFE000;
	s8 =	simm.s32 @!p0 $0x1  }
0x13e: {  	[tilespmem:s7], [sflag:$0x1] =	stream.linear.gather @!p0 [hbm4b:s0+s6], $0x9A00, $0x38;
	[tilespmem:$0xBA20] =	vst v63  }
0x13f: {  	_ =	swait.ge @!p0 [sflag:s8], $0x9A00  }
0x140: {  	s0 =	sld [smem:$0x7A9]  }
0x141: {  	s1 =	simm.s32 @!p0 $0x2020;
	[sflag:s8] =	ssyncset.done @!p0 $0x0  }
0x142: {  	[smem:$0x773] =	sst s1;
	[sflag:s8] =	ssyncadd.s32 @!p0 $0xFFFF6600  }
0x143: {  	[hbm4b:s0+s6] =	stream.linear.scatter @!p0 [tilespmem:s7], [sflag:$0x1], $0x9A00, $0x38;
	[tilespmem:$0xBA20] =	vst v63  }
0x144: {  	_ =	swait.ge @!p0 [sflag:s8], $0x9A00  }
0x145: {  	s0 =	sld [smem:$0x7A7];
	_ =	sdelay $0x1  }
0x146: {  	s1 =	spop @!p0 (v2sf)  }
0x147: {  	s0 =	sadd.s32 @!p0 s0, s1  }
0x148: {  	s0 =	sshll.u32 @!p0 s0, $0x6  }
0x149: {  	[sflag:s8] =	ssyncset.done @!p0 $0x0;
	s1 =	simm.s32 @!p0 $0x0;
	s0 =	sand.u32 @!p0 $0x1FFFFFC0, s0  }
0x14a: {  	(v2sf) =	vpush @!p6 v1, $0xB;
	[sflag:s8] =	ssyncadd.s32 @!p0 $0xFFFF6600;
	[smem:$0x774] =	sst s1;
	s0 =	sadd.s32 @!p0 s2, s0  }
0x14b: {  	[hbm4b:s0+s6] =	stream.linear.scatter @!p0 [tilespmem:s6], [sflag:$0x1], $0x2000, $0x38;
	[tilespmem:$0xBA20] =	vst v63  }
0x14c: {  	_ =	swait.ge @!p0 [sflag:s8], $0x2000  }
0x14d: {  	s7 =	simm.s32 @!p6 $0x2020;
	s0 =	sld [smem:$0x7AB]  }
0x14e: {  	s1 =	simm.s32 @!p0 $0x1;
	s6 =	simm.s32 @!p6 $0x0;
	[sflag:s8] =	ssyncset.done @!p0 $0x0  }
0x14f: {  	[smem:$0x775] =	sst s1;
	[sflag:s8] =	ssyncadd.s32 @!p0 $0xFFFFE000;
	s8 =	simm.s32 @!p6 $0x1  }
0x150: {  	[tilespmem:s7], [sflag:$0x1] =	stream.linear.gather @!p6 [hbm4b:s0+s6], $0x9A00, $0x38;
	[tilespmem:$0xBA20] =	vst v63  }
0x151: {  	_ =	swait.ge @!p6 [sflag:s8], $0x9A00  }
0x152: {  	s0 =	sld [smem:$0x7AC]  }
0x153: {  	s1 =	simm.s32 @!p6 $0x2020;
	[sflag:s8] =	ssyncset.done @!p6 $0x0  }
0x154: {  	[smem:$0x776] =	sst s1;
	[sflag:s8] =	ssyncadd.s32 @!p6 $0xFFFF6600  }
0x155: {  	[hbm4b:s0+s6] =	stream.linear.scatter @!p6 [tilespmem:s7], [sflag:$0x1], $0x9A00, $0x38;
	[tilespmem:$0xBA20] =	vst v63  }
0x156: {  	_ =	swait.ge @!p6 [sflag:s8], $0x9A00  }
0x157: {  	s0 =	sld [smem:$0x7AA];
	_ =	sdelay $0x1  }
0x158: {  	s1 =	spop @!p6 (v2sf);
	s21 =	sld [smem:$0x7EB]  }
0x159: {  	s0 =	sadd.s32 @!p6 s0, s1  }
0x15a: {  	[sflag:s8] =	ssyncset.done @!p6 $0x0;
	s0 =	sshll.u32 @!p6 s0, $0x6  }
0x15b: {  	p3 =	seq.s32 s21, $0x1;
	s1 =	simm.s32 @!p6 $0x0;
	s0 =	sand.u32 @!p6 $0x1FFFFFC0, s0  }
0x15c: {  	[sflag:s8] =	ssyncadd.s32 @!p6 $0xFFFF6600;
	(v2sf) =	vpush @!p3 v1, $0xC;
	[smem:$0x777] =	sst s1;
	s0 =	sadd.s32 @!p6 s2, s0  }
0x15d: {  	[hbm4b:s0+s6] =	stream.linear.scatter @!p6 [tilespmem:s6], [sflag:$0x1], $0x2000, $0x38;
	[tilespmem:$0xBA20] =	vst v63  }
0x15e: {  	_ =	swait.ge @!p6 [sflag:s8], $0x2000  }
0x15f: {  	s1 =	simm.s32 @!p6 $0x1;
	s0 =	sld [smem:$0x7AE]  }
0x160: {  	s7 =	simm.s32 @!p3 $0x2020;
	s6 =	simm.s32 @!p3 $0x0;
	[sflag:s8] =	ssyncset.done @!p6 $0x0  }
0x161: {  	[smem:$0x778] =	sst s1;
	[sflag:s8] =	ssyncadd.s32 @!p6 $0xFFFFE000;
	s8 =	simm.s32 @!p3 $0x1  }
0x162: {  	[tilespmem:s7], [sflag:$0x1] =	stream.linear.gather @!p3 [hbm4b:s0+s6], $0x9A00, $0x38;
	[tilespmem:$0xBA20] =	vst v63  }
0x163: {  	_ =	swait.ge @!p3 [sflag:s8], $0x9A00  }
0x164: {  	s0 =	sld [smem:$0x7AF]  }
0x165: {  	s1 =	simm.s32 @!p3 $0x2020;
	[sflag:s8] =	ssyncset.done @!p3 $0x0  }
0x166: {  	[smem:$0x779] =	sst s1;
	[sflag:s8] =	ssyncadd.s32 @!p3 $0xFFFF6600  }
0x167: {  	[hbm4b:s0+s6] =	stream.linear.scatter @!p3 [tilespmem:s7], [sflag:$0x1], $0x9A00, $0x38;
	[tilespmem:$0xBA20] =	vst v63  }
0x168: {  	_ =	swait.ge @!p3 [sflag:s8], $0x9A00  }
0x169: {  	s0 =	sld [smem:$0x7AD]  }
0x16a: {  	s22 =	sld [smem:$0x7EC]  }
0x16b: {  	s1 =	spop @!p3 (v2sf)  }
0x16c: {  	[sflag:s8] =	ssyncset.done @!p3 $0x0;
	s0 =	sadd.s32 @!p3 s0, s1;
	s1 =	simm.s32 @!p0 $0x0  }
0x16d: {  	s0 =	sshll.u32 @!p3 s0, $0x6;
	s1 =	simm.s32 @p0 $0x1;
	p0 =	seq.s32 s22, $0x1  }
0x16e: {  	s0 =	sand.u32 @!p3 $0x1FFFFFC0, s0;
	[smem:$0x77A] =	sst s1;
	s1 =	simm.s32 @!p3 $0x0  }
0x16f: {  	[sflag:s8] =	ssyncadd.s32 @!p3 $0xFFFF6600;
	(v2sf) =	vpush @!p0 v1, $0xD;
	s0 =	sadd.s32 @!p3 s2, s0;
	[smem:$0x77B] =	sst s1  }
0x170: {  	[hbm4b:s0+s6] =	stream.linear.scatter @!p3 [tilespmem:s6], [sflag:$0x1], $0x2000, $0x38;
	[tilespmem:$0xBA20] =	vst v63  }
0x171: {  	_ =	swait.ge @!p3 [sflag:s8], $0x2000  }
0x172: {  	s0 =	sld [smem:$0x7B1]  }
0x173: {  	s7 =	simm.s32 @!p0 $0x2020;
	s6 =	simm.s32 @!p0 $0x0;
	[sflag:s8] =	ssyncset.done @!p3 $0x0  }
0x174: {  	[smem:$0x77C] =	sst s8;
	[sflag:s8] =	ssyncadd.s32 @!p3 $0xFFFFE000;
	s8 =	simm.s32 @!p0 $0x1  }
0x175: {  	[tilespmem:s7], [sflag:$0x1] =	stream.linear.gather @!p0 [hbm4b:s0+s6], $0x9A00, $0x38;
	[tilespmem:$0xBA20] =	vst v63  }
0x176: {  	_ =	swait.ge @!p0 [sflag:s8], $0x9A00  }
0x177: {  	s0 =	sld [smem:$0x7B2]  }
0x178: {  	s1 =	simm.s32 @!p0 $0x2020;
	[sflag:s8] =	ssyncset.done @!p0 $0x0  }
0x179: {  	[smem:$0x77D] =	sst s1;
	[sflag:s8] =	ssyncadd.s32 @!p0 $0xFFFF6600  }
0x17a: {  	[hbm4b:s0+s6] =	stream.linear.scatter @!p0 [tilespmem:s7], [sflag:$0x1], $0x9A00, $0x38;
	[tilespmem:$0xBA20] =	vst v63  }
0x17b: {  	_ =	swait.ge @!p0 [sflag:s8], $0x9A00  }
0x17c: {  	s0 =	sld [smem:$0x7B0]  }
0x17d: {  	s23 =	sld [smem:$0x7ED]  }
0x17e: {  	s1 =	spop @!p0 (v2sf)  }
0x17f: {  	[sflag:s8] =	ssyncset.done @!p0 $0x0;
	s0 =	sadd.s32 @!p0 s0, s1;
	s1 =	simm.s32 @!p5 $0x0  }
0x180: {  	s0 =	sshll.u32 @!p0 s0, $0x6;
	s1 =	simm.s32 @p5 $0x1;
	p5 =	seq.s32 s23, $0x1  }
0x181: {  	s0 =	sand.u32 @!p0 $0x1FFFFFC0, s0;
	[smem:$0x77E] =	sst s1;
	s1 =	simm.s32 @!p0 $0x0  }
0x182: {  	[sflag:s8] =	ssyncadd.s32 @!p0 $0xFFFF6600;
	(v2sf) =	vpush @!p5 v1, $0xE;
	s0 =	sadd.s32 @!p0 s2, s0;
	[smem:$0x77F] =	sst s1  }
0x183: {  	[hbm4b:s0+s6] =	stream.linear.scatter @!p0 [tilespmem:s6], [sflag:$0x1], $0x2000, $0x38;
	[tilespmem:$0xBA20] =	vst v63  }
0x184: {  	_ =	swait.ge @!p0 [sflag:s8], $0x2000  }
0x185: {  	s0 =	sld [smem:$0x7B4]  }
0x186: {  	s7 =	simm.s32 @!p5 $0x2020;
	s6 =	simm.s32 @!p5 $0x0;
	[sflag:s8] =	ssyncset.done @!p0 $0x0  }
0x187: {  	[smem:$0x780] =	sst s8;
	[sflag:s8] =	ssyncadd.s32 @!p0 $0xFFFFE000;
	s8 =	simm.s32 @!p5 $0x1  }
0x188: {  	[tilespmem:s7], [sflag:$0x1] =	stream.linear.gather @!p5 [hbm4b:s0+s6], $0x9A00, $0x38;
	[tilespmem:$0xBA20] =	vst v63  }
0x189: {  	_ =	swait.ge @!p5 [sflag:s8], $0x9A00  }
0x18a: {  	s0 =	sld [smem:$0x7B5]  }
0x18b: {  	s1 =	simm.s32 @!p5 $0x2020;
	[sflag:s8] =	ssyncset.done @!p5 $0x0  }
0x18c: {  	[smem:$0x781] =	sst s1;
	[sflag:s8] =	ssyncadd.s32 @!p5 $0xFFFF6600  }
0x18d: {  	[hbm4b:s0+s6] =	stream.linear.scatter @!p5 [tilespmem:s7], [sflag:$0x1], $0x9A00, $0x38;
	[tilespmem:$0xBA20] =	vst v63  }
0x18e: {  	_ =	swait.ge @!p5 [sflag:s8], $0x9A00  }
0x18f: {  	s0 =	sld [smem:$0x7B3];
	_ =	sdelay $0x1  }
0x190: {  	s24 =	sld [smem:$0x7EE];
	s1 =	spop @!p5 (v2sf)  }
0x191: {  	s0 =	sadd.s32 @!p5 s0, s1  }
0x192: {  	[sflag:s8] =	ssyncset.done @!p5 $0x0;
	s0 =	sshll.u32 @!p5 s0, $0x6  }
0x193: {  	p3 =	seq.s32 s24, $0x1;
	s1 =	simm.s32 @!p5 $0x0;
	s0 =	sand.u32 @!p5 $0x1FFFFFC0, s0  }
0x194: {  	[sflag:s8] =	ssyncadd.s32 @!p5 $0xFFFF6600;
	(v2sf) =	vpush @!p3 v1, $0xF;
	[smem:$0x782] =	sst s1;
	s0 =	sadd.s32 @!p5 s2, s0  }
0x195: {  	[hbm4b:s0+s6] =	stream.linear.scatter @!p5 [tilespmem:s6], [sflag:$0x1], $0x2000, $0x38;
	[tilespmem:$0xBA20] =	vst v63  }
0x196: {  	_ =	swait.ge @!p5 [sflag:s8], $0x2000  }
0x197: {  	s1 =	simm.s32 @!p5 $0x1;
	s0 =	sld [smem:$0x7B7]  }
0x198: {  	s7 =	simm.s32 @!p3 $0x2020;
	s6 =	simm.s32 @!p3 $0x0;
	[sflag:s8] =	ssyncset.done @!p5 $0x0  }
0x199: {  	[smem:$0x783] =	sst s1;
	[sflag:s8] =	ssyncadd.s32 @!p5 $0xFFFFE000;
	s8 =	simm.s32 @!p3 $0x1  }
0x19a: {  	[tilespmem:s7], [sflag:$0x1] =	stream.linear.gather @!p3 [hbm4b:s0+s6], $0x9A00, $0x38;
	[tilespmem:$0xBA20] =	vst v63  }
0x19b: {  	_ =	swait.ge @!p3 [sflag:s8], $0x9A00  }
0x19c: {  	s0 =	sld [smem:$0x7B8]  }
0x19d: {  	s1 =	simm.s32 @!p3 $0x2020;
	[sflag:s8] =	ssyncset.done @!p3 $0x0  }
0x19e: {  	[smem:$0x784] =	sst s1;
	[sflag:s8] =	ssyncadd.s32 @!p3 $0xFFFF6600  }
0x19f: {  	[hbm4b:s0+s6] =	stream.linear.scatter @!p3 [tilespmem:s7], [sflag:$0x1], $0x9A00, $0x38;
	[tilespmem:$0xBA20] =	vst v63  }
0x1a0: {  	_ =	swait.ge @!p3 [sflag:s8], $0x9A00  }
0x1a1: {  	s0 =	sld [smem:$0x7B6];
	_ =	sdelay $0x1  }
0x1a2: {  	s1 =	spop @!p3 (v2sf);
	s25 =	sld [smem:$0x7EF]  }
0x1a3: {  	s0 =	sadd.s32 @!p3 s0, s1  }
0x1a4: {  	[sflag:s8] =	ssyncset.done @!p3 $0x0;
	s0 =	sshll.u32 @!p3 s0, $0x6  }
0x1a5: {  	p0 =	seq.s32 s25, $0x1;
	s1 =	simm.s32 @!p3 $0x0;
	s0 =	sand.u32 @!p3 $0x1FFFFFC0, s0  }
0x1a6: {  	[sflag:s8] =	ssyncadd.s32 @!p3 $0xFFFF6600;
	(v2sf) =	vpush @!p0 v0, $0x0;
	[smem:$0x785] =	sst s1;
	s0 =	sadd.s32 @!p3 s2, s0  }
0x1a7: {  	[hbm4b:s0+s6] =	stream.linear.scatter @!p3 [tilespmem:s6], [sflag:$0x1], $0x2000, $0x38;
	[tilespmem:$0xBA20] =	vst v63  }
0x1a8: {  	_ =	swait.ge @!p3 [sflag:s8], $0x2000  }
0x1a9: {  	s0 =	sld [smem:$0x7BA]  }
0x1aa: {  	s7 =	simm.s32 @!p0 $0x0;
	s1 =	simm.s32 @!p0 $0x1;
	[sflag:s8] =	ssyncset.done @!p3 $0x0  }
0x1ab: {  	[smem:$0x786] =	sst s8;
	[sflag:s8] =	ssyncadd.s32 @!p3 $0xFFFFE000;
	s8 =	simm.s32 @!p0 $0x2020  }
0x1ac: {  	[tilespmem:s8], [sflag:$0x1] =	stream.linear.gather @!p0 [hbm4b:s0+s7], $0x9A00, $0x38;
	[tilespmem:$0xBA20] =	vst v63  }
0x1ad: {  	_ =	swait.ge @!p0 [sflag:s1], $0x9A00  }
0x1ae: {  	s0 =	sld [smem:$0x7BB]  }
0x1af: {  	s6 =	simm.s32 @!p0 $0x2020;
	[sflag:s1] =	ssyncset.done @!p0 $0x0  }
0x1b0: {  	[smem:$0x787] =	sst s6;
	[sflag:s1] =	ssyncadd.s32 @!p0 $0xFFFF6600  }
0x1b1: {  	[hbm4b:s0+s7] =	stream.linear.scatter @!p0 [tilespmem:s8], [sflag:$0x1], $0x9A00, $0x38;
	[tilespmem:$0xBA20] =	vst v63  }
0x1b2: {  	_ =	swait.ge @!p0 [sflag:s1], $0x9A00  }
0x1b3: {  	s0 =	sld [smem:$0x7B9];
	_ =	sdelay $0x1  }
0x1b4: {  	s6 =	spop @!p0 (v2sf);
	s26 =	sld [smem:$0x7F0]  }
0x1b5: {  	s0 =	sadd.s32 @!p0 s0, s6  }
0x1b6: {  	[sflag:s1] =	ssyncset.done @!p0 $0x0;
	s0 =	sshll.u32 @!p0 s0, $0x6  }
0x1b7: {  	s6 =	simm.s32 @!p0 $0x0;
	p1 =	seq.s32 s26, $0x1;
	s0 =	sand.u32 @!p0 $0x1FFFFFC0, s0  }
0x1b8: {  	[sflag:s1] =	ssyncadd.s32 @!p0 $0xFFFF6600;
	[smem:$0x788] =	sst s6;
	(v2sf) =	vpush @!p1 v0, $0x1;
	s0 =	sadd.s32 @!p0 s2, s0  }
0x1b9: {  	[hbm4b:s0+s7] =	stream.linear.scatter @!p0 [tilespmem:s7], [sflag:$0x1], $0x2000, $0x38;
	[tilespmem:$0xBA20] =	vst v63  }
0x1ba: {  	_ =	swait.ge @!p0 [sflag:s1], $0x2000  }
0x1bb: {  	s0 =	sld [smem:$0x7BD]  }
0x1bc: {  	s8 =	simm.s32 @!p1 $0x2020;
	s9 =	simm.s32 @!p1 $0x1;
	[sflag:s1] =	ssyncset.done @!p0 $0x0  }
0x1bd: {  	s7 =	simm.s32 @!p1 $0x0;
	[smem:$0x789] =	sst s1;
	[sflag:s1] =	ssyncadd.s32 @!p0 $0xFFFFE000  }
0x1be: {  	[tilespmem:s8], [sflag:$0x1] =	stream.linear.gather @!p1 [hbm4b:s0+s7], $0x9A00, $0x38;
	[tilespmem:$0xBA20] =	vst v63  }
0x1bf: {  	_ =	swait.ge @!p1 [sflag:s9], $0x9A00  }
0x1c0: {  	s0 =	sld [smem:$0x7BE]  }
0x1c1: {  	s6 =	simm.s32 @!p1 $0x2020;
	[sflag:s9] =	ssyncset.done @!p1 $0x0  }
0x1c2: {  	[smem:$0x78A] =	sst s6;
	[sflag:s9] =	ssyncadd.s32 @!p1 $0xFFFF6600  }
0x1c3: {  	[hbm4b:s0+s7] =	stream.linear.scatter @!p1 [tilespmem:s8], [sflag:$0x1], $0x9A00, $0x38;
	[tilespmem:$0xBA20] =	vst v63  }
0x1c4: {  	_ =	swait.ge @!p1 [sflag:s9], $0x9A00  }
0x1c5: {  	s0 =	sld [smem:$0x7BC];
	_ =	sdelay $0x1  }
0x1c6: {  	s6 =	spop @!p1 (v2sf)  }
0x1c7: {  	s0 =	sadd.s32 @!p1 s0, s6  }
0x1c8: {  	s0 =	sshll.u32 @!p1 s0, $0x6  }
0x1c9: {  	[sflag:s9] =	ssyncset.done @!p1 $0x0;
	s1 =	sld [smem:$0x7F1];
	s0 =	sand.u32 @!p1 $0x1FFFFFC0, s0  }
0x1ca: {  	[sflag:s9] =	ssyncadd.s32 @!p1 $0xFFFF6600;
	s0 =	sadd.s32 @!p1 s2, s0  }
0x1cb: {  	[hbm4b:s0+s7] =	stream.linear.scatter @!p1 [tilespmem:s7], [sflag:$0x1], $0x2000, $0x38;
	[tilespmem:$0xBA20] =	vst v63  }
0x1cc: {  	p0 =	por p1, p1;
	s6 =	simm.s32 @!p1 $0x0;
	p1 =	seq.s32 s1, $0x1  }
0x1cd: {  	(v2sf) =	vpush @!p1 v0, $0x2  }
0x1ce: {  	[smem:$0x78B] =	sst s6  }
0x1cf: {  	_ =	swait.ge @!p0 [sflag:s9], $0x2000  }
0x1d0: {  	s1 =	simm.s32 @!p0 $0x1;
	s0 =	sld [smem:$0x7C0]  }
0x1d1: {  	s7 =	simm.s32 @!p1 $0x0;
	s8 =	simm.s32 @!p1 $0x2020;
	[sflag:s9] =	ssyncset.done @!p0 $0x0  }
0x1d2: {  	[smem:$0x78C] =	sst s1;
	[sflag:s9] =	ssyncadd.s32 @!p0 $0xFFFFE000;
	s9 =	simm.s32 @!p1 $0x1  }
0x1d3: {  	[tilespmem:s8], [sflag:$0x1] =	stream.linear.gather @!p1 [hbm4b:s0+s7], $0x9A00, $0x38;
	[tilespmem:$0xBA20] =	vst v63  }
0x1d4: {  	_ =	swait.ge @!p1 [sflag:s9], $0x9A00  }
0x1d5: {  	s0 =	sld [smem:$0x7C1]  }
0x1d6: {  	s6 =	simm.s32 @!p1 $0x2020;
	[sflag:s9] =	ssyncset.done @!p1 $0x0  }
0x1d7: {  	[smem:$0x78D] =	sst s6;
	[sflag:s9] =	ssyncadd.s32 @!p1 $0xFFFF6600  }
0x1d8: {  	[hbm4b:s0+s7] =	stream.linear.scatter @!p1 [tilespmem:s8], [sflag:$0x1], $0x9A00, $0x38;
	[tilespmem:$0xBA20] =	vst v63  }
0x1d9: {  	_ =	swait.ge @!p1 [sflag:s9], $0x9A00  }
0x1da: {  	s0 =	sld [smem:$0x7BF];
	_ =	sdelay $0x1  }
0x1db: {  	s6 =	spop @!p1 (v2sf)  }
0x1dc: {  	s0 =	sadd.s32 @!p1 s0, s6  }
0x1dd: {  	s0 =	sshll.u32 @!p1 s0, $0x6  }
0x1de: {  	[sflag:s9] =	ssyncset.done @!p1 $0x0;
	s6 =	simm.s32 @!p1 $0x0;
	s0 =	sand.u32 @!p1 $0x1FFFFFC0, s0  }
0x1df: {  	[sflag:s9] =	ssyncadd.s32 @!p1 $0xFFFF6600;
	(v2sf) =	vpush @!p2 v0, $0x3;
	[smem:$0x78E] =	sst s6;
	s0 =	sadd.s32 @!p1 s2, s0  }
0x1e0: {  	[hbm4b:s0+s7] =	stream.linear.scatter @!p1 [tilespmem:s7], [sflag:$0x1], $0x2000, $0x38;
	[tilespmem:$0xBA20] =	vst v63  }
0x1e1: {  	_ =	swait.ge @!p1 [sflag:s9], $0x2000  }
0x1e2: {  	s1 =	simm.s32 @!p1 $0x1;
	s0 =	sld [smem:$0x7C3]  }
0x1e3: {  	s8 =	simm.s32 @!p2 $0x0;
	[sflag:s9] =	ssyncset.done @!p1 $0x0;
	[smem:$0x78F] =	sst s1  }
0x1e4: {  	s1 =	simm.s32 @!p2 $0x1;
	[sflag:s9] =	ssyncadd.s32 @!p1 $0xFFFFE000;
	s9 =	simm.s32 @!p2 $0x2020  }
0x1e5: {  	[tilespmem:s9], [sflag:$0x1] =	stream.linear.gather @!p2 [hbm4b:s0+s8], $0x9A00, $0x38;
	[tilespmem:$0xBA20] =	vst v63  }
0x1e6: {  	_ =	swait.ge @!p2 [sflag:s1], $0x9A00  }
0x1e7: {  	s6 =	sld [smem:$0x7C4]  }
0x1e8: {  	s7 =	simm.s32 @!p2 $0x2020;
	[sflag:s1] =	ssyncset.done @!p2 $0x0  }
0x1e9: {  	[smem:$0x790] =	sst s7;
	[sflag:s1] =	ssyncadd.s32 @!p2 $0xFFFF6600  }
0x1ea: {  	[hbm4b:s6+s8] =	stream.linear.scatter @!p2 [tilespmem:s9], [sflag:$0x1], $0x9A00, $0x38;
	[tilespmem:$0xBA20] =	vst v63  }
0x1eb: {  	_ =	swait.ge @!p2 [sflag:s1], $0x9A00  }
0x1ec: {  	s6 =	sld [smem:$0x7C2];
	_ =	sdelay $0x1  }
0x1ed: {  	s7 =	spop @!p2 (v2sf)  }
0x1ee: {  	s6 =	sadd.s32 @!p2 s6, s7  }
0x1ef: {  	s6 =	sshll.u32 @!p2 s6, $0x6  }
0x1f0: {  	[sflag:s1] =	ssyncset.done @!p2 $0x0;
	s6 =	sand.u32 @!p2 $0x1FFFFFC0, s6  }
0x1f1: {  	[sflag:s1] =	ssyncadd.s32 @!p2 $0xFFFF6600;
	s6 =	sadd.s32 @!p2 s2, s6  }
0x1f2: {  	[hbm4b:s6+s8] =	stream.linear.scatter @!p2 [tilespmem:s8], [sflag:$0x1], $0x2000, $0x38;
	[tilespmem:$0xBA20] =	vst v63  }
0x1f3: {  	s6 =	sld [smem:$0x7F2];
	_ =	sdelay $0x2  }
0x1f4: {  	p3 =	seq.s32 s6, $0x1  }
0x1f5: {  	s7 =	simm.s32 @!p2 $0x0;
	(v2sf) =	vpush @!p3 v0, $0x4  }
0x1f6: {  	[smem:$0x791] =	sst s7  }
0x1f7: {  	_ =	swait.ge @!p2 [sflag:s1], $0x2000  }
0x1f8: {  	s0 =	simm.s32 @!p2 $0x1;
	s6 =	sld [smem:$0x7C6]  }
0x1f9: {  	s8 =	simm.s32 @!p3 $0x0;
	s7 =	simm.s32 @!p3 $0x2020;
	[sflag:s1] =	ssyncset.done @!p2 $0x0  }
0x1fa: {  	[smem:$0x792] =	sst s0;
	s0 =	simm.s32 @!p3 $0x1;
	[sflag:s1] =	ssyncadd.s32 @!p2 $0xFFFFE000  }
0x1fb: {  	[tilespmem:s7], [sflag:$0x1] =	stream.linear.gather @!p3 [hbm4b:s6+s8], $0x9A00, $0x38;
	[tilespmem:$0xBA20] =	vst v63  }
0x1fc: {  	_ =	swait.ge @!p3 [sflag:s0], $0x9A00  }
0x1fd: {  	s6 =	sld [smem:$0x7C7]  }
0x1fe: {  	s9 =	simm.s32 @!p3 $0x2020;
	[sflag:s0] =	ssyncset.done @!p3 $0x0  }
0x1ff: {  	[smem:$0x793] =	sst s9;
	[sflag:s0] =	ssyncadd.s32 @!p3 $0xFFFF6600  }
0x200: {  	[hbm4b:s6+s8] =	stream.linear.scatter @!p3 [tilespmem:s7], [sflag:$0x1], $0x9A00, $0x38;
	[tilespmem:$0xBA20] =	vst v63  }
0x201: {  	_ =	swait.ge @!p3 [sflag:s0], $0x9A00  }
0x202: {  	s6 =	sld [smem:$0x7C5];
	_ =	sdelay $0x1  }
0x203: {  	s7 =	spop @!p3 (v2sf)  }
0x204: {  	s6 =	sadd.s32 @!p3 s6, s7;
	s7 =	simm.s32 @!p3 $0x0  }
0x205: {  	[smem:$0x794] =	sst s7  }
0x206: {  	s7 =	sld [smem:$0x7F3];
	_ =	sdelay $0x1  }
0x207: {  	s6 =	sshll.u32 @!p3 s6, $0x6  }
0x208: {  	[sflag:s0] =	ssyncset.done @!p3 $0x0;
	s6 =	sand.u32 @!p3 $0x1FFFFFC0, s6;
	p0 =	seq.s32 s7, $0x1  }
0x209: {  	[sflag:s0] =	ssyncadd.s32 @!p3 $0xFFFF6600;
	s6 =	sadd.s32 @!p3 s2, s6;
	(v2sf) =	vpush @!p0 v0, $0x5  }
0x20a: {  	[hbm4b:s6+s8] =	stream.linear.scatter @!p3 [tilespmem:s8], [sflag:$0x1], $0x2000, $0x38;
	[tilespmem:$0xBA20] =	vst v63  }
0x20b: {  	_ =	swait.ge @!p3 [sflag:s0], $0x2000  }
0x20c: {  	s6 =	sld [smem:$0x7C9]  }
0x20d: {  	s8 =	simm.s32 @!p0 $0x0;
	s9 =	simm.s32 @!p0 $0x2020;
	[sflag:s0] =	ssyncset.done @!p3 $0x0  }
0x20e: {  	[smem:$0x795] =	sst s0;
	[sflag:s0] =	ssyncadd.s32 @!p3 $0xFFFFE000;
	s0 =	simm.s32 @!p0 $0x1  }
0x20f: {  	[tilespmem:s9], [sflag:$0x1] =	stream.linear.gather @!p0 [hbm4b:s6+s8], $0x9A00, $0x38;
	[tilespmem:$0xBA20] =	vst v63  }
0x210: {  	_ =	swait.ge @!p0 [sflag:s0], $0x9A00  }
0x211: {  	s7 =	sld [smem:$0x7CA]  }
0x212: {  	s10 =	simm.s32 @!p0 $0x2020;
	[sflag:s0] =	ssyncset.done @!p0 $0x0  }
0x213: {  	[smem:$0x796] =	sst s10;
	[sflag:s0] =	ssyncadd.s32 @!p0 $0xFFFF6600  }
0x214: {  	[hbm4b:s7+s8] =	stream.linear.scatter @!p0 [tilespmem:s9], [sflag:$0x1], $0x9A00, $0x38;
	[tilespmem:$0xBA20] =	vst v63  }
0x215: {  	_ =	swait.ge @!p0 [sflag:s0], $0x9A00  }
0x216: {  	s7 =	sld [smem:$0x7C8];
	_ =	sdelay $0x1  }
0x217: {  	s9 =	spop @!p0 (v2sf)  }
0x218: {  	s7 =	sadd.s32 @!p0 s7, s9  }
0x219: {  	s7 =	sshll.u32 @!p0 s7, $0x6  }
0x21a: {  	[sflag:s0] =	ssyncset.done @!p0 $0x0;
	s7 =	sand.u32 @!p0 $0x1FFFFFC0, s7  }
0x21b: {  	[sflag:s0] =	ssyncadd.s32 @!p0 $0xFFFF6600;
	s7 =	sadd.s32 @!p0 s2, s7  }
0x21c: {  	[hbm4b:s7+s8] =	stream.linear.scatter @!p0 [tilespmem:s8], [sflag:$0x1], $0x2000, $0x38;
	[tilespmem:$0xBA20] =	vst v63  }
0x21d: {  	s8 =	sld [smem:$0x7F4];
	_ =	sdelay $0x1  }
0x21e: {  	s1 =	simm.s32 @!p2 $0x0  }
0x21f: {  	s1 =	simm.s32 @p2 $0x1;
	p2 =	seq.s32 s8, $0x1  }
0x220: {  	[smem:$0x798] =	sst s1;
	s9 =	simm.s32 @!p0 $0x0;
	(v2sf) =	vpush @!p2 v0, $0x6  }
0x221: {  	[smem:$0x797] =	sst s9  }
0x222: {  	_ =	swait.ge @!p0 [sflag:s0], $0x2000  }
0x223: {  	s7 =	sld [smem:$0x7CC]  }
0x224: {  	s8 =	simm.s32 @!p2 $0x0;
	s9 =	simm.s32 @!p2 $0x2020;
	[sflag:s0] =	ssyncset.done @!p0 $0x0  }
0x225: {  	s12 =	simm.s32 @!p2 $0x1;
	[smem:$0x799] =	sst s0;
	[sflag:s0] =	ssyncadd.s32 @!p0 $0xFFFFE000  }
0x226: {  	[tilespmem:s9], [sflag:$0x1] =	stream.linear.gather @!p2 [hbm4b:s7+s8], $0x9A00, $0x38;
	[tilespmem:$0xBA20] =	vst v63  }
0x227: {  	_ =	swait.ge @!p2 [sflag:s12], $0x9A00  }
0x228: {  	s7 =	sld [smem:$0x7CD]  }
0x229: {  	s10 =	simm.s32 @!p2 $0x2020;
	[sflag:s12] =	ssyncset.done @!p2 $0x0  }
0x22a: {  	[smem:$0x79A] =	sst s10;
	[sflag:s12] =	ssyncadd.s32 @!p2 $0xFFFF6600  }
0x22b: {  	[hbm4b:s7+s8] =	stream.linear.scatter @!p2 [tilespmem:s9], [sflag:$0x1], $0x9A00, $0x38;
	[tilespmem:$0xBA20] =	vst v63  }
0x22c: {  	_ =	swait.ge @!p2 [sflag:s12], $0x9A00  }
0x22d: {  	s7 =	sld [smem:$0x7CB];
	_ =	sdelay $0x1  }
0x22e: {  	s9 =	spop @!p2 (v2sf)  }
0x22f: {  	s7 =	sadd.s32 @!p2 s7, s9;
	s9 =	sld [smem:$0x7F5];
	_ =	sdelay $0x1  }
0x230: {  	s1 =	simm.s32 @!p2 $0x0;
	s7 =	sshll.u32 @!p2 s7, $0x6  }
0x231: {  	[sflag:s12] =	ssyncset.done @!p2 $0x0;
	s7 =	sand.u32 @!p2 $0x1FFFFFC0, s7;
	p3 =	seq.s32 s9, $0x1  }
0x232: {  	[smem:$0x79B] =	sst s1;
	[sflag:s12] =	ssyncadd.s32 @!p2 $0xFFFF6600;
	s7 =	sadd.s32 @!p2 s2, s7;
	(v2sf) =	vpush @!p3 v0, $0x7  }
0x233: {  	[hbm4b:s7+s8] =	stream.linear.scatter @!p2 [tilespmem:s8], [sflag:$0x1], $0x2000, $0x38;
	[tilespmem:$0xBA20] =	vst v63  }
0x234: {  	_ =	swait.ge @!p2 [sflag:s12], $0x2000  }
0x235: {  	s7 =	sld [smem:$0x7CF]  }
0x236: {  	s8 =	simm.s32 @!p3 $0x0;
	[sflag:s12] =	ssyncset.done @!p2 $0x0  }
0x237: {  	s9 =	simm.s32 @!p3 $0x2020;
	s18 =	simm.s32 @!p3 $0x1;
	[sflag:s12] =	ssyncadd.s32 @!p2 $0xFFFFE000  }
0x238: {  	[tilespmem:s9], [sflag:$0x1] =	stream.linear.gather @!p3 [hbm4b:s7+s8], $0x9A00, $0x38;
	[tilespmem:$0xBA20] =	vst v63  }
0x239: {  	_ =	swait.ge @!p3 [sflag:s18], $0x9A00  }
0x23a: {  	s7 =	sld [smem:$0x7D0]  }
0x23b: {  	s1 =	simm.s32 @!p3 $0x2020;
	[sflag:s18] =	ssyncset.done @!p3 $0x0  }
0x23c: {  	[smem:$0x79C] =	sst s1;
	[sflag:s18] =	ssyncadd.s32 @!p3 $0xFFFF6600  }
0x23d: {  	[hbm4b:s7+s8] =	stream.linear.scatter @!p3 [tilespmem:s9], [sflag:$0x1], $0x9A00, $0x38;
	[tilespmem:$0xBA20] =	vst v63  }
0x23e: {  	_ =	swait.ge @!p3 [sflag:s18], $0x9A00  }
0x23f: {  	s7 =	sld [smem:$0x7CE];
	_ =	sdelay $0x1  }
0x240: {  	s9 =	spop @!p3 (v2sf)  }
0x241: {  	s7 =	sadd.s32 @!p3 s7, s9  }
0x242: {  	s7 =	sshll.u32 @!p3 s7, $0x6  }
0x243: {  	s1 =	simm.s32 @!p3 $0x0;
	[sflag:s18] =	ssyncset.done @!p3 $0x0;
	s7 =	sand.u32 @!p3 $0x1FFFFFC0, s7  }
0x244: {  	[smem:$0x79D] =	sst s1;
	[sflag:s18] =	ssyncadd.s32 @!p3 $0xFFFF6600;
	(v2sf) =	vpush @!p4 v0, $0x8;
	s7 =	sadd.s32 @!p3 s2, s7  }
0x245: {  	[hbm4b:s7+s8] =	stream.linear.scatter @!p3 [tilespmem:s8], [sflag:$0x1], $0x2000, $0x38;
	[tilespmem:$0xBA20] =	vst v63  }
0x246: {  	_ =	swait.ge @!p3 [sflag:s18], $0x2000  }
0x247: {  	s7 =	sld [smem:$0x7D2]  }
0x248: {  	s24 =	simm.s32 @!p4 $0x1;
	[sflag:s18] =	ssyncset.done @!p3 $0x0  }
0x249: {  	s9 =	simm.s32 @!p4 $0x2020;
	s8 =	simm.s32 @!p4 $0x0;
	[sflag:s18] =	ssyncadd.s32 @!p3 $0xFFFFE000  }
0x24a: {  	[tilespmem:s9], [sflag:$0x1] =	stream.linear.gather @!p4 [hbm4b:s7+s8], $0x9A00, $0x38;
	[tilespmem:$0xBA20] =	vst v63  }
0x24b: {  	_ =	swait.ge @!p4 [sflag:s24], $0x9A00  }
0x24c: {  	s7 =	sld [smem:$0x7D3]  }
0x24d: {  	s1 =	simm.s32 @!p4 $0x2020;
	[sflag:s24] =	ssyncset.done @!p4 $0x0  }
0x24e: {  	[smem:$0x79E] =	sst s1;
	[sflag:s24] =	ssyncadd.s32 @!p4 $0xFFFF6600  }
0x24f: {  	[hbm4b:s7+s8] =	stream.linear.scatter @!p4 [tilespmem:s9], [sflag:$0x1], $0x9A00, $0x38;
	[tilespmem:$0xBA20] =	vst v63  }
0x250: {  	_ =	swait.ge @!p4 [sflag:s24], $0x9A00  }
0x251: {  	s7 =	sld [smem:$0x7D1];
	_ =	sdelay $0x1  }
0x252: {  	s9 =	spop @!p4 (v2sf)  }
0x253: {  	s7 =	sadd.s32 @!p4 s7, s9  }
0x254: {  	p0 =	por p4, p4;
	s7 =	sshll.u32 @!p4 s7, $0x6  }
0x255: {  	[sflag:s24] =	ssyncset.done @!p4 $0x0;
	s10 =	sld [smem:$0x7F6];
	s7 =	sand.u32 @!p4 $0x1FFFFFC0, s7  }
0x256: {  	s0 =	simm.s32 @!p4 $0x0;
	[sflag:s24] =	ssyncadd.s32 @!p4 $0xFFFF6600;
	s7 =	sadd.s32 @!p4 s2, s7  }
0x257: {  	[hbm4b:s7+s8] =	stream.linear.scatter @!p4 [tilespmem:s8], [sflag:$0x1], $0x2000, $0x38;
	[tilespmem:$0xBA20] =	vst v63  }
0x258: {  	s0 =	simm.s32 @p4 $0x1;
	s1 =	simm.s32 @!p4 $0x0;
	p4 =	seq.s32 s10, $0x1  }
0x259: {  	[smem:$0x79F] =	sst s1;
	(v2sf) =	vpush @!p4 v0, $0x9  }
0x25a: {  	[smem:$0x7A0] =	sst s0  }
0x25b: {  	_ =	swait.ge @!p0 [sflag:s24], $0x2000  }
0x25c: {  	s7 =	sld [smem:$0x7D5]  }
0x25d: {  	s8 =	simm.s32 @!p4 $0x0;
	[sflag:s24] =	ssyncset.done @!p0 $0x0  }
0x25e: {  	s1 =	simm.s32 @!p4 $0x2020;
	s31 =	simm.s32 @!p4 $0x1;
	[sflag:s24] =	ssyncadd.s32 @!p0 $0xFFFFE000  }
0x25f: {  	[tilespmem:s1], [sflag:$0x1] =	stream.linear.gather @!p4 [hbm4b:s7+s8], $0x9A00, $0x38;
	[tilespmem:$0xBA20] =	vst v63  }
0x260: {  	_ =	swait.ge @!p4 [sflag:s31], $0x9A00  }
0x261: {  	s7 =	sld [smem:$0x7D6]  }
0x262: {  	s9 =	simm.s32 @!p4 $0x2020;
	[sflag:s31] =	ssyncset.done @!p4 $0x0  }
0x263: {  	[smem:$0x7A1] =	sst s9;
	[sflag:s31] =	ssyncadd.s32 @!p4 $0xFFFF6600  }
0x264: {  	[hbm4b:s7+s8] =	stream.linear.scatter @!p4 [tilespmem:s1], [sflag:$0x1], $0x9A00, $0x38;
	[tilespmem:$0xBA20] =	vst v63  }
0x265: {  	_ =	swait.ge @!p4 [sflag:s31], $0x9A00  }
0x266: {  	s7 =	sld [smem:$0x7D4];
	_ =	sdelay $0x1  }
0x267: {  	s11 =	sld [smem:$0x7F7];
	s9 =	spop @!p4 (v2sf)  }
0x268: {  	s7 =	sadd.s32 @!p4 s7, s9  }
0x269: {  	s7 =	sshll.u32 @!p4 s7, $0x6  }
0x26a: {  	[sflag:s31] =	ssyncset.done @!p4 $0x0;
	p3 =	seq.s32 s11, $0x1;
	s7 =	sand.u32 @!p4 $0x1FFFFFC0, s7  }
0x26b: {  	[sflag:s31] =	ssyncadd.s32 @!p4 $0xFFFF6600;
	(v2sf) =	vpush @!p3 v0, $0xA;
	s7 =	sadd.s32 @!p4 s2, s7  }
0x26c: {  	[hbm4b:s7+s8] =	stream.linear.scatter @!p4 [tilespmem:s8], [sflag:$0x1], $0x2000, $0x38;
	[tilespmem:$0xBA20] =	vst v63  }
0x26d: {  	_ =	swait.ge @!p4 [sflag:s31], $0x2000  }
0x26e: {  	s7 =	sld [smem:$0x7D8]  }
0x26f: {  	s9 =	simm.s32 @!p3 $0x2020;
	[sflag:s31] =	ssyncset.done @!p4 $0x0  }
0x270: {  	s16 =	simm.s32 @!p3 $0x1;
	s8 =	simm.s32 @!p3 $0x0;
	[sflag:s31] =	ssyncadd.s32 @!p4 $0xFFFFE000  }
0x271: {  	[tilespmem:s9], [sflag:$0x1] =	stream.linear.gather @!p3 [hbm4b:s7+s8], $0x9A00, $0x38;
	[tilespmem:$0xBA20] =	vst v63  }
0x272: {  	_ =	swait.ge @!p3 [sflag:s16], $0x9A00  }
0x273: {  	s7 =	sld [smem:$0x7D9]  }
0x274: {  	s0 =	simm.s32 @!p3 $0x2020;
	[sflag:s16] =	ssyncset.done @!p3 $0x0  }
0x275: {  	[smem:$0x7A2] =	sst s0;
	[sflag:s16] =	ssyncadd.s32 @!p3 $0xFFFF6600  }
0x276: {  	[hbm4b:s7+s8] =	stream.linear.scatter @!p3 [tilespmem:s9], [sflag:$0x1], $0x9A00, $0x38;
	[tilespmem:$0xBA20] =	vst v63  }
0x277: {  	_ =	swait.ge @!p3 [sflag:s16], $0x9A00  }
0x278: {  	s7 =	sld [smem:$0x7D7];
	_ =	sdelay $0x1  }
0x279: {  	s9 =	spop @!p3 (v2sf);
	s13 =	sld [smem:$0x7F8]  }
0x27a: {  	s7 =	sadd.s32 @!p3 s7, s9  }
0x27b: {  	s7 =	sshll.u32 @!p3 s7, $0x6  }
0x27c: {  	[sflag:s16] =	ssyncset.done @!p3 $0x0;
	p0 =	seq.s32 s13, $0x1;
	s7 =	sand.u32 @!p3 $0x1FFFFFC0, s7  }
0x27d: {  	[sflag:s16] =	ssyncadd.s32 @!p3 $0xFFFF6600;
	(v2sf) =	vpush @!p0 v0, $0xB;
	s7 =	sadd.s32 @!p3 s2, s7  }
0x27e: {  	[hbm4b:s7+s8] =	stream.linear.scatter @!p3 [tilespmem:s8], [sflag:$0x1], $0x2000, $0x38;
	[tilespmem:$0xBA20] =	vst v63  }
0x27f: {  	_ =	swait.ge @!p3 [sflag:s16], $0x2000  }
0x280: {  	s7 =	sld [smem:$0x7DB]  }
0x281: {  	s9 =	simm.s32 @!p0 $0x2020;
	[sflag:s16] =	ssyncset.done @!p3 $0x0  }
0x282: {  	s10 =	simm.s32 @!p0 $0x1;
	s8 =	simm.s32 @!p0 $0x0;
	[sflag:s16] =	ssyncadd.s32 @!p3 $0xFFFFE000  }
0x283: {  	[tilespmem:s9], [sflag:$0x1] =	stream.linear.gather @!p0 [hbm4b:s7+s8], $0x9A00, $0x38;
	[tilespmem:$0xBA20] =	vst v63  }
0x284: {  	_ =	swait.ge @!p0 [sflag:s10], $0x9A00  }
0x285: {  	s7 =	sld [smem:$0x7DC]  }
0x286: {  	s0 =	simm.s32 @!p0 $0x2020;
	[sflag:s10] =	ssyncset.done @!p0 $0x0  }
0x287: {  	[smem:$0x7A3] =	sst s0;
	[sflag:s10] =	ssyncadd.s32 @!p0 $0xFFFF6600  }
0x288: {  	[hbm4b:s7+s8] =	stream.linear.scatter @!p0 [tilespmem:s9], [sflag:$0x1], $0x9A00, $0x38;
	[tilespmem:$0xBA20] =	vst v63  }
0x289: {  	_ =	swait.ge @!p0 [sflag:s10], $0x9A00  }
0x28a: {  	s7 =	sld [smem:$0x7DA];
	_ =	sdelay $0x1  }
0x28b: {  	s9 =	spop @!p0 (v2sf);
	s14 =	sld [smem:$0x7F9]  }
0x28c: {  	s7 =	sadd.s32 @!p0 s7, s9  }
0x28d: {  	s7 =	sshll.u32 @!p0 s7, $0x6  }
0x28e: {  	[sflag:s10] =	ssyncset.done @!p0 $0x0;
	p1 =	seq.s32 s14, $0x1;
	s7 =	sand.u32 @!p0 $0x1FFFFFC0, s7  }
0x28f: {  	[sflag:s10] =	ssyncadd.s32 @!p0 $0xFFFF6600;
	(v2sf) =	vpush @!p1 v0, $0xC;
	s7 =	sadd.s32 @!p0 s2, s7  }
0x290: {  	[hbm4b:s7+s8] =	stream.linear.scatter @!p0 [tilespmem:s8], [sflag:$0x1], $0x2000, $0x38;
	[tilespmem:$0xBA20] =	vst v63  }
0x291: {  	_ =	swait.ge @!p0 [sflag:s10], $0x2000  }
0x292: {  	s7 =	sld [smem:$0x7DE]  }
0x293: {  	s11 =	simm.s32 @!p1 $0x2020;
	[sflag:s10] =	ssyncset.done @!p0 $0x0  }
0x294: {  	s9 =	simm.s32 @!p1 $0x1;
	s8 =	simm.s32 @!p1 $0x0;
	[sflag:s10] =	ssyncadd.s32 @!p0 $0xFFFFE000  }
0x295: {  	[tilespmem:s11], [sflag:$0x1] =	stream.linear.gather @!p1 [hbm4b:s7+s8], $0x9A00, $0x38;
	[tilespmem:$0xBA20] =	vst v63  }
0x296: {  	_ =	swait.ge @!p1 [sflag:s9], $0x9A00  }
0x297: {  	s7 =	sld [smem:$0x7DF]  }
0x298: {  	[sflag:s9] =	ssyncset.done @!p1 $0x0  }
0x299: {  	[sflag:s9] =	ssyncadd.s32 @!p1 $0xFFFF6600  }
0x29a: {  	[hbm4b:s7+s8] =	stream.linear.scatter @!p1 [tilespmem:s11], [sflag:$0x1], $0x9A00, $0x38;
	[tilespmem:$0xBA20] =	vst v63  }
0x29b: {  	_ =	swait.ge @!p1 [sflag:s9], $0x9A00  }
0x29c: {  	s7 =	sld [smem:$0x7DD];
	_ =	sdelay $0x1  }
0x29d: {  	s19 =	spop @!p1 (v2sf);
	s15 =	sld [smem:$0x7FA]  }
0x29e: {  	s7 =	sadd.s32 @!p1 s7, s19  }
0x29f: {  	s7 =	sshll.u32 @!p1 s7, $0x6  }
0x2a0: {  	[sflag:s9] =	ssyncset.done @!p1 $0x0;
	p5 =	seq.s32 s15, $0x1;
	s7 =	sand.u32 @!p1 $0x1FFFFFC0, s7  }
0x2a1: {  	[sflag:s9] =	ssyncadd.s32 @!p1 $0xFFFF6600;
	(v2sf) =	vpush @!p5 v0, $0xD;
	s7 =	sadd.s32 @!p1 s2, s7  }
0x2a2: {  	[hbm4b:s7+s8] =	stream.linear.scatter @!p1 [tilespmem:s8], [sflag:$0x1], $0x2000, $0x38;
	[tilespmem:$0xBA20] =	vst v63  }
0x2a3: {  	_ =	swait.ge @!p1 [sflag:s9], $0x2000  }
0x2a4: {  	s7 =	sld [smem:$0x7E1]  }
0x2a5: {  	s11 =	simm.s32 @!p5 $0x2020;
	[sflag:s9] =	ssyncset.done @!p1 $0x0  }
0x2a6: {  	s21 =	simm.s32 @!p5 $0x1;
	s8 =	simm.s32 @!p5 $0x0;
	[sflag:s9] =	ssyncadd.s32 @!p1 $0xFFFFE000  }
0x2a7: {  	[tilespmem:s11], [sflag:$0x1] =	stream.linear.gather @!p5 [hbm4b:s7+s8], $0x9A00, $0x38;
	[tilespmem:$0xBA20] =	vst v63  }
0x2a8: {  	_ =	swait.ge @!p5 [sflag:s21], $0x9A00  }
0x2a9: {  	s7 =	sld [smem:$0x7E2]  }
0x2aa: {  	[sflag:s21] =	ssyncset.done @!p5 $0x0  }
0x2ab: {  	[sflag:s21] =	ssyncadd.s32 @!p5 $0xFFFF6600  }
0x2ac: {  	[hbm4b:s7+s8] =	stream.linear.scatter @!p5 [tilespmem:s11], [sflag:$0x1], $0x9A00, $0x38;
	[tilespmem:$0xBA20] =	vst v63  }
0x2ad: {  	_ =	swait.ge @!p5 [sflag:s21], $0x9A00  }
0x2ae: {  	s7 =	sld [smem:$0x7E0];
	_ =	sdelay $0x1  }
0x2af: {  	s19 =	spop @!p5 (v2sf)  }
0x2b0: {  	s7 =	sadd.s32 @!p5 s7, s19;
	s19 =	sld [smem:$0x7FB]  }
0x2b1: {  	s7 =	sshll.u32 @!p5 s7, $0x6  }
0x2b2: {  	s1 =	simm.s32 @!p4 $0x0;
	[sflag:s21] =	ssyncset.done @!p5 $0x0;
	s7 =	sand.u32 @!p5 $0x1FFFFFC0, s7  }
0x2b3: {  	[sflag:s21] =	ssyncadd.s32 @!p5 $0xFFFF6600;
	s7 =	sadd.s32 @!p5 s2, s7;
	p4 =	seq.s32 s19, $0x1  }
0x2b4: {  	[hbm4b:s7+s8] =	stream.linear.scatter @!p5 [tilespmem:s8], [sflag:$0x1], $0x2000, $0x38;
	(v2sf) =	vpush @!p4 v0, $0xE;
	[tilespmem:$0xBA20] =	vst v63  }
0x2b5: {  	s17 =	sld [smem:$0x7F1];
	_ =	swait.ge @!p5 [sflag:s21], $0x2000  }
0x2b6: {  	s7 =	sld [smem:$0x7E4]  }
0x2b7: {  	[sflag:s21] =	ssyncset.done @!p5 $0x0  }
0x2b8: {  	s8 =	simm.s32 @!p4 $0x0;
	s11 =	simm.s32 @!p4 $0x2020;
	[sflag:s21] =	ssyncadd.s32 @!p5 $0xFFFFE000  }
0x2b9: {  	[tilespmem:s11], [sflag:$0x1] =	stream.linear.gather @!p4 [hbm4b:s7+s8], $0x9A00, $0x38;
	[tilespmem:$0xBA20] =	vst v63  }
0x2ba: {  	s7 =	simm.s32 @!p4 $0x1  }
0x2bb: {  	_ =	swait.ge @!p4 [sflag:s7], $0x9A00  }
0x2bc: {  	s19 =	sld [smem:$0x7E5]  }
0x2bd: {  	[sflag:s7] =	ssyncset.done @!p4 $0x0  }
0x2be: {  	[sflag:s7] =	ssyncadd.s32 @!p4 $0xFFFF6600  }
0x2bf: {  	[hbm4b:s19+s8] =	stream.linear.scatter @!p4 [tilespmem:s11], [sflag:$0x1], $0x9A00, $0x38;
	[tilespmem:$0xBA20] =	vst v63  }
0x2c0: {  	_ =	swait.ge @!p4 [sflag:s7], $0x9A00  }
0x2c1: {  	s19 =	sld [smem:$0x7E3];
	_ =	sdelay $0x1  }
0x2c2: {  	s25 =	spop @!p4 (v2sf)  }
0x2c3: {  	s19 =	sadd.s32 @!p4 s19, s25;
	s25 =	sld [smem:$0x7FC]  }
0x2c4: {  	s19 =	sshll.u32 @!p4 s19, $0x6  }
0x2c5: {  	s26 =	simm.s32 @!p3 $0x0;
	[sflag:s7] =	ssyncset.done @!p4 $0x0;
	s19 =	sand.u32 @!p4 $0x1FFFFFC0, s19  }
0x2c6: {  	[sflag:s7] =	ssyncadd.s32 @!p4 $0xFFFF6600;
	s19 =	sadd.s32 @!p4 s2, s19;
	p3 =	seq.s32 s25, $0x1  }
0x2c7: {  	[hbm4b:s19+s8] =	stream.linear.scatter @!p4 [tilespmem:s8], [sflag:$0x1], $0x2000, $0x38;
	(v2sf) =	vpush @!p3 v0, $0xF;
	[tilespmem:$0xBA20] =	vst v63  }
0x2c8: {  	_ =	swait.ge @!p4 [sflag:s7], $0x2000  }
0x2c9: {  	s25 =	sld [smem:$0x7E7]  }
0x2ca: {  	[sflag:s7] =	ssyncset.done @!p4 $0x0  }
0x2cb: {  	s8 =	simm.s32 @!p3 $0x0;
	s11 =	simm.s32 @!p3 $0x2020;
	[sflag:s7] =	ssyncadd.s32 @!p4 $0xFFFFE000  }
0x2cc: {  	[tilespmem:s11], [sflag:$0x1] =	stream.linear.gather @!p3 [hbm4b:s25+s8], $0x9A00, $0x38;
	[tilespmem:$0xBA20] =	vst v63  }
0x2cd: {  	s25 =	simm.s32 @!p3 $0x1  }
0x2ce: {  	_ =	swait.ge @!p3 [sflag:s25], $0x9A00  }
0x2cf: {  	s15 =	sld [smem:$0x7E8]  }
0x2d0: {  	[sflag:s25] =	ssyncset.done @!p3 $0x0  }
0x2d1: {  	[sflag:s25] =	ssyncadd.s32 @!p3 $0xFFFF6600  }
0x2d2: {  	[hbm4b:s15+s8] =	stream.linear.scatter @!p3 [tilespmem:s11], [sflag:$0x1], $0x9A00, $0x38;
	[tilespmem:$0xBA20] =	vst v63  }
0x2d3: {  	_ =	swait.ge @!p3 [sflag:s25], $0x9A00  }
0x2d4: {  	s11 =	sld [smem:$0x7E6];
	_ =	sdelay $0x1  }
0x2d5: {  	s15 =	spop @!p3 (v2sf)  }
0x2d6: {  	s15 =	sadd.s32 @!p3 s11, s15  }
0x2d7: {  	s15 =	sshll.u32 @!p3 s15, $0x6  }
0x2d8: {  	[sflag:s25] =	ssyncset.done @!p3 $0x0;
	s15 =	sand.u32 @!p3 $0x1FFFFFC0, s15  }
0x2d9: {  	[sflag:s25] =	ssyncadd.s32 @!p3 $0xFFFF6600;
	s15 =	sadd.s32 @!p3 s2, s15  }
0x2da: {  	[hbm4b:s15+s8] =	stream.linear.scatter @!p3 [tilespmem:s8], [sflag:$0x1], $0x2000, $0x38;
	[tilespmem:$0xBA20] =	vst v63  }
0x2db: {  	s15 =	sadd.s32 $0xFFFFFFFF, s28  }
0x2dc: {  	s23 =	simm.s32 @!p0 $0x0;
	p0 =	sne.s32 s15, $0x0  }
.Ltmp1:
0x2dd: {  	_ = 	snop;
	(pc) =	sbr.rel @!p0 .LBB2_2-.Ltmp1, $4  }
0x2de: {  	s30 =	simm.s32 @!p1 $0x2020  }
0x2df: {  	s22 =	simm.s32 @!p1 $0x0;
	s0 =	simm.s32 @!p5 $0x2020;
	s20 =	simm.s32 @!p5 $0x0  }
0x2e0: {  	p2 =	seq.s32 s17, $0x1;
	s29 =	simm.s32 @!p4 $0x2020;
	s13 =	simm.s32 @!p4 $0x0  }
0x2e1: {  	s6 =	simm.s32 @!p3 $0x2020;
	s17 =	simm.s32 @!p3 $0x0;
	_ =	swait.ge @!p3 [sflag:s25], $0x2000  }
.LBB2_3:
0x2e2: {  	s8 =	sld [smem:$0x7FC]  }
0x2e3: {  	s15 =	sadd.s32 $0xFFFFFFFF, s15  }
0x2e4: {  	p0 =	sne.s32 s15, $0x0  }
0x2e5: {  	p3 =	seq.s32 s8, $0x1;
	s8 =	simm.s32 @!p0 $0x0  }
0x2e6: {  	s28 =	rddreg [dreg:$0x3];
	[sflag:s25] =	ssyncset.done @!p3 $0x0;
	s8 =	simm.s32 @p0 $0x1  }
0x2e7: {  	[smem:$0x76C] =	sst s8;
	[sflag:s25] =	ssyncadd.s32 @!p3 $0xFFFFE000  }
0x2e8: {  	[tilespmem:s3], [sflag:$0x1] =	stream.linear.gather [hbm4b:s28+s3], $0x2000, $0x38;
	[tilespmem:$0xBA20] =	vst v63  }
0x2e9: {  	_ =	swait.ge [sflag:s4], $0x2000  }
0x2ea: {  	s19 =	sld [smem:$0x7E9]  }
0x2eb: {  	[sflag:s4] =	ssyncset.done $0x0  }
0x2ec: {  	s11 =	rddreg [dreg:$0x4];
	[sflag:s4] =	ssyncadd.s32 $0xFFFFE000  }
0x2ed: {  	[tilespmem:s19], [sflag:$0x1] =	stream.linear.gather [hbm4b:s11+s3], $0x20, $0x38;
	[tilespmem:$0xBA20] =	vst v63  }
0x2ee: {  	_ =	swait.ge [sflag:s4], $0x20  }
0x2ef: {  	[sflag:s4] =	ssyncset.done $0x0  }
0x2f0: {  	[sflag:s4] =	ssyncadd.s32 $0xFFFFFFE0  }
0x2f1: {  	v1 =	vld [tilespmem:$0x2000];
	_ =	sdelay $0x1  }
0x2f2: {  	s14 =	rddreg [dreg:$0x6]  }
0x2f3: {  	v0 =	vld [tilespmem:$0x2010];
	[tilespmem:s5], [sflag:$0x1] =	stream.linear.gather [hbm4b:s14+s3], $0x9A00, $0x38  }
0x2f4: {  	_ =	swait.ge [sflag:s4], $0x9A00  }
0x2f5: {  	(v2sf) =	vpush v1, $0x0;
	_ =	sdelay $0xa  }
0x2f6: {  	[sflag:s4] =	ssyncset.done $0x0  }
0x2f7: {  	s28 =	rddreg [dreg:$0x7];
	[sflag:s4] =	ssyncadd.s32 $0xFFFF6600  }
0x2f8: {  	[hbm4b:s28+s3] =	stream.linear.scatter [tilespmem:s5], [sflag:$0x1], $0x9A00, $0x38;
	[tilespmem:$0xBA20] =	vst v63  }
0x2f9: {  	_ =	swait.ge [sflag:s4], $0x9A00  }
0x2fa: {  	s8 =	rddreg [dreg:$0x5];
	s11 =	spop (v2sf);
	(v2sf) =	vpush v1, $0x1  }
0x2fb: {  	s19 =	sadd.s32 s8, s11  }
0x2fc: {  	s19 =	sshll.u32 s19, $0x6  }
0x2fd: {  	[sflag:s4] =	ssyncset.done $0x0;
	s19 =	sand.u32 $0x1FFFFFC0, s19  }
0x2fe: {  	[sflag:s4] =	ssyncadd.s32 $0xFFFF6600;
	s19 =	sadd.s32 s2, s19  }
0x2ff: {  	[hbm4b:s19+s3] =	stream.linear.scatter [tilespmem:s3], [sflag:$0x1], $0x2000, $0x38;
	[tilespmem:$0xBA20] =	vst v63  }
0x300: {  	_ =	swait.ge [sflag:s4], $0x2000  }
0x301: {  	[sflag:s4] =	ssyncset.done $0x0  }
0x302: {  	s14 =	rddreg [dreg:$0x9];
	[sflag:s4] =	ssyncadd.s32 $0xFFFFE000  }
0x303: {  	[tilespmem:s5], [sflag:$0x1] =	stream.linear.gather [hbm4b:s14+s3], $0x9A00, $0x38;
	[tilespmem:$0xBA20] =	vst v63  }
0x304: {  	_ =	swait.ge [sflag:s4], $0x9A00  }
0x305: {  	[sflag:s4] =	ssyncset.done $0x0  }
0x306: {  	s28 =	rddreg [dreg:$0xa];
	[sflag:s4] =	ssyncadd.s32 $0xFFFF6600  }
0x307: {  	[hbm4b:s28+s3] =	stream.linear.scatter [tilespmem:s5], [sflag:$0x1], $0x9A00, $0x38;
	[tilespmem:$0xBA20] =	vst v63  }
0x308: {  	_ =	swait.ge [sflag:s4], $0x9A00  }
0x309: {  	s8 =	rddreg [dreg:$0x8];
	s11 =	spop (v2sf);
	(v2sf) =	vpush v1, $0x2  }
0x30a: {  	s19 =	sadd.s32 s8, s11  }
0x30b: {  	s19 =	sshll.u32 s19, $0x6  }
0x30c: {  	[sflag:s4] =	ssyncset.done $0x0;
	s19 =	sand.u32 $0x1FFFFFC0, s19  }
0x30d: {  	[sflag:s4] =	ssyncadd.s32 $0xFFFF6600;
	s19 =	sadd.s32 s2, s19  }
0x30e: {  	[hbm4b:s19+s3] =	stream.linear.scatter [tilespmem:s3], [sflag:$0x1], $0x2000, $0x38;
	[tilespmem:$0xBA20] =	vst v63  }
0x30f: {  	_ =	swait.ge [sflag:s4], $0x2000  }
0x310: {  	[sflag:s4] =	ssyncset.done $0x0  }
0x311: {  	s14 =	rddreg [dreg:$0xc];
	[sflag:s4] =	ssyncadd.s32 $0xFFFFE000  }
0x312: {  	[tilespmem:s5], [sflag:$0x1] =	stream.linear.gather [hbm4b:s14+s3], $0x9A00, $0x38;
	[tilespmem:$0xBA20] =	vst v63  }
0x313: {  	_ =	swait.ge [sflag:s4], $0x9A00  }
0x314: {  	[sflag:s4] =	ssyncset.done $0x0  }
0x315: {  	s28 =	rddreg [dreg:$0xd];
	[sflag:s4] =	ssyncadd.s32 $0xFFFF6600  }
0x316: {  	[hbm4b:s28+s3] =	stream.linear.scatter [tilespmem:s5], [sflag:$0x1], $0x9A00, $0x38;
	[tilespmem:$0xBA20] =	vst v63  }
0x317: {  	_ =	swait.ge [sflag:s4], $0x9A00  }
0x318: {  	s8 =	rddreg [dreg:$0xb];
	s11 =	spop (v2sf);
	(v2sf) =	vpush v1, $0x3  }
0x319: {  	s19 =	sadd.s32 s8, s11  }
0x31a: {  	s19 =	sshll.u32 s19, $0x6  }
0x31b: {  	[sflag:s4] =	ssyncset.done $0x0;
	s19 =	sand.u32 $0x1FFFFFC0, s19  }
0x31c: {  	[sflag:s4] =	ssyncadd.s32 $0xFFFF6600;
	s19 =	sadd.s32 s2, s19  }
0x31d: {  	[hbm4b:s19+s3] =	stream.linear.scatter [tilespmem:s3], [sflag:$0x1], $0x2000, $0x38;
	[tilespmem:$0xBA20] =	vst v63  }
0x31e: {  	_ =	swait.ge [sflag:s4], $0x2000  }
0x31f: {  	[sflag:s4] =	ssyncset.done $0x0  }
0x320: {  	s14 =	rddreg [dreg:$0xf];
	[sflag:s4] =	ssyncadd.s32 $0xFFFFE000  }
0x321: {  	[tilespmem:s5], [sflag:$0x1] =	stream.linear.gather [hbm4b:s14+s3], $0x9A00, $0x38;
	[tilespmem:$0xBA20] =	vst v63  }
0x322: {  	_ =	swait.ge [sflag:s4], $0x9A00  }
0x323: {  	[sflag:s4] =	ssyncset.done $0x0  }
0x324: {  	s28 =	rddreg [dreg:$0x10];
	[sflag:s4] =	ssyncadd.s32 $0xFFFF6600  }
0x325: {  	[hbm4b:s28+s3] =	stream.linear.scatter [tilespmem:s5], [sflag:$0x1], $0x9A00, $0x38;
	[tilespmem:$0xBA20] =	vst v63  }
0x326: {  	_ =	swait.ge [sflag:s4], $0x9A00  }
0x327: {  	s8 =	rddreg [dreg:$0xe];
	s11 =	spop (v2sf);
	(v2sf) =	vpush v1, $0x4  }
0x328: {  	s19 =	sadd.s32 s8, s11  }
0x329: {  	s19 =	sshll.u32 s19, $0x6  }
0x32a: {  	[sflag:s4] =	ssyncset.done $0x0;
	s19 =	sand.u32 $0x1FFFFFC0, s19  }
0x32b: {  	[sflag:s4] =	ssyncadd.s32 $0xFFFF6600;
	s19 =	sadd.s32 s2, s19  }
0x32c: {  	[hbm4b:s19+s3] =	stream.linear.scatter [tilespmem:s3], [sflag:$0x1], $0x2000, $0x38;
	[tilespmem:$0xBA20] =	vst v63  }
0x32d: {  	_ =	swait.ge [sflag:s4], $0x2000  }
0x32e: {  	[sflag:s4] =	ssyncset.done $0x0  }
0x32f: {  	s14 =	rddreg [dreg:$0x12];
	[sflag:s4] =	ssyncadd.s32 $0xFFFFE000  }
0x330: {  	[tilespmem:s5], [sflag:$0x1] =	stream.linear.gather [hbm4b:s14+s3], $0x9A00, $0x38;
	[tilespmem:$0xBA20] =	vst v63  }
0x331: {  	_ =	swait.ge [sflag:s4], $0x9A00  }
0x332: {  	[sflag:s4] =	ssyncset.done $0x0  }
0x333: {  	s28 =	rddreg [dreg:$0x13];
	[sflag:s4] =	ssyncadd.s32 $0xFFFF6600  }
0x334: {  	[hbm4b:s28+s3] =	stream.linear.scatter [tilespmem:s5], [sflag:$0x1], $0x9A00, $0x38;
	[tilespmem:$0xBA20] =	vst v63  }
0x335: {  	_ =	swait.ge [sflag:s4], $0x9A00  }
0x336: {  	s8 =	rddreg [dreg:$0x11];
	s11 =	spop (v2sf);
	(v2sf) =	vpush v1, $0x5  }
0x337: {  	s19 =	sadd.s32 s8, s11  }
0x338: {  	s19 =	sshll.u32 s19, $0x6  }
0x339: {  	[sflag:s4] =	ssyncset.done $0x0;
	s19 =	sand.u32 $0x1FFFFFC0, s19  }
0x33a: {  	[sflag:s4] =	ssyncadd.s32 $0xFFFF6600;
	s19 =	sadd.s32 s2, s19  }
0x33b: {  	[hbm4b:s19+s3] =	stream.linear.scatter [tilespmem:s3], [sflag:$0x1], $0x2000, $0x38;
	[tilespmem:$0xBA20] =	vst v63  }
0x33c: {  	_ =	swait.ge [sflag:s4], $0x2000  }
0x33d: {  	[sflag:s4] =	ssyncset.done $0x0  }
0x33e: {  	s14 =	rddreg [dreg:$0x15];
	[sflag:s4] =	ssyncadd.s32 $0xFFFFE000  }
0x33f: {  	[tilespmem:s5], [sflag:$0x1] =	stream.linear.gather [hbm4b:s14+s3], $0x9A00, $0x38;
	[tilespmem:$0xBA20] =	vst v63  }
0x340: {  	_ =	swait.ge [sflag:s4], $0x9A00  }
0x341: {  	[sflag:s4] =	ssyncset.done $0x0  }
0x342: {  	s28 =	rddreg [dreg:$0x16];
	[sflag:s4] =	ssyncadd.s32 $0xFFFF6600  }
0x343: {  	[hbm4b:s28+s3] =	stream.linear.scatter [tilespmem:s5], [sflag:$0x1], $0x9A00, $0x38;
	[tilespmem:$0xBA20] =	vst v63  }
0x344: {  	_ =	swait.ge [sflag:s4], $0x9A00  }
0x345: {  	s8 =	rddreg [dreg:$0x14];
	s11 =	spop (v2sf);
	(v2sf) =	vpush v1, $0x6  }
0x346: {  	s19 =	sadd.s32 s8, s11  }
0x347: {  	s19 =	sshll.u32 s19, $0x6  }
0x348: {  	[sflag:s4] =	ssyncset.done $0x0;
	s19 =	sand.u32 $0x1FFFFFC0, s19  }
0x349: {  	[sflag:s4] =	ssyncadd.s32 $0xFFFF6600;
	s19 =	sadd.s32 s2, s19  }
0x34a: {  	[hbm4b:s19+s3] =	stream.linear.scatter [tilespmem:s3], [sflag:$0x1], $0x2000, $0x38;
	[tilespmem:$0xBA20] =	vst v63  }
0x34b: {  	_ =	swait.ge [sflag:s4], $0x2000  }
0x34c: {  	[sflag:s4] =	ssyncset.done $0x0  }
0x34d: {  	s14 =	rddreg [dreg:$0x18];
	[sflag:s4] =	ssyncadd.s32 $0xFFFFE000  }
0x34e: {  	[tilespmem:s5], [sflag:$0x1] =	stream.linear.gather [hbm4b:s14+s3], $0x9A00, $0x38;
	[tilespmem:$0xBA20] =	vst v63  }
0x34f: {  	_ =	swait.ge [sflag:s4], $0x9A00  }
0x350: {  	[sflag:s4] =	ssyncset.done $0x0  }
0x351: {  	s28 =	rddreg [dreg:$0x19];
	[sflag:s4] =	ssyncadd.s32 $0xFFFF6600  }
0x352: {  	[hbm4b:s28+s3] =	stream.linear.scatter [tilespmem:s5], [sflag:$0x1], $0x9A00, $0x38;
	[tilespmem:$0xBA20] =	vst v63  }
0x353: {  	_ =	swait.ge [sflag:s4], $0x9A00  }
0x354: {  	s8 =	rddreg [dreg:$0x17];
	s11 =	spop (v2sf)  }
0x355: {  	s19 =	sadd.s32 s8, s11  }
0x356: {  	(v2sf) =	vpush v1, $0x7;
	s19 =	sshll.u32 s19, $0x6  }
0x357: {  	[sflag:s4] =	ssyncset.done $0x0;
	s19 =	sand.u32 $0x1FFFFFC0, s19  }
0x358: {  	[sflag:s4] =	ssyncadd.s32 $0xFFFF6600;
	s19 =	sadd.s32 s2, s19  }
0x359: {  	[hbm4b:s19+s3] =	stream.linear.scatter [tilespmem:s3], [sflag:$0x1], $0x2000, $0x38;
	[tilespmem:$0xBA20] =	vst v63  }
0x35a: {  	_ =	swait.ge [sflag:s4], $0x2000  }
0x35b: {  	[sflag:s4] =	ssyncset.done $0x0  }
0x35c: {  	s14 =	rddreg [dreg:$0x1b];
	[sflag:s4] =	ssyncadd.s32 $0xFFFFE000  }
0x35d: {  	[tilespmem:s5], [sflag:$0x1] =	stream.linear.gather [hbm4b:s14+s3], $0x9A00, $0x38;
	[tilespmem:$0xBA20] =	vst v63  }
0x35e: {  	_ =	swait.ge [sflag:s4], $0x9A00  }
0x35f: {  	[sflag:s4] =	ssyncset.done $0x0  }
0x360: {  	s28 =	rddreg [dreg:$0x1c];
	[sflag:s4] =	ssyncadd.s32 $0xFFFF6600  }
0x361: {  	[hbm4b:s28+s3] =	stream.linear.scatter [tilespmem:s5], [sflag:$0x1], $0x9A00, $0x38;
	[tilespmem:$0xBA20] =	vst v63  }
0x362: {  	_ =	swait.ge [sflag:s4], $0x9A00  }
0x363: {  	s14 =	sld [smem:$0x77E];
	_ =	sdelay $0x1  }
0x364: {  	s8 =	rddreg [dreg:$0x1a];
	s11 =	spop (v2sf)  }
0x365: {  	s19 =	sadd.s32 s8, s11;
	p4 =	seq.s32 s14, $0x1  }
0x366: {  	s19 =	sshll.u32 s19, $0x6;
	(v2sf) =	vpush @!p4 v1, $0x8  }
0x367: {  	[sflag:s4] =	ssyncset.done $0x0;
	s19 =	sand.u32 $0x1FFFFFC0, s19  }
0x368: {  	[sflag:s4] =	ssyncadd.s32 $0xFFFF6600;
	s19 =	sadd.s32 s2, s19  }
0x369: {  	[hbm4b:s19+s3] =	stream.linear.scatter [tilespmem:s3], [sflag:$0x1], $0x2000, $0x38;
	[tilespmem:$0xBA20] =	vst v63  }
0x36a: {  	_ =	swait.ge [sflag:s4], $0x2000  }
0x36b: {  	s8 =	sld [smem:$0x76E]  }
0x36c: {  	s28 =	sld [smem:$0x76D]  }
0x36d: {  	[sflag:s4] =	ssyncset.done $0x0;
	s11 =	sld [smem:$0x76F]  }
0x36e: {  	s19 =	rddreg [dreg:$0x1e];
	[sflag:s4] =	ssyncadd.s32 $0xFFFFE000  }
0x36f: {  	[tilespmem:s28], [sflag:$0x1] =	stream.linear.gather @!p4 [hbm4b:s19+s8], $0x9A00, $0x38;
	[tilespmem:$0xBA20] =	vst v63  }
0x370: {  	_ =	swait.ge @!p4 [sflag:s11], $0x9A00  }
0x371: {  	[sflag:s11] =	ssyncset.done @!p4 $0x0  }
0x372: {  	s19 =	rddreg [dreg:$0x1f];
	[sflag:s11] =	ssyncadd.s32 @!p4 $0xFFFF6600  }
0x373: {  	[hbm4b:s19+s8] =	stream.linear.scatter @!p4 [tilespmem:s28], [sflag:$0x1], $0x9A00, $0x38;
	[tilespmem:$0xBA20] =	vst v63  }
0x374: {  	_ =	swait.ge @!p4 [sflag:s11], $0x9A00  }
0x375: {  	s19 =	rddreg [dreg:$0x1d];
	s28 =	spop @!p4 (v2sf)  }
0x376: {  	s14 =	sld [smem:$0x7EA];
	s19 =	sadd.s32 @!p4 s19, s28  }
0x377: {  	s19 =	sshll.u32 @!p4 s19, $0x6  }
0x378: {  	[sflag:s11] =	ssyncset.done @!p4 $0x0;
	s19 =	sand.u32 @!p4 $0x1FFFFFC0, s19  }
0x379: {  	[sflag:s11] =	ssyncadd.s32 @!p4 $0xFFFF6600;
	p0 =	seq.s32 s14, $0x1;
	s19 =	sadd.s32 @!p4 s2, s19  }
0x37a: {  	(v2sf) =	vpush @!p0 v1, $0x9;
	[hbm4b:s19+s8] =	stream.linear.scatter @!p4 [tilespmem:s8], [sflag:$0x1], $0x2000, $0x38;
	[tilespmem:$0xBA20] =	vst v63  }
0x37b: {  	_ =	swait.ge @!p4 [sflag:s11], $0x2000  }
0x37c: {  	s19 =	sld [smem:$0x7A5]  }
0x37d: {  	[sflag:s11] =	ssyncset.done @!p4 $0x0;
	s8 =	sld [smem:$0x771]  }
0x37e: {  	[sflag:s11] =	ssyncadd.s32 @!p4 $0xFFFFE000;
	s11 =	sld [smem:$0x770]  }
0x37f: {  	s14 =	sld [smem:$0x772];
	_ =	sdelay $0x1  }
0x380: {  	[tilespmem:s11], [sflag:$0x1] =	stream.linear.gather @!p0 [hbm4b:s19+s8], $0x9A00, $0x38;
	[tilespmem:$0xBA20] =	vst v63  }
0x381: {  	_ =	swait.ge @!p0 [sflag:s14], $0x9A00  }
0x382: {  	s19 =	sld [smem:$0x7A6]  }
0x383: {  	[sflag:s14] =	ssyncset.done @!p0 $0x0  }
0x384: {  	[sflag:s14] =	ssyncadd.s32 @!p0 $0xFFFF6600  }
0x385: {  	[hbm4b:s19+s8] =	stream.linear.scatter @!p0 [tilespmem:s11], [sflag:$0x1], $0x9A00, $0x38;
	[tilespmem:$0xBA20] =	vst v63  }
0x386: {  	_ =	swait.ge @!p0 [sflag:s14], $0x9A00  }
0x387: {  	s19 =	sld [smem:$0x7A4];
	_ =	sdelay $0x1  }
0x388: {  	s28 =	spop @!p0 (v2sf)  }
0x389: {  	s19 =	sadd.s32 @!p0 s19, s28;
	s28 =	sld [smem:$0x77A]  }
0x38a: {  	s19 =	sshll.u32 @!p0 s19, $0x6  }
0x38b: {  	[sflag:s14] =	ssyncset.done @!p0 $0x0;
	s19 =	sand.u32 @!p0 $0x1FFFFFC0, s19  }
0x38c: {  	[sflag:s14] =	ssyncadd.s32 @!p0 $0xFFFF6600;
	p4 =	seq.s32 s28, $0x1;
	s19 =	sadd.s32 @!p0 s2, s19  }
0x38d: {  	(v2sf) =	vpush @!p4 v1, $0xA;
	[hbm4b:s19+s8] =	stream.linear.scatter @!p0 [tilespmem:s8], [sflag:$0x1], $0x2000, $0x38;
	[tilespmem:$0xBA20] =	vst v63  }
0x38e: {  	_ =	swait.ge @!p0 [sflag:s14], $0x2000  }
0x38f: {  	s19 =	sld [smem:$0x7A8]  }
0x390: {  	s8 =	sld [smem:$0x774]  }
0x391: {  	[sflag:s14] =	ssyncset.done @!p0 $0x0;
	s11 =	sld [smem:$0x773]  }
0x392: {  	[sflag:s14] =	ssyncadd.s32 @!p0 $0xFFFFE000;
	s14 =	sld [smem:$0x775];
	_ =	sdelay $0x1  }
0x393: {  	[tilespmem:s11], [sflag:$0x1] =	stream.linear.gather @!p4 [hbm4b:s19+s8], $0x9A00, $0x38;
	[tilespmem:$0xBA20] =	vst v63  }
0x394: {  	_ =	swait.ge @!p4 [sflag:s14], $0x9A00  }
0x395: {  	s19 =	sld [smem:$0x7A9]  }
0x396: {  	[sflag:s14] =	ssyncset.done @!p4 $0x0  }
0x397: {  	[sflag:s14] =	ssyncadd.s32 @!p4 $0xFFFF6600  }
0x398: {  	[hbm4b:s19+s8] =	stream.linear.scatter @!p4 [tilespmem:s11], [sflag:$0x1], $0x9A00, $0x38;
	[tilespmem:$0xBA20] =	vst v63  }
0x399: {  	_ =	swait.ge @!p4 [sflag:s14], $0x9A00  }
0x39a: {  	s19 =	sld [smem:$0x7A7];
	_ =	sdelay $0x1  }
0x39b: {  	s28 =	spop @!p4 (v2sf)  }
0x39c: {  	s19 =	sadd.s32 @!p4 s19, s28  }
0x39d: {  	s19 =	sshll.u32 @!p4 s19, $0x6  }
0x39e: {  	[sflag:s14] =	ssyncset.done @!p4 $0x0;
	s19 =	sand.u32 @!p4 $0x1FFFFFC0, s19  }
0x39f: {  	[sflag:s14] =	ssyncadd.s32 @!p4 $0xFFFF6600;
	s19 =	sadd.s32 @!p4 s2, s19  }
0x3a0: {  	(v2sf) =	vpush @!p6 v1, $0xB;
	[hbm4b:s19+s8] =	stream.linear.scatter @!p4 [tilespmem:s8], [sflag:$0x1], $0x2000, $0x38;
	[tilespmem:$0xBA20] =	vst v63  }
0x3a1: {  	_ =	swait.ge @!p4 [sflag:s14], $0x2000  }
0x3a2: {  	s19 =	sld [smem:$0x7AB]  }
0x3a3: {  	s8 =	sld [smem:$0x777]  }
0x3a4: {  	[sflag:s14] =	ssyncset.done @!p4 $0x0;
	s11 =	sld [smem:$0x776]  }
0x3a5: {  	[sflag:s14] =	ssyncadd.s32 @!p4 $0xFFFFE000;
	s14 =	sld [smem:$0x778];
	_ =	sdelay $0x1  }
0x3a6: {  	[tilespmem:s11], [sflag:$0x1] =	stream.linear.gather @!p6 [hbm4b:s19+s8], $0x9A00, $0x38;
	[tilespmem:$0xBA20] =	vst v63  }
0x3a7: {  	_ =	swait.ge @!p6 [sflag:s14], $0x9A00  }
0x3a8: {  	s19 =	sld [smem:$0x7AC]  }
0x3a9: {  	[sflag:s14] =	ssyncset.done @!p6 $0x0  }
0x3aa: {  	[sflag:s14] =	ssyncadd.s32 @!p6 $0xFFFF6600  }
0x3ab: {  	[hbm4b:s19+s8] =	stream.linear.scatter @!p6 [tilespmem:s11], [sflag:$0x1], $0x9A00, $0x38;
	[tilespmem:$0xBA20] =	vst v63  }
0x3ac: {  	_ =	swait.ge @!p6 [sflag:s14], $0x9A00  }
0x3ad: {  	s19 =	sld [smem:$0x7AA];
	_ =	sdelay $0x1  }
0x3ae: {  	s28 =	spop @!p6 (v2sf)  }
0x3af: {  	s19 =	sadd.s32 @!p6 s19, s28;
	s28 =	sld [smem:$0x7EB]  }
0x3b0: {  	s19 =	sshll.u32 @!p6 s19, $0x6  }
0x3b1: {  	p0 =	por p6, p6;
	[sflag:s14] =	ssyncset.done @!p6 $0x0;
	s19 =	sand.u32 @!p6 $0x1FFFFFC0, s19  }
0x3b2: {  	[sflag:s14] =	ssyncadd.s32 @!p6 $0xFFFF6600;
	p6 =	seq.s32 s28, $0x1;
	s19 =	sadd.s32 @!p0 s2, s19  }
0x3b3: {  	(v2sf) =	vpush @!p6 v1, $0xC;
	[hbm4b:s19+s8] =	stream.linear.scatter @!p0 [tilespmem:s8], [sflag:$0x1], $0x2000, $0x38;
	[tilespmem:$0xBA20] =	vst v63  }
0x3b4: {  	_ =	swait.ge @!p0 [sflag:s14], $0x2000  }
0x3b5: {  	s19 =	sld [smem:$0x7AE]  }
0x3b6: {  	s8 =	sld [smem:$0x77B]  }
0x3b7: {  	[sflag:s14] =	ssyncset.done @!p0 $0x0;
	s11 =	sld [smem:$0x779]  }
0x3b8: {  	[sflag:s14] =	ssyncadd.s32 @!p0 $0xFFFFE000;
	s14 =	sld [smem:$0x77C];
	_ =	sdelay $0x1  }
0x3b9: {  	[tilespmem:s11], [sflag:$0x1] =	stream.linear.gather @!p6 [hbm4b:s19+s8], $0x9A00, $0x38;
	[tilespmem:$0xBA20] =	vst v63  }
0x3ba: {  	_ =	swait.ge @!p6 [sflag:s14], $0x9A00  }
0x3bb: {  	s19 =	sld [smem:$0x7AF]  }
0x3bc: {  	[sflag:s14] =	ssyncset.done @!p6 $0x0  }
0x3bd: {  	[sflag:s14] =	ssyncadd.s32 @!p6 $0xFFFF6600  }
0x3be: {  	[hbm4b:s19+s8] =	stream.linear.scatter @!p6 [tilespmem:s11], [sflag:$0x1], $0x9A00, $0x38;
	[tilespmem:$0xBA20] =	vst v63  }
0x3bf: {  	_ =	swait.ge @!p6 [sflag:s14], $0x9A00  }
0x3c0: {  	s19 =	sld [smem:$0x7AD];
	_ =	sdelay $0x1  }
0x3c1: {  	s28 =	spop @!p6 (v2sf)  }
0x3c2: {  	s19 =	sadd.s32 @!p6 s19, s28;
	s28 =	sld [smem:$0x7EC]  }
0x3c3: {  	s19 =	sshll.u32 @!p6 s19, $0x6  }
0x3c4: {  	[sflag:s14] =	ssyncset.done @!p6 $0x0;
	s19 =	sand.u32 @!p6 $0x1FFFFFC0, s19  }
0x3c5: {  	[sflag:s14] =	ssyncadd.s32 @!p6 $0xFFFF6600;
	p4 =	seq.s32 s28, $0x1;
	s19 =	sadd.s32 @!p6 s2, s19  }
0x3c6: {  	(v2sf) =	vpush @!p4 v1, $0xD;
	[hbm4b:s19+s8] =	stream.linear.scatter @!p6 [tilespmem:s8], [sflag:$0x1], $0x2000, $0x38;
	[tilespmem:$0xBA20] =	vst v63  }
0x3c7: {  	_ =	swait.ge @!p6 [sflag:s14], $0x2000  }
0x3c8: {  	s19 =	sld [smem:$0x7B1]  }
0x3c9: {  	s8 =	sld [smem:$0x77F]  }
0x3ca: {  	[sflag:s14] =	ssyncset.done @!p6 $0x0;
	s11 =	sld [smem:$0x77D]  }
0x3cb: {  	[sflag:s14] =	ssyncadd.s32 @!p6 $0xFFFFE000;
	s14 =	sld [smem:$0x780];
	_ =	sdelay $0x1  }
0x3cc: {  	[tilespmem:s11], [sflag:$0x1] =	stream.linear.gather @!p4 [hbm4b:s19+s8], $0x9A00, $0x38;
	[tilespmem:$0xBA20] =	vst v63  }
0x3cd: {  	_ =	swait.ge @!p4 [sflag:s14], $0x9A00  }
0x3ce: {  	s19 =	sld [smem:$0x7B2]  }
0x3cf: {  	[sflag:s14] =	ssyncset.done @!p4 $0x0  }
0x3d0: {  	[sflag:s14] =	ssyncadd.s32 @!p4 $0xFFFF6600  }
0x3d1: {  	[hbm4b:s19+s8] =	stream.linear.scatter @!p4 [tilespmem:s11], [sflag:$0x1], $0x9A00, $0x38;
	[tilespmem:$0xBA20] =	vst v63  }
0x3d2: {  	_ =	swait.ge @!p4 [sflag:s14], $0x9A00  }
0x3d3: {  	s19 =	sld [smem:$0x7B0];
	_ =	sdelay $0x1  }
0x3d4: {  	s28 =	spop @!p4 (v2sf)  }
0x3d5: {  	s19 =	sadd.s32 @!p4 s19, s28;
	s28 =	sld [smem:$0x7ED]  }
0x3d6: {  	s19 =	sshll.u32 @!p4 s19, $0x6  }
0x3d7: {  	[sflag:s14] =	ssyncset.done @!p4 $0x0;
	s19 =	sand.u32 @!p4 $0x1FFFFFC0, s19  }
0x3d8: {  	[sflag:s14] =	ssyncadd.s32 @!p4 $0xFFFF6600;
	p1 =	seq.s32 s28, $0x1;
	s19 =	sadd.s32 @!p4 s2, s19  }
0x3d9: {  	(v2sf) =	vpush @!p1 v1, $0xE;
	[hbm4b:s19+s8] =	stream.linear.scatter @!p4 [tilespmem:s8], [sflag:$0x1], $0x2000, $0x38;
	[tilespmem:$0xBA20] =	vst v63  }
0x3da: {  	_ =	swait.ge @!p4 [sflag:s14], $0x2000  }
0x3db: {  	s19 =	sld [smem:$0x7B4]  }
0x3dc: {  	s8 =	sld [smem:$0x782]  }
0x3dd: {  	[sflag:s14] =	ssyncset.done @!p4 $0x0;
	s11 =	sld [smem:$0x781]  }
0x3de: {  	[sflag:s14] =	ssyncadd.s32 @!p4 $0xFFFFE000;
	s14 =	sld [smem:$0x783];
	_ =	sdelay $0x1  }
0x3df: {  	[tilespmem:s11], [sflag:$0x1] =	stream.linear.gather @!p1 [hbm4b:s19+s8], $0x9A00, $0x38;
	[tilespmem:$0xBA20] =	vst v63  }
0x3e0: {  	_ =	swait.ge @!p1 [sflag:s14], $0x9A00  }
0x3e1: {  	s19 =	sld [smem:$0x7B5]  }
0x3e2: {  	[sflag:s14] =	ssyncset.done @!p1 $0x0  }
0x3e3: {  	[sflag:s14] =	ssyncadd.s32 @!p1 $0xFFFF6600  }
0x3e4: {  	[hbm4b:s19+s8] =	stream.linear.scatter @!p1 [tilespmem:s11], [sflag:$0x1], $0x9A00, $0x38;
	[tilespmem:$0xBA20] =	vst v63  }
0x3e5: {  	_ =	swait.ge @!p1 [sflag:s14], $0x9A00  }
0x3e6: {  	s19 =	sld [smem:$0x7B3];
	_ =	sdelay $0x1  }
0x3e7: {  	s28 =	spop @!p1 (v2sf)  }
0x3e8: {  	s19 =	sadd.s32 @!p1 s19, s28;
	s28 =	sld [smem:$0x7EE]  }
0x3e9: {  	s19 =	sshll.u32 @!p1 s19, $0x6  }
0x3ea: {  	[sflag:s14] =	ssyncset.done @!p1 $0x0;
	s19 =	sand.u32 @!p1 $0x1FFFFFC0, s19  }
0x3eb: {  	[sflag:s14] =	ssyncadd.s32 @!p1 $0xFFFF6600;
	p6 =	seq.s32 s28, $0x1;
	s19 =	sadd.s32 @!p1 s2, s19  }
0x3ec: {  	(v2sf) =	vpush @!p6 v1, $0xF;
	[hbm4b:s19+s8] =	stream.linear.scatter @!p1 [tilespmem:s8], [sflag:$0x1], $0x2000, $0x38;
	[tilespmem:$0xBA20] =	vst v63  }
0x3ed: {  	_ =	swait.ge @!p1 [sflag:s14], $0x2000  }
0x3ee: {  	s19 =	sld [smem:$0x7B7]  }
0x3ef: {  	s8 =	sld [smem:$0x785]  }
0x3f0: {  	[sflag:s14] =	ssyncset.done @!p1 $0x0;
	s11 =	sld [smem:$0x784]  }
0x3f1: {  	[sflag:s14] =	ssyncadd.s32 @!p1 $0xFFFFE000;
	s14 =	sld [smem:$0x786];
	_ =	sdelay $0x1  }
0x3f2: {  	[tilespmem:s11], [sflag:$0x1] =	stream.linear.gather @!p6 [hbm4b:s19+s8], $0x9A00, $0x38;
	[tilespmem:$0xBA20] =	vst v63  }
0x3f3: {  	_ =	swait.ge @!p6 [sflag:s14], $0x9A00  }
0x3f4: {  	s19 =	sld [smem:$0x7B8]  }
0x3f5: {  	[sflag:s14] =	ssyncset.done @!p6 $0x0  }
0x3f6: {  	[sflag:s14] =	ssyncadd.s32 @!p6 $0xFFFF6600  }
0x3f7: {  	[hbm4b:s19+s8] =	stream.linear.scatter @!p6 [tilespmem:s11], [sflag:$0x1], $0x9A00, $0x38;
	[tilespmem:$0xBA20] =	vst v63  }
0x3f8: {  	_ =	swait.ge @!p6 [sflag:s14], $0x9A00  }
0x3f9: {  	s19 =	sld [smem:$0x7B6];
	_ =	sdelay $0x1  }
0x3fa: {  	s28 =	spop @!p6 (v2sf)  }
0x3fb: {  	s19 =	sadd.s32 @!p6 s19, s28;
	s28 =	sld [smem:$0x7EF]  }
0x3fc: {  	s19 =	sshll.u32 @!p6 s19, $0x6  }
0x3fd: {  	[sflag:s14] =	ssyncset.done @!p6 $0x0;
	s19 =	sand.u32 @!p6 $0x1FFFFFC0, s19  }
0x3fe: {  	[sflag:s14] =	ssyncadd.s32 @!p6 $0xFFFF6600;
	p4 =	seq.s32 s28, $0x1;
	s19 =	sadd.s32 @!p6 s2, s19  }
0x3ff: {  	(v2sf) =	vpush @!p4 v0, $0x0;
	[hbm4b:s19+s8] =	stream.linear.scatter @!p6 [tilespmem:s8], [sflag:$0x1], $0x2000, $0x38;
	[tilespmem:$0xBA20] =	vst v63  }
0x400: {  	_ =	swait.ge @!p6 [sflag:s14], $0x2000  }
0x401: {  	s19 =	sld [smem:$0x7BA]  }
0x402: {  	s8 =	sld [smem:$0x788]  }
0x403: {  	[sflag:s14] =	ssyncset.done @!p6 $0x0;
	s11 =	sld [smem:$0x787]  }
0x404: {  	[sflag:s14] =	ssyncadd.s32 @!p6 $0xFFFFE000;
	s14 =	sld [smem:$0x789];
	_ =	sdelay $0x1  }
0x405: {  	[tilespmem:s11], [sflag:$0x1] =	stream.linear.gather @!p4 [hbm4b:s19+s8], $0x9A00, $0x38;
	[tilespmem:$0xBA20] =	vst v63  }
0x406: {  	_ =	swait.ge @!p4 [sflag:s14], $0x9A00  }
0x407: {  	s19 =	sld [smem:$0x7BB]  }
0x408: {  	[sflag:s14] =	ssyncset.done @!p4 $0x0  }
0x409: {  	[sflag:s14] =	ssyncadd.s32 @!p4 $0xFFFF6600  }
0x40a: {  	[hbm4b:s19+s8] =	stream.linear.scatter @!p4 [tilespmem:s11], [sflag:$0x1], $0x9A00, $0x38;
	[tilespmem:$0xBA20] =	vst v63  }
0x40b: {  	_ =	swait.ge @!p4 [sflag:s14], $0x9A00  }
0x40c: {  	s19 =	sld [smem:$0x7B9];
	_ =	sdelay $0x1  }
0x40d: {  	s28 =	spop @!p4 (v2sf)  }
0x40e: {  	s19 =	sadd.s32 @!p4 s19, s28;
	s28 =	sld [smem:$0x7F0]  }
0x40f: {  	s19 =	sshll.u32 @!p4 s19, $0x6  }
0x410: {  	[sflag:s14] =	ssyncset.done @!p4 $0x0;
	s19 =	sand.u32 @!p4 $0x1FFFFFC0, s19  }
0x411: {  	[sflag:s14] =	ssyncadd.s32 @!p4 $0xFFFF6600;
	p1 =	seq.s32 s28, $0x1;
	s19 =	sadd.s32 @!p4 s2, s19  }
0x412: {  	(v2sf) =	vpush @!p1 v0, $0x1;
	[hbm4b:s19+s8] =	stream.linear.scatter @!p4 [tilespmem:s8], [sflag:$0x1], $0x2000, $0x38;
	[tilespmem:$0xBA20] =	vst v63  }
0x413: {  	_ =	swait.ge @!p4 [sflag:s14], $0x2000  }
0x414: {  	s19 =	sld [smem:$0x7BD]  }
0x415: {  	s8 =	sld [smem:$0x78B]  }
0x416: {  	[sflag:s14] =	ssyncset.done @!p4 $0x0;
	s11 =	sld [smem:$0x78A]  }
0x417: {  	[sflag:s14] =	ssyncadd.s32 @!p4 $0xFFFFE000;
	s14 =	sld [smem:$0x78C];
	_ =	sdelay $0x1  }
0x418: {  	[tilespmem:s11], [sflag:$0x1] =	stream.linear.gather @!p1 [hbm4b:s19+s8], $0x9A00, $0x38;
	[tilespmem:$0xBA20] =	vst v63  }
0x419: {  	_ =	swait.ge @!p1 [sflag:s14], $0x9A00  }
0x41a: {  	s19 =	sld [smem:$0x7BE]  }
0x41b: {  	[sflag:s14] =	ssyncset.done @!p1 $0x0  }
0x41c: {  	[sflag:s14] =	ssyncadd.s32 @!p1 $0xFFFF6600  }
0x41d: {  	[hbm4b:s19+s8] =	stream.linear.scatter @!p1 [tilespmem:s11], [sflag:$0x1], $0x9A00, $0x38;
	[tilespmem:$0xBA20] =	vst v63  }
0x41e: {  	_ =	swait.ge @!p1 [sflag:s14], $0x9A00  }
0x41f: {  	s19 =	sld [smem:$0x7BC];
	_ =	sdelay $0x1  }
0x420: {  	s28 =	spop @!p1 (v2sf)  }
0x421: {  	s19 =	sadd.s32 @!p1 s19, s28  }
0x422: {  	s19 =	sshll.u32 @!p1 s19, $0x6  }
0x423: {  	[sflag:s14] =	ssyncset.done @!p1 $0x0;
	s19 =	sand.u32 @!p1 $0x1FFFFFC0, s19  }
0x424: {  	[sflag:s14] =	ssyncadd.s32 @!p1 $0xFFFF6600;
	s19 =	sadd.s32 @!p1 s2, s19  }
0x425: {  	(v2sf) =	vpush @!p2 v0, $0x2;
	[hbm4b:s19+s8] =	stream.linear.scatter @!p1 [tilespmem:s8], [sflag:$0x1], $0x2000, $0x38;
	[tilespmem:$0xBA20] =	vst v63  }
0x426: {  	_ =	swait.ge @!p1 [sflag:s14], $0x2000  }
0x427: {  	s19 =	sld [smem:$0x7C0]  }
0x428: {  	s8 =	sld [smem:$0x78E]  }
0x429: {  	[sflag:s14] =	ssyncset.done @!p1 $0x0;
	s11 =	sld [smem:$0x78D]  }
0x42a: {  	[sflag:s14] =	ssyncadd.s32 @!p1 $0xFFFFE000;
	s14 =	sld [smem:$0x78F];
	_ =	sdelay $0x1  }
0x42b: {  	[tilespmem:s11], [sflag:$0x1] =	stream.linear.gather @!p2 [hbm4b:s19+s8], $0x9A00, $0x38;
	[tilespmem:$0xBA20] =	vst v63  }
0x42c: {  	_ =	swait.ge @!p2 [sflag:s14], $0x9A00  }
0x42d: {  	s19 =	sld [smem:$0x7C1]  }
0x42e: {  	[sflag:s14] =	ssyncset.done @!p2 $0x0  }
0x42f: {  	[sflag:s14] =	ssyncadd.s32 @!p2 $0xFFFF6600  }
0x430: {  	[hbm4b:s19+s8] =	stream.linear.scatter @!p2 [tilespmem:s11], [sflag:$0x1], $0x9A00, $0x38;
	[tilespmem:$0xBA20] =	vst v63  }
0x431: {  	_ =	swait.ge @!p2 [sflag:s14], $0x9A00  }
0x432: {  	s19 =	sld [smem:$0x7BF];
	_ =	sdelay $0x1  }
0x433: {  	s28 =	spop @!p2 (v2sf)  }
0x434: {  	s19 =	sadd.s32 @!p2 s19, s28;
	s28 =	sld [smem:$0x798]  }
0x435: {  	s19 =	sshll.u32 @!p2 s19, $0x6  }
0x436: {  	[sflag:s14] =	ssyncset.done @!p2 $0x0;
	s19 =	sand.u32 @!p2 $0x1FFFFFC0, s19  }
0x437: {  	[sflag:s14] =	ssyncadd.s32 @!p2 $0xFFFF6600;
	p1 =	seq.s32 s28, $0x1;
	s19 =	sadd.s32 @!p2 s2, s19  }
0x438: {  	(v2sf) =	vpush @!p1 v0, $0x3;
	[hbm4b:s19+s8] =	stream.linear.scatter @!p2 [tilespmem:s8], [sflag:$0x1], $0x2000, $0x38;
	[tilespmem:$0xBA20] =	vst v63  }
0x439: {  	_ =	swait.ge @!p2 [sflag:s14], $0x2000  }
0x43a: {  	s19 =	sld [smem:$0x7C3]  }
0x43b: {  	s8 =	sld [smem:$0x791]  }
0x43c: {  	[sflag:s14] =	ssyncset.done @!p2 $0x0;
	s11 =	sld [smem:$0x790]  }
0x43d: {  	[sflag:s14] =	ssyncadd.s32 @!p2 $0xFFFFE000;
	s14 =	sld [smem:$0x792];
	_ =	sdelay $0x1  }
0x43e: {  	[tilespmem:s11], [sflag:$0x1] =	stream.linear.gather @!p1 [hbm4b:s19+s8], $0x9A00, $0x38;
	[tilespmem:$0xBA20] =	vst v63  }
0x43f: {  	_ =	swait.ge @!p1 [sflag:s14], $0x9A00  }
0x440: {  	s19 =	sld [smem:$0x7C4]  }
0x441: {  	[sflag:s14] =	ssyncset.done @!p1 $0x0  }
0x442: {  	[sflag:s14] =	ssyncadd.s32 @!p1 $0xFFFF6600  }
0x443: {  	[hbm4b:s19+s8] =	stream.linear.scatter @!p1 [tilespmem:s11], [sflag:$0x1], $0x9A00, $0x38;
	[tilespmem:$0xBA20] =	vst v63  }
0x444: {  	_ =	swait.ge @!p1 [sflag:s14], $0x9A00  }
0x445: {  	s19 =	sld [smem:$0x7C2];
	_ =	sdelay $0x1  }
0x446: {  	s28 =	spop @!p1 (v2sf)  }
0x447: {  	s19 =	sadd.s32 @!p1 s19, s28;
	s28 =	sld [smem:$0x7F2]  }
0x448: {  	s19 =	sshll.u32 @!p1 s19, $0x6  }
0x449: {  	[sflag:s14] =	ssyncset.done @!p1 $0x0;
	s19 =	sand.u32 @!p1 $0x1FFFFFC0, s19  }
0x44a: {  	[sflag:s14] =	ssyncadd.s32 @!p1 $0xFFFF6600;
	p6 =	seq.s32 s28, $0x1;
	s19 =	sadd.s32 @!p1 s2, s19  }
0x44b: {  	(v2sf) =	vpush @!p6 v0, $0x4;
	[hbm4b:s19+s8] =	stream.linear.scatter @!p1 [tilespmem:s8], [sflag:$0x1], $0x2000, $0x38;
	[tilespmem:$0xBA20] =	vst v63  }
0x44c: {  	_ =	swait.ge @!p1 [sflag:s14], $0x2000  }
0x44d: {  	s19 =	sld [smem:$0x7C6]  }
0x44e: {  	s8 =	sld [smem:$0x794]  }
0x44f: {  	[sflag:s14] =	ssyncset.done @!p1 $0x0;
	s11 =	sld [smem:$0x793]  }
0x450: {  	[sflag:s14] =	ssyncadd.s32 @!p1 $0xFFFFE000;
	s14 =	sld [smem:$0x795];
	_ =	sdelay $0x1  }
0x451: {  	[tilespmem:s11], [sflag:$0x1] =	stream.linear.gather @!p6 [hbm4b:s19+s8], $0x9A00, $0x38;
	[tilespmem:$0xBA20] =	vst v63  }
0x452: {  	_ =	swait.ge @!p6 [sflag:s14], $0x9A00  }
0x453: {  	s19 =	sld [smem:$0x7C7]  }
0x454: {  	[sflag:s14] =	ssyncset.done @!p6 $0x0  }
0x455: {  	[sflag:s14] =	ssyncadd.s32 @!p6 $0xFFFF6600  }
0x456: {  	[hbm4b:s19+s8] =	stream.linear.scatter @!p6 [tilespmem:s11], [sflag:$0x1], $0x9A00, $0x38;
	[tilespmem:$0xBA20] =	vst v63  }
0x457: {  	_ =	swait.ge @!p6 [sflag:s14], $0x9A00  }
0x458: {  	s19 =	sld [smem:$0x7C5];
	_ =	sdelay $0x1  }
0x459: {  	s28 =	spop @!p6 (v2sf)  }
0x45a: {  	s19 =	sadd.s32 @!p6 s19, s28;
	s28 =	sld [smem:$0x7F3]  }
0x45b: {  	s19 =	sshll.u32 @!p6 s19, $0x6  }
0x45c: {  	[sflag:s14] =	ssyncset.done @!p6 $0x0;
	s19 =	sand.u32 @!p6 $0x1FFFFFC0, s19  }
0x45d: {  	[sflag:s14] =	ssyncadd.s32 @!p6 $0xFFFF6600;
	p4 =	seq.s32 s28, $0x1;
	s19 =	sadd.s32 @!p6 s2, s19  }
0x45e: {  	(v2sf) =	vpush @!p4 v0, $0x5;
	[hbm4b:s19+s8] =	stream.linear.scatter @!p6 [tilespmem:s8], [sflag:$0x1], $0x2000, $0x38;
	[tilespmem:$0xBA20] =	vst v63  }
0x45f: {  	_ =	swait.ge @!p6 [sflag:s14], $0x2000  }
0x460: {  	s19 =	sld [smem:$0x7C9]  }
0x461: {  	s8 =	sld [smem:$0x797]  }
0x462: {  	[sflag:s14] =	ssyncset.done @!p6 $0x0;
	s11 =	sld [smem:$0x796]  }
0x463: {  	[sflag:s14] =	ssyncadd.s32 @!p6 $0xFFFFE000;
	s14 =	sld [smem:$0x799];
	_ =	sdelay $0x1  }
0x464: {  	[tilespmem:s11], [sflag:$0x1] =	stream.linear.gather @!p4 [hbm4b:s19+s8], $0x9A00, $0x38;
	[tilespmem:$0xBA20] =	vst v63  }
0x465: {  	_ =	swait.ge @!p4 [sflag:s14], $0x9A00  }
0x466: {  	s19 =	sld [smem:$0x7CA]  }
0x467: {  	[sflag:s14] =	ssyncset.done @!p4 $0x0  }
0x468: {  	[sflag:s14] =	ssyncadd.s32 @!p4 $0xFFFF6600  }
0x469: {  	[hbm4b:s19+s8] =	stream.linear.scatter @!p4 [tilespmem:s11], [sflag:$0x1], $0x9A00, $0x38;
	[tilespmem:$0xBA20] =	vst v63  }
0x46a: {  	_ =	swait.ge @!p4 [sflag:s14], $0x9A00  }
0x46b: {  	s19 =	sld [smem:$0x7C8];
	_ =	sdelay $0x1  }
0x46c: {  	s28 =	spop @!p4 (v2sf)  }
0x46d: {  	s19 =	sadd.s32 @!p4 s19, s28;
	s28 =	sld [smem:$0x7F4]  }
0x46e: {  	s19 =	sshll.u32 @!p4 s19, $0x6  }
0x46f: {  	p6 =	por p0, p0;
	[sflag:s14] =	ssyncset.done @!p4 $0x0;
	s19 =	sand.u32 @!p4 $0x1FFFFFC0, s19  }
0x470: {  	[sflag:s14] =	ssyncadd.s32 @!p4 $0xFFFF6600;
	p0 =	seq.s32 s28, $0x1;
	s19 =	sadd.s32 @!p4 s2, s19  }
0x471: {  	(v2sf) =	vpush @!p0 v0, $0x6;
	[hbm4b:s19+s8] =	stream.linear.scatter @!p4 [tilespmem:s8], [sflag:$0x1], $0x2000, $0x38;
	[tilespmem:$0xBA20] =	vst v63  }
0x472: {  	_ =	swait.ge @!p4 [sflag:s14], $0x2000  }
0x473: {  	s19 =	sld [smem:$0x7CC]  }
0x474: {  	s8 =	sld [smem:$0x79B]  }
0x475: {  	s11 =	sld [smem:$0x79A]  }
0x476: {  	[sflag:s14] =	ssyncset.done @!p4 $0x0  }
0x477: {  	[sflag:s14] =	ssyncadd.s32 @!p4 $0xFFFFE000  }
0x478: {  	[tilespmem:s11], [sflag:$0x1] =	stream.linear.gather @!p0 [hbm4b:s19+s8], $0x9A00, $0x38;
	[tilespmem:$0xBA20] =	vst v63  }
0x479: {  	_ =	swait.ge @!p0 [sflag:s12], $0x9A00  }
0x47a: {  	s19 =	sld [smem:$0x7CD]  }
0x47b: {  	[sflag:s12] =	ssyncset.done @!p0 $0x0  }
0x47c: {  	[sflag:s12] =	ssyncadd.s32 @!p0 $0xFFFF6600  }
0x47d: {  	[hbm4b:s19+s8] =	stream.linear.scatter @!p0 [tilespmem:s11], [sflag:$0x1], $0x9A00, $0x38;
	[tilespmem:$0xBA20] =	vst v63  }
0x47e: {  	_ =	swait.ge @!p0 [sflag:s12], $0x9A00  }
0x47f: {  	s19 =	sld [smem:$0x7CB];
	_ =	sdelay $0x1  }
0x480: {  	s28 =	spop @!p0 (v2sf)  }
0x481: {  	s19 =	sadd.s32 @!p0 s19, s28;
	s28 =	sld [smem:$0x7F5]  }
0x482: {  	s19 =	sshll.u32 @!p0 s19, $0x6  }
0x483: {  	[sflag:s12] =	ssyncset.done @!p0 $0x0;
	s19 =	sand.u32 @!p0 $0x1FFFFFC0, s19  }
0x484: {  	[sflag:s12] =	ssyncadd.s32 @!p0 $0xFFFF6600;
	p4 =	seq.s32 s28, $0x1;
	s19 =	sadd.s32 @!p0 s2, s19  }
0x485: {  	(v2sf) =	vpush @!p4 v0, $0x7;
	[hbm4b:s19+s8] =	stream.linear.scatter @!p0 [tilespmem:s8], [sflag:$0x1], $0x2000, $0x38;
	[tilespmem:$0xBA20] =	vst v63  }
0x486: {  	_ =	swait.ge @!p0 [sflag:s12], $0x2000  }
0x487: {  	s19 =	sld [smem:$0x7CF]  }
0x488: {  	s8 =	sld [smem:$0x79D]  }
0x489: {  	s11 =	sld [smem:$0x79C]  }
0x48a: {  	[sflag:s12] =	ssyncset.done @!p0 $0x0  }
0x48b: {  	[sflag:s12] =	ssyncadd.s32 @!p0 $0xFFFFE000  }
0x48c: {  	[tilespmem:s11], [sflag:$0x1] =	stream.linear.gather @!p4 [hbm4b:s19+s8], $0x9A00, $0x38;
	[tilespmem:$0xBA20] =	vst v63  }
0x48d: {  	_ =	swait.ge @!p4 [sflag:s18], $0x9A00  }
0x48e: {  	s19 =	sld [smem:$0x7D0]  }
0x48f: {  	[sflag:s18] =	ssyncset.done @!p4 $0x0  }
0x490: {  	[sflag:s18] =	ssyncadd.s32 @!p4 $0xFFFF6600  }
0x491: {  	[hbm4b:s19+s8] =	stream.linear.scatter @!p4 [tilespmem:s11], [sflag:$0x1], $0x9A00, $0x38;
	[tilespmem:$0xBA20] =	vst v63  }
0x492: {  	_ =	swait.ge @!p4 [sflag:s18], $0x9A00  }
0x493: {  	s19 =	sld [smem:$0x7CE];
	_ =	sdelay $0x1  }
0x494: {  	s28 =	spop @!p4 (v2sf)  }
0x495: {  	s14 =	sld [smem:$0x7A0];
	s19 =	sadd.s32 @!p4 s19, s28  }
0x496: {  	s19 =	sshll.u32 @!p4 s19, $0x6  }
0x497: {  	[sflag:s18] =	ssyncset.done @!p4 $0x0;
	s19 =	sand.u32 @!p4 $0x1FFFFFC0, s19  }
0x498: {  	[sflag:s18] =	ssyncadd.s32 @!p4 $0xFFFF6600;
	p0 =	seq.s32 s14, $0x1;
	s19 =	sadd.s32 @!p4 s2, s19  }
0x499: {  	(v2sf) =	vpush @!p0 v0, $0x8;
	[hbm4b:s19+s8] =	stream.linear.scatter @!p4 [tilespmem:s8], [sflag:$0x1], $0x2000, $0x38;
	[tilespmem:$0xBA20] =	vst v63  }
0x49a: {  	_ =	swait.ge @!p4 [sflag:s18], $0x2000  }
0x49b: {  	s19 =	sld [smem:$0x7D2]  }
0x49c: {  	s8 =	sld [smem:$0x79F]  }
0x49d: {  	s11 =	sld [smem:$0x79E]  }
0x49e: {  	[sflag:s18] =	ssyncset.done @!p4 $0x0  }
0x49f: {  	[sflag:s18] =	ssyncadd.s32 @!p4 $0xFFFFE000  }
0x4a0: {  	[tilespmem:s11], [sflag:$0x1] =	stream.linear.gather @!p0 [hbm4b:s19+s8], $0x9A00, $0x38;
	[tilespmem:$0xBA20] =	vst v63  }
0x4a1: {  	_ =	swait.ge @!p0 [sflag:s24], $0x9A00  }
0x4a2: {  	s19 =	sld [smem:$0x7D3]  }
0x4a3: {  	[sflag:s24] =	ssyncset.done @!p0 $0x0  }
0x4a4: {  	[sflag:s24] =	ssyncadd.s32 @!p0 $0xFFFF6600  }
0x4a5: {  	[hbm4b:s19+s8] =	stream.linear.scatter @!p0 [tilespmem:s11], [sflag:$0x1], $0x9A00, $0x38;
	[tilespmem:$0xBA20] =	vst v63  }
0x4a6: {  	_ =	swait.ge @!p0 [sflag:s24], $0x9A00  }
0x4a7: {  	s19 =	sld [smem:$0x7D1];
	_ =	sdelay $0x1  }
0x4a8: {  	s28 =	spop @!p0 (v2sf)  }
0x4a9: {  	s19 =	sadd.s32 @!p0 s19, s28;
	s28 =	sld [smem:$0x7F6]  }
0x4aa: {  	s19 =	sshll.u32 @!p0 s19, $0x6  }
0x4ab: {  	[sflag:s24] =	ssyncset.done @!p0 $0x0;
	s19 =	sand.u32 @!p0 $0x1FFFFFC0, s19  }
0x4ac: {  	[sflag:s24] =	ssyncadd.s32 @!p0 $0xFFFF6600;
	p1 =	seq.s32 s28, $0x1;
	s19 =	sadd.s32 @!p0 s2, s19  }
0x4ad: {  	(v2sf) =	vpush @!p1 v0, $0x9;
	[hbm4b:s19+s8] =	stream.linear.scatter @!p0 [tilespmem:s8], [sflag:$0x1], $0x2000, $0x38;
	[tilespmem:$0xBA20] =	vst v63  }
0x4ae: {  	_ =	swait.ge @!p0 [sflag:s24], $0x2000  }
0x4af: {  	s19 =	sld [smem:$0x7D5]  }
0x4b0: {  	s8 =	smov.u32 s1;
	s1 =	sld [smem:$0x7A1]  }
0x4b1: {  	[sflag:s24] =	ssyncset.done @!p0 $0x0  }
0x4b2: {  	[sflag:s24] =	ssyncadd.s32 @!p0 $0xFFFFE000  }
0x4b3: {  	[tilespmem:s1], [sflag:$0x1] =	stream.linear.gather @!p1 [hbm4b:s19+s8], $0x9A00, $0x38;
	[tilespmem:$0xBA20] =	vst v63  }
0x4b4: {  	_ =	swait.ge @!p1 [sflag:s31], $0x9A00  }
0x4b5: {  	s19 =	sld [smem:$0x7D6]  }
0x4b6: {  	[sflag:s31] =	ssyncset.done @!p1 $0x0  }
0x4b7: {  	[sflag:s31] =	ssyncadd.s32 @!p1 $0xFFFF6600  }
0x4b8: {  	[hbm4b:s19+s8] =	stream.linear.scatter @!p1 [tilespmem:s1], [sflag:$0x1], $0x9A00, $0x38;
	[tilespmem:$0xBA20] =	vst v63  }
0x4b9: {  	_ =	swait.ge @!p1 [sflag:s31], $0x9A00  }
0x4ba: {  	s19 =	sld [smem:$0x7D4];
	_ =	sdelay $0x1  }
0x4bb: {  	s28 =	spop @!p1 (v2sf)  }
0x4bc: {  	s14 =	sld [smem:$0x7F7];
	s19 =	sadd.s32 @!p1 s19, s28  }
0x4bd: {  	s19 =	sshll.u32 @!p1 s19, $0x6  }
0x4be: {  	[sflag:s31] =	ssyncset.done @!p1 $0x0;
	s19 =	sand.u32 @!p1 $0x1FFFFFC0, s19  }
0x4bf: {  	[sflag:s31] =	ssyncadd.s32 @!p1 $0xFFFF6600;
	p0 =	seq.s32 s14, $0x1;
	s19 =	sadd.s32 @!p1 s2, s19  }
0x4c0: {  	(v2sf) =	vpush @!p0 v0, $0xA;
	[hbm4b:s19+s8] =	stream.linear.scatter @!p1 [tilespmem:s8], [sflag:$0x1], $0x2000, $0x38;
	[tilespmem:$0xBA20] =	vst v63  }
0x4c1: {  	_ =	swait.ge @!p1 [sflag:s31], $0x2000  }
0x4c2: {  	s19 =	sld [smem:$0x7D8]  }
0x4c3: {  	s11 =	sld [smem:$0x7A2]  }
0x4c4: {  	[sflag:s31] =	ssyncset.done @!p1 $0x0  }
0x4c5: {  	[sflag:s31] =	ssyncadd.s32 @!p1 $0xFFFFE000  }
0x4c6: {  	[tilespmem:s11], [sflag:$0x1] =	stream.linear.gather @!p0 [hbm4b:s19+s26], $0x9A00, $0x38;
	[tilespmem:$0xBA20] =	vst v63  }
0x4c7: {  	_ =	swait.ge @!p0 [sflag:s16], $0x9A00  }
0x4c8: {  	s19 =	sld [smem:$0x7D9]  }
0x4c9: {  	[sflag:s16] =	ssyncset.done @!p0 $0x0  }
0x4ca: {  	[sflag:s16] =	ssyncadd.s32 @!p0 $0xFFFF6600  }
0x4cb: {  	[hbm4b:s19+s26] =	stream.linear.scatter @!p0 [tilespmem:s11], [sflag:$0x1], $0x9A00, $0x38;
	[tilespmem:$0xBA20] =	vst v63  }
0x4cc: {  	_ =	swait.ge @!p0 [sflag:s16], $0x9A00  }
0x4cd: {  	s19 =	sld [smem:$0x7D7];
	_ =	sdelay $0x1  }
0x4ce: {  	s28 =	spop @!p0 (v2sf)  }
0x4cf: {  	s19 =	sadd.s32 @!p0 s19, s28;
	s28 =	sld [smem:$0x7F8]  }
0x4d0: {  	s19 =	sshll.u32 @!p0 s19, $0x6  }
0x4d1: {  	[sflag:s16] =	ssyncset.done @!p0 $0x0;
	s19 =	sand.u32 @!p0 $0x1FFFFFC0, s19  }
0x4d2: {  	[sflag:s16] =	ssyncadd.s32 @!p0 $0xFFFF6600;
	p1 =	seq.s32 s28, $0x1;
	s19 =	sadd.s32 @!p0 s2, s19  }
0x4d3: {  	(v2sf) =	vpush @!p1 v0, $0xB;
	[hbm4b:s19+s26] =	stream.linear.scatter @!p0 [tilespmem:s26], [sflag:$0x1], $0x2000, $0x38;
	[tilespmem:$0xBA20] =	vst v63  }
0x4d4: {  	_ =	swait.ge @!p0 [sflag:s16], $0x2000  }
0x4d5: {  	s19 =	sld [smem:$0x7DB]  }
0x4d6: {  	s11 =	sld [smem:$0x7A3]  }
0x4d7: {  	[sflag:s16] =	ssyncset.done @!p0 $0x0  }
0x4d8: {  	[sflag:s16] =	ssyncadd.s32 @!p0 $0xFFFFE000  }
0x4d9: {  	[tilespmem:s11], [sflag:$0x1] =	stream.linear.gather @!p1 [hbm4b:s19+s23], $0x9A00, $0x38;
	[tilespmem:$0xBA20] =	vst v63  }
0x4da: {  	_ =	swait.ge @!p1 [sflag:s10], $0x9A00  }
0x4db: {  	s19 =	sld [smem:$0x7DC]  }
0x4dc: {  	[sflag:s10] =	ssyncset.done @!p1 $0x0  }
0x4dd: {  	[sflag:s10] =	ssyncadd.s32 @!p1 $0xFFFF6600  }
0x4de: {  	[hbm4b:s19+s23] =	stream.linear.scatter @!p1 [tilespmem:s11], [sflag:$0x1], $0x9A00, $0x38;
	[tilespmem:$0xBA20] =	vst v63  }
0x4df: {  	_ =	swait.ge @!p1 [sflag:s10], $0x9A00  }
0x4e0: {  	s19 =	sld [smem:$0x7DA];
	_ =	sdelay $0x1  }
0x4e1: {  	s11 =	sld [smem:$0x7F9];
	s28 =	spop @!p1 (v2sf)  }
0x4e2: {  	s19 =	sadd.s32 @!p1 s19, s28  }
0x4e3: {  	s19 =	sshll.u32 @!p1 s19, $0x6  }
0x4e4: {  	[sflag:s10] =	ssyncset.done @!p1 $0x0;
	p0 =	seq.s32 s11, $0x1;
	s19 =	sand.u32 @!p1 $0x1FFFFFC0, s19  }
0x4e5: {  	[sflag:s10] =	ssyncadd.s32 @!p1 $0xFFFF6600;
	(v2sf) =	vpush @!p0 v0, $0xC;
	s19 =	sadd.s32 @!p1 s2, s19  }
0x4e6: {  	[hbm4b:s19+s23] =	stream.linear.scatter @!p1 [tilespmem:s23], [sflag:$0x1], $0x2000, $0x38;
	[tilespmem:$0xBA20] =	vst v63  }
0x4e7: {  	_ =	swait.ge @!p1 [sflag:s10], $0x2000  }
0x4e8: {  	s19 =	sld [smem:$0x7DE]  }
0x4e9: {  	[sflag:s10] =	ssyncset.done @!p1 $0x0  }
0x4ea: {  	[sflag:s10] =	ssyncadd.s32 @!p1 $0xFFFFE000  }
0x4eb: {  	[tilespmem:s30], [sflag:$0x1] =	stream.linear.gather @!p0 [hbm4b:s19+s22], $0x9A00, $0x38;
	[tilespmem:$0xBA20] =	vst v63  }
0x4ec: {  	_ =	swait.ge @!p0 [sflag:s9], $0x9A00  }
0x4ed: {  	s19 =	sld [smem:$0x7DF]  }
0x4ee: {  	[sflag:s9] =	ssyncset.done @!p0 $0x0  }
0x4ef: {  	[sflag:s9] =	ssyncadd.s32 @!p0 $0xFFFF6600  }
0x4f0: {  	[hbm4b:s19+s22] =	stream.linear.scatter @!p0 [tilespmem:s30], [sflag:$0x1], $0x9A00, $0x38;
	[tilespmem:$0xBA20] =	vst v63  }
0x4f1: {  	_ =	swait.ge @!p0 [sflag:s9], $0x9A00  }
0x4f2: {  	s19 =	sld [smem:$0x7DD];
	_ =	sdelay $0x1  }
0x4f3: {  	s28 =	spop @!p0 (v2sf)  }
0x4f4: {  	s19 =	sadd.s32 @!p0 s19, s28  }
0x4f5: {  	s19 =	sshll.u32 @!p0 s19, $0x6  }
0x4f6: {  	[sflag:s9] =	ssyncset.done @!p0 $0x0;
	s19 =	sand.u32 @!p0 $0x1FFFFFC0, s19  }
0x4f7: {  	(v2sf) =	vpush @!p5 v0, $0xD;
	[sflag:s9] =	ssyncadd.s32 @!p0 $0xFFFF6600;
	s19 =	sadd.s32 @!p0 s2, s19  }
0x4f8: {  	[hbm4b:s19+s22] =	stream.linear.scatter @!p0 [tilespmem:s22], [sflag:$0x1], $0x2000, $0x38;
	[tilespmem:$0xBA20] =	vst v63  }
0x4f9: {  	_ =	swait.ge @!p0 [sflag:s9], $0x2000  }
0x4fa: {  	s19 =	sld [smem:$0x7E1]  }
0x4fb: {  	[sflag:s9] =	ssyncset.done @!p0 $0x0  }
0x4fc: {  	[sflag:s9] =	ssyncadd.s32 @!p0 $0xFFFFE000  }
0x4fd: {  	[tilespmem:s0], [sflag:$0x1] =	stream.linear.gather @!p5 [hbm4b:s19+s20], $0x9A00, $0x38;
	[tilespmem:$0xBA20] =	vst v63  }
0x4fe: {  	_ =	swait.ge @!p5 [sflag:s21], $0x9A00  }
0x4ff: {  	s19 =	sld [smem:$0x7E2]  }
0x500: {  	[sflag:s21] =	ssyncset.done @!p5 $0x0  }
0x501: {  	[sflag:s21] =	ssyncadd.s32 @!p5 $0xFFFF6600  }
0x502: {  	[hbm4b:s19+s20] =	stream.linear.scatter @!p5 [tilespmem:s0], [sflag:$0x1], $0x9A00, $0x38;
	[tilespmem:$0xBA20] =	vst v63  }
0x503: {  	_ =	swait.ge @!p5 [sflag:s21], $0x9A00  }
0x504: {  	s19 =	sld [smem:$0x7E0];
	_ =	sdelay $0x1  }
0x505: {  	s28 =	spop @!p5 (v2sf);
	s14 =	sld [smem:$0x7FB]  }
0x506: {  	s19 =	sadd.s32 @!p5 s19, s28  }
0x507: {  	s19 =	sshll.u32 @!p5 s19, $0x6  }
0x508: {  	[sflag:s21] =	ssyncset.done @!p5 $0x0;
	p4 =	seq.s32 s14, $0x1;
	s19 =	sand.u32 @!p5 $0x1FFFFFC0, s19  }
0x509: {  	[sflag:s21] =	ssyncadd.s32 @!p5 $0xFFFF6600;
	(v2sf) =	vpush @!p4 v0, $0xE;
	s19 =	sadd.s32 @!p5 s2, s19  }
0x50a: {  	[hbm4b:s19+s20] =	stream.linear.scatter @!p5 [tilespmem:s20], [sflag:$0x1], $0x2000, $0x38;
	[tilespmem:$0xBA20] =	vst v63  }
0x50b: {  	_ =	swait.ge @!p5 [sflag:s21], $0x2000  }
0x50c: {  	s19 =	sld [smem:$0x7E4]  }
0x50d: {  	[sflag:s21] =	ssyncset.done @!p5 $0x0  }
0x50e: {  	[sflag:s21] =	ssyncadd.s32 @!p5 $0xFFFFE000  }
0x50f: {  	[tilespmem:s29], [sflag:$0x1] =	stream.linear.gather @!p4 [hbm4b:s19+s13], $0x9A00, $0x38;
	[tilespmem:$0xBA20] =	vst v63  }
0x510: {  	_ =	swait.ge @!p4 [sflag:s7], $0x9A00  }
0x511: {  	s19 =	sld [smem:$0x7E5]  }
0x512: {  	[sflag:s7] =	ssyncset.done @!p4 $0x0  }
0x513: {  	[sflag:s7] =	ssyncadd.s32 @!p4 $0xFFFF6600  }
0x514: {  	[hbm4b:s19+s13] =	stream.linear.scatter @!p4 [tilespmem:s29], [sflag:$0x1], $0x9A00, $0x38;
	[tilespmem:$0xBA20] =	vst v63  }
0x515: {  	_ =	swait.ge @!p4 [sflag:s7], $0x9A00  }
0x516: {  	s19 =	sld [smem:$0x7E3];
	_ =	sdelay $0x1  }
0x517: {  	s28 =	spop @!p4 (v2sf)  }
0x518: {  	s19 =	sadd.s32 @!p4 s19, s28  }
0x519: {  	s19 =	sshll.u32 @!p4 s19, $0x6  }
0x51a: {  	[sflag:s7] =	ssyncset.done @!p4 $0x0;
	s19 =	sand.u32 @!p4 $0x1FFFFFC0, s19  }
0x51b: {  	(v2sf) =	vpush @!p3 v0, $0xF;
	[sflag:s7] =	ssyncadd.s32 @!p4 $0xFFFF6600;
	s19 =	sadd.s32 @!p4 s2, s19  }
0x51c: {  	[hbm4b:s19+s13] =	stream.linear.scatter @!p4 [tilespmem:s13], [sflag:$0x1], $0x2000, $0x38;
	[tilespmem:$0xBA20] =	vst v63  }
0x51d: {  	_ =	swait.ge @!p4 [sflag:s7], $0x2000  }
0x51e: {  	s19 =	sld [smem:$0x7E7]  }
0x51f: {  	[sflag:s7] =	ssyncset.done @!p4 $0x0  }
0x520: {  	[sflag:s7] =	ssyncadd.s32 @!p4 $0xFFFFE000  }
0x521: {  	[tilespmem:s6], [sflag:$0x1] =	stream.linear.gather @!p3 [hbm4b:s19+s17], $0x9A00, $0x38;
	[tilespmem:$0xBA20] =	vst v63  }
0x522: {  	_ =	swait.ge @!p3 [sflag:s25], $0x9A00  }
0x523: {  	s19 =	sld [smem:$0x7E8]  }
0x524: {  	[sflag:s25] =	ssyncset.done @!p3 $0x0  }
0x525: {  	[sflag:s25] =	ssyncadd.s32 @!p3 $0xFFFF6600  }
0x526: {  	[hbm4b:s19+s17] =	stream.linear.scatter @!p3 [tilespmem:s6], [sflag:$0x1], $0x9A00, $0x38;
	[tilespmem:$0xBA20] =	vst v63  }
0x527: {  	_ =	swait.ge @!p3 [sflag:s25], $0x9A00  }
0x528: {  	s19 =	sld [smem:$0x7E6];
	_ =	sdelay $0x1  }
0x529: {  	s28 =	spop @!p3 (v2sf)  }
0x52a: {  	s19 =	sadd.s32 @!p3 s19, s28  }
0x52b: {  	s19 =	sshll.u32 @!p3 s19, $0x6  }
0x52c: {  	[sflag:s25] =	ssyncset.done @!p3 $0x0;
	s19 =	sand.u32 @!p3 $0x1FFFFFC0, s19  }
0x52d: {  	[sflag:s25] =	ssyncadd.s32 @!p3 $0xFFFF6600;
	s19 =	sadd.s32 @!p3 s2, s19  }
0x52e: {  	[hbm4b:s19+s17] =	stream.linear.scatter @!p3 [tilespmem:s17], [sflag:$0x1], $0x2000, $0x38;
	[tilespmem:$0xBA20] =	vst v63  }
0x52f: {  	_ =	swait.ge @!p3 [sflag:s25], $0x2000  }
0x530: {  	s28 =	sld [smem:$0x76C];
	_ =	sdelay $0x2  }
0x531: {  	p0 =	seq.s32 s28, $0x1  }
.Ltmp2:
0x532: {  	_ = 	snop;
	(pc) =	sbr.rel @p0 .LBB2_3-.Ltmp2, $2  }
0x533: {  	_ =	sdelay $0x2  }
0x534: {  	s1 =	smov.u32 s8  }
0x535: {  	s0 =	sld [smem:$0x7A0]  }
0x536: {  	s29 =	sld [smem:$0x798]  }
0x537: {  	s30 =	sld [smem:$0x77A]  }
0x538: {  	s31 =	sld [smem:$0x77E];
	_ =	sdelay $0x1  }
0x539: {  	p1 =	por $0x1, $0x1;
	p4 =	seq.s32 s0, $0x1  }
0x53a: {  	p2 =	seq.s32 s29, $0x1;
	p0 =	seq.s32 s30, $0x1;
	p5 =	seq.s32 s31, $0x1  }
.LBB2_5:
0x53b: {  	s1 =	sld [smem:$0x7FC];
	_ =	sdelay $0x2  }
0x53c: {  	p3 =	seq.s32 s1, $0x1  }
0x53d: {  	p1 =	por p3, !p1  }
0x53e: {  	[sflag:s25] =	ssyncset.done @!p1 $0x0  }
0x53f: {  	s0 =	rddreg [dreg:$0x3];
	[sflag:s25] =	ssyncadd.s32 @!p1 $0xFFFFE000  }
0x540: {  	[tilespmem:s3], [sflag:$0x1] =	stream.linear.gather [hbm4b:s0+s3], $0x2000, $0x38;
	[tilespmem:$0xBA20] =	vst v63  }
0x541: {  	_ =	swait.ge [sflag:s4], $0x2000  }
0x542: {  	s31 =	sld [smem:$0x7E9]  }
0x543: {  	[sflag:s4] =	ssyncset.done $0x0  }
0x544: {  	s30 =	rddreg [dreg:$0x4];
	[sflag:s4] =	ssyncadd.s32 $0xFFFFE000  }
0x545: {  	[tilespmem:s31], [sflag:$0x1] =	stream.linear.gather [hbm4b:s30+s3], $0x20, $0x38;
	[tilespmem:$0xBA20] =	vst v63  }
0x546: {  	_ =	swait.ge [sflag:s4], $0x20  }
0x547: {  	[sflag:s4] =	ssyncset.done $0x0  }
0x548: {  	[sflag:s4] =	ssyncadd.s32 $0xFFFFFFE0  }
0x549: {  	v1 =	vld [tilespmem:$0x2000];
	_ =	sdelay $0x1  }
0x54a: {  	s6 =	rddreg [dreg:$0x6]  }
0x54b: {  	v0 =	vld [tilespmem:$0x2010];
	[tilespmem:s5], [sflag:$0x1] =	stream.linear.gather [hbm4b:s6+s3], $0x9A00, $0x38  }
0x54c: {  	_ =	swait.ge [sflag:s4], $0x9A00  }
0x54d: {  	(v2sf) =	vpush v1, $0x0;
	_ =	sdelay $0xa  }
0x54e: {  	[sflag:s4] =	ssyncset.done $0x0  }
0x54f: {  	s7 =	rddreg [dreg:$0x7];
	[sflag:s4] =	ssyncadd.s32 $0xFFFF6600  }
0x550: {  	[hbm4b:s7+s3] =	stream.linear.scatter [tilespmem:s5], [sflag:$0x1], $0x9A00, $0x38;
	[tilespmem:$0xBA20] =	vst v63  }
0x551: {  	_ =	swait.ge [sflag:s4], $0x9A00  }
0x552: {  	s8 =	rddreg [dreg:$0x5];
	s9 =	spop (v2sf);
	(v2sf) =	vpush v1, $0x1  }
0x553: {  	s0 =	sadd.s32 s8, s9  }
0x554: {  	s0 =	sshll.u32 s0, $0x6  }
0x555: {  	[sflag:s4] =	ssyncset.done $0x0;
	s0 =	sand.u32 $0x1FFFFFC0, s0  }
0x556: {  	[sflag:s4] =	ssyncadd.s32 $0xFFFF6600;
	s0 =	sadd.s32 s2, s0  }
0x557: {  	[hbm4b:s0+s3] =	stream.linear.scatter [tilespmem:s3], [sflag:$0x1], $0x2000, $0x38;
	[tilespmem:$0xBA20] =	vst v63  }
0x558: {  	_ =	swait.ge [sflag:s4], $0x2000  }
0x559: {  	[sflag:s4] =	ssyncset.done $0x0  }
0x55a: {  	s10 =	rddreg [dreg:$0x9];
	[sflag:s4] =	ssyncadd.s32 $0xFFFFE000  }
0x55b: {  	[tilespmem:s5], [sflag:$0x1] =	stream.linear.gather [hbm4b:s10+s3], $0x9A00, $0x38;
	[tilespmem:$0xBA20] =	vst v63  }
0x55c: {  	_ =	swait.ge [sflag:s4], $0x9A00  }
0x55d: {  	[sflag:s4] =	ssyncset.done $0x0  }
0x55e: {  	s11 =	rddreg [dreg:$0xa];
	[sflag:s4] =	ssyncadd.s32 $0xFFFF6600  }
0x55f: {  	[hbm4b:s11+s3] =	stream.linear.scatter [tilespmem:s5], [sflag:$0x1], $0x9A00, $0x38;
	[tilespmem:$0xBA20] =	vst v63  }
0x560: {  	_ =	swait.ge [sflag:s4], $0x9A00  }
0x561: {  	s12 =	rddreg [dreg:$0x8];
	s13 =	spop (v2sf);
	(v2sf) =	vpush v1, $0x2  }
0x562: {  	s0 =	sadd.s32 s12, s13  }
0x563: {  	s0 =	sshll.u32 s0, $0x6  }
0x564: {  	[sflag:s4] =	ssyncset.done $0x0;
	s0 =	sand.u32 $0x1FFFFFC0, s0  }
0x565: {  	[sflag:s4] =	ssyncadd.s32 $0xFFFF6600;
	s0 =	sadd.s32 s2, s0  }
0x566: {  	[hbm4b:s0+s3] =	stream.linear.scatter [tilespmem:s3], [sflag:$0x1], $0x2000, $0x38;
	[tilespmem:$0xBA20] =	vst v63  }
0x567: {  	_ =	swait.ge [sflag:s4], $0x2000  }
0x568: {  	[sflag:s4] =	ssyncset.done $0x0  }
0x569: {  	s14 =	rddreg [dreg:$0xc];
	[sflag:s4] =	ssyncadd.s32 $0xFFFFE000  }
0x56a: {  	[tilespmem:s5], [sflag:$0x1] =	stream.linear.gather [hbm4b:s14+s3], $0x9A00, $0x38;
	[tilespmem:$0xBA20] =	vst v63  }
0x56b: {  	_ =	swait.ge [sflag:s4], $0x9A00  }
0x56c: {  	[sflag:s4] =	ssyncset.done $0x0  }
0x56d: {  	s15 =	rddreg [dreg:$0xd];
	[sflag:s4] =	ssyncadd.s32 $0xFFFF6600  }
0x56e: {  	[hbm4b:s15+s3] =	stream.linear.scatter [tilespmem:s5], [sflag:$0x1], $0x9A00, $0x38;
	[tilespmem:$0xBA20] =	vst v63  }
0x56f: {  	_ =	swait.ge [sflag:s4], $0x9A00  }
0x570: {  	s16 =	rddreg [dreg:$0xb];
	s17 =	spop (v2sf);
	(v2sf) =	vpush v1, $0x3  }
0x571: {  	s0 =	sadd.s32 s16, s17  }
0x572: {  	s0 =	sshll.u32 s0, $0x6  }
0x573: {  	[sflag:s4] =	ssyncset.done $0x0;
	s0 =	sand.u32 $0x1FFFFFC0, s0  }
0x574: {  	[sflag:s4] =	ssyncadd.s32 $0xFFFF6600;
	s0 =	sadd.s32 s2, s0  }
0x575: {  	[hbm4b:s0+s3] =	stream.linear.scatter [tilespmem:s3], [sflag:$0x1], $0x2000, $0x38;
	[tilespmem:$0xBA20] =	vst v63  }
0x576: {  	_ =	swait.ge [sflag:s4], $0x2000  }
0x577: {  	[sflag:s4] =	ssyncset.done $0x0  }
0x578: {  	s18 =	rddreg [dreg:$0xf];
	[sflag:s4] =	ssyncadd.s32 $0xFFFFE000  }
0x579: {  	[tilespmem:s5], [sflag:$0x1] =	stream.linear.gather [hbm4b:s18+s3], $0x9A00, $0x38;
	[tilespmem:$0xBA20] =	vst v63  }
0x57a: {  	_ =	swait.ge [sflag:s4], $0x9A00  }
0x57b: {  	[sflag:s4] =	ssyncset.done $0x0  }
0x57c: {  	s19 =	rddreg [dreg:$0x10];
	[sflag:s4] =	ssyncadd.s32 $0xFFFF6600  }
0x57d: {  	[hbm4b:s19+s3] =	stream.linear.scatter [tilespmem:s5], [sflag:$0x1], $0x9A00, $0x38;
	[tilespmem:$0xBA20] =	vst v63  }
0x57e: {  	_ =	swait.ge [sflag:s4], $0x9A00  }
0x57f: {  	s20 =	rddreg [dreg:$0xe];
	s21 =	spop (v2sf);
	(v2sf) =	vpush v1, $0x4  }
0x580: {  	s0 =	sadd.s32 s20, s21  }
0x581: {  	s0 =	sshll.u32 s0, $0x6  }
0x582: {  	[sflag:s4] =	ssyncset.done $0x0;
	s0 =	sand.u32 $0x1FFFFFC0, s0  }
0x583: {  	[sflag:s4] =	ssyncadd.s32 $0xFFFF6600;
	s0 =	sadd.s32 s2, s0  }
0x584: {  	[hbm4b:s0+s3] =	stream.linear.scatter [tilespmem:s3], [sflag:$0x1], $0x2000, $0x38;
	[tilespmem:$0xBA20] =	vst v63  }
0x585: {  	_ =	swait.ge [sflag:s4], $0x2000  }
0x586: {  	[sflag:s4] =	ssyncset.done $0x0  }
0x587: {  	s22 =	rddreg [dreg:$0x12];
	[sflag:s4] =	ssyncadd.s32 $0xFFFFE000  }
0x588: {  	[tilespmem:s5], [sflag:$0x1] =	stream.linear.gather [hbm4b:s22+s3], $0x9A00, $0x38;
	[tilespmem:$0xBA20] =	vst v63  }
0x589: {  	_ =	swait.ge [sflag:s4], $0x9A00  }
0x58a: {  	[sflag:s4] =	ssyncset.done $0x0  }
0x58b: {  	s23 =	rddreg [dreg:$0x13];
	[sflag:s4] =	ssyncadd.s32 $0xFFFF6600  }
0x58c: {  	[hbm4b:s23+s3] =	stream.linear.scatter [tilespmem:s5], [sflag:$0x1], $0x9A00, $0x38;
	[tilespmem:$0xBA20] =	vst v63  }
0x58d: {  	_ =	swait.ge [sflag:s4], $0x9A00  }
0x58e: {  	s24 =	rddreg [dreg:$0x11];
	s25 =	spop (v2sf);
	(v2sf) =	vpush v1, $0x5  }
0x58f: {  	s0 =	sadd.s32 s24, s25  }
0x590: {  	s0 =	sshll.u32 s0, $0x6  }
0x591: {  	[sflag:s4] =	ssyncset.done $0x0;
	s0 =	sand.u32 $0x1FFFFFC0, s0  }
0x592: {  	[sflag:s4] =	ssyncadd.s32 $0xFFFF6600;
	s0 =	sadd.s32 s2, s0  }
0x593: {  	[hbm4b:s0+s3] =	stream.linear.scatter [tilespmem:s3], [sflag:$0x1], $0x2000, $0x38;
	[tilespmem:$0xBA20] =	vst v63  }
0x594: {  	_ =	swait.ge [sflag:s4], $0x2000  }
0x595: {  	[sflag:s4] =	ssyncset.done $0x0  }
0x596: {  	s26 =	rddreg [dreg:$0x15];
	[sflag:s4] =	ssyncadd.s32 $0xFFFFE000  }
0x597: {  	[tilespmem:s5], [sflag:$0x1] =	stream.linear.gather [hbm4b:s26+s3], $0x9A00, $0x38;
	[tilespmem:$0xBA20] =	vst v63  }
0x598: {  	_ =	swait.ge [sflag:s4], $0x9A00  }
0x599: {  	[sflag:s4] =	ssyncset.done $0x0  }
0x59a: {  	s28 =	rddreg [dreg:$0x16];
	[sflag:s4] =	ssyncadd.s32 $0xFFFF6600  }
0x59b: {  	[hbm4b:s28+s3] =	stream.linear.scatter [tilespmem:s5], [sflag:$0x1], $0x9A00, $0x38;
	[tilespmem:$0xBA20] =	vst v63  }
0x59c: {  	_ =	swait.ge [sflag:s4], $0x9A00  }
0x59d: {  	s29 =	rddreg [dreg:$0x14];
	s30 =	spop (v2sf);
	(v2sf) =	vpush v1, $0x6  }
0x59e: {  	s0 =	sadd.s32 s29, s30  }
0x59f: {  	s0 =	sshll.u32 s0, $0x6  }
0x5a0: {  	[sflag:s4] =	ssyncset.done $0x0;
	s0 =	sand.u32 $0x1FFFFFC0, s0  }
0x5a1: {  	[sflag:s4] =	ssyncadd.s32 $0xFFFF6600;
	s0 =	sadd.s32 s2, s0  }
0x5a2: {  	[hbm4b:s0+s3] =	stream.linear.scatter [tilespmem:s3], [sflag:$0x1], $0x2000, $0x38;
	[tilespmem:$0xBA20] =	vst v63  }
0x5a3: {  	_ =	swait.ge [sflag:s4], $0x2000  }
0x5a4: {  	[sflag:s4] =	ssyncset.done $0x0  }
0x5a5: {  	s31 =	rddreg [dreg:$0x18];
	[sflag:s4] =	ssyncadd.s32 $0xFFFFE000  }
0x5a6: {  	[tilespmem:s5], [sflag:$0x1] =	stream.linear.gather [hbm4b:s31+s3], $0x9A00, $0x38;
	[tilespmem:$0xBA20] =	vst v63  }
0x5a7: {  	_ =	swait.ge [sflag:s4], $0x9A00  }
0x5a8: {  	[sflag:s4] =	ssyncset.done $0x0  }
0x5a9: {  	s1 =	rddreg [dreg:$0x19];
	[sflag:s4] =	ssyncadd.s32 $0xFFFF6600  }
0x5aa: {  	[hbm4b:s1+s3] =	stream.linear.scatter [tilespmem:s5], [sflag:$0x1], $0x9A00, $0x38;
	[tilespmem:$0xBA20] =	vst v63  }
0x5ab: {  	_ =	swait.ge [sflag:s4], $0x9A00  }
0x5ac: {  	s6 =	rddreg [dreg:$0x17];
	s7 =	spop (v2sf);
	(v2sf) =	vpush v1, $0x7  }
0x5ad: {  	s0 =	sadd.s32 s6, s7  }
0x5ae: {  	s0 =	sshll.u32 s0, $0x6  }
0x5af: {  	[sflag:s4] =	ssyncset.done $0x0;
	s0 =	sand.u32 $0x1FFFFFC0, s0  }
0x5b0: {  	[sflag:s4] =	ssyncadd.s32 $0xFFFF6600;
	s0 =	sadd.s32 s2, s0  }
0x5b1: {  	[hbm4b:s0+s3] =	stream.linear.scatter [tilespmem:s3], [sflag:$0x1], $0x2000, $0x38;
	[tilespmem:$0xBA20] =	vst v63  }
0x5b2: {  	_ =	swait.ge [sflag:s4], $0x2000  }
0x5b3: {  	[sflag:s4] =	ssyncset.done $0x0  }
0x5b4: {  	s8 =	rddreg [dreg:$0x1b];
	[sflag:s4] =	ssyncadd.s32 $0xFFFFE000  }
0x5b5: {  	[tilespmem:s5], [sflag:$0x1] =	stream.linear.gather [hbm4b:s8+s3], $0x9A00, $0x38;
	[tilespmem:$0xBA20] =	vst v63  }
0x5b6: {  	_ =	swait.ge [sflag:s4], $0x9A00  }
0x5b7: {  	[sflag:s4] =	ssyncset.done $0x0  }
0x5b8: {  	s9 =	rddreg [dreg:$0x1c];
	[sflag:s4] =	ssyncadd.s32 $0xFFFF6600  }
0x5b9: {  	[hbm4b:s9+s3] =	stream.linear.scatter [tilespmem:s5], [sflag:$0x1], $0x9A00, $0x38;
	[tilespmem:$0xBA20] =	vst v63  }
0x5ba: {  	_ =	swait.ge [sflag:s4], $0x9A00  }
0x5bb: {  	s10 =	rddreg [dreg:$0x1a];
	s11 =	spop (v2sf)  }
0x5bc: {  	(v2sf) =	vpush @!p5 v1, $0x8;
	s0 =	sadd.s32 s10, s11  }
0x5bd: {  	s0 =	sshll.u32 s0, $0x6  }
0x5be: {  	[sflag:s4] =	ssyncset.done $0x0;
	s0 =	sand.u32 $0x1FFFFFC0, s0  }
0x5bf: {  	[sflag:s4] =	ssyncadd.s32 $0xFFFF6600;
	s0 =	sadd.s32 s2, s0  }
0x5c0: {  	[hbm4b:s0+s3] =	stream.linear.scatter [tilespmem:s3], [sflag:$0x1], $0x2000, $0x38;
	[tilespmem:$0xBA20] =	vst v63  }
0x5c1: {  	_ =	swait.ge [sflag:s4], $0x2000  }
0x5c2: {  	s1 =	simm.s32 @!p5 $0x0;
	s3 =	simm.s32 @!p5 $0x2020;
	[sflag:s4] =	ssyncset.done $0x0  }
0x5c3: {  	s0 =	rddreg [dreg:$0x1e];
	[sflag:s4] =	ssyncadd.s32 $0xFFFFE000;
	s4 =	simm.s32 @!p5 $0x1  }
0x5c4: {  	[tilespmem:s3], [sflag:$0x1] =	stream.linear.gather @!p5 [hbm4b:s0+s1], $0x9A00, $0x38;
	[tilespmem:$0xBA20] =	vst v63  }
0x5c5: {  	_ =	swait.ge @!p5 [sflag:s4], $0x9A00  }
0x5c6: {  	[sflag:s4] =	ssyncset.done @!p5 $0x0  }
0x5c7: {  	s0 =	rddreg [dreg:$0x1f];
	[sflag:s4] =	ssyncadd.s32 @!p5 $0xFFFF6600  }
0x5c8: {  	[hbm4b:s0+s1] =	stream.linear.scatter @!p5 [tilespmem:s3], [sflag:$0x1], $0x9A00, $0x38;
	[tilespmem:$0xBA20] =	vst v63  }
0x5c9: {  	_ =	swait.ge @!p5 [sflag:s4], $0x9A00  }
0x5ca: {  	s0 =	rddreg [dreg:$0x1d]  }
0x5cb: {  	s3 =	spop @!p5 (v2sf);
	s12 =	sld [smem:$0x7EA]  }
0x5cc: {  	s0 =	sadd.s32 @!p5 s0, s3  }
0x5cd: {  	p1 =	por p5, p5;
	[sflag:s4] =	ssyncset.done @!p5 $0x0;
	s0 =	sshll.u32 @!p5 s0, $0x6  }
0x5ce: {  	[sflag:s4] =	ssyncadd.s32 @!p5 $0xFFFF6600;
	s0 =	sand.u32 @!p5 $0x1FFFFFC0, s0;
	p5 =	seq.s32 s12, $0x1  }
0x5cf: {  	(v2sf) =	vpush @!p5 v1, $0x9;
	s0 =	sadd.s32 @!p1 s2, s0  }
0x5d0: {  	[hbm4b:s0+s1] =	stream.linear.scatter @!p1 [tilespmem:s1], [sflag:$0x1], $0x2000, $0x38;
	[tilespmem:$0xBA20] =	vst v63  }
0x5d1: {  	_ =	swait.ge @!p1 [sflag:s4], $0x2000  }
0x5d2: {  	s0 =	sld [smem:$0x7A5]  }
0x5d3: {  	s3 =	simm.s32 @!p5 $0x2020;
	[sflag:s4] =	ssyncset.done @!p1 $0x0  }
0x5d4: {  	s1 =	simm.s32 @!p5 $0x0;
	[sflag:s4] =	ssyncadd.s32 @!p1 $0xFFFFE000;
	s4 =	simm.s32 @!p5 $0x1  }
0x5d5: {  	[tilespmem:s3], [sflag:$0x1] =	stream.linear.gather @!p5 [hbm4b:s0+s1], $0x9A00, $0x38;
	[tilespmem:$0xBA20] =	vst v63  }
0x5d6: {  	_ =	swait.ge @!p5 [sflag:s4], $0x9A00  }
0x5d7: {  	s0 =	sld [smem:$0x7A6]  }
0x5d8: {  	[sflag:s4] =	ssyncset.done @!p5 $0x0  }
0x5d9: {  	[sflag:s4] =	ssyncadd.s32 @!p5 $0xFFFF6600  }
0x5da: {  	[hbm4b:s0+s1] =	stream.linear.scatter @!p5 [tilespmem:s3], [sflag:$0x1], $0x9A00, $0x38;
	[tilespmem:$0xBA20] =	vst v63  }
0x5db: {  	_ =	swait.ge @!p5 [sflag:s4], $0x9A00  }
0x5dc: {  	s0 =	sld [smem:$0x7A4];
	_ =	sdelay $0x1  }
0x5dd: {  	s3 =	spop @!p5 (v2sf)  }
0x5de: {  	s0 =	sadd.s32 @!p5 s0, s3  }
0x5df: {  	s0 =	sshll.u32 @!p5 s0, $0x6  }
0x5e0: {  	[sflag:s4] =	ssyncset.done @!p5 $0x0;
	s0 =	sand.u32 @!p5 $0x1FFFFFC0, s0  }
0x5e1: {  	[sflag:s4] =	ssyncadd.s32 @!p5 $0xFFFF6600;
	(v2sf) =	vpush @!p0 v1, $0xA;
	s0 =	sadd.s32 @!p5 s2, s0  }
0x5e2: {  	[hbm4b:s0+s1] =	stream.linear.scatter @!p5 [tilespmem:s1], [sflag:$0x1], $0x2000, $0x38;
	[tilespmem:$0xBA20] =	vst v63  }
0x5e3: {  	_ =	swait.ge @!p5 [sflag:s4], $0x2000  }
0x5e4: {  	s0 =	sld [smem:$0x7A8]  }
0x5e5: {  	s3 =	simm.s32 @!p0 $0x2020;
	[sflag:s4] =	ssyncset.done @!p5 $0x0  }
0x5e6: {  	s1 =	simm.s32 @!p0 $0x0;
	[sflag:s4] =	ssyncadd.s32 @!p5 $0xFFFFE000;
	s4 =	simm.s32 @!p0 $0x1  }
0x5e7: {  	[tilespmem:s3], [sflag:$0x1] =	stream.linear.gather @!p0 [hbm4b:s0+s1], $0x9A00, $0x38;
	[tilespmem:$0xBA20] =	vst v63  }
0x5e8: {  	_ =	swait.ge @!p0 [sflag:s4], $0x9A00  }
0x5e9: {  	s0 =	sld [smem:$0x7A9]  }
0x5ea: {  	[sflag:s4] =	ssyncset.done @!p0 $0x0  }
0x5eb: {  	[sflag:s4] =	ssyncadd.s32 @!p0 $0xFFFF6600  }
0x5ec: {  	[hbm4b:s0+s1] =	stream.linear.scatter @!p0 [tilespmem:s3], [sflag:$0x1], $0x9A00, $0x38;
	[tilespmem:$0xBA20] =	vst v63  }
0x5ed: {  	_ =	swait.ge @!p0 [sflag:s4], $0x9A00  }
0x5ee: {  	s0 =	sld [smem:$0x7A7];
	_ =	sdelay $0x1  }
0x5ef: {  	s3 =	spop @!p0 (v2sf)  }
0x5f0: {  	s0 =	sadd.s32 @!p0 s0, s3  }
0x5f1: {  	s0 =	sshll.u32 @!p0 s0, $0x6  }
0x5f2: {  	[sflag:s4] =	ssyncset.done @!p0 $0x0;
	s0 =	sand.u32 @!p0 $0x1FFFFFC0, s0  }
0x5f3: {  	(v2sf) =	vpush @!p6 v1, $0xB;
	[sflag:s4] =	ssyncadd.s32 @!p0 $0xFFFF6600;
	s0 =	sadd.s32 @!p0 s2, s0  }
0x5f4: {  	[hbm4b:s0+s1] =	stream.linear.scatter @!p0 [tilespmem:s1], [sflag:$0x1], $0x2000, $0x38;
	[tilespmem:$0xBA20] =	vst v63  }
0x5f5: {  	_ =	swait.ge @!p0 [sflag:s4], $0x2000  }
0x5f6: {  	s0 =	sld [smem:$0x7AB]  }
0x5f7: {  	s3 =	simm.s32 @!p6 $0x2020;
	[sflag:s4] =	ssyncset.done @!p0 $0x0  }
0x5f8: {  	s1 =	simm.s32 @!p6 $0x0;
	[sflag:s4] =	ssyncadd.s32 @!p0 $0xFFFFE000;
	s4 =	simm.s32 @!p6 $0x1  }
0x5f9: {  	[tilespmem:s3], [sflag:$0x1] =	stream.linear.gather @!p6 [hbm4b:s0+s1], $0x9A00, $0x38;
	[tilespmem:$0xBA20] =	vst v63  }
0x5fa: {  	_ =	swait.ge @!p6 [sflag:s4], $0x9A00  }
0x5fb: {  	s0 =	sld [smem:$0x7AC]  }
0x5fc: {  	[sflag:s4] =	ssyncset.done @!p6 $0x0  }
0x5fd: {  	[sflag:s4] =	ssyncadd.s32 @!p6 $0xFFFF6600  }
0x5fe: {  	[hbm4b:s0+s1] =	stream.linear.scatter @!p6 [tilespmem:s3], [sflag:$0x1], $0x9A00, $0x38;
	[tilespmem:$0xBA20] =	vst v63  }
0x5ff: {  	_ =	swait.ge @!p6 [sflag:s4], $0x9A00  }
0x600: {  	s0 =	sld [smem:$0x7AA];
	_ =	sdelay $0x1  }
0x601: {  	s3 =	spop @!p6 (v2sf);
	s13 =	sld [smem:$0x7EB]  }
0x602: {  	s0 =	sadd.s32 @!p6 s0, s3  }
0x603: {  	p0 =	por p6, p6;
	[sflag:s4] =	ssyncset.done @!p6 $0x0;
	s0 =	sshll.u32 @!p6 s0, $0x6  }
0x604: {  	[sflag:s4] =	ssyncadd.s32 @!p6 $0xFFFF6600;
	s0 =	sand.u32 @!p6 $0x1FFFFFC0, s0;
	p6 =	seq.s32 s13, $0x1  }
0x605: {  	(v2sf) =	vpush @!p6 v1, $0xC;
	s0 =	sadd.s32 @!p0 s2, s0  }
0x606: {  	[hbm4b:s0+s1] =	stream.linear.scatter @!p0 [tilespmem:s1], [sflag:$0x1], $0x2000, $0x38;
	[tilespmem:$0xBA20] =	vst v63  }
0x607: {  	_ =	swait.ge @!p0 [sflag:s4], $0x2000  }
0x608: {  	s0 =	sld [smem:$0x7AE]  }
0x609: {  	s3 =	simm.s32 @!p6 $0x2020;
	[sflag:s4] =	ssyncset.done @!p0 $0x0  }
0x60a: {  	s1 =	simm.s32 @!p6 $0x0;
	[sflag:s4] =	ssyncadd.s32 @!p0 $0xFFFFE000;
	s4 =	simm.s32 @!p6 $0x1  }
0x60b: {  	[tilespmem:s3], [sflag:$0x1] =	stream.linear.gather @!p6 [hbm4b:s0+s1], $0x9A00, $0x38;
	[tilespmem:$0xBA20] =	vst v63  }
0x60c: {  	_ =	swait.ge @!p6 [sflag:s4], $0x9A00  }
0x60d: {  	s0 =	sld [smem:$0x7AF]  }
0x60e: {  	[sflag:s4] =	ssyncset.done @!p6 $0x0  }
0x60f: {  	[sflag:s4] =	ssyncadd.s32 @!p6 $0xFFFF6600  }
0x610: {  	[hbm4b:s0+s1] =	stream.linear.scatter @!p6 [tilespmem:s3], [sflag:$0x1], $0x9A00, $0x38;
	[tilespmem:$0xBA20] =	vst v63  }
0x611: {  	_ =	swait.ge @!p6 [sflag:s4], $0x9A00  }
0x612: {  	s0 =	sld [smem:$0x7AD];
	_ =	sdelay $0x1  }
0x613: {  	s14 =	sld [smem:$0x7EC];
	s3 =	spop @!p6 (v2sf)  }
0x614: {  	s0 =	sadd.s32 @!p6 s0, s3  }
0x615: {  	s0 =	sshll.u32 @!p6 s0, $0x6  }
0x616: {  	[sflag:s4] =	ssyncset.done @!p6 $0x0;
	p0 =	seq.s32 s14, $0x1;
	s0 =	sand.u32 @!p6 $0x1FFFFFC0, s0  }
0x617: {  	[sflag:s4] =	ssyncadd.s32 @!p6 $0xFFFF6600;
	(v2sf) =	vpush @!p0 v1, $0xD;
	s0 =	sadd.s32 @!p6 s2, s0  }
0x618: {  	[hbm4b:s0+s1] =	stream.linear.scatter @!p6 [tilespmem:s1], [sflag:$0x1], $0x2000, $0x38;
	[tilespmem:$0xBA20] =	vst v63  }
0x619: {  	_ =	swait.ge @!p6 [sflag:s4], $0x2000  }
0x61a: {  	s0 =	sld [smem:$0x7B1]  }
0x61b: {  	s3 =	simm.s32 @!p0 $0x2020;
	[sflag:s4] =	ssyncset.done @!p6 $0x0  }
0x61c: {  	s1 =	simm.s32 @!p0 $0x0;
	[sflag:s4] =	ssyncadd.s32 @!p6 $0xFFFFE000;
	s4 =	simm.s32 @!p0 $0x1  }
0x61d: {  	[tilespmem:s3], [sflag:$0x1] =	stream.linear.gather @!p0 [hbm4b:s0+s1], $0x9A00, $0x38;
	[tilespmem:$0xBA20] =	vst v63  }
0x61e: {  	_ =	swait.ge @!p0 [sflag:s4], $0x9A00  }
0x61f: {  	s0 =	sld [smem:$0x7B2]  }
0x620: {  	[sflag:s4] =	ssyncset.done @!p0 $0x0  }
0x621: {  	[sflag:s4] =	ssyncadd.s32 @!p0 $0xFFFF6600  }
0x622: {  	[hbm4b:s0+s1] =	stream.linear.scatter @!p0 [tilespmem:s3], [sflag:$0x1], $0x9A00, $0x38;
	[tilespmem:$0xBA20] =	vst v63  }
0x623: {  	_ =	swait.ge @!p0 [sflag:s4], $0x9A00  }
0x624: {  	s0 =	sld [smem:$0x7B0];
	_ =	sdelay $0x1  }
0x625: {  	s3 =	spop @!p0 (v2sf);
	s15 =	sld [smem:$0x7ED]  }
0x626: {  	s0 =	sadd.s32 @!p0 s0, s3  }
0x627: {  	s0 =	sshll.u32 @!p0 s0, $0x6  }
0x628: {  	[sflag:s4] =	ssyncset.done @!p0 $0x0;
	p1 =	seq.s32 s15, $0x1;
	s0 =	sand.u32 @!p0 $0x1FFFFFC0, s0  }
0x629: {  	[sflag:s4] =	ssyncadd.s32 @!p0 $0xFFFF6600;
	(v2sf) =	vpush @!p1 v1, $0xE;
	s0 =	sadd.s32 @!p0 s2, s0  }
0x62a: {  	[hbm4b:s0+s1] =	stream.linear.scatter @!p0 [tilespmem:s1], [sflag:$0x1], $0x2000, $0x38;
	[tilespmem:$0xBA20] =	vst v63  }
0x62b: {  	_ =	swait.ge @!p0 [sflag:s4], $0x2000  }
0x62c: {  	s0 =	sld [smem:$0x7B4]  }
0x62d: {  	s3 =	simm.s32 @!p1 $0x2020;
	[sflag:s4] =	ssyncset.done @!p0 $0x0  }
0x62e: {  	s1 =	simm.s32 @!p1 $0x0;
	[sflag:s4] =	ssyncadd.s32 @!p0 $0xFFFFE000;
	s4 =	simm.s32 @!p1 $0x1  }
0x62f: {  	[tilespmem:s3], [sflag:$0x1] =	stream.linear.gather @!p1 [hbm4b:s0+s1], $0x9A00, $0x38;
	[tilespmem:$0xBA20] =	vst v63  }
0x630: {  	_ =	swait.ge @!p1 [sflag:s4], $0x9A00  }
0x631: {  	s0 =	sld [smem:$0x7B5]  }
0x632: {  	[sflag:s4] =	ssyncset.done @!p1 $0x0  }
0x633: {  	[sflag:s4] =	ssyncadd.s32 @!p1 $0xFFFF6600  }
0x634: {  	[hbm4b:s0+s1] =	stream.linear.scatter @!p1 [tilespmem:s3], [sflag:$0x1], $0x9A00, $0x38;
	[tilespmem:$0xBA20] =	vst v63  }
0x635: {  	_ =	swait.ge @!p1 [sflag:s4], $0x9A00  }
0x636: {  	s0 =	sld [smem:$0x7B3];
	_ =	sdelay $0x1  }
0x637: {  	s3 =	spop @!p1 (v2sf);
	s16 =	sld [smem:$0x7EE]  }
0x638: {  	s0 =	sadd.s32 @!p1 s0, s3  }
0x639: {  	s0 =	sshll.u32 @!p1 s0, $0x6  }
0x63a: {  	[sflag:s4] =	ssyncset.done @!p1 $0x0;
	p5 =	seq.s32 s16, $0x1;
	s0 =	sand.u32 @!p1 $0x1FFFFFC0, s0  }
0x63b: {  	[sflag:s4] =	ssyncadd.s32 @!p1 $0xFFFF6600;
	(v2sf) =	vpush @!p5 v1, $0xF;
	s0 =	sadd.s32 @!p1 s2, s0  }
0x63c: {  	[hbm4b:s0+s1] =	stream.linear.scatter @!p1 [tilespmem:s1], [sflag:$0x1], $0x2000, $0x38;
	[tilespmem:$0xBA20] =	vst v63  }
0x63d: {  	_ =	swait.ge @!p1 [sflag:s4], $0x2000  }
0x63e: {  	s0 =	sld [smem:$0x7B7]  }
0x63f: {  	s3 =	simm.s32 @!p5 $0x2020;
	[sflag:s4] =	ssyncset.done @!p1 $0x0  }
0x640: {  	s1 =	simm.s32 @!p5 $0x0;
	[sflag:s4] =	ssyncadd.s32 @!p1 $0xFFFFE000;
	s4 =	simm.s32 @!p5 $0x1  }
0x641: {  	[tilespmem:s3], [sflag:$0x1] =	stream.linear.gather @!p5 [hbm4b:s0+s1], $0x9A00, $0x38;
	[tilespmem:$0xBA20] =	vst v63  }
0x642: {  	_ =	swait.ge @!p5 [sflag:s4], $0x9A00  }
0x643: {  	s0 =	sld [smem:$0x7B8]  }
0x644: {  	[sflag:s4] =	ssyncset.done @!p5 $0x0  }
0x645: {  	[sflag:s4] =	ssyncadd.s32 @!p5 $0xFFFF6600  }
0x646: {  	[hbm4b:s0+s1] =	stream.linear.scatter @!p5 [tilespmem:s3], [sflag:$0x1], $0x9A00, $0x38;
	[tilespmem:$0xBA20] =	vst v63  }
0x647: {  	_ =	swait.ge @!p5 [sflag:s4], $0x9A00  }
0x648: {  	s0 =	sld [smem:$0x7B6];
	_ =	sdelay $0x1  }
0x649: {  	s3 =	spop @!p5 (v2sf);
	s17 =	sld [smem:$0x7EF]  }
0x64a: {  	s0 =	sadd.s32 @!p5 s0, s3  }
0x64b: {  	s0 =	sshll.u32 @!p5 s0, $0x6  }
0x64c: {  	[sflag:s4] =	ssyncset.done @!p5 $0x0;
	p0 =	seq.s32 s17, $0x1;
	s0 =	sand.u32 @!p5 $0x1FFFFFC0, s0  }
0x64d: {  	[sflag:s4] =	ssyncadd.s32 @!p5 $0xFFFF6600;
	(v2sf) =	vpush @!p0 v0, $0x0;
	s0 =	sadd.s32 @!p5 s2, s0  }
0x64e: {  	[hbm4b:s0+s1] =	stream.linear.scatter @!p5 [tilespmem:s1], [sflag:$0x1], $0x2000, $0x38;
	[tilespmem:$0xBA20] =	vst v63  }
0x64f: {  	_ =	swait.ge @!p5 [sflag:s4], $0x2000  }
0x650: {  	s0 =	sld [smem:$0x7BA]  }
0x651: {  	s3 =	simm.s32 @!p0 $0x2020;
	[sflag:s4] =	ssyncset.done @!p5 $0x0  }
0x652: {  	s1 =	simm.s32 @!p0 $0x0;
	[sflag:s4] =	ssyncadd.s32 @!p5 $0xFFFFE000;
	s4 =	simm.s32 @!p0 $0x1  }
0x653: {  	[tilespmem:s3], [sflag:$0x1] =	stream.linear.gather @!p0 [hbm4b:s0+s1], $0x9A00, $0x38;
	[tilespmem:$0xBA20] =	vst v63  }
0x654: {  	_ =	swait.ge @!p0 [sflag:s4], $0x9A00  }
0x655: {  	s0 =	sld [smem:$0x7BB]  }
0x656: {  	[sflag:s4] =	ssyncset.done @!p0 $0x0  }
0x657: {  	[sflag:s4] =	ssyncadd.s32 @!p0 $0xFFFF6600  }
0x658: {  	[hbm4b:s0+s1] =	stream.linear.scatter @!p0 [tilespmem:s3], [sflag:$0x1], $0x9A00, $0x38;
	[tilespmem:$0xBA20] =	vst v63  }
0x659: {  	_ =	swait.ge @!p0 [sflag:s4], $0x9A00  }
0x65a: {  	s0 =	sld [smem:$0x7B9];
	_ =	sdelay $0x1  }
0x65b: {  	s3 =	spop @!p0 (v2sf);
	s18 =	sld [smem:$0x7F0]  }
0x65c: {  	s0 =	sadd.s32 @!p0 s0, s3  }
0x65d: {  	s0 =	sshll.u32 @!p0 s0, $0x6  }
0x65e: {  	[sflag:s4] =	ssyncset.done @!p0 $0x0;
	p1 =	seq.s32 s18, $0x1;
	s0 =	sand.u32 @!p0 $0x1FFFFFC0, s0  }
0x65f: {  	[sflag:s4] =	ssyncadd.s32 @!p0 $0xFFFF6600;
	(v2sf) =	vpush @!p1 v0, $0x1;
	s0 =	sadd.s32 @!p0 s2, s0  }
0x660: {  	[hbm4b:s0+s1] =	stream.linear.scatter @!p0 [tilespmem:s1], [sflag:$0x1], $0x2000, $0x38;
	[tilespmem:$0xBA20] =	vst v63  }
0x661: {  	_ =	swait.ge @!p0 [sflag:s4], $0x2000  }
0x662: {  	s0 =	sld [smem:$0x7BD]  }
0x663: {  	s3 =	simm.s32 @!p1 $0x2020;
	[sflag:s4] =	ssyncset.done @!p0 $0x0  }
0x664: {  	s1 =	simm.s32 @!p1 $0x0;
	[sflag:s4] =	ssyncadd.s32 @!p0 $0xFFFFE000;
	s4 =	simm.s32 @!p1 $0x1  }
0x665: {  	[tilespmem:s3], [sflag:$0x1] =	stream.linear.gather @!p1 [hbm4b:s0+s1], $0x9A00, $0x38;
	[tilespmem:$0xBA20] =	vst v63  }
0x666: {  	_ =	swait.ge @!p1 [sflag:s4], $0x9A00  }
0x667: {  	s0 =	sld [smem:$0x7BE]  }
0x668: {  	[sflag:s4] =	ssyncset.done @!p1 $0x0  }
0x669: {  	[sflag:s4] =	ssyncadd.s32 @!p1 $0xFFFF6600  }
0x66a: {  	[hbm4b:s0+s1] =	stream.linear.scatter @!p1 [tilespmem:s3], [sflag:$0x1], $0x9A00, $0x38;
	[tilespmem:$0xBA20] =	vst v63  }
0x66b: {  	_ =	swait.ge @!p1 [sflag:s4], $0x9A00  }
0x66c: {  	s0 =	sld [smem:$0x7BC];
	_ =	sdelay $0x1  }
0x66d: {  	s3 =	spop @!p1 (v2sf);
	s19 =	sld [smem:$0x7F1]  }
0x66e: {  	s0 =	sadd.s32 @!p1 s0, s3  }
0x66f: {  	s0 =	sshll.u32 @!p1 s0, $0x6  }
0x670: {  	[sflag:s4] =	ssyncset.done @!p1 $0x0;
	p0 =	seq.s32 s19, $0x1;
	s0 =	sand.u32 @!p1 $0x1FFFFFC0, s0  }
0x671: {  	[sflag:s4] =	ssyncadd.s32 @!p1 $0xFFFF6600;
	(v2sf) =	vpush @!p0 v0, $0x2;
	s0 =	sadd.s32 @!p1 s2, s0  }
0x672: {  	[hbm4b:s0+s1] =	stream.linear.scatter @!p1 [tilespmem:s1], [sflag:$0x1], $0x2000, $0x38;
	[tilespmem:$0xBA20] =	vst v63  }
0x673: {  	_ =	swait.ge @!p1 [sflag:s4], $0x2000  }
0x674: {  	s0 =	sld [smem:$0x7C0]  }
0x675: {  	s3 =	simm.s32 @!p0 $0x2020;
	[sflag:s4] =	ssyncset.done @!p1 $0x0  }
0x676: {  	s1 =	simm.s32 @!p0 $0x0;
	[sflag:s4] =	ssyncadd.s32 @!p1 $0xFFFFE000;
	s4 =	simm.s32 @!p0 $0x1  }
0x677: {  	[tilespmem:s3], [sflag:$0x1] =	stream.linear.gather @!p0 [hbm4b:s0+s1], $0x9A00, $0x38;
	[tilespmem:$0xBA20] =	vst v63  }
0x678: {  	_ =	swait.ge @!p0 [sflag:s4], $0x9A00  }
0x679: {  	s0 =	sld [smem:$0x7C1]  }
0x67a: {  	[sflag:s4] =	ssyncset.done @!p0 $0x0  }
0x67b: {  	[sflag:s4] =	ssyncadd.s32 @!p0 $0xFFFF6600  }
0x67c: {  	[hbm4b:s0+s1] =	stream.linear.scatter @!p0 [tilespmem:s3], [sflag:$0x1], $0x9A00, $0x38;
	[tilespmem:$0xBA20] =	vst v63  }
0x67d: {  	_ =	swait.ge @!p0 [sflag:s4], $0x9A00  }
0x67e: {  	s0 =	sld [smem:$0x7BF];
	_ =	sdelay $0x1  }
0x67f: {  	s3 =	spop @!p0 (v2sf)  }
0x680: {  	s0 =	sadd.s32 @!p0 s0, s3  }
0x681: {  	s0 =	sshll.u32 @!p0 s0, $0x6  }
0x682: {  	[sflag:s4] =	ssyncset.done @!p0 $0x0;
	s0 =	sand.u32 @!p0 $0x1FFFFFC0, s0  }
0x683: {  	(v2sf) =	vpush @!p2 v0, $0x3;
	[sflag:s4] =	ssyncadd.s32 @!p0 $0xFFFF6600;
	s0 =	sadd.s32 @!p0 s2, s0  }
0x684: {  	[hbm4b:s0+s1] =	stream.linear.scatter @!p0 [tilespmem:s1], [sflag:$0x1], $0x2000, $0x38;
	[tilespmem:$0xBA20] =	vst v63  }
0x685: {  	_ =	swait.ge @!p0 [sflag:s4], $0x2000  }
0x686: {  	s0 =	sld [smem:$0x7C3]  }
0x687: {  	s3 =	simm.s32 @!p2 $0x2020;
	[sflag:s4] =	ssyncset.done @!p0 $0x0  }
0x688: {  	s1 =	simm.s32 @!p2 $0x0;
	[sflag:s4] =	ssyncadd.s32 @!p0 $0xFFFFE000;
	s4 =	simm.s32 @!p2 $0x1  }
0x689: {  	[tilespmem:s3], [sflag:$0x1] =	stream.linear.gather @!p2 [hbm4b:s0+s1], $0x9A00, $0x38;
	[tilespmem:$0xBA20] =	vst v63  }
0x68a: {  	_ =	swait.ge @!p2 [sflag:s4], $0x9A00  }
0x68b: {  	s0 =	sld [smem:$0x7C4]  }
0x68c: {  	[sflag:s4] =	ssyncset.done @!p2 $0x0  }
0x68d: {  	[sflag:s4] =	ssyncadd.s32 @!p2 $0xFFFF6600  }
0x68e: {  	[hbm4b:s0+s1] =	stream.linear.scatter @!p2 [tilespmem:s3], [sflag:$0x1], $0x9A00, $0x38;
	[tilespmem:$0xBA20] =	vst v63  }
0x68f: {  	_ =	swait.ge @!p2 [sflag:s4], $0x9A00  }
0x690: {  	s0 =	sld [smem:$0x7C2];
	_ =	sdelay $0x1  }
0x691: {  	s3 =	spop @!p2 (v2sf);
	s20 =	sld [smem:$0x7F2]  }
0x692: {  	[sflag:s4] =	ssyncset.done @!p2 $0x0;
	s0 =	sadd.s32 @!p2 s0, s3  }
0x693: {  	p1 =	por p2, p2;
	[sflag:s4] =	ssyncadd.s32 @!p2 $0xFFFF6600;
	s0 =	sshll.u32 @!p2 s0, $0x6  }
0x694: {  	s0 =	sand.u32 @!p2 $0x1FFFFFC0, s0;
	p2 =	por p4, p4;
	p4 =	seq.s32 s20, $0x1  }
0x695: {  	(v2sf) =	vpush @!p4 v0, $0x4;
	s0 =	sadd.s32 @!p1 s2, s0  }
0x696: {  	[hbm4b:s0+s1] =	stream.linear.scatter @!p1 [tilespmem:s1], [sflag:$0x1], $0x2000, $0x38;
	[tilespmem:$0xBA20] =	vst v63  }
0x697: {  	_ =	swait.ge @!p1 [sflag:s4], $0x2000  }
0x698: {  	s0 =	sld [smem:$0x7C6]  }
0x699: {  	s3 =	simm.s32 @!p4 $0x2020;
	[sflag:s4] =	ssyncset.done @!p1 $0x0  }
0x69a: {  	s1 =	simm.s32 @!p4 $0x0;
	[sflag:s4] =	ssyncadd.s32 @!p1 $0xFFFFE000;
	s4 =	simm.s32 @!p4 $0x1  }
0x69b: {  	[tilespmem:s3], [sflag:$0x1] =	stream.linear.gather @!p4 [hbm4b:s0+s1], $0x9A00, $0x38;
	[tilespmem:$0xBA20] =	vst v63  }
0x69c: {  	_ =	swait.ge @!p4 [sflag:s4], $0x9A00  }
0x69d: {  	s0 =	sld [smem:$0x7C7]  }
0x69e: {  	[sflag:s4] =	ssyncset.done @!p4 $0x0  }
0x69f: {  	[sflag:s4] =	ssyncadd.s32 @!p4 $0xFFFF6600  }
0x6a0: {  	[hbm4b:s0+s1] =	stream.linear.scatter @!p4 [tilespmem:s3], [sflag:$0x1], $0x9A00, $0x38;
	[tilespmem:$0xBA20] =	vst v63  }
0x6a1: {  	_ =	swait.ge @!p4 [sflag:s4], $0x9A00  }
0x6a2: {  	s0 =	sld [smem:$0x7C5];
	_ =	sdelay $0x1  }
0x6a3: {  	s21 =	sld [smem:$0x7F3];
	s3 =	spop @!p4 (v2sf)  }
0x6a4: {  	s0 =	sadd.s32 @!p4 s0, s3  }
0x6a5: {  	s0 =	sshll.u32 @!p4 s0, $0x6  }
0x6a6: {  	[sflag:s4] =	ssyncset.done @!p4 $0x0;
	p0 =	seq.s32 s21, $0x1;
	s0 =	sand.u32 @!p4 $0x1FFFFFC0, s0  }
0x6a7: {  	[sflag:s4] =	ssyncadd.s32 @!p4 $0xFFFF6600;
	(v2sf) =	vpush @!p0 v0, $0x5;
	s0 =	sadd.s32 @!p4 s2, s0  }
0x6a8: {  	[hbm4b:s0+s1] =	stream.linear.scatter @!p4 [tilespmem:s1], [sflag:$0x1], $0x2000, $0x38;
	[tilespmem:$0xBA20] =	vst v63  }
0x6a9: {  	_ =	swait.ge @!p4 [sflag:s4], $0x2000  }
0x6aa: {  	s0 =	sld [smem:$0x7C9]  }
0x6ab: {  	s3 =	simm.s32 @!p0 $0x2020;
	[sflag:s4] =	ssyncset.done @!p4 $0x0  }
0x6ac: {  	s1 =	simm.s32 @!p0 $0x0;
	[sflag:s4] =	ssyncadd.s32 @!p4 $0xFFFFE000;
	s4 =	simm.s32 @!p0 $0x1  }
0x6ad: {  	[tilespmem:s3], [sflag:$0x1] =	stream.linear.gather @!p0 [hbm4b:s0+s1], $0x9A00, $0x38;
	[tilespmem:$0xBA20] =	vst v63  }
0x6ae: {  	_ =	swait.ge @!p0 [sflag:s4], $0x9A00  }
0x6af: {  	s0 =	sld [smem:$0x7CA]  }
0x6b0: {  	[sflag:s4] =	ssyncset.done @!p0 $0x0  }
0x6b1: {  	[sflag:s4] =	ssyncadd.s32 @!p0 $0xFFFF6600  }
0x6b2: {  	[hbm4b:s0+s1] =	stream.linear.scatter @!p0 [tilespmem:s3], [sflag:$0x1], $0x9A00, $0x38;
	[tilespmem:$0xBA20] =	vst v63  }
0x6b3: {  	_ =	swait.ge @!p0 [sflag:s4], $0x9A00  }
0x6b4: {  	s0 =	sld [smem:$0x7C8];
	_ =	sdelay $0x1  }
0x6b5: {  	s3 =	spop @!p0 (v2sf);
	s22 =	sld [smem:$0x7F4]  }
0x6b6: {  	s0 =	sadd.s32 @!p0 s0, s3  }
0x6b7: {  	s0 =	sshll.u32 @!p0 s0, $0x6  }
0x6b8: {  	[sflag:s4] =	ssyncset.done @!p0 $0x0;
	p1 =	seq.s32 s22, $0x1;
	s0 =	sand.u32 @!p0 $0x1FFFFFC0, s0  }
0x6b9: {  	[sflag:s4] =	ssyncadd.s32 @!p0 $0xFFFF6600;
	(v2sf) =	vpush @!p1 v0, $0x6;
	s0 =	sadd.s32 @!p0 s2, s0  }
0x6ba: {  	[hbm4b:s0+s1] =	stream.linear.scatter @!p0 [tilespmem:s1], [sflag:$0x1], $0x2000, $0x38;
	[tilespmem:$0xBA20] =	vst v63  }
0x6bb: {  	_ =	swait.ge @!p0 [sflag:s4], $0x2000  }
0x6bc: {  	s0 =	sld [smem:$0x7CC]  }
0x6bd: {  	s3 =	simm.s32 @!p1 $0x2020;
	[sflag:s4] =	ssyncset.done @!p0 $0x0  }
0x6be: {  	s1 =	simm.s32 @!p1 $0x0;
	[sflag:s4] =	ssyncadd.s32 @!p0 $0xFFFFE000;
	s4 =	simm.s32 @!p1 $0x1  }
0x6bf: {  	[tilespmem:s3], [sflag:$0x1] =	stream.linear.gather @!p1 [hbm4b:s0+s1], $0x9A00, $0x38;
	[tilespmem:$0xBA20] =	vst v63  }
0x6c0: {  	_ =	swait.ge @!p1 [sflag:s4], $0x9A00  }
0x6c1: {  	s0 =	sld [smem:$0x7CD]  }
0x6c2: {  	[sflag:s4] =	ssyncset.done @!p1 $0x0  }
0x6c3: {  	[sflag:s4] =	ssyncadd.s32 @!p1 $0xFFFF6600  }
0x6c4: {  	[hbm4b:s0+s1] =	stream.linear.scatter @!p1 [tilespmem:s3], [sflag:$0x1], $0x9A00, $0x38;
	[tilespmem:$0xBA20] =	vst v63  }
0x6c5: {  	_ =	swait.ge @!p1 [sflag:s4], $0x9A00  }
0x6c6: {  	s0 =	sld [smem:$0x7CB];
	_ =	sdelay $0x1  }
0x6c7: {  	s3 =	spop @!p1 (v2sf);
	s23 =	sld [smem:$0x7F5]  }
0x6c8: {  	s0 =	sadd.s32 @!p1 s0, s3  }
0x6c9: {  	s0 =	sshll.u32 @!p1 s0, $0x6  }
0x6ca: {  	[sflag:s4] =	ssyncset.done @!p1 $0x0;
	p4 =	seq.s32 s23, $0x1;
	s0 =	sand.u32 @!p1 $0x1FFFFFC0, s0  }
0x6cb: {  	[sflag:s4] =	ssyncadd.s32 @!p1 $0xFFFF6600;
	(v2sf) =	vpush @!p4 v0, $0x7;
	s0 =	sadd.s32 @!p1 s2, s0  }
0x6cc: {  	[hbm4b:s0+s1] =	stream.linear.scatter @!p1 [tilespmem:s1], [sflag:$0x1], $0x2000, $0x38;
	[tilespmem:$0xBA20] =	vst v63  }
0x6cd: {  	_ =	swait.ge @!p1 [sflag:s4], $0x2000  }
0x6ce: {  	s0 =	sld [smem:$0x7CF]  }
0x6cf: {  	s3 =	simm.s32 @!p4 $0x2020;
	[sflag:s4] =	ssyncset.done @!p1 $0x0  }
0x6d0: {  	s1 =	simm.s32 @!p4 $0x0;
	[sflag:s4] =	ssyncadd.s32 @!p1 $0xFFFFE000;
	s4 =	simm.s32 @!p4 $0x1  }
0x6d1: {  	[tilespmem:s3], [sflag:$0x1] =	stream.linear.gather @!p4 [hbm4b:s0+s1], $0x9A00, $0x38;
	[tilespmem:$0xBA20] =	vst v63  }
0x6d2: {  	_ =	swait.ge @!p4 [sflag:s4], $0x9A00  }
0x6d3: {  	s0 =	sld [smem:$0x7D0]  }
0x6d4: {  	[sflag:s4] =	ssyncset.done @!p4 $0x0  }
0x6d5: {  	[sflag:s4] =	ssyncadd.s32 @!p4 $0xFFFF6600  }
0x6d6: {  	[hbm4b:s0+s1] =	stream.linear.scatter @!p4 [tilespmem:s3], [sflag:$0x1], $0x9A00, $0x38;
	[tilespmem:$0xBA20] =	vst v63  }
0x6d7: {  	_ =	swait.ge @!p4 [sflag:s4], $0x9A00  }
0x6d8: {  	s0 =	sld [smem:$0x7CE];
	_ =	sdelay $0x1  }
0x6d9: {  	s3 =	spop @!p4 (v2sf)  }
0x6da: {  	s0 =	sadd.s32 @!p4 s0, s3  }
0x6db: {  	s0 =	sshll.u32 @!p4 s0, $0x6  }
0x6dc: {  	[sflag:s4] =	ssyncset.done @!p4 $0x0;
	s0 =	sand.u32 @!p4 $0x1FFFFFC0, s0  }
0x6dd: {  	(v2sf) =	vpush @!p2 v0, $0x8;
	[sflag:s4] =	ssyncadd.s32 @!p4 $0xFFFF6600;
	s0 =	sadd.s32 @!p4 s2, s0  }
0x6de: {  	[hbm4b:s0+s1] =	stream.linear.scatter @!p4 [tilespmem:s1], [sflag:$0x1], $0x2000, $0x38;
	[tilespmem:$0xBA20] =	vst v63  }
0x6df: {  	_ =	swait.ge @!p4 [sflag:s4], $0x2000  }
0x6e0: {  	s0 =	sld [smem:$0x7D2]  }
0x6e1: {  	s3 =	simm.s32 @!p2 $0x2020;
	[sflag:s4] =	ssyncset.done @!p4 $0x0  }
0x6e2: {  	s1 =	simm.s32 @!p2 $0x0;
	[sflag:s4] =	ssyncadd.s32 @!p4 $0xFFFFE000;
	s4 =	simm.s32 @!p2 $0x1  }
0x6e3: {  	[tilespmem:s3], [sflag:$0x1] =	stream.linear.gather @!p2 [hbm4b:s0+s1], $0x9A00, $0x38;
	[tilespmem:$0xBA20] =	vst v63  }
0x6e4: {  	_ =	swait.ge @!p2 [sflag:s4], $0x9A00  }
0x6e5: {  	s0 =	sld [smem:$0x7D3]  }
0x6e6: {  	[sflag:s4] =	ssyncset.done @!p2 $0x0  }
0x6e7: {  	[sflag:s4] =	ssyncadd.s32 @!p2 $0xFFFF6600  }
0x6e8: {  	[hbm4b:s0+s1] =	stream.linear.scatter @!p2 [tilespmem:s3], [sflag:$0x1], $0x9A00, $0x38;
	[tilespmem:$0xBA20] =	vst v63  }
0x6e9: {  	_ =	swait.ge @!p2 [sflag:s4], $0x9A00  }
0x6ea: {  	s0 =	sld [smem:$0x7D1];
	_ =	sdelay $0x1  }
0x6eb: {  	s3 =	spop @!p2 (v2sf);
	s24 =	sld [smem:$0x7F6]  }
0x6ec: {  	s0 =	sadd.s32 @!p2 s0, s3  }
0x6ed: {  	s0 =	sshll.u32 @!p2 s0, $0x6  }
0x6ee: {  	[sflag:s4] =	ssyncset.done @!p2 $0x0;
	p1 =	seq.s32 s24, $0x1;
	s0 =	sand.u32 @!p2 $0x1FFFFFC0, s0  }
0x6ef: {  	[sflag:s4] =	ssyncadd.s32 @!p2 $0xFFFF6600;
	(v2sf) =	vpush @!p1 v0, $0x9;
	s0 =	sadd.s32 @!p2 s2, s0  }
0x6f0: {  	[hbm4b:s0+s1] =	stream.linear.scatter @!p2 [tilespmem:s1], [sflag:$0x1], $0x2000, $0x38;
	[tilespmem:$0xBA20] =	vst v63  }
0x6f1: {  	_ =	swait.ge @!p2 [sflag:s4], $0x2000  }
0x6f2: {  	s0 =	sld [smem:$0x7D5]  }
0x6f3: {  	s3 =	simm.s32 @!p1 $0x2020;
	[sflag:s4] =	ssyncset.done @!p2 $0x0  }
0x6f4: {  	s1 =	simm.s32 @!p1 $0x0;
	[sflag:s4] =	ssyncadd.s32 @!p2 $0xFFFFE000;
	s4 =	simm.s32 @!p1 $0x1  }
0x6f5: {  	[tilespmem:s3], [sflag:$0x1] =	stream.linear.gather @!p1 [hbm4b:s0+s1], $0x9A00, $0x38;
	[tilespmem:$0xBA20] =	vst v63  }
0x6f6: {  	_ =	swait.ge @!p1 [sflag:s4], $0x9A00  }
0x6f7: {  	s0 =	sld [smem:$0x7D6]  }
0x6f8: {  	[sflag:s4] =	ssyncset.done @!p1 $0x0  }
0x6f9: {  	[sflag:s4] =	ssyncadd.s32 @!p1 $0xFFFF6600  }
0x6fa: {  	[hbm4b:s0+s1] =	stream.linear.scatter @!p1 [tilespmem:s3], [sflag:$0x1], $0x9A00, $0x38;
	[tilespmem:$0xBA20] =	vst v63  }
0x6fb: {  	_ =	swait.ge @!p1 [sflag:s4], $0x9A00  }
0x6fc: {  	s0 =	sld [smem:$0x7D4];
	_ =	sdelay $0x1  }
0x6fd: {  	s3 =	spop @!p1 (v2sf);
	s25 =	sld [smem:$0x7F7]  }
0x6fe: {  	s0 =	sadd.s32 @!p1 s0, s3  }
0x6ff: {  	s0 =	sshll.u32 @!p1 s0, $0x6  }
0x700: {  	[sflag:s4] =	ssyncset.done @!p1 $0x0;
	p0 =	seq.s32 s25, $0x1;
	s0 =	sand.u32 @!p1 $0x1FFFFFC0, s0  }
0x701: {  	[sflag:s4] =	ssyncadd.s32 @!p1 $0xFFFF6600;
	(v2sf) =	vpush @!p0 v0, $0xA;
	s0 =	sadd.s32 @!p1 s2, s0  }
0x702: {  	[hbm4b:s0+s1] =	stream.linear.scatter @!p1 [tilespmem:s1], [sflag:$0x1], $0x2000, $0x38;
	[tilespmem:$0xBA20] =	vst v63  }
0x703: {  	_ =	swait.ge @!p1 [sflag:s4], $0x2000  }
0x704: {  	s0 =	sld [smem:$0x7D8]  }
0x705: {  	s3 =	simm.s32 @!p0 $0x2020;
	[sflag:s4] =	ssyncset.done @!p1 $0x0  }
0x706: {  	s1 =	simm.s32 @!p0 $0x0;
	[sflag:s4] =	ssyncadd.s32 @!p1 $0xFFFFE000;
	s4 =	simm.s32 @!p0 $0x1  }
0x707: {  	[tilespmem:s3], [sflag:$0x1] =	stream.linear.gather @!p0 [hbm4b:s0+s1], $0x9A00, $0x38;
	[tilespmem:$0xBA20] =	vst v63  }
0x708: {  	_ =	swait.ge @!p0 [sflag:s4], $0x9A00  }
0x709: {  	s0 =	sld [smem:$0x7D9]  }
0x70a: {  	[sflag:s4] =	ssyncset.done @!p0 $0x0  }
0x70b: {  	[sflag:s4] =	ssyncadd.s32 @!p0 $0xFFFF6600  }
0x70c: {  	[hbm4b:s0+s1] =	stream.linear.scatter @!p0 [tilespmem:s3], [sflag:$0x1], $0x9A00, $0x38;
	[tilespmem:$0xBA20] =	vst v63  }
0x70d: {  	_ =	swait.ge @!p0 [sflag:s4], $0x9A00  }
0x70e: {  	s0 =	sld [smem:$0x7D7];
	_ =	sdelay $0x1  }
0x70f: {  	s3 =	spop @!p0 (v2sf);
	s26 =	sld [smem:$0x7F8]  }
0x710: {  	s0 =	sadd.s32 @!p0 s0, s3  }
0x711: {  	s0 =	sshll.u32 @!p0 s0, $0x6  }
0x712: {  	[sflag:s4] =	ssyncset.done @!p0 $0x0;
	p1 =	seq.s32 s26, $0x1;
	s0 =	sand.u32 @!p0 $0x1FFFFFC0, s0  }
0x713: {  	[sflag:s4] =	ssyncadd.s32 @!p0 $0xFFFF6600;
	(v2sf) =	vpush @!p1 v0, $0xB;
	s0 =	sadd.s32 @!p0 s2, s0  }
0x714: {  	[hbm4b:s0+s1] =	stream.linear.scatter @!p0 [tilespmem:s1], [sflag:$0x1], $0x2000, $0x38;
	[tilespmem:$0xBA20] =	vst v63  }
0x715: {  	_ =	swait.ge @!p0 [sflag:s4], $0x2000  }
0x716: {  	s0 =	sld [smem:$0x7DB]  }
0x717: {  	s3 =	simm.s32 @!p1 $0x2020;
	[sflag:s4] =	ssyncset.done @!p0 $0x0  }
0x718: {  	s1 =	simm.s32 @!p1 $0x0;
	[sflag:s4] =	ssyncadd.s32 @!p0 $0xFFFFE000;
	s4 =	simm.s32 @!p1 $0x1  }
0x719: {  	[tilespmem:s3], [sflag:$0x1] =	stream.linear.gather @!p1 [hbm4b:s0+s1], $0x9A00, $0x38;
	[tilespmem:$0xBA20] =	vst v63  }
0x71a: {  	_ =	swait.ge @!p1 [sflag:s4], $0x9A00  }
0x71b: {  	s0 =	sld [smem:$0x7DC]  }
0x71c: {  	[sflag:s4] =	ssyncset.done @!p1 $0x0  }
0x71d: {  	[sflag:s4] =	ssyncadd.s32 @!p1 $0xFFFF6600  }
0x71e: {  	[hbm4b:s0+s1] =	stream.linear.scatter @!p1 [tilespmem:s3], [sflag:$0x1], $0x9A00, $0x38;
	[tilespmem:$0xBA20] =	vst v63  }
0x71f: {  	_ =	swait.ge @!p1 [sflag:s4], $0x9A00  }
0x720: {  	s0 =	sld [smem:$0x7DA];
	_ =	sdelay $0x1  }
0x721: {  	s3 =	spop @!p1 (v2sf);
	s28 =	sld [smem:$0x7F9]  }
0x722: {  	s0 =	sadd.s32 @!p1 s0, s3  }
0x723: {  	s0 =	sshll.u32 @!p1 s0, $0x6  }
0x724: {  	[sflag:s4] =	ssyncset.done @!p1 $0x0;
	p0 =	seq.s32 s28, $0x1;
	s0 =	sand.u32 @!p1 $0x1FFFFFC0, s0  }
0x725: {  	[sflag:s4] =	ssyncadd.s32 @!p1 $0xFFFF6600;
	(v2sf) =	vpush @!p0 v0, $0xC;
	s0 =	sadd.s32 @!p1 s2, s0  }
0x726: {  	[hbm4b:s0+s1] =	stream.linear.scatter @!p1 [tilespmem:s1], [sflag:$0x1], $0x2000, $0x38;
	[tilespmem:$0xBA20] =	vst v63  }
0x727: {  	_ =	swait.ge @!p1 [sflag:s4], $0x2000  }
0x728: {  	s0 =	sld [smem:$0x7DE]  }
0x729: {  	s3 =	simm.s32 @!p0 $0x2020;
	[sflag:s4] =	ssyncset.done @!p1 $0x0  }
0x72a: {  	s1 =	simm.s32 @!p0 $0x0;
	[sflag:s4] =	ssyncadd.s32 @!p1 $0xFFFFE000;
	s4 =	simm.s32 @!p0 $0x1  }
0x72b: {  	[tilespmem:s3], [sflag:$0x1] =	stream.linear.gather @!p0 [hbm4b:s0+s1], $0x9A00, $0x38;
	[tilespmem:$0xBA20] =	vst v63  }
0x72c: {  	_ =	swait.ge @!p0 [sflag:s4], $0x9A00  }
0x72d: {  	s0 =	sld [smem:$0x7DF]  }
0x72e: {  	[sflag:s4] =	ssyncset.done @!p0 $0x0  }
0x72f: {  	[sflag:s4] =	ssyncadd.s32 @!p0 $0xFFFF6600  }
0x730: {  	[hbm4b:s0+s1] =	stream.linear.scatter @!p0 [tilespmem:s3], [sflag:$0x1], $0x9A00, $0x38;
	[tilespmem:$0xBA20] =	vst v63  }
0x731: {  	_ =	swait.ge @!p0 [sflag:s4], $0x9A00  }
0x732: {  	s0 =	sld [smem:$0x7DD];
	_ =	sdelay $0x1  }
0x733: {  	s3 =	spop @!p0 (v2sf);
	s29 =	sld [smem:$0x7FA]  }
0x734: {  	s0 =	sadd.s32 @!p0 s0, s3  }
0x735: {  	s0 =	sshll.u32 @!p0 s0, $0x6  }
0x736: {  	[sflag:s4] =	ssyncset.done @!p0 $0x0;
	p1 =	seq.s32 s29, $0x1;
	s0 =	sand.u32 @!p0 $0x1FFFFFC0, s0  }
0x737: {  	[sflag:s4] =	ssyncadd.s32 @!p0 $0xFFFF6600;
	(v2sf) =	vpush @!p1 v0, $0xD;
	s0 =	sadd.s32 @!p0 s2, s0  }
0x738: {  	[hbm4b:s0+s1] =	stream.linear.scatter @!p0 [tilespmem:s1], [sflag:$0x1], $0x2000, $0x38;
	[tilespmem:$0xBA20] =	vst v63  }
0x739: {  	_ =	swait.ge @!p0 [sflag:s4], $0x2000  }
0x73a: {  	s0 =	sld [smem:$0x7E1]  }
0x73b: {  	s3 =	simm.s32 @!p1 $0x2020;
	[sflag:s4] =	ssyncset.done @!p0 $0x0  }
0x73c: {  	s1 =	simm.s32 @!p1 $0x0;
	[sflag:s4] =	ssyncadd.s32 @!p0 $0xFFFFE000;
	s4 =	simm.s32 @!p1 $0x1  }
0x73d: {  	[tilespmem:s3], [sflag:$0x1] =	stream.linear.gather @!p1 [hbm4b:s0+s1], $0x9A00, $0x38;
	[tilespmem:$0xBA20] =	vst v63  }
0x73e: {  	_ =	swait.ge @!p1 [sflag:s4], $0x9A00  }
0x73f: {  	s0 =	sld [smem:$0x7E2]  }
0x740: {  	[sflag:s4] =	ssyncset.done @!p1 $0x0  }
0x741: {  	[sflag:s4] =	ssyncadd.s32 @!p1 $0xFFFF6600  }
0x742: {  	[hbm4b:s0+s1] =	stream.linear.scatter @!p1 [tilespmem:s3], [sflag:$0x1], $0x9A00, $0x38;
	[tilespmem:$0xBA20] =	vst v63  }
0x743: {  	_ =	swait.ge @!p1 [sflag:s4], $0x9A00  }
0x744: {  	s0 =	sld [smem:$0x7E0];
	_ =	sdelay $0x1  }
0x745: {  	s3 =	spop @!p1 (v2sf);
	s30 =	sld [smem:$0x7FB]  }
0x746: {  	s0 =	sadd.s32 @!p1 s0, s3  }
0x747: {  	s0 =	sshll.u32 @!p1 s0, $0x6  }
0x748: {  	[sflag:s4] =	ssyncset.done @!p1 $0x0;
	p0 =	seq.s32 s30, $0x1;
	s0 =	sand.u32 @!p1 $0x1FFFFFC0, s0  }
0x749: {  	[sflag:s4] =	ssyncadd.s32 @!p1 $0xFFFF6600;
	(v2sf) =	vpush @!p0 v0, $0xE;
	s0 =	sadd.s32 @!p1 s2, s0  }
0x74a: {  	[hbm4b:s0+s1] =	stream.linear.scatter @!p1 [tilespmem:s1], [sflag:$0x1], $0x2000, $0x38;
	[tilespmem:$0xBA20] =	vst v63  }
0x74b: {  	_ =	swait.ge @!p1 [sflag:s4], $0x2000  }
0x74c: {  	s0 =	sld [smem:$0x7E4]  }
0x74d: {  	s3 =	simm.s32 @!p0 $0x2020;
	[sflag:s4] =	ssyncset.done @!p1 $0x0  }
0x74e: {  	s1 =	simm.s32 @!p0 $0x0;
	[sflag:s4] =	ssyncadd.s32 @!p1 $0xFFFFE000;
	s4 =	simm.s32 @!p0 $0x1  }
0x74f: {  	[tilespmem:s3], [sflag:$0x1] =	stream.linear.gather @!p0 [hbm4b:s0+s1], $0x9A00, $0x38;
	[tilespmem:$0xBA20] =	vst v63  }
0x750: {  	_ =	swait.ge @!p0 [sflag:s4], $0x9A00  }
0x751: {  	s0 =	sld [smem:$0x7E5]  }
0x752: {  	[sflag:s4] =	ssyncset.done @!p0 $0x0  }
0x753: {  	[sflag:s4] =	ssyncadd.s32 @!p0 $0xFFFF6600  }
0x754: {  	[hbm4b:s0+s1] =	stream.linear.scatter @!p0 [tilespmem:s3], [sflag:$0x1], $0x9A00, $0x38;
	[tilespmem:$0xBA20] =	vst v63  }
0x755: {  	_ =	swait.ge @!p0 [sflag:s4], $0x9A00  }
0x756: {  	s0 =	sld [smem:$0x7E3];
	_ =	sdelay $0x1  }
0x757: {  	s3 =	spop @!p0 (v2sf)  }
0x758: {  	s0 =	sadd.s32 @!p0 s0, s3  }
0x759: {  	s0 =	sshll.u32 @!p0 s0, $0x6  }
0x75a: {  	[sflag:s4] =	ssyncset.done @!p0 $0x0;
	s0 =	sand.u32 @!p0 $0x1FFFFFC0, s0  }
0x75b: {  	(v2sf) =	vpush @!p3 v0, $0xF;
	[sflag:s4] =	ssyncadd.s32 @!p0 $0xFFFF6600;
	s0 =	sadd.s32 @!p0 s2, s0  }
0x75c: {  	[hbm4b:s0+s1] =	stream.linear.scatter @!p0 [tilespmem:s1], [sflag:$0x1], $0x2000, $0x38;
	[tilespmem:$0xBA20] =	vst v63  }
0x75d: {  	_ =	swait.ge @!p0 [sflag:s4], $0x2000  }
0x75e: {  	s0 =	sld [smem:$0x7E7]  }
0x75f: {  	s3 =	simm.s32 @!p3 $0x2020;
	[sflag:s4] =	ssyncset.done @!p0 $0x0  }
0x760: {  	s1 =	simm.s32 @!p3 $0x0;
	[sflag:s4] =	ssyncadd.s32 @!p0 $0xFFFFE000;
	s4 =	simm.s32 @!p3 $0x1  }
0x761: {  	[tilespmem:s3], [sflag:$0x1] =	stream.linear.gather @!p3 [hbm4b:s0+s1], $0x9A00, $0x38;
	[tilespmem:$0xBA20] =	vst v63  }
0x762: {  	_ =	swait.ge @!p3 [sflag:s4], $0x9A00  }
0x763: {  	s0 =	sld [smem:$0x7E8]  }
0x764: {  	[sflag:s4] =	ssyncset.done @!p3 $0x0  }
0x765: {  	[sflag:s4] =	ssyncadd.s32 @!p3 $0xFFFF6600  }
0x766: {  	[hbm4b:s0+s1] =	stream.linear.scatter @!p3 [tilespmem:s3], [sflag:$0x1], $0x9A00, $0x38;
	[tilespmem:$0xBA20] =	vst v63  }
0x767: {  	_ =	swait.ge @!p3 [sflag:s4], $0x9A00  }
0x768: {  	s0 =	sld [smem:$0x7E6];
	_ =	sdelay $0x1  }
0x769: {  	s3 =	spop @!p3 (v2sf)  }
0x76a: {  	s0 =	sadd.s32 @!p3 s0, s3  }
0x76b: {  	s0 =	sshll.u32 @!p3 s0, $0x6  }
0x76c: {  	[sflag:s4] =	ssyncset.done @!p3 $0x0;
	s0 =	sand.u32 @!p3 $0x1FFFFFC0, s0  }
0x76d: {  	[sflag:s4] =	ssyncadd.s32 @!p3 $0xFFFF6600;
	s0 =	sadd.s32 @!p3 s2, s0  }
0x76e: {  	[hbm4b:s0+s1] =	stream.linear.scatter @!p3 [tilespmem:s1], [sflag:$0x1], $0x2000, $0x38;
	[tilespmem:$0xBA20] =	vst v63  }
0x76f: {  	_ =	swait.ge @!p3 [sflag:s4], $0x2000  }
0x770: {  	[sflag:s4] =	ssyncset.done @!p3 $0x0  }
0x771: {  	[sflag:s4] =	ssyncadd.s32 @!p3 $0xFFFFE000  }
0x772: {  	_ =	sfence.sel $0x180000  }
0x773: {  	[bflag:$0x0] =	sbarrier.arrive $0xFFFF  }
0x774: {  	_ =	strace $0x90000047  }
0x775: {  	s31 =	stileid.u32;
	[bflag:$0x2] =	sbarrier.arrive $0xFFFF  }
0x776: {  	p0 =	sne.s32 s31, $0x0;
	s0 =	rddreg [dreg:$0x2]  }
0x777: {  	s0 =	sadd.s32 @!p0 $0x100000, s0  }
0x778: {  	[sflag:s0] =	ssyncadd.tile.s32 @!p0 $0x1;
	_ =	shalt  }
.LBB2_2:
0x779: {  	s0 =	sld [smem:$0x7A0]  }
0x77a: {  	s29 =	sld [smem:$0x798]  }
.Ltmp3:
0x77b: {  	s30 =	sld [smem:$0x77A];
	(pc) =	sbr.rel .LBB2_5-.Ltmp3, $3  }
0x77c: {  	s31 =	sld [smem:$0x77E];
	_ =	sdelay $0x1  }
0x77d: {  	p1 =	por $0x1, $0x1;
	p4 =	seq.s32 s0, $0x1  }
0x77e: {  	p2 =	seq.s32 s29, $0x1;
	p0 =	seq.s32 s30, $0x1;
	p5 =	seq.s32 s31, $0x1  }
.Lfunc_end2:
_tile_overlayer_lowered:
.L_overlay_start_2:
0x77f: {  	(tag) =	ssettag $0x2  }
0x780: {  	s0 =	rddreg [dreg:$0x0];
	s2 =	stileid.u32  }
0x781: {  	s1 =	rddreg [dreg:$0x1];
	p0 =	sne.s32 s2, $0x0  }
0x782: {  	s3 =	rddreg [dreg:$0x2];
	[bflag:$0x3] =	sbarrier.arrive $0xFFFF;
	s2 =	simm.s32 @!p0 $0x1C01  }
0x783: {  	[timem:s3], [sflag:s2] =	dma.local @!p0 [hbm:s0], s1  }
0x784: {  	s0 =	simm.s32 @!p0 $0x1  }
0x785: {  	_ =	swait.ge @!p0 [sflag:s0], s1  }
0x786: {  	s1 =	ssub.s32 @!p0 $0x0, s1;
	[sflag:s0] =	ssyncset.done @!p0 $0x0  }
0x787: {  	[sflag:s0] =	ssyncadd.s32 @!p0 s1  }
0x788: {  	[bflag:$0x3] =	sbarrier.arrive $0xFFFF  }
0x789: {  	_ =	shalt  }

// kernel: sparse-core-data-format-call.cloned.1.call-start
scs
called_computation_lowered:
.L_overlay_start_0:
0x0: {  	s2 =	sld [smem:$0x3FD9]  }
0x1: {  	s3 =	sld [smem:$0x3FFE];
	_ =	sdelay $0x1  }
0x2: {  	s1 =	srdreg.scid  }
0x3: {  	s0 =	sand.u32 $0x1, s1  }
0x4: {  	s18 =	sshll.u32 s0, $0xA;
	s2 =	sadd.s32 s3, s2  }
0x5: {  	s2 =	sadd.s32 s2, s18  }
0x6: {  	[smem:$0x3FC5] =	sst s2  }
0x7: {  	_ = 	snop  }
0x8: {  	s2 =	sld [smem:$0x3FD0];
	(tm) =	ssettm $0x1  }
0x9: {  	s19 =	sld [smem:$0x3FFB];
	_ =	sdelay $0x3  }
0xa: {  	_ =	strace s19  }
0xb: {  	s3 =	sld [smem:$0x3FFC];
	_ =	sdelay $0x3  }
0xc: {  	_ =	strace s3  }
0xd: {  	s3 =	sld [smem:$0x3FFD];
	_ =	sdelay $0x3  }
0xe: {  	_ =	strace s3  }
0xf: {  	_ =	strace $0x8FFFFFFF  }
0x10: {  	s20 =	sld [smem:$0x3FDB];
	_ =	sdelay $0x1  }
0x11: {  	s4 =	simm.s32 $_scs_section_size  }
0x12: {  	s5 =	simm.s32 $_size__tile_overlayer_lowered;
	s6 =	simm.s32 $_tile_overlayer_lowered  }
0x13: {  	s23 =	simm.s32 $0x1BFF;
	s22 =	sshll.u32 s6, $0x1;
	s3 =	sadd.s32 s4, s20  }
0x14: {  	s7 =	simm.s32 $0x0;
	s21 =	sshll.u32 s5, $0x1;
	s5 =	sadd.s32 s22, s3  }
0x15: {  	[timem:s7], [sflag:s23] =	dma.local [hbm:s5], s21  }
0x16: {  	_ =	swait.ge [sflag:s23], s21  }
0x17: {  	s4 =	ssub.s32 $0x0, s21;
	[sflag:s23] =	ssyncset.done $0x0  }
0x18: {  	[sflag:s23] =	ssyncadd.s32 s4;
	_ =	sdelay $0x1  }
0x19: {  	s24 =	simm.s32 $0x1B8B  }
0x1a: {  	_ =	swait.ge [sflag:s24], $0x1  }
0x1b: {  	[sflag:s24] =	ssyncset.done $0x0  }
0x1c: {  	s26 =	simm.s32 $0x1B8E;
	s25 =	sld [smem:$0x3FFE];
	[sflag:s24] =	ssyncadd.s32 $0xFFFFFFFF  }
0x1d: {  	s27 =	simm.s32 $execute0_lowered;
	[smem:$0x3FD2] =	sst s26  }
0x1e: {  	s5 =	sshll.u32 s27, $0x1;
	_ =	strace $0x80000049;
	[dreg:$0x1] =	wrdreg $0xFFFFFFFF  }
0x1f: {  	s28 =	simm.s32 $_size_execute0_lowered;
	s3 =	sadd.s32 s3, s5;
	[dreg:$0x0] =	wrdreg $0x0  }
0x20: {  	s5 =	sshll.u32 s28, $0x1;
	[dreg:$0x2] =	wrdreg s3  }
0x21: {  	[dreg:$0x3] =	wrdreg s5  }
0x22: {  	[dreg:$0x4] =	wrdreg $0xC0  }
0x23: {  	_ =	task [dreg:s7], $0x5FFFF  }
0x24: {  	[dreg:$0x1] =	wrdreg $0xFFFFFFFF  }
0x25: {  	[dreg:$0x0] =	wrdreg $0x60  }
0x26: {  	[dreg:$0x2] =	wrdreg s25  }
0x27: {  	[dreg:$0x3] =	wrdreg s2  }
0x28: {  	[dreg:$0x4] =	wrdreg $0x9  }
0x29: {  	_ =	task.clear_ibuf [dreg:s7], $0x5FFFF;
	_ =	strace $0x90000049  }
0x2a: {  	s29 =	simm.s32 $0x9;
	_ =	strace $0x8000004B  }
0x2b: {  	_ =	swait.ge [sflag:s29], $0x1  }
0x2c: {  	[sflag:s29] =	ssyncadd.s32 $0xFFFFFFFF  }
0x2d: {  	_ =	strace $0x9000004B  }
0x2e: {  	_ =	sfence  }
0x2f: {  	s30 =	sld [smem:$0x0];
	_ =	sdelay $0x2  }
0x30: {  	s31 =	sshll.u32 s1, $0xD;
	s1 =	sshrl.u32 s1, $0x2  }
0x31: {  	s3 =	sand.u32 $0x4000, s31;
	s1 =	sadd.s32 s1, s30  }
0x32: {  	s0 =	sor.u32 s3, s0;
	s1 =	sshll.u32 s1, $0x11  }
0x33: {  	s0 =	sor.u32 s1, s0  }
0x34: {  	s0 =	sadd.s32 $0x8F2B, s0  }
0x35: {  	[sflag:s0] =	ssyncadd.remote.s32 $0x1  }
0x36: {  	_ =	sfence.sel $0xFFFF  }
0x37: {  	[dreg:$0x0] =	wrdreg $0xFFFFFFFF;
	(pc) =	sbr.abs _section_cstart, $3  }
0x38: {  	[dreg:$0x1] =	wrdreg $0xFFFFFFFF  }
0x39: {  	_ =	task.clear_ibuf [dreg:s7], $0x2FFFF;
	_ =	strace $0x9FFFFFFF  }
0x3a: {  	(tm) =	ssettm $0x7FFFFFFF  }
0x3b: {  	_ =	shalt  }
tec
execute0_lowered:
.L_overlay_start_1:
0x0: {  	(tag) =	ssettag $0x1  }
0x1: {  	s0 =	srdreg.scid  }
0x2: {  	s5 =	stileid.u32;
	s0 =	sshll.u32 s0, $0x4  }
0x3: {  	s3 =	rddreg [dreg:$0x0];
	_ =	strace $0x8000004A;
	s0 =	sand.u32 $0x10, s0  }
0x4: {  	s6 =	simm.s32 $0x1;
	s8 =	simm.s32 $0x2;
	s0 =	sor.u32 s5, s0  }
0x5: {  	s19 =	simm.s32 $0x0;
	s10 =	simm.s32 $0x400;
	s1 =	sshll.u32 s0, $0x4  }
0x6: {  	s11 =	simm.s32 $0x1000;
	s12 =	simm.s32 $0x0;
	s2 =	sand.u32 $0x180, s1  }
0x7: {  	s18 =	simm.s32 $0x0;
	s20 =	simm.s32 $0x0;
	s1 =	ssub.s32 $0x200, s2  }
0x8: {  	s13 =	simm.s32 $0x0;
	s14 =	simm.s32 $0x0;
	s4 =	sand.u32 $0x180, s1  }
0x9: {  	s15 =	simm.s32 $0x0;
	s17 =	simm.s32 $0x0;
	p0 =	sne.s32 s4, $0x0  }
.Ltmp0:
0xa: {  	s1 =	sshrl.u32 s1, $0x9;
	s6 =	simm.s32 @!p0 $0x0;
	(pc) =	sbr.rel .LBB1_1-.Ltmp0, $4  }
0xb: {  	s31 =	sshll.u32 s5, $0x7;
	s5 =	simm.s32 $0x1;
	s1 =	sadd.s32 s6, s1  }
0xc: {  	s7 =	sand.u32 $0x380, s31;
	[sflag:s5] =	ssyncpa.u1 $0x0;
	s6 =	smul.u32 $0x4D, s1  }
0xd: {  	s16 =	smov.u32 s7;
	s0 =	sshll.u32 s0, $0x7;
	[sflag:s8] =	ssyncpa.u1 $0x0  }
0xe: {  	s8 =	sand.u32 $0xC00, s0;
	s4 =	sadd.s32 $0x4B4400, s3;
	s9 =	sadd.s32 $0x1, s6  }
.LBB1_9:
0xf: {  	s0 =	sshll.u32 s14, $0x9  }
0x10: {  	s1 =	sshll.u32 s20, $0x3;
	s3 =	sshll.u32 s14, $0x7;
	s0 =	sand.u32 $0xFFFFF000, s0  }
0x11: {  	s24 =	sand.u32 $0x200, s3;
	s0 =	sor.u32 s0, s1  }
0x12: {  	s0 =	sor.u32 s24, s0  }
0x13: {  	p0 =	sgt.s32 s13, $0x4C;
	s1 =	smov.u32 s13;
	s0 =	sshrl.u32 s0, $0x9  }
0x14: {  	s1 =	simm.s32 @!p0 $0x4C;
	s25 =	smulhi.u32 $0x83126F, s0  }
0x15: {  	s27 =	smul.u32 $0xFA00, s13;
	s28 =	sshll.u32 s14, $0x4;
	s1 =	sadd.s32 s21, s1  }
0x16: {  	s30 =	rddreg [dreg:$0x1];
	s26 =	sadd.s32 $0xFFFFFFB4, s1;
	s3 =	sshrl.u32 s25, $0x1  }
0x17: {  	s1 =	ssub.s32 $0x4D, s1;
	p0 =	sgt.s32 s26, $0x0;
	s3 =	smul.u32 $0x3E8, s3  }
0x18: {  	s29 =	sshll.u32 s17, $0xE;
	s20 =	sadd.s32 s30, s27;
	s1 =	simm.s32 @p0 $0x0  }
0x19: {  	s1 =	smul.u32 s1, s22;
	s0 =	ssub.s32 s0, s3;
	s3 =	sand.u32 $0x30, s28  }
0x1a: {  	s21 =	sand.u32 $0x4000, s29;
	s0 =	sshll.u32 s0, $0x6;
	s3 =	sadd.s32 s3, s20  }
0x1b: {  	s31 =	sor.u32 $0x8000, s21;
	s1 =	sand.u32 $0x3FFFFF80, s1;
	s0 =	sadd.s32 s0, s3  }
0x1c: {  	[hbm4b:s0+s10] =	stream.strided.scatter [tilespmem:s31], [sflag:$0x2], s1, s11, s10, $0x38;
	[tilespmem:$0x10000] =	vst v63  }
.LBB1_10:
0x1d: {  	p0 =	slt.u32 s17, $0x2  }
0x1e: {  	p1 =	sgt.s32 @!p0 s19, $0x4C  }
0x1f: {  	s0 =	smov.u32 s19;
	s3 =	smov.u32 s18;
	p1 =	por !p1, p0  }
0x20: {  	s1 =	sshra.s32 @!p0 s19, $0x1F;
	s0 =	simm.s32 @p1 $0x4C;
	p1 =	sgt.s32 @!p0 s18, $0x368  }
0x21: {  	s1 =	sand.u32 @!p0 s1, s19;
	s19 =	sshra.s32 @!p0 s18, $0x1F;
	p1 =	por !p1, p0  }
0x22: {  	s0 =	ssub.s32 @!p0 s0, s1;
	s1 =	sand.u32 @!p0 s19, s18;
	s3 =	simm.s32 @p1 $0x368  }
0x23: {  	s1 =	ssub.s32 @!p0 s3, s1  }
0x24: {  	s18 =	sadd.s32 @!p0 $0xFFFFFFB4, s0;
	s0 =	ssub.s32 @!p0 $0x4D, s0;
	s1 =	sadd.s32 @!p0 $0xFFFFFC98, s1  }
0x25: {  	p1 =	sgt.s32 @!p0 s18, $0x0;
	p2 =	sgt.s32 @!p0 s1, $0x7F;
	s1 =	sshll.u32 @!p0 s1, $0x7  }
0x26: {  	p1 =	por !p1, p0;
	s1 =	ssub.s32 @!p0 $0x4000, s1;
	p2 =	por !p2, p0  }
0x27: {  	s0 =	simm.s32 @!p1 $0x0;
	s1 =	simm.s32 @!p2 $0x0  }
0x28: {  	s0 =	smul.u32 @!p0 s0, s1;
	s1 =	sadd.s32 $0x1, s15  }
0x29: {  	s21 =	smov.u32 s16;
	s18 =	sadd.s32 $0x400, s16;
	p1 =	sgt.s32 s1, $0x4C  }
0x2a: {  	s21 =	smov.u32 @p1 s18  }
0x2b: {  	s1 =	simm.s32 @p1 $0x0;
	p1 =	sgt.s32 s21, $0x3E7  }
0x2c: {  	s12 =	sadd.s32 $0x4000, s12;
	s21 =	smov.u32 @p1 s7;
	p1 =	sne.s32 s17, s9  }
.Ltmp1:
0x2d: {  	s20 =	smov.u32 s2;
	s19 =	smov.u32 s13;
	(pc) =	sbr.rel @!p1 .LBB1_11-.Ltmp1, $4  }
0x2e: {  	s13 =	smov.u32 s15;
	s3 =	simm.s32 @!p0 $0x2;
	s0 =	sand.u32 @!p0 $0x3FFFFF80, s0  }
0x2f: {  	s18 =	smov.u32 s14;
	s14 =	smov.u32 s16;
	_ =	swait.ge @!p0 [sflag:s3], s0  }
0x30: {  	s0 =	ssub.s32 @!p0 $0x0, s0;
	s15 =	smov.u32 s1;
	[sflag:s3] =	ssyncset.done @!p0 $0x0  }
0x31: {  	s17 =	sadd.s32 $0x1, s17;
	[sflag:s3] =	ssyncadd.s32 @!p0 s0;
	s16 =	smov.u32 s21  }
.LBB1_1:
0x32: {  	p0 =	sge.u32 s17, s6;
	s21 =	smov.u32 s16;
	s31 =	sadd.s32 $0xFFFFFFFF, s17  }
0x33: {  	s0 =	sshll.u32 @!p0 s15, $0x9;
	s1 =	sshll.u32 @!p0 s15, $0x7;
	p1 =	sgt.s32 @!p0 s16, $0x368  }
0x34: {  	p2 =	sgt.s32 @!p0 s15, $0x4F;
	s3 =	sshra.s32 @!p0 s15, $0x1F;
	s22 =	sshra.s32 @!p0 s16, $0x1F  }
0x35: {  	s0 =	sand.u32 @!p0 $0xFFFFF000, s0;
	s1 =	sand.u32 @!p0 $0x200, s1;
	p1 =	por !p1, p0  }
0x36: {  	p2 =	por !p2, p0;
	s22 =	sand.u32 @!p0 s22, s16;
	s0 =	sor.u32 @!p0 s8, s0  }
0x37: {  	s21 =	simm.s32 @p1 $0x368;
	s0 =	sor.u32 @!p0 s1, s0;
	s1 =	smov.u32 s15  }
0x38: {  	s3 =	sand.u32 @!p0 s3, s15;
	s21 =	ssub.s32 @!p0 s21, s22;
	s1 =	simm.s32 @p2 $0x4F  }
0x39: {  	s0 =	sshrl.u32 @!p0 s0, $0x9;
	s21 =	sadd.s32 @!p0 $0xFFFFFC98, s21;
	s1 =	ssub.s32 @!p0 s1, s3  }
0x3a: {  	s3 =	smulhi.u32 @!p0 $0x3333334, s0;
	p2 =	sgt.s32 @!p0 s21, $0x7F;
	s22 =	sadd.s32 @!p0 $0xFFFFFFB1, s1  }
0x3b: {  	s21 =	sshll.u32 @!p0 s21, $0x7;
	s1 =	ssub.s32 @!p0 $0x50, s1;
	p1 =	sgt.s32 @!p0 s22, $0x0  }
0x3c: {  	s21 =	ssub.s32 @!p0 $0x4000, s21;
	s3 =	smul.u32 @!p0 $0x50, s3;
	p1 =	por !p1, p0  }
0x3d: {  	s22 =	sxor.u32 @!p0 $0xFFFFFFFF, s17;
	s1 =	simm.s32 @!p1 $0x0;
	p1 =	por !p2, p0  }
0x3e: {  	s0 =	ssub.s32 @!p0 s0, s3;
	s3 =	smul.u32 @!p0 $0x1400, s16;
	s21 =	simm.s32 @!p1 $0x0  }
0x3f: {  	s22 =	sshll.u32 @!p0 s22, $0xE;
	s1 =	smul.u32 @!p0 s1, s21;
	s21 =	sshll.u32 @!p0 s15, $0x4  }
0x40: {  	s22 =	sand.u32 @!p0 $0x4000, s22;
	s3 =	sadd.s32 @!p0 s4, s3;
	s21 =	sand.u32 @!p0 $0x30, s21  }
0x41: {  	s0 =	sshll.u32 @!p0 s0, $0x6;
	s1 =	sand.u32 @!p0 $0x3FFFFF80, s1;
	s3 =	sadd.s32 @!p0 s21, s3  }
0x42: {  	s21 =	simm.s32 @!p0 $0xA000;
	s0 =	sadd.s32 @!p0 s0, s3;
	s3 =	simm.s32 @!p0 $0x80  }
0x43: {  	[tilespmem:s22], [sflag:$0x1] =	stream.strided.gather @!p0 [hbm4b:s0+s3], s1, s21, s3, $0x38;
	[tilespmem:$0x10000] =	vst v63  }
0x44: {  	p0 =	sge.u32 s31, s6  }
.Ltmp2:
0x45: {  	_ = 	snop;
	(pc) =	sbr.rel @p0 .LBB1_10-.Ltmp2, $1  }
0x46: {  	_ =	sdelay $0x3  }
0x47: {  	p0 =	sgt.s32 s14, $0x368;
	s0 =	smov.u32 s14;
	s1 =	sshra.s32 s14, $0x1F  }
0x48: {  	s3 =	ssub.s32 $0x0, s13;
	s0 =	simm.s32 @!p0 $0x368;
	s1 =	sand.u32 s1, s14  }
0x49: {  	s21 =	sshra.s32 s13, $0x1F;
	s22 =	smov.u32 s13;
	s0 =	ssub.s32 s0, s1  }
0x4a: {  	p0 =	sgt.s32 s13, $0x4F;
	s21 =	sand.u32 s3, s21;
	s0 =	sadd.s32 $0xFFFFFC98, s0  }
0x4b: {  	s22 =	simm.s32 @!p0 $0x4F;
	p0 =	sgt.s32 s0, $0x7F;
	s0 =	sshll.u32 s0, $0x7  }
0x4c: {  	s29 =	sadd.s32 s21, s22;
	s22 =	ssub.s32 $0x4000, s0;
	s0 =	sadd.s32 $0x80, s14  }
0x4d: {  	s3 =	sadd.s32 $0x1, s13;
	s22 =	simm.s32 @p0 $0x0;
	p0 =	slt.s32 s0, $0x3E8  }
0x4e: {  	s30 =	sadd.s32 $0xFFFFFFB1, s29;
	s0 =	simm.s32 @!p0 $0x3E8;
	p0 =	slt.s32 s3, $0x4D  }
0x4f: {  	s1 =	ssub.s32 $0x50, s29;
	s23 =	ssub.s32 s0, s14;
	s3 =	simm.s32 @!p0 $0x4D  }
0x50: {  	p1 =	sgt.s32 s30, $0x0;
	s24 =	ssub.s32 s3, s13;
	p0 =	slt.s32 s23, $0x1  }
0x51: {  	s1 =	simm.s32 @p1 $0x0;
	p1 =	slt.s32 @!p0 s24, $0x1  }
0x52: {  	s1 =	smul.u32 s1, s22;
	p0 =	por p0, p1  }
.Ltmp3:
0x53: {  	_ = 	snop;
	(pc) =	sbr.rel @p0 .LBB1_9-.Ltmp3, $4  }
0x54: {  	s31 =	sand.u32 $0x3FFFFF80, s1  }
0x55: {  	_ =	swait.ge [sflag:s5], s31  }
0x56: {  	s0 =	ssub.s32 $0x0, s31;
	[sflag:s5] =	ssyncset.done $0x0  }
0x57: {  	[sflag:s5] =	ssyncadd.s32 s0  }
0x58: {  	s0 =	sshll.u32 s12, $0x2  }
0x59: {  	s0 =	sand.u32 $0x10000, s0  }
0x5a: {  	s25 =	sshrl.u32 s0, $0x2  }
0x5b: {  	s27 =	simm.s32 $0x0;
	s28 =	simm.s32 $0x0;
	s26 =	sor.u32 $0x8000, s25  }
.LBB1_4:
0x5c: {  	s0 =	sand.u32 $0x3F80, s27  }
0x5d: {  	s30 =	simm.s32 $0x0;
	s31 =	simm.s32 $0x0;
	s3 =	sadd.s32 s0, s26  }
.LBB1_5:
0x5e: {  	s0 =	sand.u32 $0x7, s30  }
0x5f: {  	s0 =	sadd.s32 s0, s28  }
0x60: {  	s0 =	sshll.u32 s0, $0x9  }
0x61: {  	s0 =	sshra.s32 s0, $0x2  }
0x62: {  	s29 =	smov.u32 s3;
	s1 =	sadd.s32 s0, s25;
	s0 =	simm.s32 $0xFFFFFFF0  }
.LBB1_6:
0x63: {  	s0 =	sadd.s32 $0x10, s0  }
0x64: {  	v0 =	vld [tilespmem:s1+$0x0];
	p0 =	slt.u32 s0, $0x70  }
.Ltmp4:
0x65: {  	_ = 	snop;
	(pc) =	sbr.rel @p0 .LBB1_6-.Ltmp4, $2  }
0x66: {  	_ =	sdelay $0x2  }
0x67: {  	s1 =	sadd.s32 $0x10, s1;
	[tilespmem:s29+$0x0] =	vst v0;
	s29 =	sadd.s32 $0x10, s29  }
0x68: {  	s31 =	sadd.s32 $0x1, s31  }
0x69: {  	p0 =	sne.s32 s31, s24  }
.Ltmp5:
0x6a: {  	_ = 	snop;
	(pc) =	sbr.rel @p0 .LBB1_5-.Ltmp5, $2  }
0x6b: {  	_ =	sdelay $0x2  }
0x6c: {  	s3 =	sadd.s32 $0x4000, s3;
	s30 =	sadd.s32 $0x1, s30  }
0x6d: {  	s28 =	sadd.s32 $0x1, s28  }
0x6e: {  	p0 =	sne.s32 s28, s23  }
.Ltmp6:
0x6f: {  	_ = 	snop;
	(pc) =	sbr.rel @p0 .LBB1_4-.Ltmp6, $4  }
.Ltmp7:
0x70: {  	_ = 	snop;
	(pc) =	sbr.rel @!p0 .LBB1_9-.Ltmp7, $4  }
0x71: {  	_ = 	snop  }
0x72: {  	_ = 	snop  }
0x73: {  	s27 =	sadd.s32 $0x80, s27  }
0x74: {  	_ = 	snop  }
.LBB1_11:
0x75: {  	_ =	sfence.sel $0x180000  }
0x76: {  	s0 =	simm.s32 $0x1;
	[bflag:$0x0] =	sbarrier.arrive $0xFFFF  }
0x77: {  	s30 =	simm.s32 $0x2;
	[sflag:s0] =	ssyncpa.u1 $0x1  }
0x78: {  	[sflag:s30] =	ssyncpa.u1 $0x1  }
0x79: {  	_ =	strace $0x9000004A  }
0x7a: {  	s31 =	stileid.u32;
	[bflag:$0x2] =	sbarrier.arrive $0xFFFF  }
0x7b: {  	p0 =	sne.s32 s31, $0x0;
	s0 =	rddreg [dreg:$0x2]  }
0x7c: {  	s0 =	sadd.s32 @!p0 $0x100000, s0  }
0x7d: {  	[sflag:s0] =	ssyncadd.tile.s32 @!p0 $0x1;
	_ =	shalt  }
.Lfunc_end1:
_tile_overlayer_lowered:
.L_overlay_start_2:
0x7e: {  	(tag) =	ssettag $0x2  }
0x7f: {  	s0 =	rddreg [dreg:$0x0];
	s2 =	stileid.u32  }
0x80: {  	s1 =	rddreg [dreg:$0x1];
	p0 =	sne.s32 s2, $0x0  }
0x81: {  	s3 =	rddreg [dreg:$0x2];
	[bflag:$0x3] =	sbarrier.arrive $0xFFFF;
	s2 =	simm.s32 @!p0 $0x1C01  }
0x82: {  	[timem:s3], [sflag:s2] =	dma.local @!p0 [hbm:s0], s1  }
0x83: {  	s0 =	simm.s32 @!p0 $0x1  }
0x84: {  	_ =	swait.ge @!p0 [sflag:s0], s1  }
0x85: {  	s1 =	ssub.s32 @!p0 $0x0, s1;
	[sflag:s0] =	ssyncset.done @!p0 $0x0  }
0x86: {  	[sflag:s0] =	ssyncadd.s32 @!p0 s1  }
0x87: {  	[bflag:$0x3] =	sbarrier.arrive $0xFFFF  }
0x88: {  	_ =	shalt  }

</sc_bundles>
